<compile_context>
chip_gen: v7x
topology: tpu7x:2x2x1
jax: 0.10.2.dev20260603
libtpu: 0.0.44.dev20260713+nightly
codegen_flags: <defaults>
</compile_context>

<pallas_src>
import functools

import jax
import jax.numpy as jnp
from jax import lax
from jax.experimental import pallas as pl
from jax.experimental.pallas import tpu as pltpu
from jax.experimental.pallas import tpu_sc as plsc

NC, NS = 2, 16
NW = NC * NS
B = 4096
P = B // 2
K = 20
D = 64
D2 = 2 * D
NR = 16
CHUNK = 128

ROWS_PER_W = (B * K) // NW
N_CHUNKS = ROWS_PER_W // CHUNK
PAIRS_PER_W = ROWS_PER_W // 2


def _wid():
    return lax.axis_index("s") * NC + lax.axis_index("c")


def _sc_gather_t_body(ent_hbm, idx_hbm, ih_hbm, t_out, h_out,
                      idx_v, hidx_v, hbuf, buf0, buf1, sem0, sem1, hsem):
    wid = _wid()
    base = wid * ROWS_PER_W
    pbase = wid * PAIRS_PER_W
    hbase = wid * CHUNK
    pltpu.sync_copy(ih_hbm.at[pl.ds(hbase, CHUNK)], hidx_v)
    hc = pltpu.async_copy(ent_hbm.at[hidx_v], hbuf, hsem)
    pltpu.sync_copy(idx_hbm.at[pl.ds(base, ROWS_PER_W)], idx_v)
    bufs = (buf0, buf1)
    sems = (sem0, sem1)
    H = CHUNK // 2

    def _write(c, wait_only):
        bf = bufs[c % 2]
        prow = pbase + c * H
        for half in (0, 1):
            cp = pltpu.make_async_copy(
                bf.at[pl.ds(half * H, H)],
                t_out.at[pl.ds(prow, H), pl.ds(half * D, D)], sems[c % 2])
            if wait_only:
                cp.wait()
            else:
                cp.start()

    cps = [None, None]
    cps[0] = pltpu.async_copy(ent_hbm.at[idx_v.at[pl.ds(0, CHUNK)]], buf0, sem0)
    for c in range(N_CHUNKS):
        nxt = c + 1
        if nxt < N_CHUNKS:
            if nxt >= 2:
                _write(nxt - 2, wait_only=True)
            cps[nxt % 2] = pltpu.async_copy(
                ent_hbm.at[idx_v.at[pl.ds(nxt * CHUNK, CHUNK)]],
                bufs[nxt % 2], sems[nxt % 2])
        cps[c % 2].wait()
        _write(c, wait_only=False)
    _write(N_CHUNKS - 2, wait_only=True)
    _write(N_CHUNKS - 1, wait_only=True)
    hc.wait()
    hprow = wid * (CHUNK // 2)
    pltpu.sync_copy(hbuf.at[pl.ds(0, CHUNK // 2)],
                    h_out.at[pl.ds(hprow, CHUNK // 2), pl.ds(0, D)])
    pltpu.sync_copy(hbuf.at[pl.ds(CHUNK // 2, CHUNK // 2)],
                    h_out.at[pl.ds(hprow, CHUNK // 2), pl.ds(D, D)])


@functools.lru_cache(maxsize=None)
def _sc_kernels():
    mesh = plsc.VectorSubcoreMesh(
        core_axis_name="c", subcore_axis_name="s",
        num_cores=NC, num_subcores=NS)
    cp = pltpu.CompilerParams(use_tc_tiling_on_sc=False)
    gather_t = pl.kernel(
        _sc_gather_t_body,
        compiler_params=cp,
        out_type=(
            jax.ShapeDtypeStruct((B * K // 2, D2), jnp.float32),
            jax.ShapeDtypeStruct((P, D2), jnp.float32),
        ),
        mesh=mesh,
        scratch_types=[
            pltpu.VMEM((ROWS_PER_W,), jnp.int32),
            pltpu.VMEM((CHUNK,), jnp.int32),
            pltpu.VMEM((CHUNK, D), jnp.float32),
            pltpu.VMEM((CHUNK, D), jnp.float32),
            pltpu.VMEM((CHUNK, D), jnp.float32),
            pltpu.SemaphoreType.DMA,
            pltpu.SemaphoreType.DMA,
            pltpu.SemaphoreType.DMA,
        ],
    )
    return gather_t



PB = 1024
N_BLOCKS = P // PB


def _renorm(x):
    return x * lax.rsqrt(jnp.maximum(jnp.sum(x * x, axis=1, keepdims=True),
                                     1.0))


def _seg_mats():
    r = lax.broadcasted_iota(jnp.int32, (D2, 2), 0)
    c = lax.broadcasted_iota(jnp.int32, (D2, 2), 1)
    s2 = jnp.where((r < D) == (c == 0), 1.0, 0.0)
    rb = lax.broadcasted_iota(jnp.int32, (2, D2), 0)
    cb = lax.broadcasted_iota(jnp.int32, (2, D2), 1)
    sb = jnp.where((cb < D) == (rb == 0), 1.0, 0.0)
    r4 = lax.broadcasted_iota(jnp.int32, (2, 2 * K), 0)
    c4 = lax.broadcasted_iota(jnp.int32, (2, 2 * K), 1)
    sb40 = jnp.where((c4 < K) == (r4 == 0), 1.0, 0.0)
    return s2, sb, sb40


def _dense_body(u_ref, h_ref, t_ref, rid_ref, rel_ref, w1_ref, b1_ref,
                w2_ref, b2_ref, out_ref):
    s2m, sbm, sb40m = _seg_mats()

    def seg_sum(x):
        return lax.dot_general(x, s2m, (((1,), (0,)), ((), ())),
                               preferred_element_type=jnp.float32)

    def seg_bcast(v):
        return lax.dot_general(v, sbm, (((1,), (0,)), ((), ())),
                               preferred_element_type=jnp.float32)

    def seg40_bcast(v):
        return lax.dot_general(v, sb40m, (((1,), (0,)), ((), ())),
                               preferred_element_type=jnp.float32)

    def renorm_pack(x):
        return x * seg_bcast(lax.rsqrt(jnp.maximum(seg_sum(x * x), 1.0)))

    u = renorm_pack(u_ref[...])
    h = renorm_pack(h_ref[...])
    rel = _renorm(rel_ref[...])
    dn = (((1,), (1,)), ((), ()))
    se = lax.dot_general(u[:, :D], rel, dn,
                         preferred_element_type=jnp.float32)
    so = lax.dot_general(u[:, D:], rel, dn,
                         preferred_element_type=jnp.float32)
    rid = rid_ref[...]
    ur = jnp.zeros((PB, 2 * K), jnp.float32)
    for j in range(NR):
        bj = seg40_bcast(jnp.concatenate([se[:, j:j + 1], so[:, j:j + 1]], 1))
        ur = jnp.where(rid == j, bj, ur)
    m_e = jnp.max(ur[:, :K], axis=1, keepdims=True)
    m_o = jnp.max(ur[:, K:], axis=1, keepdims=True)
    ex = jnp.exp(ur - seg40_bcast(jnp.concatenate([m_e, m_o], 1)))
    sm_e = jnp.sum(ex[:, :K], axis=1, keepdims=True)
    sm_o = jnp.sum(ex[:, K:], axis=1, keepdims=True)
    w = ex * seg40_bcast(1.0 / jnp.concatenate([sm_e, sm_o], 1))
    s = jnp.zeros((PB, D2), jnp.float32)
    ss = jnp.zeros((PB, D2), jnp.float32)
    for k in range(K):
        x = t_ref[k]
        scl = lax.rsqrt(jnp.maximum(seg_sum(x * x), 1.0))
        wk = jnp.concatenate([w[:, k:k + 1], w[:, K + k:K + k + 1]], 1)
        xt = x * seg_bcast(scl * wk)
        s = s + xt
        ss = ss + xt * xt
    nh = s * s - ss
    z1 = h + nh
    z2 = h * nh
    x1 = jnp.concatenate(
        [lax.dot_general(z1[:, :D], w1_ref[...], dn,
                         preferred_element_type=jnp.float32),
         lax.dot_general(z1[:, D:], w1_ref[...], dn,
                         preferred_element_type=jnp.float32)], 1) + b1_ref[...]
    x2 = jnp.concatenate(
        [lax.dot_general(z2[:, :D], w2_ref[...], dn,
                         preferred_element_type=jnp.float32),
         lax.dot_general(z2[:, D:], w2_ref[...], dn,
                         preferred_element_type=jnp.float32)], 1) + b2_ref[...]
    item = jnp.where(x1 >= 0, x1, 0.2 * x1) + jnp.where(x2 >= 0, x2, 0.2 * x2)
    logit = seg_sum(u * item)
    out_ref[...] = 1.0 / (1.0 + jnp.exp(-logit))


def _dense_call(u_pack, h_pack, t_kmaj, r_pack, rel, w1, b1, w2, b2,
                interpret=False):
    return pl.pallas_call(
        _dense_body,
        grid=(N_BLOCKS,),
        in_specs=[
            pl.BlockSpec((PB, D2), lambda b: (b, 0)),
            pl.BlockSpec((PB, D2), lambda b: (b, 0)),
            pl.BlockSpec((K, PB, D2), lambda b: (0, b, 0)),
            pl.BlockSpec((PB, 2 * K), lambda b: (b, 0)),
            pl.BlockSpec((NR, D), lambda b: (0, 0)),
            pl.BlockSpec((D, D), lambda b: (0, 0)),
            pl.BlockSpec((1, D2), lambda b: (0, 0)),
            pl.BlockSpec((D, D), lambda b: (0, 0)),
            pl.BlockSpec((1, D2), lambda b: (0, 0)),
        ],
        out_specs=pl.BlockSpec((PB, 2), lambda b: (b, 0)),
        out_shape=jax.ShapeDtypeStruct((P, 2), jnp.float32),
        interpret=interpret,
    )(u_pack, h_pack, t_kmaj, r_pack, rel, w1, b1, w2, b2)


def _pair_order(v):
    ev = v[0::2].reshape(-1, 64)
    od = v[1::2].reshape(-1, 64)
    return jnp.concatenate([ev, od], axis=1).reshape(-1)


def kernel(u, i, adj_entity, adj_relation, user_table, entity_table,
           relation_table, W1_w, W1_b, W2_w, W2_b):
    i = i.astype(jnp.int32)
    u = u.astype(jnp.int32)
    gather_t = _sc_kernels()
    e_ids = jnp.take(adj_entity, i, axis=0, mode="clip").astype(jnp.int32)
    r_ids = jnp.take(adj_relation, i, axis=0, mode="clip").astype(jnp.int32)
    u_raw = jnp.take(user_table, u, axis=0, mode="clip")
    e_paired = _pair_order(e_ids.T.reshape(-1))
    i_paired = _pair_order(i)
    t_pack, h_pack = gather_t(entity_table, e_paired, i_paired)
    t_kmaj = t_pack.reshape(K, P, D2)
    u_pack = u_raw.reshape(P, D2)
    r_pack = r_ids.reshape(P, 2 * K)
    b1_2 = jnp.concatenate([W1_b, W1_b]).reshape(1, D2)
    b2_2 = jnp.concatenate([W2_b, W2_b]).reshape(1, D2)
    out = _dense_call(u_pack, h_pack, t_kmaj, r_pack, relation_table,
                      W1_w, b1_2, W2_w, b2_2)
    return out.reshape(B)

# --- scband reference (transcript-rebuilt; emitter-appended) ---
"""Pipeline reference for scband-kgfm-81518479278224 (READ-ONLY COPY).

The authoritative reference and input builder live on the scoring server;
editing this copy changes nothing except your own understanding.
"""

import jax, jax.numpy as jnp
import numpy as np

N_USERS = 100000
N_ENTITYS = 100000
N_RELATIONS = 16
DIM = 64
N_NEIGHBORS = 20
BATCH = 4096


def max_norm_lookup(table, idx, max_norm=1.0):
    # emulate torch nn.Embedding(max_norm=1): renormalize rows whose norm exceeds max_norm at lookup time
    e = jnp.take(table, idx, axis=0)
    n = jnp.sqrt(jnp.sum(e * e, axis=-1, keepdims=True))
    scale = jnp.where(n > max_norm, max_norm / (n + 1e-12), 1.0)
    return e * scale


def setup_inputs(seed: int = 0) -> dict:
    key = jax.random.key(seed)
    ks = jax.random.split(key, 12)
    u = jax.random.randint(ks[0], (BATCH,), 0, N_USERS, dtype=jnp.int64 if jax.config.read('jax_enable_x64') else jnp.int32)
    i = jax.random.randint(ks[1], (BATCH,), 0, N_ENTITYS, dtype=u.dtype)
    adj_entity = jax.random.randint(ks[2], (N_ENTITYS, N_NEIGHBORS), 0, N_ENTITYS, dtype=u.dtype)
    adj_relation = jax.random.randint(ks[3], (N_ENTITYS, N_NEIGHBORS), 0, N_RELATIONS, dtype=u.dtype)
    user_table = jax.random.normal(ks[4], (N_USERS, DIM), dtype=jnp.float32)
    entity_table = jax.random.normal(ks[5], (N_ENTITYS, DIM), dtype=jnp.float32)
    relation_table = jax.random.normal(ks[6], (N_RELATIONS, DIM), dtype=jnp.float32)
    W1_w = jax.random.normal(ks[7], (DIM, DIM), dtype=jnp.float32) * 0.05
    W1_b = jnp.zeros((DIM,), dtype=jnp.float32)
    W2_w = jax.random.normal(ks[8], (DIM, DIM), dtype=jnp.float32) * 0.05
    W2_b = jnp.zeros((DIM,), dtype=jnp.float32)
    return {"u": u, "i": i, "adj_entity": adj_entity, "adj_relation": adj_relation,
            "user_table": user_table, "entity_table": entity_table, "relation_table": relation_table,
            "W1_w": W1_w, "W1_b": W1_b, "W2_w": W2_w, "W2_b": W2_b}


def leaky_relu(x):
    return jnp.where(x >= 0, x, 0.2 * x)


def reference(u, i, adj_entity, adj_relation, user_table, entity_table, relation_table, W1_w, W1_b, W2_w, W2_b):
    # get_neighbors
    e_ids = jnp.take(adj_entity, i, axis=0)      # [B, n_neighbors]
    r_ids = jnp.take(adj_relation, i, axis=0)    # [B, n_neighbors]
    t_embs = max_norm_lookup(entity_table, e_ids)      # [B, n_neighbors, dim]
    r_embs = max_norm_lookup(relation_table, r_ids)    # [B, n_neighbors, dim]
    h_embs = max_norm_lookup(entity_table, i)          # [B, dim]
    user_embs = max_norm_lookup(user_table, u)         # [B, dim]
    # FMMessagePassFromKGCN
    ur = jnp.sum(user_embs[:, None, :] * r_embs, axis=2)   # [B, n_neighbors]
    ur = jax.nn.softmax(ur, axis=-1)[:, :, None]            # [B, n_neighbors, 1]
    t = ur * t_embs
    square_of_sum = jnp.sum(t, axis=1) ** 2
    sum_of_square = jnp.sum(t ** 2, axis=1)
    Nh_embs = square_of_sum - sum_of_square                  # [B, dim]
    # aggregate: Bi-Interaction
    item_embs = leaky_relu((h_embs + Nh_embs) @ W1_w.T + W1_b) + leaky_relu((h_embs * Nh_embs) @ W2_w.T + W2_b)
    logits = jax.nn.sigmoid(jnp.sum(user_embs * item_embs, axis=1))
    return logits

if __name__ == "__main__":
    import jax
    _d = setup_inputs()
    print(jax.jit(kernel)(*tuple(_d.values())))

</pallas_src>

<mosaic_0001>
#map = affine_map<(d0, d1) -> (0, 0)>
#map1 = affine_map<(d0, d1) -> (0)>
module attributes {stable_mosaic.version = 14 : i64} {
  func.func @_sc_gather_t_body(%arg0: i32, %arg1: i32, %arg2: memref<100000x64xf32, #tpu.memory_space<hbm>>, %arg3: memref<81920xi32, #tpu.memory_space<hbm>>, %arg4: memref<4096xi32, #tpu.memory_space<hbm>>, %arg5: memref<40960x128xf32, #tpu.memory_space<hbm>>, %arg6: memref<2048x128xf32, #tpu.memory_space<hbm>>, %arg7: memref<2560xi32, #tpu.memory_space<vmem>>, %arg8: memref<128xi32, #tpu.memory_space<vmem>>, %arg9: memref<128x64xf32, #tpu.memory_space<vmem>>, %arg10: memref<128x64xf32, #tpu.memory_space<vmem>>, %arg11: memref<128x64xf32, #tpu.memory_space<vmem>>, %arg12: memref<!tpu.dma_semaphore, #tpu.memory_space<semaphore_mem>>, %arg13: memref<!tpu.dma_semaphore, #tpu.memory_space<semaphore_mem>>, %arg14: memref<!tpu.dma_semaphore, #tpu.memory_space<semaphore_mem>>) attributes {dimension_semantics = [#tpu.dimension_semantics<core_parallel>, #tpu.dimension_semantics<subcore_parallel>], iteration_bounds = array<i64: 2, 16>, scalar_prefetch = 0 : i64, scratch_operands = 8 : i64, tpu.core_type = #tpu.core_type<sc_vector_subcore>, window_params = [{transform_indices = #map}, {transform_indices = #map1}, {transform_indices = #map1}, {transform_indices = #map}, {transform_indices = #map}]} {
    %mul3A = arith.constant 2 : i32
    %mul3A_0 = arith.muli %arg1, %mul3A : i32
    %add3A = arith.addi %mul3A_0, %arg0 : i32
    %mul3A_1 = arith.constant 2560 : i32
    %mul3A_2 = arith.muli %add3A, %mul3A_1 : i32
    %mul3A_3 = arith.constant 1280 : i32
    %mul3A_4 = arith.muli %add3A, %mul3A_3 : i32
    %mul3A_5 = arith.constant 128 : i32
    %mul3A_6 = arith.muli %add3A, %mul3A_5 : i32
    "tpu.region"() ({
      %run_scoped3A = tpu.sem_alloc : memref<!tpu.dma_semaphore, #tpu.memory_space<semaphore_mem>>
      %dma_start3A_1093 = tpu.memref_slice %arg4[%mul3A_6] : memref<4096xi32, #tpu.memory_space<hbm>> -> memref<128xi32, #tpu.memory_space<hbm>>
      %dma_start3A_1094 = tpu.memref_slice %arg4[%mul3A_6] : memref<4096xi32, #tpu.memory_space<hbm>> -> memref<128xi32, #tpu.memory_space<hbm>>
      tpu.enqueue_dma source(%dma_start3A_1094 : memref<128xi32, #tpu.memory_space<hbm>>) target(%arg8 : memref<128xi32, #tpu.memory_space<vmem>>) target_semaphore(%run_scoped3A : memref<!tpu.dma_semaphore, #tpu.memory_space<semaphore_mem>>)
      %dma_wait3A_1095 = tpu.memref_slice %arg4[%mul3A_6] : memref<4096xi32, #tpu.memory_space<hbm>> -> memref<128xi32, #tpu.memory_space<hbm>>
      %dma_wait3A_1096 = tpu.memref_slice %arg4[%mul3A_6] : memref<4096xi32, #tpu.memory_space<hbm>> -> memref<128xi32, #tpu.memory_space<hbm>>
      tpu.wait_dma2 semaphore(%run_scoped3A : memref<!tpu.dma_semaphore, #tpu.memory_space<semaphore_mem>>) src(%dma_wait3A_1096 : memref<128xi32, #tpu.memory_space<hbm>>) dst(%arg8 : memref<128xi32, #tpu.memory_space<vmem>>)
      tpu.yield
    }) : () -> ()
    %dma_start3A = arith.constant 0 : i32
    %dma_start3A_7 = arith.constant 0 : i32
    %dma_start3A_8 = tpu.memref_slice %arg2[%dma_start3A, %dma_start3A_7] : memref<100000x64xf32, #tpu.memory_space<hbm>> -> memref<100000x64xf32, #tpu.memory_space<hbm>>
    tpu.enqueue_indirect_dma source(%dma_start3A_8 : memref<100000x64xf32, #tpu.memory_space<hbm>>) target(%arg9 : memref<128x64xf32, #tpu.memory_space<vmem>>) offsets(%arg8 : memref<128xi32, #tpu.memory_space<vmem>>) semaphore(%arg14 : memref<!tpu.dma_semaphore, #tpu.memory_space<semaphore_mem>>)
    "tpu.region"() ({
      %run_scoped3A = tpu.sem_alloc : memref<!tpu.dma_semaphore, #tpu.memory_space<semaphore_mem>>
      %dma_start3A_1093 = tpu.memref_slice %arg3[%mul3A_2] : memref<81920xi32, #tpu.memory_space<hbm>> -> memref<2560xi32, #tpu.memory_space<hbm>>
      %dma_start3A_1094 = tpu.memref_slice %arg3[%mul3A_2] : memref<81920xi32, #tpu.memory_space<hbm>> -> memref<2560xi32, #tpu.memory_space<hbm>>
      tpu.enqueue_dma source(%dma_start3A_1094 : memref<2560xi32, #tpu.memory_space<hbm>>) target(%arg7 : memref<2560xi32, #tpu.memory_space<vmem>>) target_semaphore(%run_scoped3A : memref<!tpu.dma_semaphore, #tpu.memory_space<semaphore_mem>>)
      %dma_wait3A_1095 = tpu.memref_slice %arg3[%mul3A_2] : memref<81920xi32, #tpu.memory_space<hbm>> -> memref<2560xi32, #tpu.memory_space<hbm>>
      %dma_wait3A_1096 = tpu.memref_slice %arg3[%mul3A_2] : memref<81920xi32, #tpu.memory_space<hbm>> -> memref<2560xi32, #tpu.memory_space<hbm>>
      tpu.wait_dma2 semaphore(%run_scoped3A : memref<!tpu.dma_semaphore, #tpu.memory_space<semaphore_mem>>) src(%dma_wait3A_1096 : memref<2560xi32, #tpu.memory_space<hbm>>) dst(%arg7 : memref<2560xi32, #tpu.memory_space<vmem>>)
      tpu.yield
    }) : () -> ()
    %dma_start3A_9 = arith.constant 0 : i32
    %dma_start3A_10 = tpu.memref_slice %arg7[%dma_start3A_9] : memref<2560xi32, #tpu.memory_space<vmem>> -> memref<128xi32, #tpu.memory_space<vmem>>
    %dma_start3A_11 = arith.constant 0 : i32
    %dma_start3A_12 = arith.constant 0 : i32
    %dma_start3A_13 = tpu.memref_slice %arg2[%dma_start3A_11, %dma_start3A_12] : memref<100000x64xf32, #tpu.memory_space<hbm>> -> memref<100000x64xf32, #tpu.memory_space<hbm>>
    tpu.enqueue_indirect_dma source(%dma_start3A_13 : memref<100000x64xf32, #tpu.memory_space<hbm>>) target(%arg10 : memref<128x64xf32, #tpu.memory_space<vmem>>) offsets(%dma_start3A_10 : memref<128xi32, #tpu.memory_space<vmem>>) semaphore(%arg12 : memref<!tpu.dma_semaphore, #tpu.memory_space<semaphore_mem>>)
    %dma_start3A_14 = arith.constant 128 : i32
    %dma_start3A_15 = tpu.memref_slice %arg7[%dma_start3A_14] : memref<2560xi32, #tpu.memory_space<vmem>> -> memref<128xi32, #tpu.memory_space<vmem>>
    %dma_start3A_16 = arith.constant 0 : i32
    %dma_start3A_17 = arith.constant 0 : i32
    %dma_start3A_18 = tpu.memref_slice %arg2[%dma_start3A_16, %dma_start3A_17] : memref<100000x64xf32, #tpu.memory_space<hbm>> -> memref<100000x64xf32, #tpu.memory_space<hbm>>
    tpu.enqueue_indirect_dma source(%dma_start3A_18 : memref<100000x64xf32, #tpu.memory_space<hbm>>) target(%arg11 : memref<128x64xf32, #tpu.memory_space<vmem>>) offsets(%dma_start3A_15 : memref<128xi32, #tpu.memory_space<vmem>>) semaphore(%arg13 : memref<!tpu.dma_semaphore, #tpu.memory_space<semaphore_mem>>)
    %dma_wait3A = arith.constant 0 : i32
    %dma_wait3A_19 = tpu.memref_slice %arg7[%dma_wait3A] : memref<2560xi32, #tpu.memory_space<vmem>> -> memref<128xi32, #tpu.memory_space<vmem>>
    %dma_wait3A_20 = arith.constant 0 : i32
    %dma_wait3A_21 = arith.constant 0 : i32
    %dma_wait3A_22 = tpu.memref_slice %arg2[%dma_wait3A_20, %dma_wait3A_21] : memref<100000x64xf32, #tpu.memory_space<hbm>> -> memref<100000x64xf32, #tpu.memory_space<hbm>>
    tpu.wait_indirect_dma semaphore(%arg12 : memref<!tpu.dma_semaphore, #tpu.memory_space<semaphore_mem>>) src(%dma_wait3A_22 : memref<100000x64xf32, #tpu.memory_space<hbm>>) dst(%arg10 : memref<128x64xf32, #tpu.memory_space<vmem>>)
    %add3A_23 = arith.constant 0 : i32
    %add3A_24 = arith.addi %mul3A_4, %add3A_23 : i32
    %dma_start3A_25 = arith.constant 0 : i32
    %dma_start3A_26 = arith.constant 0 : i32
    %dma_start3A_27 = tpu.memref_slice %arg10[%dma_start3A_25, %dma_start3A_26] : memref<128x64xf32, #tpu.memory_space<vmem>> -> memref<64x64xf32, #tpu.memory_space<vmem>>
    %dma_start3A_28 = arith.constant 0 : i32
    %dma_start3A_29 = tpu.memref_slice %arg5[%add3A_24, %dma_start3A_28] : memref<40960x128xf32, #tpu.memory_space<hbm>> -> memref<64x64xf32, #tpu.memory_space<hbm>>
    %dma_start3A_30 = arith.constant 0 : i32
    %dma_start3A_31 = tpu.memref_slice %arg5[%add3A_24, %dma_start3A_30] : memref<40960x128xf32, #tpu.memory_space<hbm>> -> memref<64x64xf32, #tpu.memory_space<hbm>>
    %dma_start3A_32 = arith.constant 0 : i32
    %dma_start3A_33 = arith.constant 0 : i32
    %dma_start3A_34 = tpu.memref_slice %arg10[%dma_start3A_32, %dma_start3A_33] : memref<128x64xf32, #tpu.memory_space<vmem>> -> memref<64x64xf32, #tpu.memory_space<vmem>>
    tpu.enqueue_dma source(%dma_start3A_34 : memref<64x64xf32, #tpu.memory_space<vmem>>) target(%dma_start3A_31 : memref<64x64xf32, #tpu.memory_space<hbm>>) target_semaphore(%arg12 : memref<!tpu.dma_semaphore, #tpu.memory_space<semaphore_mem>>)
    %dma_start3A_35 = arith.constant 64 : i32
    %dma_start3A_36 = arith.constant 0 : i32
    %dma_start3A_37 = tpu.memref_slice %arg10[%dma_start3A_35, %dma_start3A_36] : memref<128x64xf32, #tpu.memory_space<vmem>> -> memref<64x64xf32, #tpu.memory_space<vmem>>
    %dma_start3A_38 = arith.constant 64 : i32
    %dma_start3A_39 = tpu.memref_slice %arg5[%add3A_24, %dma_start3A_38] : memref<40960x128xf32, #tpu.memory_space<hbm>> -> memref<64x64xf32, #tpu.memory_space<hbm>>
    %dma_start3A_40 = arith.constant 64 : i32
    %dma_start3A_41 = tpu.memref_slice %arg5[%add3A_24, %dma_start3A_40] : memref<40960x128xf32, #tpu.memory_space<hbm>> -> memref<64x64xf32, #tpu.memory_space<hbm>>
    %dma_start3A_42 = arith.constant 64 : i32
    %dma_start3A_43 = arith.constant 0 : i32
    %dma_start3A_44 = tpu.memref_slice %arg10[%dma_start3A_42, %dma_start3A_43] : memref<128x64xf32, #tpu.memory_space<vmem>> -> memref<64x64xf32, #tpu.memory_space<vmem>>
    tpu.enqueue_dma source(%dma_start3A_44 : memref<64x64xf32, #tpu.memory_space<vmem>>) target(%dma_start3A_41 : memref<64x64xf32, #tpu.memory_space<hbm>>) target_semaphore(%arg12 : memref<!tpu.dma_semaphore, #tpu.memory_space<semaphore_mem>>)
    %add3A_45 = arith.constant 0 : i32
    %add3A_46 = arith.addi %mul3A_4, %add3A_45 : i32
    %dma_wait3A_47 = arith.constant 0 : i32
    %dma_wait3A_48 = arith.constant 0 : i32
    %dma_wait3A_49 = tpu.memref_slice %arg10[%dma_wait3A_47, %dma_wait3A_48] : memref<128x64xf32, #tpu.memory_space<vmem>> -> memref<64x64xf32, #tpu.memory_space<vmem>>
    %dma_wait3A_50 = arith.constant 0 : i32
    %dma_wait3A_51 = tpu.memref_slice %arg5[%add3A_46, %dma_wait3A_50] : memref<40960x128xf32, #tpu.memory_space<hbm>> -> memref<64x64xf32, #tpu.memory_space<hbm>>
    %dma_wait3A_52 = arith.constant 0 : i32
    %dma_wait3A_53 = tpu.memref_slice %arg5[%add3A_46, %dma_wait3A_52] : memref<40960x128xf32, #tpu.memory_space<hbm>> -> memref<64x64xf32, #tpu.memory_space<hbm>>
    %dma_wait3A_54 = arith.constant 0 : i32
    %dma_wait3A_55 = arith.constant 0 : i32
    %dma_wait3A_56 = tpu.memref_slice %arg10[%dma_wait3A_54, %dma_wait3A_55] : memref<128x64xf32, #tpu.memory_space<vmem>> -> memref<64x64xf32, #tpu.memory_space<vmem>>
    tpu.wait_dma2 semaphore(%arg12 : memref<!tpu.dma_semaphore, #tpu.memory_space<semaphore_mem>>) src(%dma_wait3A_56 : memref<64x64xf32, #tpu.memory_space<vmem>>) dst(%dma_wait3A_53 : memref<64x64xf32, #tpu.memory_space<hbm>>)
    %dma_wait3A_57 = arith.constant 64 : i32
    %dma_wait3A_58 = arith.constant 0 : i32
    %dma_wait3A_59 = tpu.memref_slice %arg10[%dma_wait3A_57, %dma_wait3A_58] : memref<128x64xf32, #tpu.memory_space<vmem>> -> memref<64x64xf32, #tpu.memory_space<vmem>>
    %dma_wait3A_60 = arith.constant 64 : i32
    %dma_wait3A_61 = tpu.memref_slice %arg5[%add3A_46, %dma_wait3A_60] : memref<40960x128xf32, #tpu.memory_space<hbm>> -> memref<64x64xf32, #tpu.memory_space<hbm>>
    %dma_wait3A_62 = arith.constant 64 : i32
    %dma_wait3A_63 = tpu.memref_slice %arg5[%add3A_46, %dma_wait3A_62] : memref<40960x128xf32, #tpu.memory_space<hbm>> -> memref<64x64xf32, #tpu.memory_space<hbm>>
    %dma_wait3A_64 = arith.constant 64 : i32
    %dma_wait3A_65 = arith.constant 0 : i32
    %dma_wait3A_66 = tpu.memref_slice %arg10[%dma_wait3A_64, %dma_wait3A_65] : memref<128x64xf32, #tpu.memory_space<vmem>> -> memref<64x64xf32, #tpu.memory_space<vmem>>
    tpu.wait_dma2 semaphore(%arg12 : memref<!tpu.dma_semaphore, #tpu.memory_space<semaphore_mem>>) src(%dma_wait3A_66 : memref<64x64xf32, #tpu.memory_space<vmem>>) dst(%dma_wait3A_63 : memref<64x64xf32, #tpu.memory_space<hbm>>)
    %dma_start3A_67 = arith.constant 256 : i32
    %dma_start3A_68 = tpu.memref_slice %arg7[%dma_start3A_67] : memref<2560xi32, #tpu.memory_space<vmem>> -> memref<128xi32, #tpu.memory_space<vmem>>
    %dma_start3A_69 = arith.constant 0 : i32
    %dma_start3A_70 = arith.constant 0 : i32
    %dma_start3A_71 = tpu.memref_slice %arg2[%dma_start3A_69, %dma_start3A_70] : memref<100000x64xf32, #tpu.memory_space<hbm>> -> memref<100000x64xf32, #tpu.memory_space<hbm>>
    tpu.enqueue_indirect_dma source(%dma_start3A_71 : memref<100000x64xf32, #tpu.memory_space<hbm>>) target(%arg10 : memref<128x64xf32, #tpu.memory_space<vmem>>) offsets(%dma_start3A_68 : memref<128xi32, #tpu.memory_space<vmem>>) semaphore(%arg12 : memref<!tpu.dma_semaphore, #tpu.memory_space<semaphore_mem>>)
    %dma_wait3A_72 = arith.constant 128 : i32
    %dma_wait3A_73 = tpu.memref_slice %arg7[%dma_wait3A_72] : memref<2560xi32, #tpu.memory_space<vmem>> -> memref<128xi32, #tpu.memory_space<vmem>>
    %dma_wait3A_74 = arith.constant 0 : i32
    %dma_wait3A_75 = arith.constant 0 : i32
    %dma_wait3A_76 = tpu.memref_slice %arg2[%dma_wait3A_74, %dma_wait3A_75] : memref<100000x64xf32, #tpu.memory_space<hbm>> -> memref<100000x64xf32, #tpu.memory_space<hbm>>
    tpu.wait_indirect_dma semaphore(%arg13 : memref<!tpu.dma_semaphore, #tpu.memory_space<semaphore_mem>>) src(%dma_wait3A_76 : memref<100000x64xf32, #tpu.memory_space<hbm>>) dst(%arg11 : memref<128x64xf32, #tpu.memory_space<vmem>>)
    %add3A_77 = arith.constant 64 : i32
    %add3A_78 = arith.addi %mul3A_4, %add3A_77 : i32
    %dma_start3A_79 = arith.constant 0 : i32
    %dma_start3A_80 = arith.constant 0 : i32
    %dma_start3A_81 = tpu.memref_slice %arg11[%dma_start3A_79, %dma_start3A_80] : memref<128x64xf32, #tpu.memory_space<vmem>> -> memref<64x64xf32, #tpu.memory_space<vmem>>
    %dma_start3A_82 = arith.constant 0 : i32
    %dma_start3A_83 = tpu.memref_slice %arg5[%add3A_78, %dma_start3A_82] : memref<40960x128xf32, #tpu.memory_space<hbm>> -> memref<64x64xf32, #tpu.memory_space<hbm>>
    %dma_start3A_84 = arith.constant 0 : i32
    %dma_start3A_85 = tpu.memref_slice %arg5[%add3A_78, %dma_start3A_84] : memref<40960x128xf32, #tpu.memory_space<hbm>> -> memref<64x64xf32, #tpu.memory_space<hbm>>
    %dma_start3A_86 = arith.constant 0 : i32
    %dma_start3A_87 = arith.constant 0 : i32
    %dma_start3A_88 = tpu.memref_slice %arg11[%dma_start3A_86, %dma_start3A_87] : memref<128x64xf32, #tpu.memory_space<vmem>> -> memref<64x64xf32, #tpu.memory_space<vmem>>
    tpu.enqueue_dma source(%dma_start3A_88 : memref<64x64xf32, #tpu.memory_space<vmem>>) target(%dma_start3A_85 : memref<64x64xf32, #tpu.memory_space<hbm>>) target_semaphore(%arg13 : memref<!tpu.dma_semaphore, #tpu.memory_space<semaphore_mem>>)
    %dma_start3A_89 = arith.constant 64 : i32
    %dma_start3A_90 = arith.constant 0 : i32
    %dma_start3A_91 = tpu.memref_slice %arg11[%dma_start3A_89, %dma_start3A_90] : memref<128x64xf32, #tpu.memory_space<vmem>> -> memref<64x64xf32, #tpu.memory_space<vmem>>
    %dma_start3A_92 = arith.constant 64 : i32
    %dma_start3A_93 = tpu.memref_slice %arg5[%add3A_78, %dma_start3A_92] : memref<40960x128xf32, #tpu.memory_space<hbm>> -> memref<64x64xf32, #tpu.memory_space<hbm>>
    %dma_start3A_94 = arith.constant 64 : i32
    %dma_start3A_95 = tpu.memref_slice %arg5[%add3A_78, %dma_start3A_94] : memref<40960x128xf32, #tpu.memory_space<hbm>> -> memref<64x64xf32, #tpu.memory_space<hbm>>
    %dma_start3A_96 = arith.constant 64 : i32
    %dma_start3A_97 = arith.constant 0 : i32
    %dma_start3A_98 = tpu.memref_slice %arg11[%dma_start3A_96, %dma_start3A_97] : memref<128x64xf32, #tpu.memory_space<vmem>> -> memref<64x64xf32, #tpu.memory_space<vmem>>
    tpu.enqueue_dma source(%dma_start3A_98 : memref<64x64xf32, #tpu.memory_space<vmem>>) target(%dma_start3A_95 : memref<64x64xf32, #tpu.memory_space<hbm>>) target_semaphore(%arg13 : memref<!tpu.dma_semaphore, #tpu.memory_space<semaphore_mem>>)
    %add3A_99 = arith.constant 64 : i32
    %add3A_100 = arith.addi %mul3A_4, %add3A_99 : i32
    %dma_wait3A_101 = arith.constant 0 : i32
    %dma_wait3A_102 = arith.constant 0 : i32
    %dma_wait3A_103 = tpu.memref_slice %arg11[%dma_wait3A_101, %dma_wait3A_102] : memref<128x64xf32, #tpu.memory_space<vmem>> -> memref<64x64xf32, #tpu.memory_space<vmem>>
    %dma_wait3A_104 = arith.constant 0 : i32
    %dma_wait3A_105 = tpu.memref_slice %arg5[%add3A_100, %dma_wait3A_104] : memref<40960x128xf32, #tpu.memory_space<hbm>> -> memref<64x64xf32, #tpu.memory_space<hbm>>
    %dma_wait3A_106 = arith.constant 0 : i32
    %dma_wait3A_107 = tpu.memref_slice %arg5[%add3A_100, %dma_wait3A_106] : memref<40960x128xf32, #tpu.memory_space<hbm>> -> memref<64x64xf32, #tpu.memory_space<hbm>>
    %dma_wait3A_108 = arith.constant 0 : i32
    %dma_wait3A_109 = arith.constant 0 : i32
    %dma_wait3A_110 = tpu.memref_slice %arg11[%dma_wait3A_108, %dma_wait3A_109] : memref<128x64xf32, #tpu.memory_space<vmem>> -> memref<64x64xf32, #tpu.memory_space<vmem>>
    tpu.wait_dma2 semaphore(%arg13 : memref<!tpu.dma_semaphore, #tpu.memory_space<semaphore_mem>>) src(%dma_wait3A_110 : memref<64x64xf32, #tpu.memory_space<vmem>>) dst(%dma_wait3A_107 : memref<64x64xf32, #tpu.memory_space<hbm>>)
    %dma_wait3A_111 = arith.constant 64 : i32
    %dma_wait3A_112 = arith.constant 0 : i32
    %dma_wait3A_113 = tpu.memref_slice %arg11[%dma_wait3A_111, %dma_wait3A_112] : memref<128x64xf32, #tpu.memory_space<vmem>> -> memref<64x64xf32, #tpu.memory_space<vmem>>
    %dma_wait3A_114 = arith.constant 64 : i32
    %dma_wait3A_115 = tpu.memref_slice %arg5[%add3A_100, %dma_wait3A_114] : memref<40960x128xf32, #tpu.memory_space<hbm>> -> memref<64x64xf32, #tpu.memory_space<hbm>>
    %dma_wait3A_116 = arith.constant 64 : i32
    %dma_wait3A_117 = tpu.memref_slice %arg5[%add3A_100, %dma_wait3A_116] : memref<40960x128xf32, #tpu.memory_space<hbm>> -> memref<64x64xf32, #tpu.memory_space<hbm>>
    %dma_wait3A_118 = arith.constant 64 : i32
    %dma_wait3A_119 = arith.constant 0 : i32
    %dma_wait3A_120 = tpu.memref_slice %arg11[%dma_wait3A_118, %dma_wait3A_119] : memref<128x64xf32, #tpu.memory_space<vmem>> -> memref<64x64xf32, #tpu.memory_space<vmem>>
    tpu.wait_dma2 semaphore(%arg13 : memref<!tpu.dma_semaphore, #tpu.memory_space<semaphore_mem>>) src(%dma_wait3A_120 : memref<64x64xf32, #tpu.memory_space<vmem>>) dst(%dma_wait3A_117 : memref<64x64xf32, #tpu.memory_space<hbm>>)
    %dma_start3A_121 = arith.constant 384 : i32
    %dma_start3A_122 = tpu.memref_slice %arg7[%dma_start3A_121] : memref<2560xi32, #tpu.memory_space<vmem>> -> memref<128xi32, #tpu.memory_space<vmem>>
    %dma_start3A_123 = arith.constant 0 : i32
    %dma_start3A_124 = arith.constant 0 : i32
    %dma_start3A_125 = tpu.memref_slice %arg2[%dma_start3A_123, %dma_start3A_124] : memref<100000x64xf32, #tpu.memory_space<hbm>> -> memref<100000x64xf32, #tpu.memory_space<hbm>>
    tpu.enqueue_indirect_dma source(%dma_start3A_125 : memref<100000x64xf32, #tpu.memory_space<hbm>>) target(%arg11 : memref<128x64xf32, #tpu.memory_space<vmem>>) offsets(%dma_start3A_122 : memref<128xi32, #tpu.memory_space<vmem>>) semaphore(%arg13 : memref<!tpu.dma_semaphore, #tpu.memory_space<semaphore_mem>>)
    %dma_wait3A_126 = arith.constant 256 : i32
    %dma_wait3A_127 = tpu.memref_slice %arg7[%dma_wait3A_126] : memref<2560xi32, #tpu.memory_space<vmem>> -> memref<128xi32, #tpu.memory_space<vmem>>
    %dma_wait3A_128 = arith.constant 0 : i32
    %dma_wait3A_129 = arith.constant 0 : i32
    %dma_wait3A_130 = tpu.memref_slice %arg2[%dma_wait3A_128, %dma_wait3A_129] : memref<100000x64xf32, #tpu.memory_space<hbm>> -> memref<100000x64xf32, #tpu.memory_space<hbm>>
    tpu.wait_indirect_dma semaphore(%arg12 : memref<!tpu.dma_semaphore, #tpu.memory_space<semaphore_mem>>) src(%dma_wait3A_130 : memref<100000x64xf32, #tpu.memory_space<hbm>>) dst(%arg10 : memref<128x64xf32, #tpu.memory_space<vmem>>)
    %add3A_131 = arith.constant 128 : i32
    %add3A_132 = arith.addi %mul3A_4, %add3A_131 : i32
    %dma_start3A_133 = arith.constant 0 : i32
    %dma_start3A_134 = arith.constant 0 : i32
    %dma_start3A_135 = tpu.memref_slice %arg10[%dma_start3A_133, %dma_start3A_134] : memref<128x64xf32, #tpu.memory_space<vmem>> -> memref<64x64xf32, #tpu.memory_space<vmem>>
    %dma_start3A_136 = arith.constant 0 : i32
    %dma_start3A_137 = tpu.memref_slice %arg5[%add3A_132, %dma_start3A_136] : memref<40960x128xf32, #tpu.memory_space<hbm>> -> memref<64x64xf32, #tpu.memory_space<hbm>>
    %dma_start3A_138 = arith.constant 0 : i32
    %dma_start3A_139 = tpu.memref_slice %arg5[%add3A_132, %dma_start3A_138] : memref<40960x128xf32, #tpu.memory_space<hbm>> -> memref<64x64xf32, #tpu.memory_space<hbm>>
    %dma_start3A_140 = arith.constant 0 : i32
    %dma_start3A_141 = arith.constant 0 : i32
    %dma_start3A_142 = tpu.memref_slice %arg10[%dma_start3A_140, %dma_start3A_141] : memref<128x64xf32, #tpu.memory_space<vmem>> -> memref<64x64xf32, #tpu.memory_space<vmem>>
    tpu.enqueue_dma source(%dma_start3A_142 : memref<64x64xf32, #tpu.memory_space<vmem>>) target(%dma_start3A_139 : memref<64x64xf32, #tpu.memory_space<hbm>>) target_semaphore(%arg12 : memref<!tpu.dma_semaphore, #tpu.memory_space<semaphore_mem>>)
    %dma_start3A_143 = arith.constant 64 : i32
    %dma_start3A_144 = arith.constant 0 : i32
    %dma_start3A_145 = tpu.memref_slice %arg10[%dma_start3A_143, %dma_start3A_144] : memref<128x64xf32, #tpu.memory_space<vmem>> -> memref<64x64xf32, #tpu.memory_space<vmem>>
    %dma_start3A_146 = arith.constant 64 : i32
    %dma_start3A_147 = tpu.memref_slice %arg5[%add3A_132, %dma_start3A_146] : memref<40960x128xf32, #tpu.memory_space<hbm>> -> memref<64x64xf32, #tpu.memory_space<hbm>>
    %dma_start3A_148 = arith.constant 64 : i32
    %dma_start3A_149 = tpu.memref_slice %arg5[%add3A_132, %dma_start3A_148] : memref<40960x128xf32, #tpu.memory_space<hbm>> -> memref<64x64xf32, #tpu.memory_space<hbm>>
    %dma_start3A_150 = arith.constant 64 : i32
    %dma_start3A_151 = arith.constant 0 : i32
    %dma_start3A_152 = tpu.memref_slice %arg10[%dma_start3A_150, %dma_start3A_151] : memref<128x64xf32, #tpu.memory_space<vmem>> -> memref<64x64xf32, #tpu.memory_space<vmem>>
    tpu.enqueue_dma source(%dma_start3A_152 : memref<64x64xf32, #tpu.memory_space<vmem>>) target(%dma_start3A_149 : memref<64x64xf32, #tpu.memory_space<hbm>>) target_semaphore(%arg12 : memref<!tpu.dma_semaphore, #tpu.memory_space<semaphore_mem>>)
    %add3A_153 = arith.constant 128 : i32
    %add3A_154 = arith.addi %mul3A_4, %add3A_153 : i32
    %dma_wait3A_155 = arith.constant 0 : i32
    %dma_wait3A_156 = arith.constant 0 : i32
    %dma_wait3A_157 = tpu.memref_slice %arg10[%dma_wait3A_155, %dma_wait3A_156] : memref<128x64xf32, #tpu.memory_space<vmem>> -> memref<64x64xf32, #tpu.memory_space<vmem>>
    %dma_wait3A_158 = arith.constant 0 : i32
    %dma_wait3A_159 = tpu.memref_slice %arg5[%add3A_154, %dma_wait3A_158] : memref<40960x128xf32, #tpu.memory_space<hbm>> -> memref<64x64xf32, #tpu.memory_space<hbm>>
    %dma_wait3A_160 = arith.constant 0 : i32
    %dma_wait3A_161 = tpu.memref_slice %arg5[%add3A_154, %dma_wait3A_160] : memref<40960x128xf32, #tpu.memory_space<hbm>> -> memref<64x64xf32, #tpu.memory_space<hbm>>
    %dma_wait3A_162 = arith.constant 0 : i32
    %dma_wait3A_163 = arith.constant 0 : i32
    %dma_wait3A_164 = tpu.memref_slice %arg10[%dma_wait3A_162, %dma_wait3A_163] : memref<128x64xf32, #tpu.memory_space<vmem>> -> memref<64x64xf32, #tpu.memory_space<vmem>>
    tpu.wait_dma2 semaphore(%arg12 : memref<!tpu.dma_semaphore, #tpu.memory_space<semaphore_mem>>) src(%dma_wait3A_164 : memref<64x64xf32, #tpu.memory_space<vmem>>) dst(%dma_wait3A_161 : memref<64x64xf32, #tpu.memory_space<hbm>>)
    %dma_wait3A_165 = arith.constant 64 : i32
    %dma_wait3A_166 = arith.constant 0 : i32
    %dma_wait3A_167 = tpu.memref_slice %arg10[%dma_wait3A_165, %dma_wait3A_166] : memref<128x64xf32, #tpu.memory_space<vmem>> -> memref<64x64xf32, #tpu.memory_space<vmem>>
    %dma_wait3A_168 = arith.constant 64 : i32
    %dma_wait3A_169 = tpu.memref_slice %arg5[%add3A_154, %dma_wait3A_168] : memref<40960x128xf32, #tpu.memory_space<hbm>> -> memref<64x64xf32, #tpu.memory_space<hbm>>
    %dma_wait3A_170 = arith.constant 64 : i32
    %dma_wait3A_171 = tpu.memref_slice %arg5[%add3A_154, %dma_wait3A_170] : memref<40960x128xf32, #tpu.memory_space<hbm>> -> memref<64x64xf32, #tpu.memory_space<hbm>>
    %dma_wait3A_172 = arith.constant 64 : i32
    %dma_wait3A_173 = arith.constant 0 : i32
    %dma_wait3A_174 = tpu.memref_slice %arg10[%dma_wait3A_172, %dma_wait3A_173] : memref<128x64xf32, #tpu.memory_space<vmem>> -> memref<64x64xf32, #tpu.memory_space<vmem>>
    tpu.wait_dma2 semaphore(%arg12 : memref<!tpu.dma_semaphore, #tpu.memory_space<semaphore_mem>>) src(%dma_wait3A_174 : memref<64x64xf32, #tpu.memory_space<vmem>>) dst(%dma_wait3A_171 : memref<64x64xf32, #tpu.memory_space<hbm>>)
    %dma_start3A_175 = arith.constant 512 : i32
    %dma_start3A_176 = tpu.memref_slice %arg7[%dma_start3A_175] : memref<2560xi32, #tpu.memory_space<vmem>> -> memref<128xi32, #tpu.memory_space<vmem>>
    %dma_start3A_177 = arith.constant 0 : i32
    %dma_start3A_178 = arith.constant 0 : i32
    %dma_start3A_179 = tpu.memref_slice %arg2[%dma_start3A_177, %dma_start3A_178] : memref<100000x64xf32, #tpu.memory_space<hbm>> -> memref<100000x64xf32, #tpu.memory_space<hbm>>
    tpu.enqueue_indirect_dma source(%dma_start3A_179 : memref<100000x64xf32, #tpu.memory_space<hbm>>) target(%arg10 : memref<128x64xf32, #tpu.memory_space<vmem>>) offsets(%dma_start3A_176 : memref<128xi32, #tpu.memory_space<vmem>>) semaphore(%arg12 : memref<!tpu.dma_semaphore, #tpu.memory_space<semaphore_mem>>)
    %dma_wait3A_180 = arith.constant 384 : i32
    %dma_wait3A_181 = tpu.memref_slice %arg7[%dma_wait3A_180] : memref<2560xi32, #tpu.memory_space<vmem>> -> memref<128xi32, #tpu.memory_space<vmem>>
    %dma_wait3A_182 = arith.constant 0 : i32
    %dma_wait3A_183 = arith.constant 0 : i32
    %dma_wait3A_184 = tpu.memref_slice %arg2[%dma_wait3A_182, %dma_wait3A_183] : memref<100000x64xf32, #tpu.memory_space<hbm>> -> memref<100000x64xf32, #tpu.memory_space<hbm>>
    tpu.wait_indirect_dma semaphore(%arg13 : memref<!tpu.dma_semaphore, #tpu.memory_space<semaphore_mem>>) src(%dma_wait3A_184 : memref<100000x64xf32, #tpu.memory_space<hbm>>) dst(%arg11 : memref<128x64xf32, #tpu.memory_space<vmem>>)
    %add3A_185 = arith.constant 192 : i32
    %add3A_186 = arith.addi %mul3A_4, %add3A_185 : i32
    %dma_start3A_187 = arith.constant 0 : i32
    %dma_start3A_188 = arith.constant 0 : i32
    %dma_start3A_189 = tpu.memref_slice %arg11[%dma_start3A_187, %dma_start3A_188] : memref<128x64xf32, #tpu.memory_space<vmem>> -> memref<64x64xf32, #tpu.memory_space<vmem>>
    %dma_start3A_190 = arith.constant 0 : i32
    %dma_start3A_191 = tpu.memref_slice %arg5[%add3A_186, %dma_start3A_190] : memref<40960x128xf32, #tpu.memory_space<hbm>> -> memref<64x64xf32, #tpu.memory_space<hbm>>
    %dma_start3A_192 = arith.constant 0 : i32
    %dma_start3A_193 = tpu.memref_slice %arg5[%add3A_186, %dma_start3A_192] : memref<40960x128xf32, #tpu.memory_space<hbm>> -> memref<64x64xf32, #tpu.memory_space<hbm>>
    %dma_start3A_194 = arith.constant 0 : i32
    %dma_start3A_195 = arith.constant 0 : i32
    %dma_start3A_196 = tpu.memref_slice %arg11[%dma_start3A_194, %dma_start3A_195] : memref<128x64xf32, #tpu.memory_space<vmem>> -> memref<64x64xf32, #tpu.memory_space<vmem>>
    tpu.enqueue_dma source(%dma_start3A_196 : memref<64x64xf32, #tpu.memory_space<vmem>>) target(%dma_start3A_193 : memref<64x64xf32, #tpu.memory_space<hbm>>) target_semaphore(%arg13 : memref<!tpu.dma_semaphore, #tpu.memory_space<semaphore_mem>>)
    %dma_start3A_197 = arith.constant 64 : i32
    %dma_start3A_198 = arith.constant 0 : i32
    %dma_start3A_199 = tpu.memref_slice %arg11[%dma_start3A_197, %dma_start3A_198] : memref<128x64xf32, #tpu.memory_space<vmem>> -> memref<64x64xf32, #tpu.memory_space<vmem>>
    %dma_start3A_200 = arith.constant 64 : i32
    %dma_start3A_201 = tpu.memref_slice %arg5[%add3A_186, %dma_start3A_200] : memref<40960x128xf32, #tpu.memory_space<hbm>> -> memref<64x64xf32, #tpu.memory_space<hbm>>
    %dma_start3A_202 = arith.constant 64 : i32
    %dma_start3A_203 = tpu.memref_slice %arg5[%add3A_186, %dma_start3A_202] : memref<40960x128xf32, #tpu.memory_space<hbm>> -> memref<64x64xf32, #tpu.memory_space<hbm>>
    %dma_start3A_204 = arith.constant 64 : i32
    %dma_start3A_205 = arith.constant 0 : i32
    %dma_start3A_206 = tpu.memref_slice %arg11[%dma_start3A_204, %dma_start3A_205] : memref<128x64xf32, #tpu.memory_space<vmem>> -> memref<64x64xf32, #tpu.memory_space<vmem>>
    tpu.enqueue_dma source(%dma_start3A_206 : memref<64x64xf32, #tpu.memory_space<vmem>>) target(%dma_start3A_203 : memref<64x64xf32, #tpu.memory_space<hbm>>) target_semaphore(%arg13 : memref<!tpu.dma_semaphore, #tpu.memory_space<semaphore_mem>>)
    %add3A_207 = arith.constant 192 : i32
    %add3A_208 = arith.addi %mul3A_4, %add3A_207 : i32
    %dma_wait3A_209 = arith.constant 0 : i32
    %dma_wait3A_210 = arith.constant 0 : i32
    %dma_wait3A_211 = tpu.memref_slice %arg11[%dma_wait3A_209, %dma_wait3A_210] : memref<128x64xf32, #tpu.memory_space<vmem>> -> memref<64x64xf32, #tpu.memory_space<vmem>>
    %dma_wait3A_212 = arith.constant 0 : i32
    %dma_wait3A_213 = tpu.memref_slice %arg5[%add3A_208, %dma_wait3A_212] : memref<40960x128xf32, #tpu.memory_space<hbm>> -> memref<64x64xf32, #tpu.memory_space<hbm>>
    %dma_wait3A_214 = arith.constant 0 : i32
    %dma_wait3A_215 = tpu.memref_slice %arg5[%add3A_208, %dma_wait3A_214] : memref<40960x128xf32, #tpu.memory_space<hbm>> -> memref<64x64xf32, #tpu.memory_space<hbm>>
    %dma_wait3A_216 = arith.constant 0 : i32
    %dma_wait3A_217 = arith.constant 0 : i32
    %dma_wait3A_218 = tpu.memref_slice %arg11[%dma_wait3A_216, %dma_wait3A_217] : memref<128x64xf32, #tpu.memory_space<vmem>> -> memref<64x64xf32, #tpu.memory_space<vmem>>
    tpu.wait_dma2 semaphore(%arg13 : memref<!tpu.dma_semaphore, #tpu.memory_space<semaphore_mem>>) src(%dma_wait3A_218 : memref<64x64xf32, #tpu.memory_space<vmem>>) dst(%dma_wait3A_215 : memref<64x64xf32, #tpu.memory_space<hbm>>)
    %dma_wait3A_219 = arith.constant 64 : i32
    %dma_wait3A_220 = arith.constant 0 : i32
    %dma_wait3A_221 = tpu.memref_slice %arg11[%dma_wait3A_219, %dma_wait3A_220] : memref<128x64xf32, #tpu.memory_space<vmem>> -> memref<64x64xf32, #tpu.memory_space<vmem>>
    %dma_wait3A_222 = arith.constant 64 : i32
    %dma_wait3A_223 = tpu.memref_slice %arg5[%add3A_208, %dma_wait3A_222] : memref<40960x128xf32, #tpu.memory_space<hbm>> -> memref<64x64xf32, #tpu.memory_space<hbm>>
    %dma_wait3A_224 = arith.constant 64 : i32
    %dma_wait3A_225 = tpu.memref_slice %arg5[%add3A_208, %dma_wait3A_224] : memref<40960x128xf32, #tpu.memory_space<hbm>> -> memref<64x64xf32, #tpu.memory_space<hbm>>
    %dma_wait3A_226 = arith.constant 64 : i32
    %dma_wait3A_227 = arith.constant 0 : i32
    %dma_wait3A_228 = tpu.memref_slice %arg11[%dma_wait3A_226, %dma_wait3A_227] : memref<128x64xf32, #tpu.memory_space<vmem>> -> memref<64x64xf32, #tpu.memory_space<vmem>>
    tpu.wait_dma2 semaphore(%arg13 : memref<!tpu.dma_semaphore, #tpu.memory_space<semaphore_mem>>) src(%dma_wait3A_228 : memref<64x64xf32, #tpu.memory_space<vmem>>) dst(%dma_wait3A_225 : memref<64x64xf32, #tpu.memory_space<hbm>>)
    %dma_start3A_229 = arith.constant 640 : i32
    %dma_start3A_230 = tpu.memref_slice %arg7[%dma_start3A_229] : memref<2560xi32, #tpu.memory_space<vmem>> -> memref<128xi32, #tpu.memory_space<vmem>>
    %dma_start3A_231 = arith.constant 0 : i32
    %dma_start3A_232 = arith.constant 0 : i32
    %dma_start3A_233 = tpu.memref_slice %arg2[%dma_start3A_231, %dma_start3A_232] : memref<100000x64xf32, #tpu.memory_space<hbm>> -> memref<100000x64xf32, #tpu.memory_space<hbm>>
    tpu.enqueue_indirect_dma source(%dma_start3A_233 : memref<100000x64xf32, #tpu.memory_space<hbm>>) target(%arg11 : memref<128x64xf32, #tpu.memory_space<vmem>>) offsets(%dma_start3A_230 : memref<128xi32, #tpu.memory_space<vmem>>) semaphore(%arg13 : memref<!tpu.dma_semaphore, #tpu.memory_space<semaphore_mem>>)
    %dma_wait3A_234 = arith.constant 512 : i32
    %dma_wait3A_235 = tpu.memref_slice %arg7[%dma_wait3A_234] : memref<2560xi32, #tpu.memory_space<vmem>> -> memref<128xi32, #tpu.memory_space<vmem>>
    %dma_wait3A_236 = arith.constant 0 : i32
    %dma_wait3A_237 = arith.constant 0 : i32
    %dma_wait3A_238 = tpu.memref_slice %arg2[%dma_wait3A_236, %dma_wait3A_237] : memref<100000x64xf32, #tpu.memory_space<hbm>> -> memref<100000x64xf32, #tpu.memory_space<hbm>>
    tpu.wait_indirect_dma semaphore(%arg12 : memref<!tpu.dma_semaphore, #tpu.memory_space<semaphore_mem>>) src(%dma_wait3A_238 : memref<100000x64xf32, #tpu.memory_space<hbm>>) dst(%arg10 : memref<128x64xf32, #tpu.memory_space<vmem>>)
    %add3A_239 = arith.constant 256 : i32
    %add3A_240 = arith.addi %mul3A_4, %add3A_239 : i32
    %dma_start3A_241 = arith.constant 0 : i32
    %dma_start3A_242 = arith.constant 0 : i32
    %dma_start3A_243 = tpu.memref_slice %arg10[%dma_start3A_241, %dma_start3A_242] : memref<128x64xf32, #tpu.memory_space<vmem>> -> memref<64x64xf32, #tpu.memory_space<vmem>>
    %dma_start3A_244 = arith.constant 0 : i32
    %dma_start3A_245 = tpu.memref_slice %arg5[%add3A_240, %dma_start3A_244] : memref<40960x128xf32, #tpu.memory_space<hbm>> -> memref<64x64xf32, #tpu.memory_space<hbm>>
    %dma_start3A_246 = arith.constant 0 : i32
    %dma_start3A_247 = tpu.memref_slice %arg5[%add3A_240, %dma_start3A_246] : memref<40960x128xf32, #tpu.memory_space<hbm>> -> memref<64x64xf32, #tpu.memory_space<hbm>>
    %dma_start3A_248 = arith.constant 0 : i32
    %dma_start3A_249 = arith.constant 0 : i32
    %dma_start3A_250 = tpu.memref_slice %arg10[%dma_start3A_248, %dma_start3A_249] : memref<128x64xf32, #tpu.memory_space<vmem>> -> memref<64x64xf32, #tpu.memory_space<vmem>>
    tpu.enqueue_dma source(%dma_start3A_250 : memref<64x64xf32, #tpu.memory_space<vmem>>) target(%dma_start3A_247 : memref<64x64xf32, #tpu.memory_space<hbm>>) target_semaphore(%arg12 : memref<!tpu.dma_semaphore, #tpu.memory_space<semaphore_mem>>)
    %dma_start3A_251 = arith.constant 64 : i32
    %dma_start3A_252 = arith.constant 0 : i32
    %dma_start3A_253 = tpu.memref_slice %arg10[%dma_start3A_251, %dma_start3A_252] : memref<128x64xf32, #tpu.memory_space<vmem>> -> memref<64x64xf32, #tpu.memory_space<vmem>>
    %dma_start3A_254 = arith.constant 64 : i32
    %dma_start3A_255 = tpu.memref_slice %arg5[%add3A_240, %dma_start3A_254] : memref<40960x128xf32, #tpu.memory_space<hbm>> -> memref<64x64xf32, #tpu.memory_space<hbm>>
    %dma_start3A_256 = arith.constant 64 : i32
    %dma_start3A_257 = tpu.memref_slice %arg5[%add3A_240, %dma_start3A_256] : memref<40960x128xf32, #tpu.memory_space<hbm>> -> memref<64x64xf32, #tpu.memory_space<hbm>>
    %dma_start3A_258 = arith.constant 64 : i32
    %dma_start3A_259 = arith.constant 0 : i32
    %dma_start3A_260 = tpu.memref_slice %arg10[%dma_start3A_258, %dma_start3A_259] : memref<128x64xf32, #tpu.memory_space<vmem>> -> memref<64x64xf32, #tpu.memory_space<vmem>>
    tpu.enqueue_dma source(%dma_start3A_260 : memref<64x64xf32, #tpu.memory_space<vmem>>) target(%dma_start3A_257 : memref<64x64xf32, #tpu.memory_space<hbm>>) target_semaphore(%arg12 : memref<!tpu.dma_semaphore, #tpu.memory_space<semaphore_mem>>)
    %add3A_261 = arith.constant 256 : i32
    %add3A_262 = arith.addi %mul3A_4, %add3A_261 : i32
    %dma_wait3A_263 = arith.constant 0 : i32
    %dma_wait3A_264 = arith.constant 0 : i32
    %dma_wait3A_265 = tpu.memref_slice %arg10[%dma_wait3A_263, %dma_wait3A_264] : memref<128x64xf32, #tpu.memory_space<vmem>> -> memref<64x64xf32, #tpu.memory_space<vmem>>
    %dma_wait3A_266 = arith.constant 0 : i32
    %dma_wait3A_267 = tpu.memref_slice %arg5[%add3A_262, %dma_wait3A_266] : memref<40960x128xf32, #tpu.memory_space<hbm>> -> memref<64x64xf32, #tpu.memory_space<hbm>>
    %dma_wait3A_268 = arith.constant 0 : i32
    %dma_wait3A_269 = tpu.memref_slice %arg5[%add3A_262, %dma_wait3A_268] : memref<40960x128xf32, #tpu.memory_space<hbm>> -> memref<64x64xf32, #tpu.memory_space<hbm>>
    %dma_wait3A_270 = arith.constant 0 : i32
    %dma_wait3A_271 = arith.constant 0 : i32
    %dma_wait3A_272 = tpu.memref_slice %arg10[%dma_wait3A_270, %dma_wait3A_271] : memref<128x64xf32, #tpu.memory_space<vmem>> -> memref<64x64xf32, #tpu.memory_space<vmem>>
    tpu.wait_dma2 semaphore(%arg12 : memref<!tpu.dma_semaphore, #tpu.memory_space<semaphore_mem>>) src(%dma_wait3A_272 : memref<64x64xf32, #tpu.memory_space<vmem>>) dst(%dma_wait3A_269 : memref<64x64xf32, #tpu.memory_space<hbm>>)
    %dma_wait3A_273 = arith.constant 64 : i32
    %dma_wait3A_274 = arith.constant 0 : i32
    %dma_wait3A_275 = tpu.memref_slice %arg10[%dma_wait3A_273, %dma_wait3A_274] : memref<128x64xf32, #tpu.memory_space<vmem>> -> memref<64x64xf32, #tpu.memory_space<vmem>>
    %dma_wait3A_276 = arith.constant 64 : i32
    %dma_wait3A_277 = tpu.memref_slice %arg5[%add3A_262, %dma_wait3A_276] : memref<40960x128xf32, #tpu.memory_space<hbm>> -> memref<64x64xf32, #tpu.memory_space<hbm>>
    %dma_wait3A_278 = arith.constant 64 : i32
    %dma_wait3A_279 = tpu.memref_slice %arg5[%add3A_262, %dma_wait3A_278] : memref<40960x128xf32, #tpu.memory_space<hbm>> -> memref<64x64xf32, #tpu.memory_space<hbm>>
    %dma_wait3A_280 = arith.constant 64 : i32
    %dma_wait3A_281 = arith.constant 0 : i32
    %dma_wait3A_282 = tpu.memref_slice %arg10[%dma_wait3A_280, %dma_wait3A_281] : memref<128x64xf32, #tpu.memory_space<vmem>> -> memref<64x64xf32, #tpu.memory_space<vmem>>
    tpu.wait_dma2 semaphore(%arg12 : memref<!tpu.dma_semaphore, #tpu.memory_space<semaphore_mem>>) src(%dma_wait3A_282 : memref<64x64xf32, #tpu.memory_space<vmem>>) dst(%dma_wait3A_279 : memref<64x64xf32, #tpu.memory_space<hbm>>)
    %dma_start3A_283 = arith.constant 768 : i32
    %dma_start3A_284 = tpu.memref_slice %arg7[%dma_start3A_283] : memref<2560xi32, #tpu.memory_space<vmem>> -> memref<128xi32, #tpu.memory_space<vmem>>
    %dma_start3A_285 = arith.constant 0 : i32
    %dma_start3A_286 = arith.constant 0 : i32
    %dma_start3A_287 = tpu.memref_slice %arg2[%dma_start3A_285, %dma_start3A_286] : memref<100000x64xf32, #tpu.memory_space<hbm>> -> memref<100000x64xf32, #tpu.memory_space<hbm>>
    tpu.enqueue_indirect_dma source(%dma_start3A_287 : memref<100000x64xf32, #tpu.memory_space<hbm>>) target(%arg10 : memref<128x64xf32, #tpu.memory_space<vmem>>) offsets(%dma_start3A_284 : memref<128xi32, #tpu.memory_space<vmem>>) semaphore(%arg12 : memref<!tpu.dma_semaphore, #tpu.memory_space<semaphore_mem>>)
    %dma_wait3A_288 = arith.constant 640 : i32
    %dma_wait3A_289 = tpu.memref_slice %arg7[%dma_wait3A_288] : memref<2560xi32, #tpu.memory_space<vmem>> -> memref<128xi32, #tpu.memory_space<vmem>>
    %dma_wait3A_290 = arith.constant 0 : i32
    %dma_wait3A_291 = arith.constant 0 : i32
    %dma_wait3A_292 = tpu.memref_slice %arg2[%dma_wait3A_290, %dma_wait3A_291] : memref<100000x64xf32, #tpu.memory_space<hbm>> -> memref<100000x64xf32, #tpu.memory_space<hbm>>
    tpu.wait_indirect_dma semaphore(%arg13 : memref<!tpu.dma_semaphore, #tpu.memory_space<semaphore_mem>>) src(%dma_wait3A_292 : memref<100000x64xf32, #tpu.memory_space<hbm>>) dst(%arg11 : memref<128x64xf32, #tpu.memory_space<vmem>>)
    %add3A_293 = arith.constant 320 : i32
    %add3A_294 = arith.addi %mul3A_4, %add3A_293 : i32
    %dma_start3A_295 = arith.constant 0 : i32
    %dma_start3A_296 = arith.constant 0 : i32
    %dma_start3A_297 = tpu.memref_slice %arg11[%dma_start3A_295, %dma_start3A_296] : memref<128x64xf32, #tpu.memory_space<vmem>> -> memref<64x64xf32, #tpu.memory_space<vmem>>
    %dma_start3A_298 = arith.constant 0 : i32
    %dma_start3A_299 = tpu.memref_slice %arg5[%add3A_294, %dma_start3A_298] : memref<40960x128xf32, #tpu.memory_space<hbm>> -> memref<64x64xf32, #tpu.memory_space<hbm>>
    %dma_start3A_300 = arith.constant 0 : i32
    %dma_start3A_301 = tpu.memref_slice %arg5[%add3A_294, %dma_start3A_300] : memref<40960x128xf32, #tpu.memory_space<hbm>> -> memref<64x64xf32, #tpu.memory_space<hbm>>
    %dma_start3A_302 = arith.constant 0 : i32
    %dma_start3A_303 = arith.constant 0 : i32
    %dma_start3A_304 = tpu.memref_slice %arg11[%dma_start3A_302, %dma_start3A_303] : memref<128x64xf32, #tpu.memory_space<vmem>> -> memref<64x64xf32, #tpu.memory_space<vmem>>
    tpu.enqueue_dma source(%dma_start3A_304 : memref<64x64xf32, #tpu.memory_space<vmem>>) target(%dma_start3A_301 : memref<64x64xf32, #tpu.memory_space<hbm>>) target_semaphore(%arg13 : memref<!tpu.dma_semaphore, #tpu.memory_space<semaphore_mem>>)
    %dma_start3A_305 = arith.constant 64 : i32
    %dma_start3A_306 = arith.constant 0 : i32
    %dma_start3A_307 = tpu.memref_slice %arg11[%dma_start3A_305, %dma_start3A_306] : memref<128x64xf32, #tpu.memory_space<vmem>> -> memref<64x64xf32, #tpu.memory_space<vmem>>
    %dma_start3A_308 = arith.constant 64 : i32
    %dma_start3A_309 = tpu.memref_slice %arg5[%add3A_294, %dma_start3A_308] : memref<40960x128xf32, #tpu.memory_space<hbm>> -> memref<64x64xf32, #tpu.memory_space<hbm>>
    %dma_start3A_310 = arith.constant 64 : i32
    %dma_start3A_311 = tpu.memref_slice %arg5[%add3A_294, %dma_start3A_310] : memref<40960x128xf32, #tpu.memory_space<hbm>> -> memref<64x64xf32, #tpu.memory_space<hbm>>
    %dma_start3A_312 = arith.constant 64 : i32
    %dma_start3A_313 = arith.constant 0 : i32
    %dma_start3A_314 = tpu.memref_slice %arg11[%dma_start3A_312, %dma_start3A_313] : memref<128x64xf32, #tpu.memory_space<vmem>> -> memref<64x64xf32, #tpu.memory_space<vmem>>
    tpu.enqueue_dma source(%dma_start3A_314 : memref<64x64xf32, #tpu.memory_space<vmem>>) target(%dma_start3A_311 : memref<64x64xf32, #tpu.memory_space<hbm>>) target_semaphore(%arg13 : memref<!tpu.dma_semaphore, #tpu.memory_space<semaphore_mem>>)
    %add3A_315 = arith.constant 320 : i32
    %add3A_316 = arith.addi %mul3A_4, %add3A_315 : i32
    %dma_wait3A_317 = arith.constant 0 : i32
    %dma_wait3A_318 = arith.constant 0 : i32
    %dma_wait3A_319 = tpu.memref_slice %arg11[%dma_wait3A_317, %dma_wait3A_318] : memref<128x64xf32, #tpu.memory_space<vmem>> -> memref<64x64xf32, #tpu.memory_space<vmem>>
    %dma_wait3A_320 = arith.constant 0 : i32
    %dma_wait3A_321 = tpu.memref_slice %arg5[%add3A_316, %dma_wait3A_320] : memref<40960x128xf32, #tpu.memory_space<hbm>> -> memref<64x64xf32, #tpu.memory_space<hbm>>
    %dma_wait3A_322 = arith.constant 0 : i32
    %dma_wait3A_323 = tpu.memref_slice %arg5[%add3A_316, %dma_wait3A_322] : memref<40960x128xf32, #tpu.memory_space<hbm>> -> memref<64x64xf32, #tpu.memory_space<hbm>>
    %dma_wait3A_324 = arith.constant 0 : i32
    %dma_wait3A_325 = arith.constant 0 : i32
    %dma_wait3A_326 = tpu.memref_slice %arg11[%dma_wait3A_324, %dma_wait3A_325] : memref<128x64xf32, #tpu.memory_space<vmem>> -> memref<64x64xf32, #tpu.memory_space<vmem>>
    tpu.wait_dma2 semaphore(%arg13 : memref<!tpu.dma_semaphore, #tpu.memory_space<semaphore_mem>>) src(%dma_wait3A_326 : memref<64x64xf32, #tpu.memory_space<vmem>>) dst(%dma_wait3A_323 : memref<64x64xf32, #tpu.memory_space<hbm>>)
    %dma_wait3A_327 = arith.constant 64 : i32
    %dma_wait3A_328 = arith.constant 0 : i32
    %dma_wait3A_329 = tpu.memref_slice %arg11[%dma_wait3A_327, %dma_wait3A_328] : memref<128x64xf32, #tpu.memory_space<vmem>> -> memref<64x64xf32, #tpu.memory_space<vmem>>
    %dma_wait3A_330 = arith.constant 64 : i32
    %dma_wait3A_331 = tpu.memref_slice %arg5[%add3A_316, %dma_wait3A_330] : memref<40960x128xf32, #tpu.memory_space<hbm>> -> memref<64x64xf32, #tpu.memory_space<hbm>>
    %dma_wait3A_332 = arith.constant 64 : i32
    %dma_wait3A_333 = tpu.memref_slice %arg5[%add3A_316, %dma_wait3A_332] : memref<40960x128xf32, #tpu.memory_space<hbm>> -> memref<64x64xf32, #tpu.memory_space<hbm>>
    %dma_wait3A_334 = arith.constant 64 : i32
    %dma_wait3A_335 = arith.constant 0 : i32
    %dma_wait3A_336 = tpu.memref_slice %arg11[%dma_wait3A_334, %dma_wait3A_335] : memref<128x64xf32, #tpu.memory_space<vmem>> -> memref<64x64xf32, #tpu.memory_space<vmem>>
    tpu.wait_dma2 semaphore(%arg13 : memref<!tpu.dma_semaphore, #tpu.memory_space<semaphore_mem>>) src(%dma_wait3A_336 : memref<64x64xf32, #tpu.memory_space<vmem>>) dst(%dma_wait3A_333 : memref<64x64xf32, #tpu.memory_space<hbm>>)
    %dma_start3A_337 = arith.constant 896 : i32
    %dma_start3A_338 = tpu.memref_slice %arg7[%dma_start3A_337] : memref<2560xi32, #tpu.memory_space<vmem>> -> memref<128xi32, #tpu.memory_space<vmem>>
    %dma_start3A_339 = arith.constant 0 : i32
    %dma_start3A_340 = arith.constant 0 : i32
    %dma_start3A_341 = tpu.memref_slice %arg2[%dma_start3A_339, %dma_start3A_340] : memref<100000x64xf32, #tpu.memory_space<hbm>> -> memref<100000x64xf32, #tpu.memory_space<hbm>>
    tpu.enqueue_indirect_dma source(%dma_start3A_341 : memref<100000x64xf32, #tpu.memory_space<hbm>>) target(%arg11 : memref<128x64xf32, #tpu.memory_space<vmem>>) offsets(%dma_start3A_338 : memref<128xi32, #tpu.memory_space<vmem>>) semaphore(%arg13 : memref<!tpu.dma_semaphore, #tpu.memory_space<semaphore_mem>>)
    %dma_wait3A_342 = arith.constant 768 : i32
    %dma_wait3A_343 = tpu.memref_slice %arg7[%dma_wait3A_342] : memref<2560xi32, #tpu.memory_space<vmem>> -> memref<128xi32, #tpu.memory_space<vmem>>
    %dma_wait3A_344 = arith.constant 0 : i32
    %dma_wait3A_345 = arith.constant 0 : i32
    %dma_wait3A_346 = tpu.memref_slice %arg2[%dma_wait3A_344, %dma_wait3A_345] : memref<100000x64xf32, #tpu.memory_space<hbm>> -> memref<100000x64xf32, #tpu.memory_space<hbm>>
    tpu.wait_indirect_dma semaphore(%arg12 : memref<!tpu.dma_semaphore, #tpu.memory_space<semaphore_mem>>) src(%dma_wait3A_346 : memref<100000x64xf32, #tpu.memory_space<hbm>>) dst(%arg10 : memref<128x64xf32, #tpu.memory_space<vmem>>)
    %add3A_347 = arith.constant 384 : i32
    %add3A_348 = arith.addi %mul3A_4, %add3A_347 : i32
    %dma_start3A_349 = arith.constant 0 : i32
    %dma_start3A_350 = arith.constant 0 : i32
    %dma_start3A_351 = tpu.memref_slice %arg10[%dma_start3A_349, %dma_start3A_350] : memref<128x64xf32, #tpu.memory_space<vmem>> -> memref<64x64xf32, #tpu.memory_space<vmem>>
    %dma_start3A_352 = arith.constant 0 : i32
    %dma_start3A_353 = tpu.memref_slice %arg5[%add3A_348, %dma_start3A_352] : memref<40960x128xf32, #tpu.memory_space<hbm>> -> memref<64x64xf32, #tpu.memory_space<hbm>>
    %dma_start3A_354 = arith.constant 0 : i32
    %dma_start3A_355 = tpu.memref_slice %arg5[%add3A_348, %dma_start3A_354] : memref<40960x128xf32, #tpu.memory_space<hbm>> -> memref<64x64xf32, #tpu.memory_space<hbm>>
    %dma_start3A_356 = arith.constant 0 : i32
    %dma_start3A_357 = arith.constant 0 : i32
    %dma_start3A_358 = tpu.memref_slice %arg10[%dma_start3A_356, %dma_start3A_357] : memref<128x64xf32, #tpu.memory_space<vmem>> -> memref<64x64xf32, #tpu.memory_space<vmem>>
    tpu.enqueue_dma source(%dma_start3A_358 : memref<64x64xf32, #tpu.memory_space<vmem>>) target(%dma_start3A_355 : memref<64x64xf32, #tpu.memory_space<hbm>>) target_semaphore(%arg12 : memref<!tpu.dma_semaphore, #tpu.memory_space<semaphore_mem>>)
    %dma_start3A_359 = arith.constant 64 : i32
    %dma_start3A_360 = arith.constant 0 : i32
    %dma_start3A_361 = tpu.memref_slice %arg10[%dma_start3A_359, %dma_start3A_360] : memref<128x64xf32, #tpu.memory_space<vmem>> -> memref<64x64xf32, #tpu.memory_space<vmem>>
    %dma_start3A_362 = arith.constant 64 : i32
    %dma_start3A_363 = tpu.memref_slice %arg5[%add3A_348, %dma_start3A_362] : memref<40960x128xf32, #tpu.memory_space<hbm>> -> memref<64x64xf32, #tpu.memory_space<hbm>>
    %dma_start3A_364 = arith.constant 64 : i32
    %dma_start3A_365 = tpu.memref_slice %arg5[%add3A_348, %dma_start3A_364] : memref<40960x128xf32, #tpu.memory_space<hbm>> -> memref<64x64xf32, #tpu.memory_space<hbm>>
    %dma_start3A_366 = arith.constant 64 : i32
    %dma_start3A_367 = arith.constant 0 : i32
    %dma_start3A_368 = tpu.memref_slice %arg10[%dma_start3A_366, %dma_start3A_367] : memref<128x64xf32, #tpu.memory_space<vmem>> -> memref<64x64xf32, #tpu.memory_space<vmem>>
    tpu.enqueue_dma source(%dma_start3A_368 : memref<64x64xf32, #tpu.memory_space<vmem>>) target(%dma_start3A_365 : memref<64x64xf32, #tpu.memory_space<hbm>>) target_semaphore(%arg12 : memref<!tpu.dma_semaphore, #tpu.memory_space<semaphore_mem>>)
    %add3A_369 = arith.constant 384 : i32
    %add3A_370 = arith.addi %mul3A_4, %add3A_369 : i32
    %dma_wait3A_371 = arith.constant 0 : i32
    %dma_wait3A_372 = arith.constant 0 : i32
    %dma_wait3A_373 = tpu.memref_slice %arg10[%dma_wait3A_371, %dma_wait3A_372] : memref<128x64xf32, #tpu.memory_space<vmem>> -> memref<64x64xf32, #tpu.memory_space<vmem>>
    %dma_wait3A_374 = arith.constant 0 : i32
    %dma_wait3A_375 = tpu.memref_slice %arg5[%add3A_370, %dma_wait3A_374] : memref<40960x128xf32, #tpu.memory_space<hbm>> -> memref<64x64xf32, #tpu.memory_space<hbm>>
    %dma_wait3A_376 = arith.constant 0 : i32
    %dma_wait3A_377 = tpu.memref_slice %arg5[%add3A_370, %dma_wait3A_376] : memref<40960x128xf32, #tpu.memory_space<hbm>> -> memref<64x64xf32, #tpu.memory_space<hbm>>
    %dma_wait3A_378 = arith.constant 0 : i32
    %dma_wait3A_379 = arith.constant 0 : i32
    %dma_wait3A_380 = tpu.memref_slice %arg10[%dma_wait3A_378, %dma_wait3A_379] : memref<128x64xf32, #tpu.memory_space<vmem>> -> memref<64x64xf32, #tpu.memory_space<vmem>>
    tpu.wait_dma2 semaphore(%arg12 : memref<!tpu.dma_semaphore, #tpu.memory_space<semaphore_mem>>) src(%dma_wait3A_380 : memref<64x64xf32, #tpu.memory_space<vmem>>) dst(%dma_wait3A_377 : memref<64x64xf32, #tpu.memory_space<hbm>>)
    %dma_wait3A_381 = arith.constant 64 : i32
    %dma_wait3A_382 = arith.constant 0 : i32
    %dma_wait3A_383 = tpu.memref_slice %arg10[%dma_wait3A_381, %dma_wait3A_382] : memref<128x64xf32, #tpu.memory_space<vmem>> -> memref<64x64xf32, #tpu.memory_space<vmem>>
    %dma_wait3A_384 = arith.constant 64 : i32
    %dma_wait3A_385 = tpu.memref_slice %arg5[%add3A_370, %dma_wait3A_384] : memref<40960x128xf32, #tpu.memory_space<hbm>> -> memref<64x64xf32, #tpu.memory_space<hbm>>
    %dma_wait3A_386 = arith.constant 64 : i32
    %dma_wait3A_387 = tpu.memref_slice %arg5[%add3A_370, %dma_wait3A_386] : memref<40960x128xf32, #tpu.memory_space<hbm>> -> memref<64x64xf32, #tpu.memory_space<hbm>>
    %dma_wait3A_388 = arith.constant 64 : i32
    %dma_wait3A_389 = arith.constant 0 : i32
    %dma_wait3A_390 = tpu.memref_slice %arg10[%dma_wait3A_388, %dma_wait3A_389] : memref<128x64xf32, #tpu.memory_space<vmem>> -> memref<64x64xf32, #tpu.memory_space<vmem>>
    tpu.wait_dma2 semaphore(%arg12 : memref<!tpu.dma_semaphore, #tpu.memory_space<semaphore_mem>>) src(%dma_wait3A_390 : memref<64x64xf32, #tpu.memory_space<vmem>>) dst(%dma_wait3A_387 : memref<64x64xf32, #tpu.memory_space<hbm>>)
    %dma_start3A_391 = arith.constant 1024 : i32
    %dma_start3A_392 = tpu.memref_slice %arg7[%dma_start3A_391] : memref<2560xi32, #tpu.memory_space<vmem>> -> memref<128xi32, #tpu.memory_space<vmem>>
    %dma_start3A_393 = arith.constant 0 : i32
    %dma_start3A_394 = arith.constant 0 : i32
    %dma_start3A_395 = tpu.memref_slice %arg2[%dma_start3A_393, %dma_start3A_394] : memref<100000x64xf32, #tpu.memory_space<hbm>> -> memref<100000x64xf32, #tpu.memory_space<hbm>>
    tpu.enqueue_indirect_dma source(%dma_start3A_395 : memref<100000x64xf32, #tpu.memory_space<hbm>>) target(%arg10 : memref<128x64xf32, #tpu.memory_space<vmem>>) offsets(%dma_start3A_392 : memref<128xi32, #tpu.memory_space<vmem>>) semaphore(%arg12 : memref<!tpu.dma_semaphore, #tpu.memory_space<semaphore_mem>>)
    %dma_wait3A_396 = arith.constant 896 : i32
    %dma_wait3A_397 = tpu.memref_slice %arg7[%dma_wait3A_396] : memref<2560xi32, #tpu.memory_space<vmem>> -> memref<128xi32, #tpu.memory_space<vmem>>
    %dma_wait3A_398 = arith.constant 0 : i32
    %dma_wait3A_399 = arith.constant 0 : i32
    %dma_wait3A_400 = tpu.memref_slice %arg2[%dma_wait3A_398, %dma_wait3A_399] : memref<100000x64xf32, #tpu.memory_space<hbm>> -> memref<100000x64xf32, #tpu.memory_space<hbm>>
    tpu.wait_indirect_dma semaphore(%arg13 : memref<!tpu.dma_semaphore, #tpu.memory_space<semaphore_mem>>) src(%dma_wait3A_400 : memref<100000x64xf32, #tpu.memory_space<hbm>>) dst(%arg11 : memref<128x64xf32, #tpu.memory_space<vmem>>)
    %add3A_401 = arith.constant 448 : i32
    %add3A_402 = arith.addi %mul3A_4, %add3A_401 : i32
    %dma_start3A_403 = arith.constant 0 : i32
    %dma_start3A_404 = arith.constant 0 : i32
    %dma_start3A_405 = tpu.memref_slice %arg11[%dma_start3A_403, %dma_start3A_404] : memref<128x64xf32, #tpu.memory_space<vmem>> -> memref<64x64xf32, #tpu.memory_space<vmem>>
    %dma_start3A_406 = arith.constant 0 : i32
    %dma_start3A_407 = tpu.memref_slice %arg5[%add3A_402, %dma_start3A_406] : memref<40960x128xf32, #tpu.memory_space<hbm>> -> memref<64x64xf32, #tpu.memory_space<hbm>>
    %dma_start3A_408 = arith.constant 0 : i32
    %dma_start3A_409 = tpu.memref_slice %arg5[%add3A_402, %dma_start3A_408] : memref<40960x128xf32, #tpu.memory_space<hbm>> -> memref<64x64xf32, #tpu.memory_space<hbm>>
    %dma_start3A_410 = arith.constant 0 : i32
    %dma_start3A_411 = arith.constant 0 : i32
    %dma_start3A_412 = tpu.memref_slice %arg11[%dma_start3A_410, %dma_start3A_411] : memref<128x64xf32, #tpu.memory_space<vmem>> -> memref<64x64xf32, #tpu.memory_space<vmem>>
    tpu.enqueue_dma source(%dma_start3A_412 : memref<64x64xf32, #tpu.memory_space<vmem>>) target(%dma_start3A_409 : memref<64x64xf32, #tpu.memory_space<hbm>>) target_semaphore(%arg13 : memref<!tpu.dma_semaphore, #tpu.memory_space<semaphore_mem>>)
    %dma_start3A_413 = arith.constant 64 : i32
    %dma_start3A_414 = arith.constant 0 : i32
    %dma_start3A_415 = tpu.memref_slice %arg11[%dma_start3A_413, %dma_start3A_414] : memref<128x64xf32, #tpu.memory_space<vmem>> -> memref<64x64xf32, #tpu.memory_space<vmem>>
    %dma_start3A_416 = arith.constant 64 : i32
    %dma_start3A_417 = tpu.memref_slice %arg5[%add3A_402, %dma_start3A_416] : memref<40960x128xf32, #tpu.memory_space<hbm>> -> memref<64x64xf32, #tpu.memory_space<hbm>>
    %dma_start3A_418 = arith.constant 64 : i32
    %dma_start3A_419 = tpu.memref_slice %arg5[%add3A_402, %dma_start3A_418] : memref<40960x128xf32, #tpu.memory_space<hbm>> -> memref<64x64xf32, #tpu.memory_space<hbm>>
    %dma_start3A_420 = arith.constant 64 : i32
    %dma_start3A_421 = arith.constant 0 : i32
    %dma_start3A_422 = tpu.memref_slice %arg11[%dma_start3A_420, %dma_start3A_421] : memref<128x64xf32, #tpu.memory_space<vmem>> -> memref<64x64xf32, #tpu.memory_space<vmem>>
    tpu.enqueue_dma source(%dma_start3A_422 : memref<64x64xf32, #tpu.memory_space<vmem>>) target(%dma_start3A_419 : memref<64x64xf32, #tpu.memory_space<hbm>>) target_semaphore(%arg13 : memref<!tpu.dma_semaphore, #tpu.memory_space<semaphore_mem>>)
    %add3A_423 = arith.constant 448 : i32
    %add3A_424 = arith.addi %mul3A_4, %add3A_423 : i32
    %dma_wait3A_425 = arith.constant 0 : i32
    %dma_wait3A_426 = arith.constant 0 : i32
    %dma_wait3A_427 = tpu.memref_slice %arg11[%dma_wait3A_425, %dma_wait3A_426] : memref<128x64xf32, #tpu.memory_space<vmem>> -> memref<64x64xf32, #tpu.memory_space<vmem>>
    %dma_wait3A_428 = arith.constant 0 : i32
    %dma_wait3A_429 = tpu.memref_slice %arg5[%add3A_424, %dma_wait3A_428] : memref<40960x128xf32, #tpu.memory_space<hbm>> -> memref<64x64xf32, #tpu.memory_space<hbm>>
    %dma_wait3A_430 = arith.constant 0 : i32
    %dma_wait3A_431 = tpu.memref_slice %arg5[%add3A_424, %dma_wait3A_430] : memref<40960x128xf32, #tpu.memory_space<hbm>> -> memref<64x64xf32, #tpu.memory_space<hbm>>
    %dma_wait3A_432 = arith.constant 0 : i32
    %dma_wait3A_433 = arith.constant 0 : i32
    %dma_wait3A_434 = tpu.memref_slice %arg11[%dma_wait3A_432, %dma_wait3A_433] : memref<128x64xf32, #tpu.memory_space<vmem>> -> memref<64x64xf32, #tpu.memory_space<vmem>>
    tpu.wait_dma2 semaphore(%arg13 : memref<!tpu.dma_semaphore, #tpu.memory_space<semaphore_mem>>) src(%dma_wait3A_434 : memref<64x64xf32, #tpu.memory_space<vmem>>) dst(%dma_wait3A_431 : memref<64x64xf32, #tpu.memory_space<hbm>>)
    %dma_wait3A_435 = arith.constant 64 : i32
    %dma_wait3A_436 = arith.constant 0 : i32
    %dma_wait3A_437 = tpu.memref_slice %arg11[%dma_wait3A_435, %dma_wait3A_436] : memref<128x64xf32, #tpu.memory_space<vmem>> -> memref<64x64xf32, #tpu.memory_space<vmem>>
    %dma_wait3A_438 = arith.constant 64 : i32
    %dma_wait3A_439 = tpu.memref_slice %arg5[%add3A_424, %dma_wait3A_438] : memref<40960x128xf32, #tpu.memory_space<hbm>> -> memref<64x64xf32, #tpu.memory_space<hbm>>
    %dma_wait3A_440 = arith.constant 64 : i32
    %dma_wait3A_441 = tpu.memref_slice %arg5[%add3A_424, %dma_wait3A_440] : memref<40960x128xf32, #tpu.memory_space<hbm>> -> memref<64x64xf32, #tpu.memory_space<hbm>>
    %dma_wait3A_442 = arith.constant 64 : i32
    %dma_wait3A_443 = arith.constant 0 : i32
    %dma_wait3A_444 = tpu.memref_slice %arg11[%dma_wait3A_442, %dma_wait3A_443] : memref<128x64xf32, #tpu.memory_space<vmem>> -> memref<64x64xf32, #tpu.memory_space<vmem>>
    tpu.wait_dma2 semaphore(%arg13 : memref<!tpu.dma_semaphore, #tpu.memory_space<semaphore_mem>>) src(%dma_wait3A_444 : memref<64x64xf32, #tpu.memory_space<vmem>>) dst(%dma_wait3A_441 : memref<64x64xf32, #tpu.memory_space<hbm>>)
    %dma_start3A_445 = arith.constant 1152 : i32
    %dma_start3A_446 = tpu.memref_slice %arg7[%dma_start3A_445] : memref<2560xi32, #tpu.memory_space<vmem>> -> memref<128xi32, #tpu.memory_space<vmem>>
    %dma_start3A_447 = arith.constant 0 : i32
    %dma_start3A_448 = arith.constant 0 : i32
    %dma_start3A_449 = tpu.memref_slice %arg2[%dma_start3A_447, %dma_start3A_448] : memref<100000x64xf32, #tpu.memory_space<hbm>> -> memref<100000x64xf32, #tpu.memory_space<hbm>>
    tpu.enqueue_indirect_dma source(%dma_start3A_449 : memref<100000x64xf32, #tpu.memory_space<hbm>>) target(%arg11 : memref<128x64xf32, #tpu.memory_space<vmem>>) offsets(%dma_start3A_446 : memref<128xi32, #tpu.memory_space<vmem>>) semaphore(%arg13 : memref<!tpu.dma_semaphore, #tpu.memory_space<semaphore_mem>>)
    %dma_wait3A_450 = arith.constant 1024 : i32
    %dma_wait3A_451 = tpu.memref_slice %arg7[%dma_wait3A_450] : memref<2560xi32, #tpu.memory_space<vmem>> -> memref<128xi32, #tpu.memory_space<vmem>>
    %dma_wait3A_452 = arith.constant 0 : i32
    %dma_wait3A_453 = arith.constant 0 : i32
    %dma_wait3A_454 = tpu.memref_slice %arg2[%dma_wait3A_452, %dma_wait3A_453] : memref<100000x64xf32, #tpu.memory_space<hbm>> -> memref<100000x64xf32, #tpu.memory_space<hbm>>
    tpu.wait_indirect_dma semaphore(%arg12 : memref<!tpu.dma_semaphore, #tpu.memory_space<semaphore_mem>>) src(%dma_wait3A_454 : memref<100000x64xf32, #tpu.memory_space<hbm>>) dst(%arg10 : memref<128x64xf32, #tpu.memory_space<vmem>>)
    %add3A_455 = arith.constant 512 : i32
    %add3A_456 = arith.addi %mul3A_4, %add3A_455 : i32
    %dma_start3A_457 = arith.constant 0 : i32
    %dma_start3A_458 = arith.constant 0 : i32
    %dma_start3A_459 = tpu.memref_slice %arg10[%dma_start3A_457, %dma_start3A_458] : memref<128x64xf32, #tpu.memory_space<vmem>> -> memref<64x64xf32, #tpu.memory_space<vmem>>
    %dma_start3A_460 = arith.constant 0 : i32
    %dma_start3A_461 = tpu.memref_slice %arg5[%add3A_456, %dma_start3A_460] : memref<40960x128xf32, #tpu.memory_space<hbm>> -> memref<64x64xf32, #tpu.memory_space<hbm>>
    %dma_start3A_462 = arith.constant 0 : i32
    %dma_start3A_463 = tpu.memref_slice %arg5[%add3A_456, %dma_start3A_462] : memref<40960x128xf32, #tpu.memory_space<hbm>> -> memref<64x64xf32, #tpu.memory_space<hbm>>
    %dma_start3A_464 = arith.constant 0 : i32
    %dma_start3A_465 = arith.constant 0 : i32
    %dma_start3A_466 = tpu.memref_slice %arg10[%dma_start3A_464, %dma_start3A_465] : memref<128x64xf32, #tpu.memory_space<vmem>> -> memref<64x64xf32, #tpu.memory_space<vmem>>
    tpu.enqueue_dma source(%dma_start3A_466 : memref<64x64xf32, #tpu.memory_space<vmem>>) target(%dma_start3A_463 : memref<64x64xf32, #tpu.memory_space<hbm>>) target_semaphore(%arg12 : memref<!tpu.dma_semaphore, #tpu.memory_space<semaphore_mem>>)
    %dma_start3A_467 = arith.constant 64 : i32
    %dma_start3A_468 = arith.constant 0 : i32
    %dma_start3A_469 = tpu.memref_slice %arg10[%dma_start3A_467, %dma_start3A_468] : memref<128x64xf32, #tpu.memory_space<vmem>> -> memref<64x64xf32, #tpu.memory_space<vmem>>
    %dma_start3A_470 = arith.constant 64 : i32
    %dma_start3A_471 = tpu.memref_slice %arg5[%add3A_456, %dma_start3A_470] : memref<40960x128xf32, #tpu.memory_space<hbm>> -> memref<64x64xf32, #tpu.memory_space<hbm>>
    %dma_start3A_472 = arith.constant 64 : i32
    %dma_start3A_473 = tpu.memref_slice %arg5[%add3A_456, %dma_start3A_472] : memref<40960x128xf32, #tpu.memory_space<hbm>> -> memref<64x64xf32, #tpu.memory_space<hbm>>
    %dma_start3A_474 = arith.constant 64 : i32
    %dma_start3A_475 = arith.constant 0 : i32
    %dma_start3A_476 = tpu.memref_slice %arg10[%dma_start3A_474, %dma_start3A_475] : memref<128x64xf32, #tpu.memory_space<vmem>> -> memref<64x64xf32, #tpu.memory_space<vmem>>
    tpu.enqueue_dma source(%dma_start3A_476 : memref<64x64xf32, #tpu.memory_space<vmem>>) target(%dma_start3A_473 : memref<64x64xf32, #tpu.memory_space<hbm>>) target_semaphore(%arg12 : memref<!tpu.dma_semaphore, #tpu.memory_space<semaphore_mem>>)
    %add3A_477 = arith.constant 512 : i32
    %add3A_478 = arith.addi %mul3A_4, %add3A_477 : i32
    %dma_wait3A_479 = arith.constant 0 : i32
    %dma_wait3A_480 = arith.constant 0 : i32
    %dma_wait3A_481 = tpu.memref_slice %arg10[%dma_wait3A_479, %dma_wait3A_480] : memref<128x64xf32, #tpu.memory_space<vmem>> -> memref<64x64xf32, #tpu.memory_space<vmem>>
    %dma_wait3A_482 = arith.constant 0 : i32
    %dma_wait3A_483 = tpu.memref_slice %arg5[%add3A_478, %dma_wait3A_482] : memref<40960x128xf32, #tpu.memory_space<hbm>> -> memref<64x64xf32, #tpu.memory_space<hbm>>
    %dma_wait3A_484 = arith.constant 0 : i32
    %dma_wait3A_485 = tpu.memref_slice %arg5[%add3A_478, %dma_wait3A_484] : memref<40960x128xf32, #tpu.memory_space<hbm>> -> memref<64x64xf32, #tpu.memory_space<hbm>>
    %dma_wait3A_486 = arith.constant 0 : i32
    %dma_wait3A_487 = arith.constant 0 : i32
    %dma_wait3A_488 = tpu.memref_slice %arg10[%dma_wait3A_486, %dma_wait3A_487] : memref<128x64xf32, #tpu.memory_space<vmem>> -> memref<64x64xf32, #tpu.memory_space<vmem>>
    tpu.wait_dma2 semaphore(%arg12 : memref<!tpu.dma_semaphore, #tpu.memory_space<semaphore_mem>>) src(%dma_wait3A_488 : memref<64x64xf32, #tpu.memory_space<vmem>>) dst(%dma_wait3A_485 : memref<64x64xf32, #tpu.memory_space<hbm>>)
    %dma_wait3A_489 = arith.constant 64 : i32
    %dma_wait3A_490 = arith.constant 0 : i32
    %dma_wait3A_491 = tpu.memref_slice %arg10[%dma_wait3A_489, %dma_wait3A_490] : memref<128x64xf32, #tpu.memory_space<vmem>> -> memref<64x64xf32, #tpu.memory_space<vmem>>
    %dma_wait3A_492 = arith.constant 64 : i32
    %dma_wait3A_493 = tpu.memref_slice %arg5[%add3A_478, %dma_wait3A_492] : memref<40960x128xf32, #tpu.memory_space<hbm>> -> memref<64x64xf32, #tpu.memory_space<hbm>>
    %dma_wait3A_494 = arith.constant 64 : i32
    %dma_wait3A_495 = tpu.memref_slice %arg5[%add3A_478, %dma_wait3A_494] : memref<40960x128xf32, #tpu.memory_space<hbm>> -> memref<64x64xf32, #tpu.memory_space<hbm>>
    %dma_wait3A_496 = arith.constant 64 : i32
    %dma_wait3A_497 = arith.constant 0 : i32
    %dma_wait3A_498 = tpu.memref_slice %arg10[%dma_wait3A_496, %dma_wait3A_497] : memref<128x64xf32, #tpu.memory_space<vmem>> -> memref<64x64xf32, #tpu.memory_space<vmem>>
    tpu.wait_dma2 semaphore(%arg12 : memref<!tpu.dma_semaphore, #tpu.memory_space<semaphore_mem>>) src(%dma_wait3A_498 : memref<64x64xf32, #tpu.memory_space<vmem>>) dst(%dma_wait3A_495 : memref<64x64xf32, #tpu.memory_space<hbm>>)
    %dma_start3A_499 = arith.constant 1280 : i32
    %dma_start3A_500 = tpu.memref_slice %arg7[%dma_start3A_499] : memref<2560xi32, #tpu.memory_space<vmem>> -> memref<128xi32, #tpu.memory_space<vmem>>
    %dma_start3A_501 = arith.constant 0 : i32
    %dma_start3A_502 = arith.constant 0 : i32
    %dma_start3A_503 = tpu.memref_slice %arg2[%dma_start3A_501, %dma_start3A_502] : memref<100000x64xf32, #tpu.memory_space<hbm>> -> memref<100000x64xf32, #tpu.memory_space<hbm>>
    tpu.enqueue_indirect_dma source(%dma_start3A_503 : memref<100000x64xf32, #tpu.memory_space<hbm>>) target(%arg10 : memref<128x64xf32, #tpu.memory_space<vmem>>) offsets(%dma_start3A_500 : memref<128xi32, #tpu.memory_space<vmem>>) semaphore(%arg12 : memref<!tpu.dma_semaphore, #tpu.memory_space<semaphore_mem>>)
    %dma_wait3A_504 = arith.constant 1152 : i32
    %dma_wait3A_505 = tpu.memref_slice %arg7[%dma_wait3A_504] : memref<2560xi32, #tpu.memory_space<vmem>> -> memref<128xi32, #tpu.memory_space<vmem>>
    %dma_wait3A_506 = arith.constant 0 : i32
    %dma_wait3A_507 = arith.constant 0 : i32
    %dma_wait3A_508 = tpu.memref_slice %arg2[%dma_wait3A_506, %dma_wait3A_507] : memref<100000x64xf32, #tpu.memory_space<hbm>> -> memref<100000x64xf32, #tpu.memory_space<hbm>>
    tpu.wait_indirect_dma semaphore(%arg13 : memref<!tpu.dma_semaphore, #tpu.memory_space<semaphore_mem>>) src(%dma_wait3A_508 : memref<100000x64xf32, #tpu.memory_space<hbm>>) dst(%arg11 : memref<128x64xf32, #tpu.memory_space<vmem>>)
    %add3A_509 = arith.constant 576 : i32
    %add3A_510 = arith.addi %mul3A_4, %add3A_509 : i32
    %dma_start3A_511 = arith.constant 0 : i32
    %dma_start3A_512 = arith.constant 0 : i32
    %dma_start3A_513 = tpu.memref_slice %arg11[%dma_start3A_511, %dma_start3A_512] : memref<128x64xf32, #tpu.memory_space<vmem>> -> memref<64x64xf32, #tpu.memory_space<vmem>>
    %dma_start3A_514 = arith.constant 0 : i32
    %dma_start3A_515 = tpu.memref_slice %arg5[%add3A_510, %dma_start3A_514] : memref<40960x128xf32, #tpu.memory_space<hbm>> -> memref<64x64xf32, #tpu.memory_space<hbm>>
    %dma_start3A_516 = arith.constant 0 : i32
    %dma_start3A_517 = tpu.memref_slice %arg5[%add3A_510, %dma_start3A_516] : memref<40960x128xf32, #tpu.memory_space<hbm>> -> memref<64x64xf32, #tpu.memory_space<hbm>>
    %dma_start3A_518 = arith.constant 0 : i32
    %dma_start3A_519 = arith.constant 0 : i32
    %dma_start3A_520 = tpu.memref_slice %arg11[%dma_start3A_518, %dma_start3A_519] : memref<128x64xf32, #tpu.memory_space<vmem>> -> memref<64x64xf32, #tpu.memory_space<vmem>>
    tpu.enqueue_dma source(%dma_start3A_520 : memref<64x64xf32, #tpu.memory_space<vmem>>) target(%dma_start3A_517 : memref<64x64xf32, #tpu.memory_space<hbm>>) target_semaphore(%arg13 : memref<!tpu.dma_semaphore, #tpu.memory_space<semaphore_mem>>)
    %dma_start3A_521 = arith.constant 64 : i32
    %dma_start3A_522 = arith.constant 0 : i32
    %dma_start3A_523 = tpu.memref_slice %arg11[%dma_start3A_521, %dma_start3A_522] : memref<128x64xf32, #tpu.memory_space<vmem>> -> memref<64x64xf32, #tpu.memory_space<vmem>>
    %dma_start3A_524 = arith.constant 64 : i32
    %dma_start3A_525 = tpu.memref_slice %arg5[%add3A_510, %dma_start3A_524] : memref<40960x128xf32, #tpu.memory_space<hbm>> -> memref<64x64xf32, #tpu.memory_space<hbm>>
    %dma_start3A_526 = arith.constant 64 : i32
    %dma_start3A_527 = tpu.memref_slice %arg5[%add3A_510, %dma_start3A_526] : memref<40960x128xf32, #tpu.memory_space<hbm>> -> memref<64x64xf32, #tpu.memory_space<hbm>>
    %dma_start3A_528 = arith.constant 64 : i32
    %dma_start3A_529 = arith.constant 0 : i32
    %dma_start3A_530 = tpu.memref_slice %arg11[%dma_start3A_528, %dma_start3A_529] : memref<128x64xf32, #tpu.memory_space<vmem>> -> memref<64x64xf32, #tpu.memory_space<vmem>>
    tpu.enqueue_dma source(%dma_start3A_530 : memref<64x64xf32, #tpu.memory_space<vmem>>) target(%dma_start3A_527 : memref<64x64xf32, #tpu.memory_space<hbm>>) target_semaphore(%arg13 : memref<!tpu.dma_semaphore, #tpu.memory_space<semaphore_mem>>)
    %add3A_531 = arith.constant 576 : i32
    %add3A_532 = arith.addi %mul3A_4, %add3A_531 : i32
    %dma_wait3A_533 = arith.constant 0 : i32
    %dma_wait3A_534 = arith.constant 0 : i32
    %dma_wait3A_535 = tpu.memref_slice %arg11[%dma_wait3A_533, %dma_wait3A_534] : memref<128x64xf32, #tpu.memory_space<vmem>> -> memref<64x64xf32, #tpu.memory_space<vmem>>
    %dma_wait3A_536 = arith.constant 0 : i32
    %dma_wait3A_537 = tpu.memref_slice %arg5[%add3A_532, %dma_wait3A_536] : memref<40960x128xf32, #tpu.memory_space<hbm>> -> memref<64x64xf32, #tpu.memory_space<hbm>>
    %dma_wait3A_538 = arith.constant 0 : i32
    %dma_wait3A_539 = tpu.memref_slice %arg5[%add3A_532, %dma_wait3A_538] : memref<40960x128xf32, #tpu.memory_space<hbm>> -> memref<64x64xf32, #tpu.memory_space<hbm>>
    %dma_wait3A_540 = arith.constant 0 : i32
    %dma_wait3A_541 = arith.constant 0 : i32
    %dma_wait3A_542 = tpu.memref_slice %arg11[%dma_wait3A_540, %dma_wait3A_541] : memref<128x64xf32, #tpu.memory_space<vmem>> -> memref<64x64xf32, #tpu.memory_space<vmem>>
    tpu.wait_dma2 semaphore(%arg13 : memref<!tpu.dma_semaphore, #tpu.memory_space<semaphore_mem>>) src(%dma_wait3A_542 : memref<64x64xf32, #tpu.memory_space<vmem>>) dst(%dma_wait3A_539 : memref<64x64xf32, #tpu.memory_space<hbm>>)
    %dma_wait3A_543 = arith.constant 64 : i32
    %dma_wait3A_544 = arith.constant 0 : i32
    %dma_wait3A_545 = tpu.memref_slice %arg11[%dma_wait3A_543, %dma_wait3A_544] : memref<128x64xf32, #tpu.memory_space<vmem>> -> memref<64x64xf32, #tpu.memory_space<vmem>>
    %dma_wait3A_546 = arith.constant 64 : i32
    %dma_wait3A_547 = tpu.memref_slice %arg5[%add3A_532, %dma_wait3A_546] : memref<40960x128xf32, #tpu.memory_space<hbm>> -> memref<64x64xf32, #tpu.memory_space<hbm>>
    %dma_wait3A_548 = arith.constant 64 : i32
    %dma_wait3A_549 = tpu.memref_slice %arg5[%add3A_532, %dma_wait3A_548] : memref<40960x128xf32, #tpu.memory_space<hbm>> -> memref<64x64xf32, #tpu.memory_space<hbm>>
    %dma_wait3A_550 = arith.constant 64 : i32
    %dma_wait3A_551 = arith.constant 0 : i32
    %dma_wait3A_552 = tpu.memref_slice %arg11[%dma_wait3A_550, %dma_wait3A_551] : memref<128x64xf32, #tpu.memory_space<vmem>> -> memref<64x64xf32, #tpu.memory_space<vmem>>
    tpu.wait_dma2 semaphore(%arg13 : memref<!tpu.dma_semaphore, #tpu.memory_space<semaphore_mem>>) src(%dma_wait3A_552 : memref<64x64xf32, #tpu.memory_space<vmem>>) dst(%dma_wait3A_549 : memref<64x64xf32, #tpu.memory_space<hbm>>)
    %dma_start3A_553 = arith.constant 1408 : i32
    %dma_start3A_554 = tpu.memref_slice %arg7[%dma_start3A_553] : memref<2560xi32, #tpu.memory_space<vmem>> -> memref<128xi32, #tpu.memory_space<vmem>>
    %dma_start3A_555 = arith.constant 0 : i32
    %dma_start3A_556 = arith.constant 0 : i32
    %dma_start3A_557 = tpu.memref_slice %arg2[%dma_start3A_555, %dma_start3A_556] : memref<100000x64xf32, #tpu.memory_space<hbm>> -> memref<100000x64xf32, #tpu.memory_space<hbm>>
    tpu.enqueue_indirect_dma source(%dma_start3A_557 : memref<100000x64xf32, #tpu.memory_space<hbm>>) target(%arg11 : memref<128x64xf32, #tpu.memory_space<vmem>>) offsets(%dma_start3A_554 : memref<128xi32, #tpu.memory_space<vmem>>) semaphore(%arg13 : memref<!tpu.dma_semaphore, #tpu.memory_space<semaphore_mem>>)
    %dma_wait3A_558 = arith.constant 1280 : i32
    %dma_wait3A_559 = tpu.memref_slice %arg7[%dma_wait3A_558] : memref<2560xi32, #tpu.memory_space<vmem>> -> memref<128xi32, #tpu.memory_space<vmem>>
    %dma_wait3A_560 = arith.constant 0 : i32
    %dma_wait3A_561 = arith.constant 0 : i32
    %dma_wait3A_562 = tpu.memref_slice %arg2[%dma_wait3A_560, %dma_wait3A_561] : memref<100000x64xf32, #tpu.memory_space<hbm>> -> memref<100000x64xf32, #tpu.memory_space<hbm>>
    tpu.wait_indirect_dma semaphore(%arg12 : memref<!tpu.dma_semaphore, #tpu.memory_space<semaphore_mem>>) src(%dma_wait3A_562 : memref<100000x64xf32, #tpu.memory_space<hbm>>) dst(%arg10 : memref<128x64xf32, #tpu.memory_space<vmem>>)
    %add3A_563 = arith.constant 640 : i32
    %add3A_564 = arith.addi %mul3A_4, %add3A_563 : i32
    %dma_start3A_565 = arith.constant 0 : i32
    %dma_start3A_566 = arith.constant 0 : i32
    %dma_start3A_567 = tpu.memref_slice %arg10[%dma_start3A_565, %dma_start3A_566] : memref<128x64xf32, #tpu.memory_space<vmem>> -> memref<64x64xf32, #tpu.memory_space<vmem>>
    %dma_start3A_568 = arith.constant 0 : i32
    %dma_start3A_569 = tpu.memref_slice %arg5[%add3A_564, %dma_start3A_568] : memref<40960x128xf32, #tpu.memory_space<hbm>> -> memref<64x64xf32, #tpu.memory_space<hbm>>
    %dma_start3A_570 = arith.constant 0 : i32
    %dma_start3A_571 = tpu.memref_slice %arg5[%add3A_564, %dma_start3A_570] : memref<40960x128xf32, #tpu.memory_space<hbm>> -> memref<64x64xf32, #tpu.memory_space<hbm>>
    %dma_start3A_572 = arith.constant 0 : i32
    %dma_start3A_573 = arith.constant 0 : i32
    %dma_start3A_574 = tpu.memref_slice %arg10[%dma_start3A_572, %dma_start3A_573] : memref<128x64xf32, #tpu.memory_space<vmem>> -> memref<64x64xf32, #tpu.memory_space<vmem>>
    tpu.enqueue_dma source(%dma_start3A_574 : memref<64x64xf32, #tpu.memory_space<vmem>>) target(%dma_start3A_571 : memref<64x64xf32, #tpu.memory_space<hbm>>) target_semaphore(%arg12 : memref<!tpu.dma_semaphore, #tpu.memory_space<semaphore_mem>>)
    %dma_start3A_575 = arith.constant 64 : i32
    %dma_start3A_576 = arith.constant 0 : i32
    %dma_start3A_577 = tpu.memref_slice %arg10[%dma_start3A_575, %dma_start3A_576] : memref<128x64xf32, #tpu.memory_space<vmem>> -> memref<64x64xf32, #tpu.memory_space<vmem>>
    %dma_start3A_578 = arith.constant 64 : i32
    %dma_start3A_579 = tpu.memref_slice %arg5[%add3A_564, %dma_start3A_578] : memref<40960x128xf32, #tpu.memory_space<hbm>> -> memref<64x64xf32, #tpu.memory_space<hbm>>
    %dma_start3A_580 = arith.constant 64 : i32
    %dma_start3A_581 = tpu.memref_slice %arg5[%add3A_564, %dma_start3A_580] : memref<40960x128xf32, #tpu.memory_space<hbm>> -> memref<64x64xf32, #tpu.memory_space<hbm>>
    %dma_start3A_582 = arith.constant 64 : i32
    %dma_start3A_583 = arith.constant 0 : i32
    %dma_start3A_584 = tpu.memref_slice %arg10[%dma_start3A_582, %dma_start3A_583] : memref<128x64xf32, #tpu.memory_space<vmem>> -> memref<64x64xf32, #tpu.memory_space<vmem>>
    tpu.enqueue_dma source(%dma_start3A_584 : memref<64x64xf32, #tpu.memory_space<vmem>>) target(%dma_start3A_581 : memref<64x64xf32, #tpu.memory_space<hbm>>) target_semaphore(%arg12 : memref<!tpu.dma_semaphore, #tpu.memory_space<semaphore_mem>>)
    %add3A_585 = arith.constant 640 : i32
    %add3A_586 = arith.addi %mul3A_4, %add3A_585 : i32
    %dma_wait3A_587 = arith.constant 0 : i32
    %dma_wait3A_588 = arith.constant 0 : i32
    %dma_wait3A_589 = tpu.memref_slice %arg10[%dma_wait3A_587, %dma_wait3A_588] : memref<128x64xf32, #tpu.memory_space<vmem>> -> memref<64x64xf32, #tpu.memory_space<vmem>>
    %dma_wait3A_590 = arith.constant 0 : i32
    %dma_wait3A_591 = tpu.memref_slice %arg5[%add3A_586, %dma_wait3A_590] : memref<40960x128xf32, #tpu.memory_space<hbm>> -> memref<64x64xf32, #tpu.memory_space<hbm>>
    %dma_wait3A_592 = arith.constant 0 : i32
    %dma_wait3A_593 = tpu.memref_slice %arg5[%add3A_586, %dma_wait3A_592] : memref<40960x128xf32, #tpu.memory_space<hbm>> -> memref<64x64xf32, #tpu.memory_space<hbm>>
    %dma_wait3A_594 = arith.constant 0 : i32
    %dma_wait3A_595 = arith.constant 0 : i32
    %dma_wait3A_596 = tpu.memref_slice %arg10[%dma_wait3A_594, %dma_wait3A_595] : memref<128x64xf32, #tpu.memory_space<vmem>> -> memref<64x64xf32, #tpu.memory_space<vmem>>
    tpu.wait_dma2 semaphore(%arg12 : memref<!tpu.dma_semaphore, #tpu.memory_space<semaphore_mem>>) src(%dma_wait3A_596 : memref<64x64xf32, #tpu.memory_space<vmem>>) dst(%dma_wait3A_593 : memref<64x64xf32, #tpu.memory_space<hbm>>)
    %dma_wait3A_597 = arith.constant 64 : i32
    %dma_wait3A_598 = arith.constant 0 : i32
    %dma_wait3A_599 = tpu.memref_slice %arg10[%dma_wait3A_597, %dma_wait3A_598] : memref<128x64xf32, #tpu.memory_space<vmem>> -> memref<64x64xf32, #tpu.memory_space<vmem>>
    %dma_wait3A_600 = arith.constant 64 : i32
    %dma_wait3A_601 = tpu.memref_slice %arg5[%add3A_586, %dma_wait3A_600] : memref<40960x128xf32, #tpu.memory_space<hbm>> -> memref<64x64xf32, #tpu.memory_space<hbm>>
    %dma_wait3A_602 = arith.constant 64 : i32
    %dma_wait3A_603 = tpu.memref_slice %arg5[%add3A_586, %dma_wait3A_602] : memref<40960x128xf32, #tpu.memory_space<hbm>> -> memref<64x64xf32, #tpu.memory_space<hbm>>
    %dma_wait3A_604 = arith.constant 64 : i32
    %dma_wait3A_605 = arith.constant 0 : i32
    %dma_wait3A_606 = tpu.memref_slice %arg10[%dma_wait3A_604, %dma_wait3A_605] : memref<128x64xf32, #tpu.memory_space<vmem>> -> memref<64x64xf32, #tpu.memory_space<vmem>>
    tpu.wait_dma2 semaphore(%arg12 : memref<!tpu.dma_semaphore, #tpu.memory_space<semaphore_mem>>) src(%dma_wait3A_606 : memref<64x64xf32, #tpu.memory_space<vmem>>) dst(%dma_wait3A_603 : memref<64x64xf32, #tpu.memory_space<hbm>>)
    %dma_start3A_607 = arith.constant 1536 : i32
    %dma_start3A_608 = tpu.memref_slice %arg7[%dma_start3A_607] : memref<2560xi32, #tpu.memory_space<vmem>> -> memref<128xi32, #tpu.memory_space<vmem>>
    %dma_start3A_609 = arith.constant 0 : i32
    %dma_start3A_610 = arith.constant 0 : i32
    %dma_start3A_611 = tpu.memref_slice %arg2[%dma_start3A_609, %dma_start3A_610] : memref<100000x64xf32, #tpu.memory_space<hbm>> -> memref<100000x64xf32, #tpu.memory_space<hbm>>
    tpu.enqueue_indirect_dma source(%dma_start3A_611 : memref<100000x64xf32, #tpu.memory_space<hbm>>) target(%arg10 : memref<128x64xf32, #tpu.memory_space<vmem>>) offsets(%dma_start3A_608 : memref<128xi32, #tpu.memory_space<vmem>>) semaphore(%arg12 : memref<!tpu.dma_semaphore, #tpu.memory_space<semaphore_mem>>)
    %dma_wait3A_612 = arith.constant 1408 : i32
    %dma_wait3A_613 = tpu.memref_slice %arg7[%dma_wait3A_612] : memref<2560xi32, #tpu.memory_space<vmem>> -> memref<128xi32, #tpu.memory_space<vmem>>
    %dma_wait3A_614 = arith.constant 0 : i32
    %dma_wait3A_615 = arith.constant 0 : i32
    %dma_wait3A_616 = tpu.memref_slice %arg2[%dma_wait3A_614, %dma_wait3A_615] : memref<100000x64xf32, #tpu.memory_space<hbm>> -> memref<100000x64xf32, #tpu.memory_space<hbm>>
    tpu.wait_indirect_dma semaphore(%arg13 : memref<!tpu.dma_semaphore, #tpu.memory_space<semaphore_mem>>) src(%dma_wait3A_616 : memref<100000x64xf32, #tpu.memory_space<hbm>>) dst(%arg11 : memref<128x64xf32, #tpu.memory_space<vmem>>)
    %add3A_617 = arith.constant 704 : i32
    %add3A_618 = arith.addi %mul3A_4, %add3A_617 : i32
    %dma_start3A_619 = arith.constant 0 : i32
    %dma_start3A_620 = arith.constant 0 : i32
    %dma_start3A_621 = tpu.memref_slice %arg11[%dma_start3A_619, %dma_start3A_620] : memref<128x64xf32, #tpu.memory_space<vmem>> -> memref<64x64xf32, #tpu.memory_space<vmem>>
    %dma_start3A_622 = arith.constant 0 : i32
    %dma_start3A_623 = tpu.memref_slice %arg5[%add3A_618, %dma_start3A_622] : memref<40960x128xf32, #tpu.memory_space<hbm>> -> memref<64x64xf32, #tpu.memory_space<hbm>>
    %dma_start3A_624 = arith.constant 0 : i32
    %dma_start3A_625 = tpu.memref_slice %arg5[%add3A_618, %dma_start3A_624] : memref<40960x128xf32, #tpu.memory_space<hbm>> -> memref<64x64xf32, #tpu.memory_space<hbm>>
    %dma_start3A_626 = arith.constant 0 : i32
    %dma_start3A_627 = arith.constant 0 : i32
    %dma_start3A_628 = tpu.memref_slice %arg11[%dma_start3A_626, %dma_start3A_627] : memref<128x64xf32, #tpu.memory_space<vmem>> -> memref<64x64xf32, #tpu.memory_space<vmem>>
    tpu.enqueue_dma source(%dma_start3A_628 : memref<64x64xf32, #tpu.memory_space<vmem>>) target(%dma_start3A_625 : memref<64x64xf32, #tpu.memory_space<hbm>>) target_semaphore(%arg13 : memref<!tpu.dma_semaphore, #tpu.memory_space<semaphore_mem>>)
    %dma_start3A_629 = arith.constant 64 : i32
    %dma_start3A_630 = arith.constant 0 : i32
    %dma_start3A_631 = tpu.memref_slice %arg11[%dma_start3A_629, %dma_start3A_630] : memref<128x64xf32, #tpu.memory_space<vmem>> -> memref<64x64xf32, #tpu.memory_space<vmem>>
    %dma_start3A_632 = arith.constant 64 : i32
    %dma_start3A_633 = tpu.memref_slice %arg5[%add3A_618, %dma_start3A_632] : memref<40960x128xf32, #tpu.memory_space<hbm>> -> memref<64x64xf32, #tpu.memory_space<hbm>>
    %dma_start3A_634 = arith.constant 64 : i32
    %dma_start3A_635 = tpu.memref_slice %arg5[%add3A_618, %dma_start3A_634] : memref<40960x128xf32, #tpu.memory_space<hbm>> -> memref<64x64xf32, #tpu.memory_space<hbm>>
    %dma_start3A_636 = arith.constant 64 : i32
    %dma_start3A_637 = arith.constant 0 : i32
    %dma_start3A_638 = tpu.memref_slice %arg11[%dma_start3A_636, %dma_start3A_637] : memref<128x64xf32, #tpu.memory_space<vmem>> -> memref<64x64xf32, #tpu.memory_space<vmem>>
    tpu.enqueue_dma source(%dma_start3A_638 : memref<64x64xf32, #tpu.memory_space<vmem>>) target(%dma_start3A_635 : memref<64x64xf32, #tpu.memory_space<hbm>>) target_semaphore(%arg13 : memref<!tpu.dma_semaphore, #tpu.memory_space<semaphore_mem>>)
    %add3A_639 = arith.constant 704 : i32
    %add3A_640 = arith.addi %mul3A_4, %add3A_639 : i32
    %dma_wait3A_641 = arith.constant 0 : i32
    %dma_wait3A_642 = arith.constant 0 : i32
    %dma_wait3A_643 = tpu.memref_slice %arg11[%dma_wait3A_641, %dma_wait3A_642] : memref<128x64xf32, #tpu.memory_space<vmem>> -> memref<64x64xf32, #tpu.memory_space<vmem>>
    %dma_wait3A_644 = arith.constant 0 : i32
    %dma_wait3A_645 = tpu.memref_slice %arg5[%add3A_640, %dma_wait3A_644] : memref<40960x128xf32, #tpu.memory_space<hbm>> -> memref<64x64xf32, #tpu.memory_space<hbm>>
    %dma_wait3A_646 = arith.constant 0 : i32
    %dma_wait3A_647 = tpu.memref_slice %arg5[%add3A_640, %dma_wait3A_646] : memref<40960x128xf32, #tpu.memory_space<hbm>> -> memref<64x64xf32, #tpu.memory_space<hbm>>
    %dma_wait3A_648 = arith.constant 0 : i32
    %dma_wait3A_649 = arith.constant 0 : i32
    %dma_wait3A_650 = tpu.memref_slice %arg11[%dma_wait3A_648, %dma_wait3A_649] : memref<128x64xf32, #tpu.memory_space<vmem>> -> memref<64x64xf32, #tpu.memory_space<vmem>>
    tpu.wait_dma2 semaphore(%arg13 : memref<!tpu.dma_semaphore, #tpu.memory_space<semaphore_mem>>) src(%dma_wait3A_650 : memref<64x64xf32, #tpu.memory_space<vmem>>) dst(%dma_wait3A_647 : memref<64x64xf32, #tpu.memory_space<hbm>>)
    %dma_wait3A_651 = arith.constant 64 : i32
    %dma_wait3A_652 = arith.constant 0 : i32
    %dma_wait3A_653 = tpu.memref_slice %arg11[%dma_wait3A_651, %dma_wait3A_652] : memref<128x64xf32, #tpu.memory_space<vmem>> -> memref<64x64xf32, #tpu.memory_space<vmem>>
    %dma_wait3A_654 = arith.constant 64 : i32
    %dma_wait3A_655 = tpu.memref_slice %arg5[%add3A_640, %dma_wait3A_654] : memref<40960x128xf32, #tpu.memory_space<hbm>> -> memref<64x64xf32, #tpu.memory_space<hbm>>
    %dma_wait3A_656 = arith.constant 64 : i32
    %dma_wait3A_657 = tpu.memref_slice %arg5[%add3A_640, %dma_wait3A_656] : memref<40960x128xf32, #tpu.memory_space<hbm>> -> memref<64x64xf32, #tpu.memory_space<hbm>>
    %dma_wait3A_658 = arith.constant 64 : i32
    %dma_wait3A_659 = arith.constant 0 : i32
    %dma_wait3A_660 = tpu.memref_slice %arg11[%dma_wait3A_658, %dma_wait3A_659] : memref<128x64xf32, #tpu.memory_space<vmem>> -> memref<64x64xf32, #tpu.memory_space<vmem>>
    tpu.wait_dma2 semaphore(%arg13 : memref<!tpu.dma_semaphore, #tpu.memory_space<semaphore_mem>>) src(%dma_wait3A_660 : memref<64x64xf32, #tpu.memory_space<vmem>>) dst(%dma_wait3A_657 : memref<64x64xf32, #tpu.memory_space<hbm>>)
    %dma_start3A_661 = arith.constant 1664 : i32
    %dma_start3A_662 = tpu.memref_slice %arg7[%dma_start3A_661] : memref<2560xi32, #tpu.memory_space<vmem>> -> memref<128xi32, #tpu.memory_space<vmem>>
    %dma_start3A_663 = arith.constant 0 : i32
    %dma_start3A_664 = arith.constant 0 : i32
    %dma_start3A_665 = tpu.memref_slice %arg2[%dma_start3A_663, %dma_start3A_664] : memref<100000x64xf32, #tpu.memory_space<hbm>> -> memref<100000x64xf32, #tpu.memory_space<hbm>>
    tpu.enqueue_indirect_dma source(%dma_start3A_665 : memref<100000x64xf32, #tpu.memory_space<hbm>>) target(%arg11 : memref<128x64xf32, #tpu.memory_space<vmem>>) offsets(%dma_start3A_662 : memref<128xi32, #tpu.memory_space<vmem>>) semaphore(%arg13 : memref<!tpu.dma_semaphore, #tpu.memory_space<semaphore_mem>>)
    %dma_wait3A_666 = arith.constant 1536 : i32
    %dma_wait3A_667 = tpu.memref_slice %arg7[%dma_wait3A_666] : memref<2560xi32, #tpu.memory_space<vmem>> -> memref<128xi32, #tpu.memory_space<vmem>>
    %dma_wait3A_668 = arith.constant 0 : i32
    %dma_wait3A_669 = arith.constant 0 : i32
    %dma_wait3A_670 = tpu.memref_slice %arg2[%dma_wait3A_668, %dma_wait3A_669] : memref<100000x64xf32, #tpu.memory_space<hbm>> -> memref<100000x64xf32, #tpu.memory_space<hbm>>
    tpu.wait_indirect_dma semaphore(%arg12 : memref<!tpu.dma_semaphore, #tpu.memory_space<semaphore_mem>>) src(%dma_wait3A_670 : memref<100000x64xf32, #tpu.memory_space<hbm>>) dst(%arg10 : memref<128x64xf32, #tpu.memory_space<vmem>>)
    %add3A_671 = arith.constant 768 : i32
    %add3A_672 = arith.addi %mul3A_4, %add3A_671 : i32
    %dma_start3A_673 = arith.constant 0 : i32
    %dma_start3A_674 = arith.constant 0 : i32
    %dma_start3A_675 = tpu.memref_slice %arg10[%dma_start3A_673, %dma_start3A_674] : memref<128x64xf32, #tpu.memory_space<vmem>> -> memref<64x64xf32, #tpu.memory_space<vmem>>
    %dma_start3A_676 = arith.constant 0 : i32
    %dma_start3A_677 = tpu.memref_slice %arg5[%add3A_672, %dma_start3A_676] : memref<40960x128xf32, #tpu.memory_space<hbm>> -> memref<64x64xf32, #tpu.memory_space<hbm>>
    %dma_start3A_678 = arith.constant 0 : i32
    %dma_start3A_679 = tpu.memref_slice %arg5[%add3A_672, %dma_start3A_678] : memref<40960x128xf32, #tpu.memory_space<hbm>> -> memref<64x64xf32, #tpu.memory_space<hbm>>
    %dma_start3A_680 = arith.constant 0 : i32
    %dma_start3A_681 = arith.constant 0 : i32
    %dma_start3A_682 = tpu.memref_slice %arg10[%dma_start3A_680, %dma_start3A_681] : memref<128x64xf32, #tpu.memory_space<vmem>> -> memref<64x64xf32, #tpu.memory_space<vmem>>
    tpu.enqueue_dma source(%dma_start3A_682 : memref<64x64xf32, #tpu.memory_space<vmem>>) target(%dma_start3A_679 : memref<64x64xf32, #tpu.memory_space<hbm>>) target_semaphore(%arg12 : memref<!tpu.dma_semaphore, #tpu.memory_space<semaphore_mem>>)
    %dma_start3A_683 = arith.constant 64 : i32
    %dma_start3A_684 = arith.constant 0 : i32
    %dma_start3A_685 = tpu.memref_slice %arg10[%dma_start3A_683, %dma_start3A_684] : memref<128x64xf32, #tpu.memory_space<vmem>> -> memref<64x64xf32, #tpu.memory_space<vmem>>
    %dma_start3A_686 = arith.constant 64 : i32
    %dma_start3A_687 = tpu.memref_slice %arg5[%add3A_672, %dma_start3A_686] : memref<40960x128xf32, #tpu.memory_space<hbm>> -> memref<64x64xf32, #tpu.memory_space<hbm>>
    %dma_start3A_688 = arith.constant 64 : i32
    %dma_start3A_689 = tpu.memref_slice %arg5[%add3A_672, %dma_start3A_688] : memref<40960x128xf32, #tpu.memory_space<hbm>> -> memref<64x64xf32, #tpu.memory_space<hbm>>
    %dma_start3A_690 = arith.constant 64 : i32
    %dma_start3A_691 = arith.constant 0 : i32
    %dma_start3A_692 = tpu.memref_slice %arg10[%dma_start3A_690, %dma_start3A_691] : memref<128x64xf32, #tpu.memory_space<vmem>> -> memref<64x64xf32, #tpu.memory_space<vmem>>
    tpu.enqueue_dma source(%dma_start3A_692 : memref<64x64xf32, #tpu.memory_space<vmem>>) target(%dma_start3A_689 : memref<64x64xf32, #tpu.memory_space<hbm>>) target_semaphore(%arg12 : memref<!tpu.dma_semaphore, #tpu.memory_space<semaphore_mem>>)
    %add3A_693 = arith.constant 768 : i32
    %add3A_694 = arith.addi %mul3A_4, %add3A_693 : i32
    %dma_wait3A_695 = arith.constant 0 : i32
    %dma_wait3A_696 = arith.constant 0 : i32
    %dma_wait3A_697 = tpu.memref_slice %arg10[%dma_wait3A_695, %dma_wait3A_696] : memref<128x64xf32, #tpu.memory_space<vmem>> -> memref<64x64xf32, #tpu.memory_space<vmem>>
    %dma_wait3A_698 = arith.constant 0 : i32
    %dma_wait3A_699 = tpu.memref_slice %arg5[%add3A_694, %dma_wait3A_698] : memref<40960x128xf32, #tpu.memory_space<hbm>> -> memref<64x64xf32, #tpu.memory_space<hbm>>
    %dma_wait3A_700 = arith.constant 0 : i32
    %dma_wait3A_701 = tpu.memref_slice %arg5[%add3A_694, %dma_wait3A_700] : memref<40960x128xf32, #tpu.memory_space<hbm>> -> memref<64x64xf32, #tpu.memory_space<hbm>>
    %dma_wait3A_702 = arith.constant 0 : i32
    %dma_wait3A_703 = arith.constant 0 : i32
    %dma_wait3A_704 = tpu.memref_slice %arg10[%dma_wait3A_702, %dma_wait3A_703] : memref<128x64xf32, #tpu.memory_space<vmem>> -> memref<64x64xf32, #tpu.memory_space<vmem>>
    tpu.wait_dma2 semaphore(%arg12 : memref<!tpu.dma_semaphore, #tpu.memory_space<semaphore_mem>>) src(%dma_wait3A_704 : memref<64x64xf32, #tpu.memory_space<vmem>>) dst(%dma_wait3A_701 : memref<64x64xf32, #tpu.memory_space<hbm>>)
    %dma_wait3A_705 = arith.constant 64 : i32
    %dma_wait3A_706 = arith.constant 0 : i32
    %dma_wait3A_707 = tpu.memref_slice %arg10[%dma_wait3A_705, %dma_wait3A_706] : memref<128x64xf32, #tpu.memory_space<vmem>> -> memref<64x64xf32, #tpu.memory_space<vmem>>
    %dma_wait3A_708 = arith.constant 64 : i32
    %dma_wait3A_709 = tpu.memref_slice %arg5[%add3A_694, %dma_wait3A_708] : memref<40960x128xf32, #tpu.memory_space<hbm>> -> memref<64x64xf32, #tpu.memory_space<hbm>>
    %dma_wait3A_710 = arith.constant 64 : i32
    %dma_wait3A_711 = tpu.memref_slice %arg5[%add3A_694, %dma_wait3A_710] : memref<40960x128xf32, #tpu.memory_space<hbm>> -> memref<64x64xf32, #tpu.memory_space<hbm>>
    %dma_wait3A_712 = arith.constant 64 : i32
    %dma_wait3A_713 = arith.constant 0 : i32
    %dma_wait3A_714 = tpu.memref_slice %arg10[%dma_wait3A_712, %dma_wait3A_713] : memref<128x64xf32, #tpu.memory_space<vmem>> -> memref<64x64xf32, #tpu.memory_space<vmem>>
    tpu.wait_dma2 semaphore(%arg12 : memref<!tpu.dma_semaphore, #tpu.memory_space<semaphore_mem>>) src(%dma_wait3A_714 : memref<64x64xf32, #tpu.memory_space<vmem>>) dst(%dma_wait3A_711 : memref<64x64xf32, #tpu.memory_space<hbm>>)
    %dma_start3A_715 = arith.constant 1792 : i32
    %dma_start3A_716 = tpu.memref_slice %arg7[%dma_start3A_715] : memref<2560xi32, #tpu.memory_space<vmem>> -> memref<128xi32, #tpu.memory_space<vmem>>
    %dma_start3A_717 = arith.constant 0 : i32
    %dma_start3A_718 = arith.constant 0 : i32
    %dma_start3A_719 = tpu.memref_slice %arg2[%dma_start3A_717, %dma_start3A_718] : memref<100000x64xf32, #tpu.memory_space<hbm>> -> memref<100000x64xf32, #tpu.memory_space<hbm>>
    tpu.enqueue_indirect_dma source(%dma_start3A_719 : memref<100000x64xf32, #tpu.memory_space<hbm>>) target(%arg10 : memref<128x64xf32, #tpu.memory_space<vmem>>) offsets(%dma_start3A_716 : memref<128xi32, #tpu.memory_space<vmem>>) semaphore(%arg12 : memref<!tpu.dma_semaphore, #tpu.memory_space<semaphore_mem>>)
    %dma_wait3A_720 = arith.constant 1664 : i32
    %dma_wait3A_721 = tpu.memref_slice %arg7[%dma_wait3A_720] : memref<2560xi32, #tpu.memory_space<vmem>> -> memref<128xi32, #tpu.memory_space<vmem>>
    %dma_wait3A_722 = arith.constant 0 : i32
    %dma_wait3A_723 = arith.constant 0 : i32
    %dma_wait3A_724 = tpu.memref_slice %arg2[%dma_wait3A_722, %dma_wait3A_723] : memref<100000x64xf32, #tpu.memory_space<hbm>> -> memref<100000x64xf32, #tpu.memory_space<hbm>>
    tpu.wait_indirect_dma semaphore(%arg13 : memref<!tpu.dma_semaphore, #tpu.memory_space<semaphore_mem>>) src(%dma_wait3A_724 : memref<100000x64xf32, #tpu.memory_space<hbm>>) dst(%arg11 : memref<128x64xf32, #tpu.memory_space<vmem>>)
    %add3A_725 = arith.constant 832 : i32
    %add3A_726 = arith.addi %mul3A_4, %add3A_725 : i32
    %dma_start3A_727 = arith.constant 0 : i32
    %dma_start3A_728 = arith.constant 0 : i32
    %dma_start3A_729 = tpu.memref_slice %arg11[%dma_start3A_727, %dma_start3A_728] : memref<128x64xf32, #tpu.memory_space<vmem>> -> memref<64x64xf32, #tpu.memory_space<vmem>>
    %dma_start3A_730 = arith.constant 0 : i32
    %dma_start3A_731 = tpu.memref_slice %arg5[%add3A_726, %dma_start3A_730] : memref<40960x128xf32, #tpu.memory_space<hbm>> -> memref<64x64xf32, #tpu.memory_space<hbm>>
    %dma_start3A_732 = arith.constant 0 : i32
    %dma_start3A_733 = tpu.memref_slice %arg5[%add3A_726, %dma_start3A_732] : memref<40960x128xf32, #tpu.memory_space<hbm>> -> memref<64x64xf32, #tpu.memory_space<hbm>>
    %dma_start3A_734 = arith.constant 0 : i32
    %dma_start3A_735 = arith.constant 0 : i32
    %dma_start3A_736 = tpu.memref_slice %arg11[%dma_start3A_734, %dma_start3A_735] : memref<128x64xf32, #tpu.memory_space<vmem>> -> memref<64x64xf32, #tpu.memory_space<vmem>>
    tpu.enqueue_dma source(%dma_start3A_736 : memref<64x64xf32, #tpu.memory_space<vmem>>) target(%dma_start3A_733 : memref<64x64xf32, #tpu.memory_space<hbm>>) target_semaphore(%arg13 : memref<!tpu.dma_semaphore, #tpu.memory_space<semaphore_mem>>)
    %dma_start3A_737 = arith.constant 64 : i32
    %dma_start3A_738 = arith.constant 0 : i32
    %dma_start3A_739 = tpu.memref_slice %arg11[%dma_start3A_737, %dma_start3A_738] : memref<128x64xf32, #tpu.memory_space<vmem>> -> memref<64x64xf32, #tpu.memory_space<vmem>>
    %dma_start3A_740 = arith.constant 64 : i32
    %dma_start3A_741 = tpu.memref_slice %arg5[%add3A_726, %dma_start3A_740] : memref<40960x128xf32, #tpu.memory_space<hbm>> -> memref<64x64xf32, #tpu.memory_space<hbm>>
    %dma_start3A_742 = arith.constant 64 : i32
    %dma_start3A_743 = tpu.memref_slice %arg5[%add3A_726, %dma_start3A_742] : memref<40960x128xf32, #tpu.memory_space<hbm>> -> memref<64x64xf32, #tpu.memory_space<hbm>>
    %dma_start3A_744 = arith.constant 64 : i32
    %dma_start3A_745 = arith.constant 0 : i32
    %dma_start3A_746 = tpu.memref_slice %arg11[%dma_start3A_744, %dma_start3A_745] : memref<128x64xf32, #tpu.memory_space<vmem>> -> memref<64x64xf32, #tpu.memory_space<vmem>>
    tpu.enqueue_dma source(%dma_start3A_746 : memref<64x64xf32, #tpu.memory_space<vmem>>) target(%dma_start3A_743 : memref<64x64xf32, #tpu.memory_space<hbm>>) target_semaphore(%arg13 : memref<!tpu.dma_semaphore, #tpu.memory_space<semaphore_mem>>)
    %add3A_747 = arith.constant 832 : i32
    %add3A_748 = arith.addi %mul3A_4, %add3A_747 : i32
    %dma_wait3A_749 = arith.constant 0 : i32
    %dma_wait3A_750 = arith.constant 0 : i32
    %dma_wait3A_751 = tpu.memref_slice %arg11[%dma_wait3A_749, %dma_wait3A_750] : memref<128x64xf32, #tpu.memory_space<vmem>> -> memref<64x64xf32, #tpu.memory_space<vmem>>
    %dma_wait3A_752 = arith.constant 0 : i32
    %dma_wait3A_753 = tpu.memref_slice %arg5[%add3A_748, %dma_wait3A_752] : memref<40960x128xf32, #tpu.memory_space<hbm>> -> memref<64x64xf32, #tpu.memory_space<hbm>>
    %dma_wait3A_754 = arith.constant 0 : i32
    %dma_wait3A_755 = tpu.memref_slice %arg5[%add3A_748, %dma_wait3A_754] : memref<40960x128xf32, #tpu.memory_space<hbm>> -> memref<64x64xf32, #tpu.memory_space<hbm>>
    %dma_wait3A_756 = arith.constant 0 : i32
    %dma_wait3A_757 = arith.constant 0 : i32
    %dma_wait3A_758 = tpu.memref_slice %arg11[%dma_wait3A_756, %dma_wait3A_757] : memref<128x64xf32, #tpu.memory_space<vmem>> -> memref<64x64xf32, #tpu.memory_space<vmem>>
    tpu.wait_dma2 semaphore(%arg13 : memref<!tpu.dma_semaphore, #tpu.memory_space<semaphore_mem>>) src(%dma_wait3A_758 : memref<64x64xf32, #tpu.memory_space<vmem>>) dst(%dma_wait3A_755 : memref<64x64xf32, #tpu.memory_space<hbm>>)
    %dma_wait3A_759 = arith.constant 64 : i32
    %dma_wait3A_760 = arith.constant 0 : i32
    %dma_wait3A_761 = tpu.memref_slice %arg11[%dma_wait3A_759, %dma_wait3A_760] : memref<128x64xf32, #tpu.memory_space<vmem>> -> memref<64x64xf32, #tpu.memory_space<vmem>>
    %dma_wait3A_762 = arith.constant 64 : i32
    %dma_wait3A_763 = tpu.memref_slice %arg5[%add3A_748, %dma_wait3A_762] : memref<40960x128xf32, #tpu.memory_space<hbm>> -> memref<64x64xf32, #tpu.memory_space<hbm>>
    %dma_wait3A_764 = arith.constant 64 : i32
    %dma_wait3A_765 = tpu.memref_slice %arg5[%add3A_748, %dma_wait3A_764] : memref<40960x128xf32, #tpu.memory_space<hbm>> -> memref<64x64xf32, #tpu.memory_space<hbm>>
    %dma_wait3A_766 = arith.constant 64 : i32
    %dma_wait3A_767 = arith.constant 0 : i32
    %dma_wait3A_768 = tpu.memref_slice %arg11[%dma_wait3A_766, %dma_wait3A_767] : memref<128x64xf32, #tpu.memory_space<vmem>> -> memref<64x64xf32, #tpu.memory_space<vmem>>
    tpu.wait_dma2 semaphore(%arg13 : memref<!tpu.dma_semaphore, #tpu.memory_space<semaphore_mem>>) src(%dma_wait3A_768 : memref<64x64xf32, #tpu.memory_space<vmem>>) dst(%dma_wait3A_765 : memref<64x64xf32, #tpu.memory_space<hbm>>)
    %dma_start3A_769 = arith.constant 1920 : i32
    %dma_start3A_770 = tpu.memref_slice %arg7[%dma_start3A_769] : memref<2560xi32, #tpu.memory_space<vmem>> -> memref<128xi32, #tpu.memory_space<vmem>>
    %dma_start3A_771 = arith.constant 0 : i32
    %dma_start3A_772 = arith.constant 0 : i32
    %dma_start3A_773 = tpu.memref_slice %arg2[%dma_start3A_771, %dma_start3A_772] : memref<100000x64xf32, #tpu.memory_space<hbm>> -> memref<100000x64xf32, #tpu.memory_space<hbm>>
    tpu.enqueue_indirect_dma source(%dma_start3A_773 : memref<100000x64xf32, #tpu.memory_space<hbm>>) target(%arg11 : memref<128x64xf32, #tpu.memory_space<vmem>>) offsets(%dma_start3A_770 : memref<128xi32, #tpu.memory_space<vmem>>) semaphore(%arg13 : memref<!tpu.dma_semaphore, #tpu.memory_space<semaphore_mem>>)
    %dma_wait3A_774 = arith.constant 1792 : i32
    %dma_wait3A_775 = tpu.memref_slice %arg7[%dma_wait3A_774] : memref<2560xi32, #tpu.memory_space<vmem>> -> memref<128xi32, #tpu.memory_space<vmem>>
    %dma_wait3A_776 = arith.constant 0 : i32
    %dma_wait3A_777 = arith.constant 0 : i32
    %dma_wait3A_778 = tpu.memref_slice %arg2[%dma_wait3A_776, %dma_wait3A_777] : memref<100000x64xf32, #tpu.memory_space<hbm>> -> memref<100000x64xf32, #tpu.memory_space<hbm>>
    tpu.wait_indirect_dma semaphore(%arg12 : memref<!tpu.dma_semaphore, #tpu.memory_space<semaphore_mem>>) src(%dma_wait3A_778 : memref<100000x64xf32, #tpu.memory_space<hbm>>) dst(%arg10 : memref<128x64xf32, #tpu.memory_space<vmem>>)
    %add3A_779 = arith.constant 896 : i32
    %add3A_780 = arith.addi %mul3A_4, %add3A_779 : i32
    %dma_start3A_781 = arith.constant 0 : i32
    %dma_start3A_782 = arith.constant 0 : i32
    %dma_start3A_783 = tpu.memref_slice %arg10[%dma_start3A_781, %dma_start3A_782] : memref<128x64xf32, #tpu.memory_space<vmem>> -> memref<64x64xf32, #tpu.memory_space<vmem>>
    %dma_start3A_784 = arith.constant 0 : i32
    %dma_start3A_785 = tpu.memref_slice %arg5[%add3A_780, %dma_start3A_784] : memref<40960x128xf32, #tpu.memory_space<hbm>> -> memref<64x64xf32, #tpu.memory_space<hbm>>
    %dma_start3A_786 = arith.constant 0 : i32
    %dma_start3A_787 = tpu.memref_slice %arg5[%add3A_780, %dma_start3A_786] : memref<40960x128xf32, #tpu.memory_space<hbm>> -> memref<64x64xf32, #tpu.memory_space<hbm>>
    %dma_start3A_788 = arith.constant 0 : i32
    %dma_start3A_789 = arith.constant 0 : i32
    %dma_start3A_790 = tpu.memref_slice %arg10[%dma_start3A_788, %dma_start3A_789] : memref<128x64xf32, #tpu.memory_space<vmem>> -> memref<64x64xf32, #tpu.memory_space<vmem>>
    tpu.enqueue_dma source(%dma_start3A_790 : memref<64x64xf32, #tpu.memory_space<vmem>>) target(%dma_start3A_787 : memref<64x64xf32, #tpu.memory_space<hbm>>) target_semaphore(%arg12 : memref<!tpu.dma_semaphore, #tpu.memory_space<semaphore_mem>>)
    %dma_start3A_791 = arith.constant 64 : i32
    %dma_start3A_792 = arith.constant 0 : i32
    %dma_start3A_793 = tpu.memref_slice %arg10[%dma_start3A_791, %dma_start3A_792] : memref<128x64xf32, #tpu.memory_space<vmem>> -> memref<64x64xf32, #tpu.memory_space<vmem>>
    %dma_start3A_794 = arith.constant 64 : i32
    %dma_start3A_795 = tpu.memref_slice %arg5[%add3A_780, %dma_start3A_794] : memref<40960x128xf32, #tpu.memory_space<hbm>> -> memref<64x64xf32, #tpu.memory_space<hbm>>
    %dma_start3A_796 = arith.constant 64 : i32
    %dma_start3A_797 = tpu.memref_slice %arg5[%add3A_780, %dma_start3A_796] : memref<40960x128xf32, #tpu.memory_space<hbm>> -> memref<64x64xf32, #tpu.memory_space<hbm>>
    %dma_start3A_798 = arith.constant 64 : i32
    %dma_start3A_799 = arith.constant 0 : i32
    %dma_start3A_800 = tpu.memref_slice %arg10[%dma_start3A_798, %dma_start3A_799] : memref<128x64xf32, #tpu.memory_space<vmem>> -> memref<64x64xf32, #tpu.memory_space<vmem>>
    tpu.enqueue_dma source(%dma_start3A_800 : memref<64x64xf32, #tpu.memory_space<vmem>>) target(%dma_start3A_797 : memref<64x64xf32, #tpu.memory_space<hbm>>) target_semaphore(%arg12 : memref<!tpu.dma_semaphore, #tpu.memory_space<semaphore_mem>>)
    %add3A_801 = arith.constant 896 : i32
    %add3A_802 = arith.addi %mul3A_4, %add3A_801 : i32
    %dma_wait3A_803 = arith.constant 0 : i32
    %dma_wait3A_804 = arith.constant 0 : i32
    %dma_wait3A_805 = tpu.memref_slice %arg10[%dma_wait3A_803, %dma_wait3A_804] : memref<128x64xf32, #tpu.memory_space<vmem>> -> memref<64x64xf32, #tpu.memory_space<vmem>>
    %dma_wait3A_806 = arith.constant 0 : i32
    %dma_wait3A_807 = tpu.memref_slice %arg5[%add3A_802, %dma_wait3A_806] : memref<40960x128xf32, #tpu.memory_space<hbm>> -> memref<64x64xf32, #tpu.memory_space<hbm>>
    %dma_wait3A_808 = arith.constant 0 : i32
    %dma_wait3A_809 = tpu.memref_slice %arg5[%add3A_802, %dma_wait3A_808] : memref<40960x128xf32, #tpu.memory_space<hbm>> -> memref<64x64xf32, #tpu.memory_space<hbm>>
    %dma_wait3A_810 = arith.constant 0 : i32
    %dma_wait3A_811 = arith.constant 0 : i32
    %dma_wait3A_812 = tpu.memref_slice %arg10[%dma_wait3A_810, %dma_wait3A_811] : memref<128x64xf32, #tpu.memory_space<vmem>> -> memref<64x64xf32, #tpu.memory_space<vmem>>
    tpu.wait_dma2 semaphore(%arg12 : memref<!tpu.dma_semaphore, #tpu.memory_space<semaphore_mem>>) src(%dma_wait3A_812 : memref<64x64xf32, #tpu.memory_space<vmem>>) dst(%dma_wait3A_809 : memref<64x64xf32, #tpu.memory_space<hbm>>)
    %dma_wait3A_813 = arith.constant 64 : i32
    %dma_wait3A_814 = arith.constant 0 : i32
    %dma_wait3A_815 = tpu.memref_slice %arg10[%dma_wait3A_813, %dma_wait3A_814] : memref<128x64xf32, #tpu.memory_space<vmem>> -> memref<64x64xf32, #tpu.memory_space<vmem>>
    %dma_wait3A_816 = arith.constant 64 : i32
    %dma_wait3A_817 = tpu.memref_slice %arg5[%add3A_802, %dma_wait3A_816] : memref<40960x128xf32, #tpu.memory_space<hbm>> -> memref<64x64xf32, #tpu.memory_space<hbm>>
    %dma_wait3A_818 = arith.constant 64 : i32
    %dma_wait3A_819 = tpu.memref_slice %arg5[%add3A_802, %dma_wait3A_818] : memref<40960x128xf32, #tpu.memory_space<hbm>> -> memref<64x64xf32, #tpu.memory_space<hbm>>
    %dma_wait3A_820 = arith.constant 64 : i32
    %dma_wait3A_821 = arith.constant 0 : i32
    %dma_wait3A_822 = tpu.memref_slice %arg10[%dma_wait3A_820, %dma_wait3A_821] : memref<128x64xf32, #tpu.memory_space<vmem>> -> memref<64x64xf32, #tpu.memory_space<vmem>>
    tpu.wait_dma2 semaphore(%arg12 : memref<!tpu.dma_semaphore, #tpu.memory_space<semaphore_mem>>) src(%dma_wait3A_822 : memref<64x64xf32, #tpu.memory_space<vmem>>) dst(%dma_wait3A_819 : memref<64x64xf32, #tpu.memory_space<hbm>>)
    %dma_start3A_823 = arith.constant 2048 : i32
    %dma_start3A_824 = tpu.memref_slice %arg7[%dma_start3A_823] : memref<2560xi32, #tpu.memory_space<vmem>> -> memref<128xi32, #tpu.memory_space<vmem>>
    %dma_start3A_825 = arith.constant 0 : i32
    %dma_start3A_826 = arith.constant 0 : i32
    %dma_start3A_827 = tpu.memref_slice %arg2[%dma_start3A_825, %dma_start3A_826] : memref<100000x64xf32, #tpu.memory_space<hbm>> -> memref<100000x64xf32, #tpu.memory_space<hbm>>
    tpu.enqueue_indirect_dma source(%dma_start3A_827 : memref<100000x64xf32, #tpu.memory_space<hbm>>) target(%arg10 : memref<128x64xf32, #tpu.memory_space<vmem>>) offsets(%dma_start3A_824 : memref<128xi32, #tpu.memory_space<vmem>>) semaphore(%arg12 : memref<!tpu.dma_semaphore, #tpu.memory_space<semaphore_mem>>)
    %dma_wait3A_828 = arith.constant 1920 : i32
    %dma_wait3A_829 = tpu.memref_slice %arg7[%dma_wait3A_828] : memref<2560xi32, #tpu.memory_space<vmem>> -> memref<128xi32, #tpu.memory_space<vmem>>
    %dma_wait3A_830 = arith.constant 0 : i32
    %dma_wait3A_831 = arith.constant 0 : i32
    %dma_wait3A_832 = tpu.memref_slice %arg2[%dma_wait3A_830, %dma_wait3A_831] : memref<100000x64xf32, #tpu.memory_space<hbm>> -> memref<100000x64xf32, #tpu.memory_space<hbm>>
    tpu.wait_indirect_dma semaphore(%arg13 : memref<!tpu.dma_semaphore, #tpu.memory_space<semaphore_mem>>) src(%dma_wait3A_832 : memref<100000x64xf32, #tpu.memory_space<hbm>>) dst(%arg11 : memref<128x64xf32, #tpu.memory_space<vmem>>)
    %add3A_833 = arith.constant 960 : i32
    %add3A_834 = arith.addi %mul3A_4, %add3A_833 : i32
    %dma_start3A_835 = arith.constant 0 : i32
    %dma_start3A_836 = arith.constant 0 : i32
    %dma_start3A_837 = tpu.memref_slice %arg11[%dma_start3A_835, %dma_start3A_836] : memref<128x64xf32, #tpu.memory_space<vmem>> -> memref<64x64xf32, #tpu.memory_space<vmem>>
    %dma_start3A_838 = arith.constant 0 : i32
    %dma_start3A_839 = tpu.memref_slice %arg5[%add3A_834, %dma_start3A_838] : memref<40960x128xf32, #tpu.memory_space<hbm>> -> memref<64x64xf32, #tpu.memory_space<hbm>>
    %dma_start3A_840 = arith.constant 0 : i32
    %dma_start3A_841 = tpu.memref_slice %arg5[%add3A_834, %dma_start3A_840] : memref<40960x128xf32, #tpu.memory_space<hbm>> -> memref<64x64xf32, #tpu.memory_space<hbm>>
    %dma_start3A_842 = arith.constant 0 : i32
    %dma_start3A_843 = arith.constant 0 : i32
    %dma_start3A_844 = tpu.memref_slice %arg11[%dma_start3A_842, %dma_start3A_843] : memref<128x64xf32, #tpu.memory_space<vmem>> -> memref<64x64xf32, #tpu.memory_space<vmem>>
    tpu.enqueue_dma source(%dma_start3A_844 : memref<64x64xf32, #tpu.memory_space<vmem>>) target(%dma_start3A_841 : memref<64x64xf32, #tpu.memory_space<hbm>>) target_semaphore(%arg13 : memref<!tpu.dma_semaphore, #tpu.memory_space<semaphore_mem>>)
    %dma_start3A_845 = arith.constant 64 : i32
    %dma_start3A_846 = arith.constant 0 : i32
    %dma_start3A_847 = tpu.memref_slice %arg11[%dma_start3A_845, %dma_start3A_846] : memref<128x64xf32, #tpu.memory_space<vmem>> -> memref<64x64xf32, #tpu.memory_space<vmem>>
    %dma_start3A_848 = arith.constant 64 : i32
    %dma_start3A_849 = tpu.memref_slice %arg5[%add3A_834, %dma_start3A_848] : memref<40960x128xf32, #tpu.memory_space<hbm>> -> memref<64x64xf32, #tpu.memory_space<hbm>>
    %dma_start3A_850 = arith.constant 64 : i32
    %dma_start3A_851 = tpu.memref_slice %arg5[%add3A_834, %dma_start3A_850] : memref<40960x128xf32, #tpu.memory_space<hbm>> -> memref<64x64xf32, #tpu.memory_space<hbm>>
    %dma_start3A_852 = arith.constant 64 : i32
    %dma_start3A_853 = arith.constant 0 : i32
    %dma_start3A_854 = tpu.memref_slice %arg11[%dma_start3A_852, %dma_start3A_853] : memref<128x64xf32, #tpu.memory_space<vmem>> -> memref<64x64xf32, #tpu.memory_space<vmem>>
    tpu.enqueue_dma source(%dma_start3A_854 : memref<64x64xf32, #tpu.memory_space<vmem>>) target(%dma_start3A_851 : memref<64x64xf32, #tpu.memory_space<hbm>>) target_semaphore(%arg13 : memref<!tpu.dma_semaphore, #tpu.memory_space<semaphore_mem>>)
    %add3A_855 = arith.constant 960 : i32
    %add3A_856 = arith.addi %mul3A_4, %add3A_855 : i32
    %dma_wait3A_857 = arith.constant 0 : i32
    %dma_wait3A_858 = arith.constant 0 : i32
    %dma_wait3A_859 = tpu.memref_slice %arg11[%dma_wait3A_857, %dma_wait3A_858] : memref<128x64xf32, #tpu.memory_space<vmem>> -> memref<64x64xf32, #tpu.memory_space<vmem>>
    %dma_wait3A_860 = arith.constant 0 : i32
    %dma_wait3A_861 = tpu.memref_slice %arg5[%add3A_856, %dma_wait3A_860] : memref<40960x128xf32, #tpu.memory_space<hbm>> -> memref<64x64xf32, #tpu.memory_space<hbm>>
    %dma_wait3A_862 = arith.constant 0 : i32
    %dma_wait3A_863 = tpu.memref_slice %arg5[%add3A_856, %dma_wait3A_862] : memref<40960x128xf32, #tpu.memory_space<hbm>> -> memref<64x64xf32, #tpu.memory_space<hbm>>
    %dma_wait3A_864 = arith.constant 0 : i32
    %dma_wait3A_865 = arith.constant 0 : i32
    %dma_wait3A_866 = tpu.memref_slice %arg11[%dma_wait3A_864, %dma_wait3A_865] : memref<128x64xf32, #tpu.memory_space<vmem>> -> memref<64x64xf32, #tpu.memory_space<vmem>>
    tpu.wait_dma2 semaphore(%arg13 : memref<!tpu.dma_semaphore, #tpu.memory_space<semaphore_mem>>) src(%dma_wait3A_866 : memref<64x64xf32, #tpu.memory_space<vmem>>) dst(%dma_wait3A_863 : memref<64x64xf32, #tpu.memory_space<hbm>>)
    %dma_wait3A_867 = arith.constant 64 : i32
    %dma_wait3A_868 = arith.constant 0 : i32
    %dma_wait3A_869 = tpu.memref_slice %arg11[%dma_wait3A_867, %dma_wait3A_868] : memref<128x64xf32, #tpu.memory_space<vmem>> -> memref<64x64xf32, #tpu.memory_space<vmem>>
    %dma_wait3A_870 = arith.constant 64 : i32
    %dma_wait3A_871 = tpu.memref_slice %arg5[%add3A_856, %dma_wait3A_870] : memref<40960x128xf32, #tpu.memory_space<hbm>> -> memref<64x64xf32, #tpu.memory_space<hbm>>
    %dma_wait3A_872 = arith.constant 64 : i32
    %dma_wait3A_873 = tpu.memref_slice %arg5[%add3A_856, %dma_wait3A_872] : memref<40960x128xf32, #tpu.memory_space<hbm>> -> memref<64x64xf32, #tpu.memory_space<hbm>>
    %dma_wait3A_874 = arith.constant 64 : i32
    %dma_wait3A_875 = arith.constant 0 : i32
    %dma_wait3A_876 = tpu.memref_slice %arg11[%dma_wait3A_874, %dma_wait3A_875] : memref<128x64xf32, #tpu.memory_space<vmem>> -> memref<64x64xf32, #tpu.memory_space<vmem>>
    tpu.wait_dma2 semaphore(%arg13 : memref<!tpu.dma_semaphore, #tpu.memory_space<semaphore_mem>>) src(%dma_wait3A_876 : memref<64x64xf32, #tpu.memory_space<vmem>>) dst(%dma_wait3A_873 : memref<64x64xf32, #tpu.memory_space<hbm>>)
    %dma_start3A_877 = arith.constant 2176 : i32
    %dma_start3A_878 = tpu.memref_slice %arg7[%dma_start3A_877] : memref<2560xi32, #tpu.memory_space<vmem>> -> memref<128xi32, #tpu.memory_space<vmem>>
    %dma_start3A_879 = arith.constant 0 : i32
    %dma_start3A_880 = arith.constant 0 : i32
    %dma_start3A_881 = tpu.memref_slice %arg2[%dma_start3A_879, %dma_start3A_880] : memref<100000x64xf32, #tpu.memory_space<hbm>> -> memref<100000x64xf32, #tpu.memory_space<hbm>>
    tpu.enqueue_indirect_dma source(%dma_start3A_881 : memref<100000x64xf32, #tpu.memory_space<hbm>>) target(%arg11 : memref<128x64xf32, #tpu.memory_space<vmem>>) offsets(%dma_start3A_878 : memref<128xi32, #tpu.memory_space<vmem>>) semaphore(%arg13 : memref<!tpu.dma_semaphore, #tpu.memory_space<semaphore_mem>>)
    %dma_wait3A_882 = arith.constant 2048 : i32
    %dma_wait3A_883 = tpu.memref_slice %arg7[%dma_wait3A_882] : memref<2560xi32, #tpu.memory_space<vmem>> -> memref<128xi32, #tpu.memory_space<vmem>>
    %dma_wait3A_884 = arith.constant 0 : i32
    %dma_wait3A_885 = arith.constant 0 : i32
    %dma_wait3A_886 = tpu.memref_slice %arg2[%dma_wait3A_884, %dma_wait3A_885] : memref<100000x64xf32, #tpu.memory_space<hbm>> -> memref<100000x64xf32, #tpu.memory_space<hbm>>
    tpu.wait_indirect_dma semaphore(%arg12 : memref<!tpu.dma_semaphore, #tpu.memory_space<semaphore_mem>>) src(%dma_wait3A_886 : memref<100000x64xf32, #tpu.memory_space<hbm>>) dst(%arg10 : memref<128x64xf32, #tpu.memory_space<vmem>>)
    %add3A_887 = arith.constant 1024 : i32
    %add3A_888 = arith.addi %mul3A_4, %add3A_887 : i32
    %dma_start3A_889 = arith.constant 0 : i32
    %dma_start3A_890 = arith.constant 0 : i32
    %dma_start3A_891 = tpu.memref_slice %arg10[%dma_start3A_889, %dma_start3A_890] : memref<128x64xf32, #tpu.memory_space<vmem>> -> memref<64x64xf32, #tpu.memory_space<vmem>>
    %dma_start3A_892 = arith.constant 0 : i32
    %dma_start3A_893 = tpu.memref_slice %arg5[%add3A_888, %dma_start3A_892] : memref<40960x128xf32, #tpu.memory_space<hbm>> -> memref<64x64xf32, #tpu.memory_space<hbm>>
    %dma_start3A_894 = arith.constant 0 : i32
    %dma_start3A_895 = tpu.memref_slice %arg5[%add3A_888, %dma_start3A_894] : memref<40960x128xf32, #tpu.memory_space<hbm>> -> memref<64x64xf32, #tpu.memory_space<hbm>>
    %dma_start3A_896 = arith.constant 0 : i32
    %dma_start3A_897 = arith.constant 0 : i32
    %dma_start3A_898 = tpu.memref_slice %arg10[%dma_start3A_896, %dma_start3A_897] : memref<128x64xf32, #tpu.memory_space<vmem>> -> memref<64x64xf32, #tpu.memory_space<vmem>>
    tpu.enqueue_dma source(%dma_start3A_898 : memref<64x64xf32, #tpu.memory_space<vmem>>) target(%dma_start3A_895 : memref<64x64xf32, #tpu.memory_space<hbm>>) target_semaphore(%arg12 : memref<!tpu.dma_semaphore, #tpu.memory_space<semaphore_mem>>)
    %dma_start3A_899 = arith.constant 64 : i32
    %dma_start3A_900 = arith.constant 0 : i32
    %dma_start3A_901 = tpu.memref_slice %arg10[%dma_start3A_899, %dma_start3A_900] : memref<128x64xf32, #tpu.memory_space<vmem>> -> memref<64x64xf32, #tpu.memory_space<vmem>>
    %dma_start3A_902 = arith.constant 64 : i32
    %dma_start3A_903 = tpu.memref_slice %arg5[%add3A_888, %dma_start3A_902] : memref<40960x128xf32, #tpu.memory_space<hbm>> -> memref<64x64xf32, #tpu.memory_space<hbm>>
    %dma_start3A_904 = arith.constant 64 : i32
    %dma_start3A_905 = tpu.memref_slice %arg5[%add3A_888, %dma_start3A_904] : memref<40960x128xf32, #tpu.memory_space<hbm>> -> memref<64x64xf32, #tpu.memory_space<hbm>>
    %dma_start3A_906 = arith.constant 64 : i32
    %dma_start3A_907 = arith.constant 0 : i32
    %dma_start3A_908 = tpu.memref_slice %arg10[%dma_start3A_906, %dma_start3A_907] : memref<128x64xf32, #tpu.memory_space<vmem>> -> memref<64x64xf32, #tpu.memory_space<vmem>>
    tpu.enqueue_dma source(%dma_start3A_908 : memref<64x64xf32, #tpu.memory_space<vmem>>) target(%dma_start3A_905 : memref<64x64xf32, #tpu.memory_space<hbm>>) target_semaphore(%arg12 : memref<!tpu.dma_semaphore, #tpu.memory_space<semaphore_mem>>)
    %add3A_909 = arith.constant 1024 : i32
    %add3A_910 = arith.addi %mul3A_4, %add3A_909 : i32
    %dma_wait3A_911 = arith.constant 0 : i32
    %dma_wait3A_912 = arith.constant 0 : i32
    %dma_wait3A_913 = tpu.memref_slice %arg10[%dma_wait3A_911, %dma_wait3A_912] : memref<128x64xf32, #tpu.memory_space<vmem>> -> memref<64x64xf32, #tpu.memory_space<vmem>>
    %dma_wait3A_914 = arith.constant 0 : i32
    %dma_wait3A_915 = tpu.memref_slice %arg5[%add3A_910, %dma_wait3A_914] : memref<40960x128xf32, #tpu.memory_space<hbm>> -> memref<64x64xf32, #tpu.memory_space<hbm>>
    %dma_wait3A_916 = arith.constant 0 : i32
    %dma_wait3A_917 = tpu.memref_slice %arg5[%add3A_910, %dma_wait3A_916] : memref<40960x128xf32, #tpu.memory_space<hbm>> -> memref<64x64xf32, #tpu.memory_space<hbm>>
    %dma_wait3A_918 = arith.constant 0 : i32
    %dma_wait3A_919 = arith.constant 0 : i32
    %dma_wait3A_920 = tpu.memref_slice %arg10[%dma_wait3A_918, %dma_wait3A_919] : memref<128x64xf32, #tpu.memory_space<vmem>> -> memref<64x64xf32, #tpu.memory_space<vmem>>
    tpu.wait_dma2 semaphore(%arg12 : memref<!tpu.dma_semaphore, #tpu.memory_space<semaphore_mem>>) src(%dma_wait3A_920 : memref<64x64xf32, #tpu.memory_space<vmem>>) dst(%dma_wait3A_917 : memref<64x64xf32, #tpu.memory_space<hbm>>)
    %dma_wait3A_921 = arith.constant 64 : i32
    %dma_wait3A_922 = arith.constant 0 : i32
    %dma_wait3A_923 = tpu.memref_slice %arg10[%dma_wait3A_921, %dma_wait3A_922] : memref<128x64xf32, #tpu.memory_space<vmem>> -> memref<64x64xf32, #tpu.memory_space<vmem>>
    %dma_wait3A_924 = arith.constant 64 : i32
    %dma_wait3A_925 = tpu.memref_slice %arg5[%add3A_910, %dma_wait3A_924] : memref<40960x128xf32, #tpu.memory_space<hbm>> -> memref<64x64xf32, #tpu.memory_space<hbm>>
    %dma_wait3A_926 = arith.constant 64 : i32
    %dma_wait3A_927 = tpu.memref_slice %arg5[%add3A_910, %dma_wait3A_926] : memref<40960x128xf32, #tpu.memory_space<hbm>> -> memref<64x64xf32, #tpu.memory_space<hbm>>
    %dma_wait3A_928 = arith.constant 64 : i32
    %dma_wait3A_929 = arith.constant 0 : i32
    %dma_wait3A_930 = tpu.memref_slice %arg10[%dma_wait3A_928, %dma_wait3A_929] : memref<128x64xf32, #tpu.memory_space<vmem>> -> memref<64x64xf32, #tpu.memory_space<vmem>>
    tpu.wait_dma2 semaphore(%arg12 : memref<!tpu.dma_semaphore, #tpu.memory_space<semaphore_mem>>) src(%dma_wait3A_930 : memref<64x64xf32, #tpu.memory_space<vmem>>) dst(%dma_wait3A_927 : memref<64x64xf32, #tpu.memory_space<hbm>>)
    %dma_start3A_931 = arith.constant 2304 : i32
    %dma_start3A_932 = tpu.memref_slice %arg7[%dma_start3A_931] : memref<2560xi32, #tpu.memory_space<vmem>> -> memref<128xi32, #tpu.memory_space<vmem>>
    %dma_start3A_933 = arith.constant 0 : i32
    %dma_start3A_934 = arith.constant 0 : i32
    %dma_start3A_935 = tpu.memref_slice %arg2[%dma_start3A_933, %dma_start3A_934] : memref<100000x64xf32, #tpu.memory_space<hbm>> -> memref<100000x64xf32, #tpu.memory_space<hbm>>
    tpu.enqueue_indirect_dma source(%dma_start3A_935 : memref<100000x64xf32, #tpu.memory_space<hbm>>) target(%arg10 : memref<128x64xf32, #tpu.memory_space<vmem>>) offsets(%dma_start3A_932 : memref<128xi32, #tpu.memory_space<vmem>>) semaphore(%arg12 : memref<!tpu.dma_semaphore, #tpu.memory_space<semaphore_mem>>)
    %dma_wait3A_936 = arith.constant 2176 : i32
    %dma_wait3A_937 = tpu.memref_slice %arg7[%dma_wait3A_936] : memref<2560xi32, #tpu.memory_space<vmem>> -> memref<128xi32, #tpu.memory_space<vmem>>
    %dma_wait3A_938 = arith.constant 0 : i32
    %dma_wait3A_939 = arith.constant 0 : i32
    %dma_wait3A_940 = tpu.memref_slice %arg2[%dma_wait3A_938, %dma_wait3A_939] : memref<100000x64xf32, #tpu.memory_space<hbm>> -> memref<100000x64xf32, #tpu.memory_space<hbm>>
    tpu.wait_indirect_dma semaphore(%arg13 : memref<!tpu.dma_semaphore, #tpu.memory_space<semaphore_mem>>) src(%dma_wait3A_940 : memref<100000x64xf32, #tpu.memory_space<hbm>>) dst(%arg11 : memref<128x64xf32, #tpu.memory_space<vmem>>)
    %add3A_941 = arith.constant 1088 : i32
    %add3A_942 = arith.addi %mul3A_4, %add3A_941 : i32
    %dma_start3A_943 = arith.constant 0 : i32
    %dma_start3A_944 = arith.constant 0 : i32
    %dma_start3A_945 = tpu.memref_slice %arg11[%dma_start3A_943, %dma_start3A_944] : memref<128x64xf32, #tpu.memory_space<vmem>> -> memref<64x64xf32, #tpu.memory_space<vmem>>
    %dma_start3A_946 = arith.constant 0 : i32
    %dma_start3A_947 = tpu.memref_slice %arg5[%add3A_942, %dma_start3A_946] : memref<40960x128xf32, #tpu.memory_space<hbm>> -> memref<64x64xf32, #tpu.memory_space<hbm>>
    %dma_start3A_948 = arith.constant 0 : i32
    %dma_start3A_949 = tpu.memref_slice %arg5[%add3A_942, %dma_start3A_948] : memref<40960x128xf32, #tpu.memory_space<hbm>> -> memref<64x64xf32, #tpu.memory_space<hbm>>
    %dma_start3A_950 = arith.constant 0 : i32
    %dma_start3A_951 = arith.constant 0 : i32
    %dma_start3A_952 = tpu.memref_slice %arg11[%dma_start3A_950, %dma_start3A_951] : memref<128x64xf32, #tpu.memory_space<vmem>> -> memref<64x64xf32, #tpu.memory_space<vmem>>
    tpu.enqueue_dma source(%dma_start3A_952 : memref<64x64xf32, #tpu.memory_space<vmem>>) target(%dma_start3A_949 : memref<64x64xf32, #tpu.memory_space<hbm>>) target_semaphore(%arg13 : memref<!tpu.dma_semaphore, #tpu.memory_space<semaphore_mem>>)
    %dma_start3A_953 = arith.constant 64 : i32
    %dma_start3A_954 = arith.constant 0 : i32
    %dma_start3A_955 = tpu.memref_slice %arg11[%dma_start3A_953, %dma_start3A_954] : memref<128x64xf32, #tpu.memory_space<vmem>> -> memref<64x64xf32, #tpu.memory_space<vmem>>
    %dma_start3A_956 = arith.constant 64 : i32
    %dma_start3A_957 = tpu.memref_slice %arg5[%add3A_942, %dma_start3A_956] : memref<40960x128xf32, #tpu.memory_space<hbm>> -> memref<64x64xf32, #tpu.memory_space<hbm>>
    %dma_start3A_958 = arith.constant 64 : i32
    %dma_start3A_959 = tpu.memref_slice %arg5[%add3A_942, %dma_start3A_958] : memref<40960x128xf32, #tpu.memory_space<hbm>> -> memref<64x64xf32, #tpu.memory_space<hbm>>
    %dma_start3A_960 = arith.constant 64 : i32
    %dma_start3A_961 = arith.constant 0 : i32
    %dma_start3A_962 = tpu.memref_slice %arg11[%dma_start3A_960, %dma_start3A_961] : memref<128x64xf32, #tpu.memory_space<vmem>> -> memref<64x64xf32, #tpu.memory_space<vmem>>
    tpu.enqueue_dma source(%dma_start3A_962 : memref<64x64xf32, #tpu.memory_space<vmem>>) target(%dma_start3A_959 : memref<64x64xf32, #tpu.memory_space<hbm>>) target_semaphore(%arg13 : memref<!tpu.dma_semaphore, #tpu.memory_space<semaphore_mem>>)
    %add3A_963 = arith.constant 1088 : i32
    %add3A_964 = arith.addi %mul3A_4, %add3A_963 : i32
    %dma_wait3A_965 = arith.constant 0 : i32
    %dma_wait3A_966 = arith.constant 0 : i32
    %dma_wait3A_967 = tpu.memref_slice %arg11[%dma_wait3A_965, %dma_wait3A_966] : memref<128x64xf32, #tpu.memory_space<vmem>> -> memref<64x64xf32, #tpu.memory_space<vmem>>
    %dma_wait3A_968 = arith.constant 0 : i32
    %dma_wait3A_969 = tpu.memref_slice %arg5[%add3A_964, %dma_wait3A_968] : memref<40960x128xf32, #tpu.memory_space<hbm>> -> memref<64x64xf32, #tpu.memory_space<hbm>>
    %dma_wait3A_970 = arith.constant 0 : i32
    %dma_wait3A_971 = tpu.memref_slice %arg5[%add3A_964, %dma_wait3A_970] : memref<40960x128xf32, #tpu.memory_space<hbm>> -> memref<64x64xf32, #tpu.memory_space<hbm>>
    %dma_wait3A_972 = arith.constant 0 : i32
    %dma_wait3A_973 = arith.constant 0 : i32
    %dma_wait3A_974 = tpu.memref_slice %arg11[%dma_wait3A_972, %dma_wait3A_973] : memref<128x64xf32, #tpu.memory_space<vmem>> -> memref<64x64xf32, #tpu.memory_space<vmem>>
    tpu.wait_dma2 semaphore(%arg13 : memref<!tpu.dma_semaphore, #tpu.memory_space<semaphore_mem>>) src(%dma_wait3A_974 : memref<64x64xf32, #tpu.memory_space<vmem>>) dst(%dma_wait3A_971 : memref<64x64xf32, #tpu.memory_space<hbm>>)
    %dma_wait3A_975 = arith.constant 64 : i32
    %dma_wait3A_976 = arith.constant 0 : i32
    %dma_wait3A_977 = tpu.memref_slice %arg11[%dma_wait3A_975, %dma_wait3A_976] : memref<128x64xf32, #tpu.memory_space<vmem>> -> memref<64x64xf32, #tpu.memory_space<vmem>>
    %dma_wait3A_978 = arith.constant 64 : i32
    %dma_wait3A_979 = tpu.memref_slice %arg5[%add3A_964, %dma_wait3A_978] : memref<40960x128xf32, #tpu.memory_space<hbm>> -> memref<64x64xf32, #tpu.memory_space<hbm>>
    %dma_wait3A_980 = arith.constant 64 : i32
    %dma_wait3A_981 = tpu.memref_slice %arg5[%add3A_964, %dma_wait3A_980] : memref<40960x128xf32, #tpu.memory_space<hbm>> -> memref<64x64xf32, #tpu.memory_space<hbm>>
    %dma_wait3A_982 = arith.constant 64 : i32
    %dma_wait3A_983 = arith.constant 0 : i32
    %dma_wait3A_984 = tpu.memref_slice %arg11[%dma_wait3A_982, %dma_wait3A_983] : memref<128x64xf32, #tpu.memory_space<vmem>> -> memref<64x64xf32, #tpu.memory_space<vmem>>
    tpu.wait_dma2 semaphore(%arg13 : memref<!tpu.dma_semaphore, #tpu.memory_space<semaphore_mem>>) src(%dma_wait3A_984 : memref<64x64xf32, #tpu.memory_space<vmem>>) dst(%dma_wait3A_981 : memref<64x64xf32, #tpu.memory_space<hbm>>)
    %dma_start3A_985 = arith.constant 2432 : i32
    %dma_start3A_986 = tpu.memref_slice %arg7[%dma_start3A_985] : memref<2560xi32, #tpu.memory_space<vmem>> -> memref<128xi32, #tpu.memory_space<vmem>>
    %dma_start3A_987 = arith.constant 0 : i32
    %dma_start3A_988 = arith.constant 0 : i32
    %dma_start3A_989 = tpu.memref_slice %arg2[%dma_start3A_987, %dma_start3A_988] : memref<100000x64xf32, #tpu.memory_space<hbm>> -> memref<100000x64xf32, #tpu.memory_space<hbm>>
    tpu.enqueue_indirect_dma source(%dma_start3A_989 : memref<100000x64xf32, #tpu.memory_space<hbm>>) target(%arg11 : memref<128x64xf32, #tpu.memory_space<vmem>>) offsets(%dma_start3A_986 : memref<128xi32, #tpu.memory_space<vmem>>) semaphore(%arg13 : memref<!tpu.dma_semaphore, #tpu.memory_space<semaphore_mem>>)
    %dma_wait3A_990 = arith.constant 2304 : i32
    %dma_wait3A_991 = tpu.memref_slice %arg7[%dma_wait3A_990] : memref<2560xi32, #tpu.memory_space<vmem>> -> memref<128xi32, #tpu.memory_space<vmem>>
    %dma_wait3A_992 = arith.constant 0 : i32
    %dma_wait3A_993 = arith.constant 0 : i32
    %dma_wait3A_994 = tpu.memref_slice %arg2[%dma_wait3A_992, %dma_wait3A_993] : memref<100000x64xf32, #tpu.memory_space<hbm>> -> memref<100000x64xf32, #tpu.memory_space<hbm>>
    tpu.wait_indirect_dma semaphore(%arg12 : memref<!tpu.dma_semaphore, #tpu.memory_space<semaphore_mem>>) src(%dma_wait3A_994 : memref<100000x64xf32, #tpu.memory_space<hbm>>) dst(%arg10 : memref<128x64xf32, #tpu.memory_space<vmem>>)
    %add3A_995 = arith.constant 1152 : i32
    %add3A_996 = arith.addi %mul3A_4, %add3A_995 : i32
    %dma_start3A_997 = arith.constant 0 : i32
    %dma_start3A_998 = arith.constant 0 : i32
    %dma_start3A_999 = tpu.memref_slice %arg10[%dma_start3A_997, %dma_start3A_998] : memref<128x64xf32, #tpu.memory_space<vmem>> -> memref<64x64xf32, #tpu.memory_space<vmem>>
    %dma_start3A_1000 = arith.constant 0 : i32
    %dma_start3A_1001 = tpu.memref_slice %arg5[%add3A_996, %dma_start3A_1000] : memref<40960x128xf32, #tpu.memory_space<hbm>> -> memref<64x64xf32, #tpu.memory_space<hbm>>
    %dma_start3A_1002 = arith.constant 0 : i32
    %dma_start3A_1003 = tpu.memref_slice %arg5[%add3A_996, %dma_start3A_1002] : memref<40960x128xf32, #tpu.memory_space<hbm>> -> memref<64x64xf32, #tpu.memory_space<hbm>>
    %dma_start3A_1004 = arith.constant 0 : i32
    %dma_start3A_1005 = arith.constant 0 : i32
    %dma_start3A_1006 = tpu.memref_slice %arg10[%dma_start3A_1004, %dma_start3A_1005] : memref<128x64xf32, #tpu.memory_space<vmem>> -> memref<64x64xf32, #tpu.memory_space<vmem>>
    tpu.enqueue_dma source(%dma_start3A_1006 : memref<64x64xf32, #tpu.memory_space<vmem>>) target(%dma_start3A_1003 : memref<64x64xf32, #tpu.memory_space<hbm>>) target_semaphore(%arg12 : memref<!tpu.dma_semaphore, #tpu.memory_space<semaphore_mem>>)
    %dma_start3A_1007 = arith.constant 64 : i32
    %dma_start3A_1008 = arith.constant 0 : i32
    %dma_start3A_1009 = tpu.memref_slice %arg10[%dma_start3A_1007, %dma_start3A_1008] : memref<128x64xf32, #tpu.memory_space<vmem>> -> memref<64x64xf32, #tpu.memory_space<vmem>>
    %dma_start3A_1010 = arith.constant 64 : i32
    %dma_start3A_1011 = tpu.memref_slice %arg5[%add3A_996, %dma_start3A_1010] : memref<40960x128xf32, #tpu.memory_space<hbm>> -> memref<64x64xf32, #tpu.memory_space<hbm>>
    %dma_start3A_1012 = arith.constant 64 : i32
    %dma_start3A_1013 = tpu.memref_slice %arg5[%add3A_996, %dma_start3A_1012] : memref<40960x128xf32, #tpu.memory_space<hbm>> -> memref<64x64xf32, #tpu.memory_space<hbm>>
    %dma_start3A_1014 = arith.constant 64 : i32
    %dma_start3A_1015 = arith.constant 0 : i32
    %dma_start3A_1016 = tpu.memref_slice %arg10[%dma_start3A_1014, %dma_start3A_1015] : memref<128x64xf32, #tpu.memory_space<vmem>> -> memref<64x64xf32, #tpu.memory_space<vmem>>
    tpu.enqueue_dma source(%dma_start3A_1016 : memref<64x64xf32, #tpu.memory_space<vmem>>) target(%dma_start3A_1013 : memref<64x64xf32, #tpu.memory_space<hbm>>) target_semaphore(%arg12 : memref<!tpu.dma_semaphore, #tpu.memory_space<semaphore_mem>>)
    %dma_wait3A_1017 = arith.constant 2432 : i32
    %dma_wait3A_1018 = tpu.memref_slice %arg7[%dma_wait3A_1017] : memref<2560xi32, #tpu.memory_space<vmem>> -> memref<128xi32, #tpu.memory_space<vmem>>
    %dma_wait3A_1019 = arith.constant 0 : i32
    %dma_wait3A_1020 = arith.constant 0 : i32
    %dma_wait3A_1021 = tpu.memref_slice %arg2[%dma_wait3A_1019, %dma_wait3A_1020] : memref<100000x64xf32, #tpu.memory_space<hbm>> -> memref<100000x64xf32, #tpu.memory_space<hbm>>
    tpu.wait_indirect_dma semaphore(%arg13 : memref<!tpu.dma_semaphore, #tpu.memory_space<semaphore_mem>>) src(%dma_wait3A_1021 : memref<100000x64xf32, #tpu.memory_space<hbm>>) dst(%arg11 : memref<128x64xf32, #tpu.memory_space<vmem>>)
    %add3A_1022 = arith.constant 1216 : i32
    %add3A_1023 = arith.addi %mul3A_4, %add3A_1022 : i32
    %dma_start3A_1024 = arith.constant 0 : i32
    %dma_start3A_1025 = arith.constant 0 : i32
    %dma_start3A_1026 = tpu.memref_slice %arg11[%dma_start3A_1024, %dma_start3A_1025] : memref<128x64xf32, #tpu.memory_space<vmem>> -> memref<64x64xf32, #tpu.memory_space<vmem>>
    %dma_start3A_1027 = arith.constant 0 : i32
    %dma_start3A_1028 = tpu.memref_slice %arg5[%add3A_1023, %dma_start3A_1027] : memref<40960x128xf32, #tpu.memory_space<hbm>> -> memref<64x64xf32, #tpu.memory_space<hbm>>
    %dma_start3A_1029 = arith.constant 0 : i32
    %dma_start3A_1030 = tpu.memref_slice %arg5[%add3A_1023, %dma_start3A_1029] : memref<40960x128xf32, #tpu.memory_space<hbm>> -> memref<64x64xf32, #tpu.memory_space<hbm>>
    %dma_start3A_1031 = arith.constant 0 : i32
    %dma_start3A_1032 = arith.constant 0 : i32
    %dma_start3A_1033 = tpu.memref_slice %arg11[%dma_start3A_1031, %dma_start3A_1032] : memref<128x64xf32, #tpu.memory_space<vmem>> -> memref<64x64xf32, #tpu.memory_space<vmem>>
    tpu.enqueue_dma source(%dma_start3A_1033 : memref<64x64xf32, #tpu.memory_space<vmem>>) target(%dma_start3A_1030 : memref<64x64xf32, #tpu.memory_space<hbm>>) target_semaphore(%arg13 : memref<!tpu.dma_semaphore, #tpu.memory_space<semaphore_mem>>)
    %dma_start3A_1034 = arith.constant 64 : i32
    %dma_start3A_1035 = arith.constant 0 : i32
    %dma_start3A_1036 = tpu.memref_slice %arg11[%dma_start3A_1034, %dma_start3A_1035] : memref<128x64xf32, #tpu.memory_space<vmem>> -> memref<64x64xf32, #tpu.memory_space<vmem>>
    %dma_start3A_1037 = arith.constant 64 : i32
    %dma_start3A_1038 = tpu.memref_slice %arg5[%add3A_1023, %dma_start3A_1037] : memref<40960x128xf32, #tpu.memory_space<hbm>> -> memref<64x64xf32, #tpu.memory_space<hbm>>
    %dma_start3A_1039 = arith.constant 64 : i32
    %dma_start3A_1040 = tpu.memref_slice %arg5[%add3A_1023, %dma_start3A_1039] : memref<40960x128xf32, #tpu.memory_space<hbm>> -> memref<64x64xf32, #tpu.memory_space<hbm>>
    %dma_start3A_1041 = arith.constant 64 : i32
    %dma_start3A_1042 = arith.constant 0 : i32
    %dma_start3A_1043 = tpu.memref_slice %arg11[%dma_start3A_1041, %dma_start3A_1042] : memref<128x64xf32, #tpu.memory_space<vmem>> -> memref<64x64xf32, #tpu.memory_space<vmem>>
    tpu.enqueue_dma source(%dma_start3A_1043 : memref<64x64xf32, #tpu.memory_space<vmem>>) target(%dma_start3A_1040 : memref<64x64xf32, #tpu.memory_space<hbm>>) target_semaphore(%arg13 : memref<!tpu.dma_semaphore, #tpu.memory_space<semaphore_mem>>)
    %add3A_1044 = arith.constant 1152 : i32
    %add3A_1045 = arith.addi %mul3A_4, %add3A_1044 : i32
    %dma_wait3A_1046 = arith.constant 0 : i32
    %dma_wait3A_1047 = arith.constant 0 : i32
    %dma_wait3A_1048 = tpu.memref_slice %arg10[%dma_wait3A_1046, %dma_wait3A_1047] : memref<128x64xf32, #tpu.memory_space<vmem>> -> memref<64x64xf32, #tpu.memory_space<vmem>>
    %dma_wait3A_1049 = arith.constant 0 : i32
    %dma_wait3A_1050 = tpu.memref_slice %arg5[%add3A_1045, %dma_wait3A_1049] : memref<40960x128xf32, #tpu.memory_space<hbm>> -> memref<64x64xf32, #tpu.memory_space<hbm>>
    %dma_wait3A_1051 = arith.constant 0 : i32
    %dma_wait3A_1052 = tpu.memref_slice %arg5[%add3A_1045, %dma_wait3A_1051] : memref<40960x128xf32, #tpu.memory_space<hbm>> -> memref<64x64xf32, #tpu.memory_space<hbm>>
    %dma_wait3A_1053 = arith.constant 0 : i32
    %dma_wait3A_1054 = arith.constant 0 : i32
    %dma_wait3A_1055 = tpu.memref_slice %arg10[%dma_wait3A_1053, %dma_wait3A_1054] : memref<128x64xf32, #tpu.memory_space<vmem>> -> memref<64x64xf32, #tpu.memory_space<vmem>>
    tpu.wait_dma2 semaphore(%arg12 : memref<!tpu.dma_semaphore, #tpu.memory_space<semaphore_mem>>) src(%dma_wait3A_1055 : memref<64x64xf32, #tpu.memory_space<vmem>>) dst(%dma_wait3A_1052 : memref<64x64xf32, #tpu.memory_space<hbm>>)
    %dma_wait3A_1056 = arith.constant 64 : i32
    %dma_wait3A_1057 = arith.constant 0 : i32
    %dma_wait3A_1058 = tpu.memref_slice %arg10[%dma_wait3A_1056, %dma_wait3A_1057] : memref<128x64xf32, #tpu.memory_space<vmem>> -> memref<64x64xf32, #tpu.memory_space<vmem>>
    %dma_wait3A_1059 = arith.constant 64 : i32
    %dma_wait3A_1060 = tpu.memref_slice %arg5[%add3A_1045, %dma_wait3A_1059] : memref<40960x128xf32, #tpu.memory_space<hbm>> -> memref<64x64xf32, #tpu.memory_space<hbm>>
    %dma_wait3A_1061 = arith.constant 64 : i32
    %dma_wait3A_1062 = tpu.memref_slice %arg5[%add3A_1045, %dma_wait3A_1061] : memref<40960x128xf32, #tpu.memory_space<hbm>> -> memref<64x64xf32, #tpu.memory_space<hbm>>
    %dma_wait3A_1063 = arith.constant 64 : i32
    %dma_wait3A_1064 = arith.constant 0 : i32
    %dma_wait3A_1065 = tpu.memref_slice %arg10[%dma_wait3A_1063, %dma_wait3A_1064] : memref<128x64xf32, #tpu.memory_space<vmem>> -> memref<64x64xf32, #tpu.memory_space<vmem>>
    tpu.wait_dma2 semaphore(%arg12 : memref<!tpu.dma_semaphore, #tpu.memory_space<semaphore_mem>>) src(%dma_wait3A_1065 : memref<64x64xf32, #tpu.memory_space<vmem>>) dst(%dma_wait3A_1062 : memref<64x64xf32, #tpu.memory_space<hbm>>)
    %add3A_1066 = arith.constant 1216 : i32
    %add3A_1067 = arith.addi %mul3A_4, %add3A_1066 : i32
    %dma_wait3A_1068 = arith.constant 0 : i32
    %dma_wait3A_1069 = arith.constant 0 : i32
    %dma_wait3A_1070 = tpu.memref_slice %arg11[%dma_wait3A_1068, %dma_wait3A_1069] : memref<128x64xf32, #tpu.memory_space<vmem>> -> memref<64x64xf32, #tpu.memory_space<vmem>>
    %dma_wait3A_1071 = arith.constant 0 : i32
    %dma_wait3A_1072 = tpu.memref_slice %arg5[%add3A_1067, %dma_wait3A_1071] : memref<40960x128xf32, #tpu.memory_space<hbm>> -> memref<64x64xf32, #tpu.memory_space<hbm>>
    %dma_wait3A_1073 = arith.constant 0 : i32
    %dma_wait3A_1074 = tpu.memref_slice %arg5[%add3A_1067, %dma_wait3A_1073] : memref<40960x128xf32, #tpu.memory_space<hbm>> -> memref<64x64xf32, #tpu.memory_space<hbm>>
    %dma_wait3A_1075 = arith.constant 0 : i32
    %dma_wait3A_1076 = arith.constant 0 : i32
    %dma_wait3A_1077 = tpu.memref_slice %arg11[%dma_wait3A_1075, %dma_wait3A_1076] : memref<128x64xf32, #tpu.memory_space<vmem>> -> memref<64x64xf32, #tpu.memory_space<vmem>>
    tpu.wait_dma2 semaphore(%arg13 : memref<!tpu.dma_semaphore, #tpu.memory_space<semaphore_mem>>) src(%dma_wait3A_1077 : memref<64x64xf32, #tpu.memory_space<vmem>>) dst(%dma_wait3A_1074 : memref<64x64xf32, #tpu.memory_space<hbm>>)
    %dma_wait3A_1078 = arith.constant 64 : i32
    %dma_wait3A_1079 = arith.constant 0 : i32
    %dma_wait3A_1080 = tpu.memref_slice %arg11[%dma_wait3A_1078, %dma_wait3A_1079] : memref<128x64xf32, #tpu.memory_space<vmem>> -> memref<64x64xf32, #tpu.memory_space<vmem>>
    %dma_wait3A_1081 = arith.constant 64 : i32
    %dma_wait3A_1082 = tpu.memref_slice %arg5[%add3A_1067, %dma_wait3A_1081] : memref<40960x128xf32, #tpu.memory_space<hbm>> -> memref<64x64xf32, #tpu.memory_space<hbm>>
    %dma_wait3A_1083 = arith.constant 64 : i32
    %dma_wait3A_1084 = tpu.memref_slice %arg5[%add3A_1067, %dma_wait3A_1083] : memref<40960x128xf32, #tpu.memory_space<hbm>> -> memref<64x64xf32, #tpu.memory_space<hbm>>
    %dma_wait3A_1085 = arith.constant 64 : i32
    %dma_wait3A_1086 = arith.constant 0 : i32
    %dma_wait3A_1087 = tpu.memref_slice %arg11[%dma_wait3A_1085, %dma_wait3A_1086] : memref<128x64xf32, #tpu.memory_space<vmem>> -> memref<64x64xf32, #tpu.memory_space<vmem>>
    tpu.wait_dma2 semaphore(%arg13 : memref<!tpu.dma_semaphore, #tpu.memory_space<semaphore_mem>>) src(%dma_wait3A_1087 : memref<64x64xf32, #tpu.memory_space<vmem>>) dst(%dma_wait3A_1084 : memref<64x64xf32, #tpu.memory_space<hbm>>)
    %dma_wait3A_1088 = arith.constant 0 : i32
    %dma_wait3A_1089 = arith.constant 0 : i32
    %dma_wait3A_1090 = tpu.memref_slice %arg2[%dma_wait3A_1088, %dma_wait3A_1089] : memref<100000x64xf32, #tpu.memory_space<hbm>> -> memref<100000x64xf32, #tpu.memory_space<hbm>>
    tpu.wait_indirect_dma semaphore(%arg14 : memref<!tpu.dma_semaphore, #tpu.memory_space<semaphore_mem>>) src(%dma_wait3A_1090 : memref<100000x64xf32, #tpu.memory_space<hbm>>) dst(%arg9 : memref<128x64xf32, #tpu.memory_space<vmem>>)
    %mul3A_1091 = arith.constant 64 : i32
    %mul3A_1092 = arith.muli %add3A, %mul3A_1091 : i32
    "tpu.region"() ({
      %run_scoped3A = tpu.sem_alloc : memref<!tpu.dma_semaphore, #tpu.memory_space<semaphore_mem>>
      %dma_start3A_1093 = arith.constant 0 : i32
      %dma_start3A_1094 = arith.constant 0 : i32
      %dma_start3A_1095 = tpu.memref_slice %arg9[%dma_start3A_1093, %dma_start3A_1094] : memref<128x64xf32, #tpu.memory_space<vmem>> -> memref<64x64xf32, #tpu.memory_space<vmem>>
      %dma_start3A_1096 = arith.constant 0 : i32
      %dma_start3A_1097 = tpu.memref_slice %arg6[%mul3A_1092, %dma_start3A_1096] : memref<2048x128xf32, #tpu.memory_space<hbm>> -> memref<64x64xf32, #tpu.memory_space<hbm>>
      %dma_start3A_1098 = arith.constant 0 : i32
      %dma_start3A_1099 = tpu.memref_slice %arg6[%mul3A_1092, %dma_start3A_1098] : memref<2048x128xf32, #tpu.memory_space<hbm>> -> memref<64x64xf32, #tpu.memory_space<hbm>>
      %dma_start3A_1100 = arith.constant 0 : i32
      %dma_start3A_1101 = arith.constant 0 : i32
      %dma_start3A_1102 = tpu.memref_slice %arg9[%dma_start3A_1100, %dma_start3A_1101] : memref<128x64xf32, #tpu.memory_space<vmem>> -> memref<64x64xf32, #tpu.memory_space<vmem>>
      tpu.enqueue_dma source(%dma_start3A_1102 : memref<64x64xf32, #tpu.memory_space<vmem>>) target(%dma_start3A_1099 : memref<64x64xf32, #tpu.memory_space<hbm>>) target_semaphore(%run_scoped3A : memref<!tpu.dma_semaphore, #tpu.memory_space<semaphore_mem>>)
      %dma_wait3A_1103 = arith.constant 0 : i32
      %dma_wait3A_1104 = arith.constant 0 : i32
      %dma_wait3A_1105 = tpu.memref_slice %arg9[%dma_wait3A_1103, %dma_wait3A_1104] : memref<128x64xf32, #tpu.memory_space<vmem>> -> memref<64x64xf32, #tpu.memory_space<vmem>>
      %dma_wait3A_1106 = arith.constant 0 : i32
      %dma_wait3A_1107 = tpu.memref_slice %arg6[%mul3A_1092, %dma_wait3A_1106] : memref<2048x128xf32, #tpu.memory_space<hbm>> -> memref<64x64xf32, #tpu.memory_space<hbm>>
      %dma_wait3A_1108 = arith.constant 0 : i32
      %dma_wait3A_1109 = tpu.memref_slice %arg6[%mul3A_1092, %dma_wait3A_1108] : memref<2048x128xf32, #tpu.memory_space<hbm>> -> memref<64x64xf32, #tpu.memory_space<hbm>>
      %dma_wait3A_1110 = arith.constant 0 : i32
      %dma_wait3A_1111 = arith.constant 0 : i32
      %dma_wait3A_1112 = tpu.memref_slice %arg9[%dma_wait3A_1110, %dma_wait3A_1111] : memref<128x64xf32, #tpu.memory_space<vmem>> -> memref<64x64xf32, #tpu.memory_space<vmem>>
      tpu.wait_dma2 semaphore(%run_scoped3A : memref<!tpu.dma_semaphore, #tpu.memory_space<semaphore_mem>>) src(%dma_wait3A_1112 : memref<64x64xf32, #tpu.memory_space<vmem>>) dst(%dma_wait3A_1109 : memref<64x64xf32, #tpu.memory_space<hbm>>)
      tpu.yield
    }) : () -> ()
    "tpu.region"() ({
      %run_scoped3A = tpu.sem_alloc : memref<!tpu.dma_semaphore, #tpu.memory_space<semaphore_mem>>
      %dma_start3A_1093 = arith.constant 64 : i32
      %dma_start3A_1094 = arith.constant 0 : i32
      %dma_start3A_1095 = tpu.memref_slice %arg9[%dma_start3A_1093, %dma_start3A_1094] : memref<128x64xf32, #tpu.memory_space<vmem>> -> memref<64x64xf32, #tpu.memory_space<vmem>>
      %dma_start3A_1096 = arith.constant 64 : i32
      %dma_start3A_1097 = tpu.memref_slice %arg6[%mul3A_1092, %dma_start3A_1096] : memref<2048x128xf32, #tpu.memory_space<hbm>> -> memref<64x64xf32, #tpu.memory_space<hbm>>
      %dma_start3A_1098 = arith.constant 64 : i32
      %dma_start3A_1099 = tpu.memref_slice %arg6[%mul3A_1092, %dma_start3A_1098] : memref<2048x128xf32, #tpu.memory_space<hbm>> -> memref<64x64xf32, #tpu.memory_space<hbm>>
      %dma_start3A_1100 = arith.constant 64 : i32
      %dma_start3A_1101 = arith.constant 0 : i32
      %dma_start3A_1102 = tpu.memref_slice %arg9[%dma_start3A_1100, %dma_start3A_1101] : memref<128x64xf32, #tpu.memory_space<vmem>> -> memref<64x64xf32, #tpu.memory_space<vmem>>
      tpu.enqueue_dma source(%dma_start3A_1102 : memref<64x64xf32, #tpu.memory_space<vmem>>) target(%dma_start3A_1099 : memref<64x64xf32, #tpu.memory_space<hbm>>) target_semaphore(%run_scoped3A : memref<!tpu.dma_semaphore, #tpu.memory_space<semaphore_mem>>)
      %dma_wait3A_1103 = arith.constant 64 : i32
      %dma_wait3A_1104 = arith.constant 0 : i32
      %dma_wait3A_1105 = tpu.memref_slice %arg9[%dma_wait3A_1103, %dma_wait3A_1104] : memref<128x64xf32, #tpu.memory_space<vmem>> -> memref<64x64xf32, #tpu.memory_space<vmem>>
      %dma_wait3A_1106 = arith.constant 64 : i32
      %dma_wait3A_1107 = tpu.memref_slice %arg6[%mul3A_1092, %dma_wait3A_1106] : memref<2048x128xf32, #tpu.memory_space<hbm>> -> memref<64x64xf32, #tpu.memory_space<hbm>>
      %dma_wait3A_1108 = arith.constant 64 : i32
      %dma_wait3A_1109 = tpu.memref_slice %arg6[%mul3A_1092, %dma_wait3A_1108] : memref<2048x128xf32, #tpu.memory_space<hbm>> -> memref<64x64xf32, #tpu.memory_space<hbm>>
      %dma_wait3A_1110 = arith.constant 64 : i32
      %dma_wait3A_1111 = arith.constant 0 : i32
      %dma_wait3A_1112 = tpu.memref_slice %arg9[%dma_wait3A_1110, %dma_wait3A_1111] : memref<128x64xf32, #tpu.memory_space<vmem>> -> memref<64x64xf32, #tpu.memory_space<vmem>>
      tpu.wait_dma2 semaphore(%run_scoped3A : memref<!tpu.dma_semaphore, #tpu.memory_space<semaphore_mem>>) src(%dma_wait3A_1112 : memref<64x64xf32, #tpu.memory_space<vmem>>) dst(%dma_wait3A_1109 : memref<64x64xf32, #tpu.memory_space<hbm>>)
      tpu.yield
    }) : () -> ()
    return
  }
}

module attributes {stable_mosaic.version = 14 : i64} {
  func.func @_dense_body(%arg0: i32, %arg1: memref<1024x128xf32, #tpu.memory_space<vmem>>, %arg2: memref<1024x128xf32, #tpu.memory_space<vmem>>, %arg3: memref<20x1024x128xf32, #tpu.memory_space<vmem>>, %arg4: memref<1024x40xi32, #tpu.memory_space<vmem>>, %arg5: memref<16x64xf32, #tpu.memory_space<vmem>>, %arg6: memref<64x64xf32, #tpu.memory_space<vmem>>, %arg7: memref<1x128xf32, #tpu.memory_space<vmem>>, %arg8: memref<64x64xf32, #tpu.memory_space<vmem>>, %arg9: memref<1x128xf32, #tpu.memory_space<vmem>>, %arg10: memref<1024x2xf32, #tpu.memory_space<vmem>>) attributes {dimension_semantics = [#tpu.dimension_semantics<arbitrary>], iteration_bounds = array<i64: 2>, scalar_prefetch = 0 : i64, scratch_operands = 0 : i64, tpu.core_type = #tpu.core_type<tc>, window_params = [{transform_indices = @transform_0, window_bounds = array<i64: 1024, 128>}, {transform_indices = @transform_1, window_bounds = array<i64: 1024, 128>}, {transform_indices = @transform_2, window_bounds = array<i64: 20, 1024, 128>}, {transform_indices = @transform_3, window_bounds = array<i64: 1024, 40>}, {pipeline_mode = #tpu.pipeline_mode<synchronous>, transform_indices = @transform_4, window_bounds = array<i64: 16, 64>}, {pipeline_mode = #tpu.pipeline_mode<synchronous>, transform_indices = @transform_5, window_bounds = array<i64: 64, 64>}, {pipeline_mode = #tpu.pipeline_mode<synchronous>, transform_indices = @transform_6, window_bounds = array<i64: 1, 128>}, {pipeline_mode = #tpu.pipeline_mode<synchronous>, transform_indices = @transform_7, window_bounds = array<i64: 64, 64>}, {pipeline_mode = #tpu.pipeline_mode<synchronous>, transform_indices = @transform_8, window_bounds = array<i64: 1, 128>}, {transform_indices = @transform_9, window_bounds = array<i64: 1024, 2>}]} {
    %iota3A = tpu.iota {dimensions = array<i32: 0>} : vector<128x2xi32>
    %iota3A_0 = tpu.iota {dimensions = array<i32: 1>} : vector<128x2xi32>
    %lt3A = arith.constant 64 : i32
    %lt3A_1 = vector.broadcast %lt3A : i32 to vector<128x2xi32>
    %lt3A_2 = arith.cmpi slt, %iota3A, %lt3A_1 : vector<128x2xi32>
    %eq3A = arith.constant 0 : i32
    %eq3A_3 = vector.broadcast %eq3A : i32 to vector<128x2xi32>
    %eq3A_4 = arith.cmpi eq, %iota3A_0, %eq3A_3 : vector<128x2xi32>
    %eq3A_5 = arith.xori %lt3A_2, %eq3A_4 : vector<128x2xi1>
    %eq3A_6 = arith.constant dense<true> : vector<128x2xi1>
    %eq3A_7 = arith.xori %eq3A_5, %eq3A_6 : vector<128x2xi1>
    %jit3A = arith.constant 1.000000e+00 : f32
    %jit3A_8 = arith.constant 0.000000e+00 : f32
    %broadcast_in_dim3A = vector.broadcast %jit3A : f32 to vector<128x2xf32>
    %broadcast_in_dim3A_9 = vector.broadcast %jit3A_8 : f32 to vector<128x2xf32>
    %select_n3A = arith.select %eq3A_7, %broadcast_in_dim3A, %broadcast_in_dim3A_9 : vector<128x2xi1>, vector<128x2xf32>
    %iota3A_10 = tpu.iota {dimensions = array<i32: 0>} : vector<2x128xi32>
    %iota3A_11 = tpu.iota {dimensions = array<i32: 1>} : vector<2x128xi32>
    %lt3A_12 = arith.constant 64 : i32
    %lt3A_13 = vector.broadcast %lt3A_12 : i32 to vector<2x128xi32>
    %lt3A_14 = arith.cmpi slt, %iota3A_11, %lt3A_13 : vector<2x128xi32>
    %eq3A_15 = arith.constant 0 : i32
    %eq3A_16 = vector.broadcast %eq3A_15 : i32 to vector<2x128xi32>
    %eq3A_17 = arith.cmpi eq, %iota3A_10, %eq3A_16 : vector<2x128xi32>
    %eq3A_18 = arith.xori %lt3A_14, %eq3A_17 : vector<2x128xi1>
    %eq3A_19 = arith.constant dense<true> : vector<2x128xi1>
    %eq3A_20 = arith.xori %eq3A_18, %eq3A_19 : vector<2x128xi1>
    %jit3A_21 = arith.constant 1.000000e+00 : f32
    %jit3A_22 = arith.constant 0.000000e+00 : f32
    %broadcast_in_dim3A_23 = vector.broadcast %jit3A_21 : f32 to vector<2x128xf32>
    %broadcast_in_dim3A_24 = vector.broadcast %jit3A_22 : f32 to vector<2x128xf32>
    %select_n3A_25 = arith.select %eq3A_20, %broadcast_in_dim3A_23, %broadcast_in_dim3A_24 : vector<2x128xi1>, vector<2x128xf32>
    %iota3A_26 = tpu.iota {dimensions = array<i32: 0>} : vector<2x40xi32>
    %iota3A_27 = tpu.iota {dimensions = array<i32: 1>} : vector<2x40xi32>
    %lt3A_28 = arith.constant 20 : i32
    %lt3A_29 = vector.broadcast %lt3A_28 : i32 to vector<2x40xi32>
    %lt3A_30 = arith.cmpi slt, %iota3A_27, %lt3A_29 : vector<2x40xi32>
    %eq3A_31 = arith.constant 0 : i32
    %eq3A_32 = vector.broadcast %eq3A_31 : i32 to vector<2x40xi32>
    %eq3A_33 = arith.cmpi eq, %iota3A_26, %eq3A_32 : vector<2x40xi32>
    %eq3A_34 = arith.xori %lt3A_30, %eq3A_33 : vector<2x40xi1>
    %eq3A_35 = arith.constant dense<true> : vector<2x40xi1>
    %eq3A_36 = arith.xori %eq3A_34, %eq3A_35 : vector<2x40xi1>
    %jit3A_37 = arith.constant 1.000000e+00 : f32
    %jit3A_38 = arith.constant 0.000000e+00 : f32
    %broadcast_in_dim3A_39 = vector.broadcast %jit3A_37 : f32 to vector<2x40xf32>
    %broadcast_in_dim3A_40 = vector.broadcast %jit3A_38 : f32 to vector<2x40xf32>
    %select_n3A_41 = arith.select %eq3A_36, %broadcast_in_dim3A_39, %broadcast_in_dim3A_40 : vector<2x40xi1>, vector<2x40xf32>
    %get3A = arith.constant 0 : index
    %get3A_42 = arith.constant 0 : index
    %get3A_43 = vector.load %arg1[%get3A, %get3A_42] : memref<1024x128xf32, #tpu.memory_space<vmem>>, vector<1024x128xf32>
    %mul3A = arith.mulf %get3A_43, %get3A_43 : vector<1024x128xf32>
    %dot_general3A = arith.constant dense<0.000000e+00> : vector<1024x2xf32>
    %dot_general3A_44 = tpu.matmul %mul3A, %select_n3A, %dot_general3A {dimension_numbers = #tpu.dot_dimension_numbers<[1], [0], [0], [1], [0, 0, 1, 1], [], []>, transpose_lhs_hint = false} : vector<1024x128xf32>, vector<128x2xf32>, vector<1024x2xf32> -> vector<1024x2xf32>
    %max3A = arith.constant 1.000000e+00 : f32
    %max3A_45 = vector.broadcast %max3A : f32 to vector<1024x2xf32>
    %max3A_46 = arith.maximumf %dot_general3A_44, %max3A_45 : vector<1024x2xf32>
    %rsqrt3A = math.rsqrt %max3A_46 : vector<1024x2xf32>
    %dot_general3A_47 = arith.constant dense<0.000000e+00> : vector<1024x128xf32>
    %dot_general3A_48 = tpu.matmul %rsqrt3A, %select_n3A_25, %dot_general3A_47 {dimension_numbers = #tpu.dot_dimension_numbers<[1], [0], [0], [1], [0, 0, 1, 1], [], []>, transpose_lhs_hint = false} : vector<1024x2xf32>, vector<2x128xf32>, vector<1024x128xf32> -> vector<1024x128xf32>
    %mul3A_49 = arith.mulf %get3A_43, %dot_general3A_48 : vector<1024x128xf32>
    %get3A_50 = arith.constant 0 : index
    %get3A_51 = arith.constant 0 : index
    %get3A_52 = vector.load %arg2[%get3A_50, %get3A_51] : memref<1024x128xf32, #tpu.memory_space<vmem>>, vector<1024x128xf32>
    %mul3A_53 = arith.mulf %get3A_52, %get3A_52 : vector<1024x128xf32>
    %dot_general3A_54 = arith.constant dense<0.000000e+00> : vector<1024x2xf32>
    %dot_general3A_55 = tpu.matmul %mul3A_53, %select_n3A, %dot_general3A_54 {dimension_numbers = #tpu.dot_dimension_numbers<[1], [0], [0], [1], [0, 0, 1, 1], [], []>, transpose_lhs_hint = false} : vector<1024x128xf32>, vector<128x2xf32>, vector<1024x2xf32> -> vector<1024x2xf32>
    %max3A_56 = arith.constant 1.000000e+00 : f32
    %max3A_57 = vector.broadcast %max3A_56 : f32 to vector<1024x2xf32>
    %max3A_58 = arith.maximumf %dot_general3A_55, %max3A_57 : vector<1024x2xf32>
    %rsqrt3A_59 = math.rsqrt %max3A_58 : vector<1024x2xf32>
    %dot_general3A_60 = arith.constant dense<0.000000e+00> : vector<1024x128xf32>
    %dot_general3A_61 = tpu.matmul %rsqrt3A_59, %select_n3A_25, %dot_general3A_60 {dimension_numbers = #tpu.dot_dimension_numbers<[1], [0], [0], [1], [0, 0, 1, 1], [], []>, transpose_lhs_hint = false} : vector<1024x2xf32>, vector<2x128xf32>, vector<1024x128xf32> -> vector<1024x128xf32>
    %mul3A_62 = arith.mulf %get3A_52, %dot_general3A_61 : vector<1024x128xf32>
    %get3A_63 = arith.constant 0 : index
    %get3A_64 = arith.constant 0 : index
    %get3A_65 = vector.load %arg5[%get3A_63, %get3A_64] : memref<16x64xf32, #tpu.memory_space<vmem>>, vector<16x64xf32>
    %mul3A_66 = arith.mulf %get3A_65, %get3A_65 : vector<16x64xf32>
    %reduce_sum3A = arith.constant dense<0.000000e+00> : vector<16xf32>
    %reduce_sum3A_67 = vector.multi_reduction <add>, %mul3A_66, %reduce_sum3A [1] : vector<16x64xf32> to vector<16xf32>
    %broadcast_in_dim3A_68 = vector.shape_cast %reduce_sum3A_67 : vector<16xf32> to vector<16x1xf32>
    %max3A_69 = arith.constant 1.000000e+00 : f32
    %max3A_70 = vector.broadcast %max3A_69 : f32 to vector<16x1xf32>
    %max3A_71 = arith.maximumf %broadcast_in_dim3A_68, %max3A_70 : vector<16x1xf32>
    %rsqrt3A_72 = math.rsqrt %max3A_71 : vector<16x1xf32>
    %mul3A_73 = vector.broadcast %rsqrt3A_72 : vector<16x1xf32> to vector<16x64xf32>
    %mul3A_74 = arith.mulf %get3A_65, %mul3A_73 : vector<16x64xf32>
    %slice3A = vector.extract_strided_slice %mul3A_49 {offsets = [0, 0], sizes = [1024, 64], strides = [1, 1]} : vector<1024x128xf32> to vector<1024x64xf32>
    %dot_general3A_75 = arith.constant dense<0.000000e+00> : vector<1024x16xf32>
    %dot_general3A_76 = tpu.matmul %slice3A, %mul3A_74, %dot_general3A_75 {dimension_numbers = #tpu.dot_dimension_numbers<[1], [1], [0], [0], [0, 0, 1, 0], [], []>, transpose_lhs_hint = false} : vector<1024x64xf32>, vector<16x64xf32>, vector<1024x16xf32> -> vector<1024x16xf32>
    %slice3A_77 = vector.extract_strided_slice %mul3A_49 {offsets = [0, 64], sizes = [1024, 64], strides = [1, 1]} : vector<1024x128xf32> to vector<1024x64xf32>
    %dot_general3A_78 = arith.constant dense<0.000000e+00> : vector<1024x16xf32>
    %dot_general3A_79 = tpu.matmul %slice3A_77, %mul3A_74, %dot_general3A_78 {dimension_numbers = #tpu.dot_dimension_numbers<[1], [1], [0], [0], [0, 0, 1, 0], [], []>, transpose_lhs_hint = false} : vector<1024x64xf32>, vector<16x64xf32>, vector<1024x16xf32> -> vector<1024x16xf32>
    %get3A_80 = arith.constant 0 : index
    %get3A_81 = arith.constant 0 : index
    %get3A_82 = vector.load %arg4[%get3A_80, %get3A_81] : memref<1024x40xi32, #tpu.memory_space<vmem>>, vector<1024x40xi32>
    %broadcast_in_dim3A_83 = arith.constant 0.000000e+00 : f32
    %broadcast_in_dim3A_84 = vector.broadcast %broadcast_in_dim3A_83 : f32 to vector<1024x40xf32>
    %slice3A_85 = vector.extract_strided_slice %dot_general3A_76 {offsets = [0, 0], sizes = [1024, 1], strides = [1, 1]} : vector<1024x16xf32> to vector<1024x1xf32>
    %slice3A_86 = vector.extract_strided_slice %dot_general3A_79 {offsets = [0, 0], sizes = [1024, 1], strides = [1, 1]} : vector<1024x16xf32> to vector<1024x1xf32>
    %concatenate3A = tpu.concatenate %slice3A_85, %slice3A_86 in 1 : vector<1024x1xf32>, vector<1024x1xf32> -> vector<1024x2xf32>
    %dot_general3A_87 = arith.constant dense<0.000000e+00> : vector<1024x40xf32>
    %dot_general3A_88 = tpu.matmul %concatenate3A, %select_n3A_41, %dot_general3A_87 {dimension_numbers = #tpu.dot_dimension_numbers<[1], [0], [0], [1], [0, 0, 1, 1], [], []>, transpose_lhs_hint = false} : vector<1024x2xf32>, vector<2x40xf32>, vector<1024x40xf32> -> vector<1024x40xf32>
    %eq3A_89 = arith.constant 0 : i32
    %eq3A_90 = vector.broadcast %eq3A_89 : i32 to vector<1024x40xi32>
    %eq3A_91 = arith.cmpi eq, %get3A_82, %eq3A_90 : vector<1024x40xi32>
    %select_n3A_92 = arith.select %eq3A_91, %dot_general3A_88, %broadcast_in_dim3A_84 : vector<1024x40xi1>, vector<1024x40xf32>
    %slice3A_93 = vector.extract_strided_slice %dot_general3A_76 {offsets = [0, 1], sizes = [1024, 1], strides = [1, 1]} : vector<1024x16xf32> to vector<1024x1xf32>
    %slice3A_94 = vector.extract_strided_slice %dot_general3A_79 {offsets = [0, 1], sizes = [1024, 1], strides = [1, 1]} : vector<1024x16xf32> to vector<1024x1xf32>
    %concatenate3A_95 = tpu.concatenate %slice3A_93, %slice3A_94 in 1 : vector<1024x1xf32>, vector<1024x1xf32> -> vector<1024x2xf32>
    %dot_general3A_96 = arith.constant dense<0.000000e+00> : vector<1024x40xf32>
    %dot_general3A_97 = tpu.matmul %concatenate3A_95, %select_n3A_41, %dot_general3A_96 {dimension_numbers = #tpu.dot_dimension_numbers<[1], [0], [0], [1], [0, 0, 1, 1], [], []>, transpose_lhs_hint = false} : vector<1024x2xf32>, vector<2x40xf32>, vector<1024x40xf32> -> vector<1024x40xf32>
    %eq3A_98 = arith.constant 1 : i32
    %eq3A_99 = vector.broadcast %eq3A_98 : i32 to vector<1024x40xi32>
    %eq3A_100 = arith.cmpi eq, %get3A_82, %eq3A_99 : vector<1024x40xi32>
    %select_n3A_101 = arith.select %eq3A_100, %dot_general3A_97, %select_n3A_92 : vector<1024x40xi1>, vector<1024x40xf32>
    %slice3A_102 = vector.extract_strided_slice %dot_general3A_76 {offsets = [0, 2], sizes = [1024, 1], strides = [1, 1]} : vector<1024x16xf32> to vector<1024x1xf32>
    %slice3A_103 = vector.extract_strided_slice %dot_general3A_79 {offsets = [0, 2], sizes = [1024, 1], strides = [1, 1]} : vector<1024x16xf32> to vector<1024x1xf32>
    %concatenate3A_104 = tpu.concatenate %slice3A_102, %slice3A_103 in 1 : vector<1024x1xf32>, vector<1024x1xf32> -> vector<1024x2xf32>
    %dot_general3A_105 = arith.constant dense<0.000000e+00> : vector<1024x40xf32>
    %dot_general3A_106 = tpu.matmul %concatenate3A_104, %select_n3A_41, %dot_general3A_105 {dimension_numbers = #tpu.dot_dimension_numbers<[1], [0], [0], [1], [0, 0, 1, 1], [], []>, transpose_lhs_hint = false} : vector<1024x2xf32>, vector<2x40xf32>, vector<1024x40xf32> -> vector<1024x40xf32>
    %eq3A_107 = arith.constant 2 : i32
    %eq3A_108 = vector.broadcast %eq3A_107 : i32 to vector<1024x40xi32>
    %eq3A_109 = arith.cmpi eq, %get3A_82, %eq3A_108 : vector<1024x40xi32>
    %select_n3A_110 = arith.select %eq3A_109, %dot_general3A_106, %select_n3A_101 : vector<1024x40xi1>, vector<1024x40xf32>
    %slice3A_111 = vector.extract_strided_slice %dot_general3A_76 {offsets = [0, 3], sizes = [1024, 1], strides = [1, 1]} : vector<1024x16xf32> to vector<1024x1xf32>
    %slice3A_112 = vector.extract_strided_slice %dot_general3A_79 {offsets = [0, 3], sizes = [1024, 1], strides = [1, 1]} : vector<1024x16xf32> to vector<1024x1xf32>
    %concatenate3A_113 = tpu.concatenate %slice3A_111, %slice3A_112 in 1 : vector<1024x1xf32>, vector<1024x1xf32> -> vector<1024x2xf32>
    %dot_general3A_114 = arith.constant dense<0.000000e+00> : vector<1024x40xf32>
    %dot_general3A_115 = tpu.matmul %concatenate3A_113, %select_n3A_41, %dot_general3A_114 {dimension_numbers = #tpu.dot_dimension_numbers<[1], [0], [0], [1], [0, 0, 1, 1], [], []>, transpose_lhs_hint = false} : vector<1024x2xf32>, vector<2x40xf32>, vector<1024x40xf32> -> vector<1024x40xf32>
    %eq3A_116 = arith.constant 3 : i32
    %eq3A_117 = vector.broadcast %eq3A_116 : i32 to vector<1024x40xi32>
    %eq3A_118 = arith.cmpi eq, %get3A_82, %eq3A_117 : vector<1024x40xi32>
    %select_n3A_119 = arith.select %eq3A_118, %dot_general3A_115, %select_n3A_110 : vector<1024x40xi1>, vector<1024x40xf32>
    %slice3A_120 = vector.extract_strided_slice %dot_general3A_76 {offsets = [0, 4], sizes = [1024, 1], strides = [1, 1]} : vector<1024x16xf32> to vector<1024x1xf32>
    %slice3A_121 = vector.extract_strided_slice %dot_general3A_79 {offsets = [0, 4], sizes = [1024, 1], strides = [1, 1]} : vector<1024x16xf32> to vector<1024x1xf32>
    %concatenate3A_122 = tpu.concatenate %slice3A_120, %slice3A_121 in 1 : vector<1024x1xf32>, vector<1024x1xf32> -> vector<1024x2xf32>
    %dot_general3A_123 = arith.constant dense<0.000000e+00> : vector<1024x40xf32>
    %dot_general3A_124 = tpu.matmul %concatenate3A_122, %select_n3A_41, %dot_general3A_123 {dimension_numbers = #tpu.dot_dimension_numbers<[1], [0], [0], [1], [0, 0, 1, 1], [], []>, transpose_lhs_hint = false} : vector<1024x2xf32>, vector<2x40xf32>, vector<1024x40xf32> -> vector<1024x40xf32>
    %eq3A_125 = arith.constant 4 : i32
    %eq3A_126 = vector.broadcast %eq3A_125 : i32 to vector<1024x40xi32>
    %eq3A_127 = arith.cmpi eq, %get3A_82, %eq3A_126 : vector<1024x40xi32>
    %select_n3A_128 = arith.select %eq3A_127, %dot_general3A_124, %select_n3A_119 : vector<1024x40xi1>, vector<1024x40xf32>
    %slice3A_129 = vector.extract_strided_slice %dot_general3A_76 {offsets = [0, 5], sizes = [1024, 1], strides = [1, 1]} : vector<1024x16xf32> to vector<1024x1xf32>
    %slice3A_130 = vector.extract_strided_slice %dot_general3A_79 {offsets = [0, 5], sizes = [1024, 1], strides = [1, 1]} : vector<1024x16xf32> to vector<1024x1xf32>
    %concatenate3A_131 = tpu.concatenate %slice3A_129, %slice3A_130 in 1 : vector<1024x1xf32>, vector<1024x1xf32> -> vector<1024x2xf32>
    %dot_general3A_132 = arith.constant dense<0.000000e+00> : vector<1024x40xf32>
    %dot_general3A_133 = tpu.matmul %concatenate3A_131, %select_n3A_41, %dot_general3A_132 {dimension_numbers = #tpu.dot_dimension_numbers<[1], [0], [0], [1], [0, 0, 1, 1], [], []>, transpose_lhs_hint = false} : vector<1024x2xf32>, vector<2x40xf32>, vector<1024x40xf32> -> vector<1024x40xf32>
    %eq3A_134 = arith.constant 5 : i32
    %eq3A_135 = vector.broadcast %eq3A_134 : i32 to vector<1024x40xi32>
    %eq3A_136 = arith.cmpi eq, %get3A_82, %eq3A_135 : vector<1024x40xi32>
    %select_n3A_137 = arith.select %eq3A_136, %dot_general3A_133, %select_n3A_128 : vector<1024x40xi1>, vector<1024x40xf32>
    %slice3A_138 = vector.extract_strided_slice %dot_general3A_76 {offsets = [0, 6], sizes = [1024, 1], strides = [1, 1]} : vector<1024x16xf32> to vector<1024x1xf32>
    %slice3A_139 = vector.extract_strided_slice %dot_general3A_79 {offsets = [0, 6], sizes = [1024, 1], strides = [1, 1]} : vector<1024x16xf32> to vector<1024x1xf32>
    %concatenate3A_140 = tpu.concatenate %slice3A_138, %slice3A_139 in 1 : vector<1024x1xf32>, vector<1024x1xf32> -> vector<1024x2xf32>
    %dot_general3A_141 = arith.constant dense<0.000000e+00> : vector<1024x40xf32>
    %dot_general3A_142 = tpu.matmul %concatenate3A_140, %select_n3A_41, %dot_general3A_141 {dimension_numbers = #tpu.dot_dimension_numbers<[1], [0], [0], [1], [0, 0, 1, 1], [], []>, transpose_lhs_hint = false} : vector<1024x2xf32>, vector<2x40xf32>, vector<1024x40xf32> -> vector<1024x40xf32>
    %eq3A_143 = arith.constant 6 : i32
    %eq3A_144 = vector.broadcast %eq3A_143 : i32 to vector<1024x40xi32>
    %eq3A_145 = arith.cmpi eq, %get3A_82, %eq3A_144 : vector<1024x40xi32>
    %select_n3A_146 = arith.select %eq3A_145, %dot_general3A_142, %select_n3A_137 : vector<1024x40xi1>, vector<1024x40xf32>
    %slice3A_147 = vector.extract_strided_slice %dot_general3A_76 {offsets = [0, 7], sizes = [1024, 1], strides = [1, 1]} : vector<1024x16xf32> to vector<1024x1xf32>
    %slice3A_148 = vector.extract_strided_slice %dot_general3A_79 {offsets = [0, 7], sizes = [1024, 1], strides = [1, 1]} : vector<1024x16xf32> to vector<1024x1xf32>
    %concatenate3A_149 = tpu.concatenate %slice3A_147, %slice3A_148 in 1 : vector<1024x1xf32>, vector<1024x1xf32> -> vector<1024x2xf32>
    %dot_general3A_150 = arith.constant dense<0.000000e+00> : vector<1024x40xf32>
    %dot_general3A_151 = tpu.matmul %concatenate3A_149, %select_n3A_41, %dot_general3A_150 {dimension_numbers = #tpu.dot_dimension_numbers<[1], [0], [0], [1], [0, 0, 1, 1], [], []>, transpose_lhs_hint = false} : vector<1024x2xf32>, vector<2x40xf32>, vector<1024x40xf32> -> vector<1024x40xf32>
    %eq3A_152 = arith.constant 7 : i32
    %eq3A_153 = vector.broadcast %eq3A_152 : i32 to vector<1024x40xi32>
    %eq3A_154 = arith.cmpi eq, %get3A_82, %eq3A_153 : vector<1024x40xi32>
    %select_n3A_155 = arith.select %eq3A_154, %dot_general3A_151, %select_n3A_146 : vector<1024x40xi1>, vector<1024x40xf32>
    %slice3A_156 = vector.extract_strided_slice %dot_general3A_76 {offsets = [0, 8], sizes = [1024, 1], strides = [1, 1]} : vector<1024x16xf32> to vector<1024x1xf32>
    %slice3A_157 = vector.extract_strided_slice %dot_general3A_79 {offsets = [0, 8], sizes = [1024, 1], strides = [1, 1]} : vector<1024x16xf32> to vector<1024x1xf32>
    %concatenate3A_158 = tpu.concatenate %slice3A_156, %slice3A_157 in 1 : vector<1024x1xf32>, vector<1024x1xf32> -> vector<1024x2xf32>
    %dot_general3A_159 = arith.constant dense<0.000000e+00> : vector<1024x40xf32>
    %dot_general3A_160 = tpu.matmul %concatenate3A_158, %select_n3A_41, %dot_general3A_159 {dimension_numbers = #tpu.dot_dimension_numbers<[1], [0], [0], [1], [0, 0, 1, 1], [], []>, transpose_lhs_hint = false} : vector<1024x2xf32>, vector<2x40xf32>, vector<1024x40xf32> -> vector<1024x40xf32>
    %eq3A_161 = arith.constant 8 : i32
    %eq3A_162 = vector.broadcast %eq3A_161 : i32 to vector<1024x40xi32>
    %eq3A_163 = arith.cmpi eq, %get3A_82, %eq3A_162 : vector<1024x40xi32>
    %select_n3A_164 = arith.select %eq3A_163, %dot_general3A_160, %select_n3A_155 : vector<1024x40xi1>, vector<1024x40xf32>
    %slice3A_165 = vector.extract_strided_slice %dot_general3A_76 {offsets = [0, 9], sizes = [1024, 1], strides = [1, 1]} : vector<1024x16xf32> to vector<1024x1xf32>
    %slice3A_166 = vector.extract_strided_slice %dot_general3A_79 {offsets = [0, 9], sizes = [1024, 1], strides = [1, 1]} : vector<1024x16xf32> to vector<1024x1xf32>
    %concatenate3A_167 = tpu.concatenate %slice3A_165, %slice3A_166 in 1 : vector<1024x1xf32>, vector<1024x1xf32> -> vector<1024x2xf32>
    %dot_general3A_168 = arith.constant dense<0.000000e+00> : vector<1024x40xf32>
    %dot_general3A_169 = tpu.matmul %concatenate3A_167, %select_n3A_41, %dot_general3A_168 {dimension_numbers = #tpu.dot_dimension_numbers<[1], [0], [0], [1], [0, 0, 1, 1], [], []>, transpose_lhs_hint = false} : vector<1024x2xf32>, vector<2x40xf32>, vector<1024x40xf32> -> vector<1024x40xf32>
    %eq3A_170 = arith.constant 9 : i32
    %eq3A_171 = vector.broadcast %eq3A_170 : i32 to vector<1024x40xi32>
    %eq3A_172 = arith.cmpi eq, %get3A_82, %eq3A_171 : vector<1024x40xi32>
    %select_n3A_173 = arith.select %eq3A_172, %dot_general3A_169, %select_n3A_164 : vector<1024x40xi1>, vector<1024x40xf32>
    %slice3A_174 = vector.extract_strided_slice %dot_general3A_76 {offsets = [0, 10], sizes = [1024, 1], strides = [1, 1]} : vector<1024x16xf32> to vector<1024x1xf32>
    %slice3A_175 = vector.extract_strided_slice %dot_general3A_79 {offsets = [0, 10], sizes = [1024, 1], strides = [1, 1]} : vector<1024x16xf32> to vector<1024x1xf32>
    %concatenate3A_176 = tpu.concatenate %slice3A_174, %slice3A_175 in 1 : vector<1024x1xf32>, vector<1024x1xf32> -> vector<1024x2xf32>
    %dot_general3A_177 = arith.constant dense<0.000000e+00> : vector<1024x40xf32>
    %dot_general3A_178 = tpu.matmul %concatenate3A_176, %select_n3A_41, %dot_general3A_177 {dimension_numbers = #tpu.dot_dimension_numbers<[1], [0], [0], [1], [0, 0, 1, 1], [], []>, transpose_lhs_hint = false} : vector<1024x2xf32>, vector<2x40xf32>, vector<1024x40xf32> -> vector<1024x40xf32>
    %eq3A_179 = arith.constant 10 : i32
    %eq3A_180 = vector.broadcast %eq3A_179 : i32 to vector<1024x40xi32>
    %eq3A_181 = arith.cmpi eq, %get3A_82, %eq3A_180 : vector<1024x40xi32>
    %select_n3A_182 = arith.select %eq3A_181, %dot_general3A_178, %select_n3A_173 : vector<1024x40xi1>, vector<1024x40xf32>
    %slice3A_183 = vector.extract_strided_slice %dot_general3A_76 {offsets = [0, 11], sizes = [1024, 1], strides = [1, 1]} : vector<1024x16xf32> to vector<1024x1xf32>
    %slice3A_184 = vector.extract_strided_slice %dot_general3A_79 {offsets = [0, 11], sizes = [1024, 1], strides = [1, 1]} : vector<1024x16xf32> to vector<1024x1xf32>
    %concatenate3A_185 = tpu.concatenate %slice3A_183, %slice3A_184 in 1 : vector<1024x1xf32>, vector<1024x1xf32> -> vector<1024x2xf32>
    %dot_general3A_186 = arith.constant dense<0.000000e+00> : vector<1024x40xf32>
    %dot_general3A_187 = tpu.matmul %concatenate3A_185, %select_n3A_41, %dot_general3A_186 {dimension_numbers = #tpu.dot_dimension_numbers<[1], [0], [0], [1], [0, 0, 1, 1], [], []>, transpose_lhs_hint = false} : vector<1024x2xf32>, vector<2x40xf32>, vector<1024x40xf32> -> vector<1024x40xf32>
    %eq3A_188 = arith.constant 11 : i32
    %eq3A_189 = vector.broadcast %eq3A_188 : i32 to vector<1024x40xi32>
    %eq3A_190 = arith.cmpi eq, %get3A_82, %eq3A_189 : vector<1024x40xi32>
    %select_n3A_191 = arith.select %eq3A_190, %dot_general3A_187, %select_n3A_182 : vector<1024x40xi1>, vector<1024x40xf32>
    %slice3A_192 = vector.extract_strided_slice %dot_general3A_76 {offsets = [0, 12], sizes = [1024, 1], strides = [1, 1]} : vector<1024x16xf32> to vector<1024x1xf32>
    %slice3A_193 = vector.extract_strided_slice %dot_general3A_79 {offsets = [0, 12], sizes = [1024, 1], strides = [1, 1]} : vector<1024x16xf32> to vector<1024x1xf32>
    %concatenate3A_194 = tpu.concatenate %slice3A_192, %slice3A_193 in 1 : vector<1024x1xf32>, vector<1024x1xf32> -> vector<1024x2xf32>
    %dot_general3A_195 = arith.constant dense<0.000000e+00> : vector<1024x40xf32>
    %dot_general3A_196 = tpu.matmul %concatenate3A_194, %select_n3A_41, %dot_general3A_195 {dimension_numbers = #tpu.dot_dimension_numbers<[1], [0], [0], [1], [0, 0, 1, 1], [], []>, transpose_lhs_hint = false} : vector<1024x2xf32>, vector<2x40xf32>, vector<1024x40xf32> -> vector<1024x40xf32>
    %eq3A_197 = arith.constant 12 : i32
    %eq3A_198 = vector.broadcast %eq3A_197 : i32 to vector<1024x40xi32>
    %eq3A_199 = arith.cmpi eq, %get3A_82, %eq3A_198 : vector<1024x40xi32>
    %select_n3A_200 = arith.select %eq3A_199, %dot_general3A_196, %select_n3A_191 : vector<1024x40xi1>, vector<1024x40xf32>
    %slice3A_201 = vector.extract_strided_slice %dot_general3A_76 {offsets = [0, 13], sizes = [1024, 1], strides = [1, 1]} : vector<1024x16xf32> to vector<1024x1xf32>
    %slice3A_202 = vector.extract_strided_slice %dot_general3A_79 {offsets = [0, 13], sizes = [1024, 1], strides = [1, 1]} : vector<1024x16xf32> to vector<1024x1xf32>
    %concatenate3A_203 = tpu.concatenate %slice3A_201, %slice3A_202 in 1 : vector<1024x1xf32>, vector<1024x1xf32> -> vector<1024x2xf32>
    %dot_general3A_204 = arith.constant dense<0.000000e+00> : vector<1024x40xf32>
    %dot_general3A_205 = tpu.matmul %concatenate3A_203, %select_n3A_41, %dot_general3A_204 {dimension_numbers = #tpu.dot_dimension_numbers<[1], [0], [0], [1], [0, 0, 1, 1], [], []>, transpose_lhs_hint = false} : vector<1024x2xf32>, vector<2x40xf32>, vector<1024x40xf32> -> vector<1024x40xf32>
    %eq3A_206 = arith.constant 13 : i32
    %eq3A_207 = vector.broadcast %eq3A_206 : i32 to vector<1024x40xi32>
    %eq3A_208 = arith.cmpi eq, %get3A_82, %eq3A_207 : vector<1024x40xi32>
    %select_n3A_209 = arith.select %eq3A_208, %dot_general3A_205, %select_n3A_200 : vector<1024x40xi1>, vector<1024x40xf32>
    %slice3A_210 = vector.extract_strided_slice %dot_general3A_76 {offsets = [0, 14], sizes = [1024, 1], strides = [1, 1]} : vector<1024x16xf32> to vector<1024x1xf32>
    %slice3A_211 = vector.extract_strided_slice %dot_general3A_79 {offsets = [0, 14], sizes = [1024, 1], strides = [1, 1]} : vector<1024x16xf32> to vector<1024x1xf32>
    %concatenate3A_212 = tpu.concatenate %slice3A_210, %slice3A_211 in 1 : vector<1024x1xf32>, vector<1024x1xf32> -> vector<1024x2xf32>
    %dot_general3A_213 = arith.constant dense<0.000000e+00> : vector<1024x40xf32>
    %dot_general3A_214 = tpu.matmul %concatenate3A_212, %select_n3A_41, %dot_general3A_213 {dimension_numbers = #tpu.dot_dimension_numbers<[1], [0], [0], [1], [0, 0, 1, 1], [], []>, transpose_lhs_hint = false} : vector<1024x2xf32>, vector<2x40xf32>, vector<1024x40xf32> -> vector<1024x40xf32>
    %eq3A_215 = arith.constant 14 : i32
    %eq3A_216 = vector.broadcast %eq3A_215 : i32 to vector<1024x40xi32>
    %eq3A_217 = arith.cmpi eq, %get3A_82, %eq3A_216 : vector<1024x40xi32>
    %select_n3A_218 = arith.select %eq3A_217, %dot_general3A_214, %select_n3A_209 : vector<1024x40xi1>, vector<1024x40xf32>
    %slice3A_219 = vector.extract_strided_slice %dot_general3A_76 {offsets = [0, 15], sizes = [1024, 1], strides = [1, 1]} : vector<1024x16xf32> to vector<1024x1xf32>
    %slice3A_220 = vector.extract_strided_slice %dot_general3A_79 {offsets = [0, 15], sizes = [1024, 1], strides = [1, 1]} : vector<1024x16xf32> to vector<1024x1xf32>
    %concatenate3A_221 = tpu.concatenate %slice3A_219, %slice3A_220 in 1 : vector<1024x1xf32>, vector<1024x1xf32> -> vector<1024x2xf32>
    %dot_general3A_222 = arith.constant dense<0.000000e+00> : vector<1024x40xf32>
    %dot_general3A_223 = tpu.matmul %concatenate3A_221, %select_n3A_41, %dot_general3A_222 {dimension_numbers = #tpu.dot_dimension_numbers<[1], [0], [0], [1], [0, 0, 1, 1], [], []>, transpose_lhs_hint = false} : vector<1024x2xf32>, vector<2x40xf32>, vector<1024x40xf32> -> vector<1024x40xf32>
    %eq3A_224 = arith.constant 15 : i32
    %eq3A_225 = vector.broadcast %eq3A_224 : i32 to vector<1024x40xi32>
    %eq3A_226 = arith.cmpi eq, %get3A_82, %eq3A_225 : vector<1024x40xi32>
    %select_n3A_227 = arith.select %eq3A_226, %dot_general3A_223, %select_n3A_218 : vector<1024x40xi1>, vector<1024x40xf32>
    %slice3A_228 = vector.extract_strided_slice %select_n3A_227 {offsets = [0, 0], sizes = [1024, 20], strides = [1, 1]} : vector<1024x40xf32> to vector<1024x20xf32>
    %reduce_max3A = arith.constant dense<0xFF800000> : vector<1024xf32>
    %reduce_max3A_229 = vector.multi_reduction <maximumf>, %slice3A_228, %reduce_max3A [1] : vector<1024x20xf32> to vector<1024xf32>
    %broadcast_in_dim3A_230 = vector.shape_cast %reduce_max3A_229 : vector<1024xf32> to vector<1024x1xf32>
    %slice3A_231 = vector.extract_strided_slice %select_n3A_227 {offsets = [0, 20], sizes = [1024, 20], strides = [1, 1]} : vector<1024x40xf32> to vector<1024x20xf32>
    %reduce_max3A_232 = arith.constant dense<0xFF800000> : vector<1024xf32>
    %reduce_max3A_233 = vector.multi_reduction <maximumf>, %slice3A_231, %reduce_max3A_232 [1] : vector<1024x20xf32> to vector<1024xf32>
    %broadcast_in_dim3A_234 = vector.shape_cast %reduce_max3A_233 : vector<1024xf32> to vector<1024x1xf32>
    %concatenate3A_235 = tpu.concatenate %broadcast_in_dim3A_230, %broadcast_in_dim3A_234 in 1 : vector<1024x1xf32>, vector<1024x1xf32> -> vector<1024x2xf32>
    %dot_general3A_236 = arith.constant dense<0.000000e+00> : vector<1024x40xf32>
    %dot_general3A_237 = tpu.matmul %concatenate3A_235, %select_n3A_41, %dot_general3A_236 {dimension_numbers = #tpu.dot_dimension_numbers<[1], [0], [0], [1], [0, 0, 1, 1], [], []>, transpose_lhs_hint = false} : vector<1024x2xf32>, vector<2x40xf32>, vector<1024x40xf32> -> vector<1024x40xf32>
    %sub3A = arith.subf %select_n3A_227, %dot_general3A_237 : vector<1024x40xf32>
    %exp3A = math.exp %sub3A : vector<1024x40xf32>
    %slice3A_238 = vector.extract_strided_slice %exp3A {offsets = [0, 0], sizes = [1024, 20], strides = [1, 1]} : vector<1024x40xf32> to vector<1024x20xf32>
    %reduce_sum3A_239 = arith.constant dense<0.000000e+00> : vector<1024xf32>
    %reduce_sum3A_240 = vector.multi_reduction <add>, %slice3A_238, %reduce_sum3A_239 [1] : vector<1024x20xf32> to vector<1024xf32>
    %broadcast_in_dim3A_241 = vector.shape_cast %reduce_sum3A_240 : vector<1024xf32> to vector<1024x1xf32>
    %slice3A_242 = vector.extract_strided_slice %exp3A {offsets = [0, 20], sizes = [1024, 20], strides = [1, 1]} : vector<1024x40xf32> to vector<1024x20xf32>
    %reduce_sum3A_243 = arith.constant dense<0.000000e+00> : vector<1024xf32>
    %reduce_sum3A_244 = vector.multi_reduction <add>, %slice3A_242, %reduce_sum3A_243 [1] : vector<1024x20xf32> to vector<1024xf32>
    %broadcast_in_dim3A_245 = vector.shape_cast %reduce_sum3A_244 : vector<1024xf32> to vector<1024x1xf32>
    %concatenate3A_246 = tpu.concatenate %broadcast_in_dim3A_241, %broadcast_in_dim3A_245 in 1 : vector<1024x1xf32>, vector<1024x1xf32> -> vector<1024x2xf32>
    %div3A = arith.constant 1.000000e+00 : f32
    %div3A_247 = vector.broadcast %div3A : f32 to vector<1024x2xf32>
    %div3A_248 = arith.divf %div3A_247, %concatenate3A_246 : vector<1024x2xf32>
    %dot_general3A_249 = arith.constant dense<0.000000e+00> : vector<1024x40xf32>
    %dot_general3A_250 = tpu.matmul %div3A_248, %select_n3A_41, %dot_general3A_249 {dimension_numbers = #tpu.dot_dimension_numbers<[1], [0], [0], [1], [0, 0, 1, 1], [], []>, transpose_lhs_hint = false} : vector<1024x2xf32>, vector<2x40xf32>, vector<1024x40xf32> -> vector<1024x40xf32>
    %mul3A_251 = arith.mulf %exp3A, %dot_general3A_250 : vector<1024x40xf32>
    %broadcast_in_dim3A_252 = arith.constant 0.000000e+00 : f32
    %broadcast_in_dim3A_253 = vector.broadcast %broadcast_in_dim3A_252 : f32 to vector<1024x128xf32>
    %broadcast_in_dim3A_254 = arith.constant 0.000000e+00 : f32
    %broadcast_in_dim3A_255 = vector.broadcast %broadcast_in_dim3A_254 : f32 to vector<1024x128xf32>
    %get3A_256 = arith.constant 0 : index
    %get3A_257 = arith.constant 0 : index
    %get3A_258 = arith.constant 0 : index
    %get3A_259 = vector.load %arg3[%get3A_256, %get3A_257, %get3A_258] : memref<20x1024x128xf32, #tpu.memory_space<vmem>>, vector<1x1024x128xf32>
    %get3A_260 = vector.shape_cast %get3A_259 : vector<1x1024x128xf32> to vector<1024x128xf32>
    %mul3A_261 = arith.mulf %get3A_260, %get3A_260 : vector<1024x128xf32>
    %dot_general3A_262 = arith.constant dense<0.000000e+00> : vector<1024x2xf32>
    %dot_general3A_263 = tpu.matmul %mul3A_261, %select_n3A, %dot_general3A_262 {dimension_numbers = #tpu.dot_dimension_numbers<[1], [0], [0], [1], [0, 0, 1, 1], [], []>, transpose_lhs_hint = false} : vector<1024x128xf32>, vector<128x2xf32>, vector<1024x2xf32> -> vector<1024x2xf32>
    %max3A_264 = arith.constant 1.000000e+00 : f32
    %max3A_265 = vector.broadcast %max3A_264 : f32 to vector<1024x2xf32>
    %max3A_266 = arith.maximumf %dot_general3A_263, %max3A_265 : vector<1024x2xf32>
    %rsqrt3A_267 = math.rsqrt %max3A_266 : vector<1024x2xf32>
    %slice3A_268 = vector.extract_strided_slice %mul3A_251 {offsets = [0, 0], sizes = [1024, 1], strides = [1, 1]} : vector<1024x40xf32> to vector<1024x1xf32>
    %slice3A_269 = vector.extract_strided_slice %mul3A_251 {offsets = [0, 20], sizes = [1024, 1], strides = [1, 1]} : vector<1024x40xf32> to vector<1024x1xf32>
    %concatenate3A_270 = tpu.concatenate %slice3A_268, %slice3A_269 in 1 : vector<1024x1xf32>, vector<1024x1xf32> -> vector<1024x2xf32>
    %mul3A_271 = arith.mulf %rsqrt3A_267, %concatenate3A_270 : vector<1024x2xf32>
    %dot_general3A_272 = arith.constant dense<0.000000e+00> : vector<1024x128xf32>
    %dot_general3A_273 = tpu.matmul %mul3A_271, %select_n3A_25, %dot_general3A_272 {dimension_numbers = #tpu.dot_dimension_numbers<[1], [0], [0], [1], [0, 0, 1, 1], [], []>, transpose_lhs_hint = false} : vector<1024x2xf32>, vector<2x128xf32>, vector<1024x128xf32> -> vector<1024x128xf32>
    %mul3A_274 = arith.mulf %get3A_260, %dot_general3A_273 : vector<1024x128xf32>
    %add3A = arith.addf %broadcast_in_dim3A_253, %mul3A_274 : vector<1024x128xf32>
    %mul3A_275 = arith.mulf %mul3A_274, %mul3A_274 : vector<1024x128xf32>
    %add3A_276 = arith.addf %broadcast_in_dim3A_255, %mul3A_275 : vector<1024x128xf32>
    %get3A_277 = arith.constant 1 : index
    %get3A_278 = arith.constant 0 : index
    %get3A_279 = arith.constant 0 : index
    %get3A_280 = vector.load %arg3[%get3A_277, %get3A_278, %get3A_279] : memref<20x1024x128xf32, #tpu.memory_space<vmem>>, vector<1x1024x128xf32>
    %get3A_281 = vector.shape_cast %get3A_280 : vector<1x1024x128xf32> to vector<1024x128xf32>
    %mul3A_282 = arith.mulf %get3A_281, %get3A_281 : vector<1024x128xf32>
    %dot_general3A_283 = arith.constant dense<0.000000e+00> : vector<1024x2xf32>
    %dot_general3A_284 = tpu.matmul %mul3A_282, %select_n3A, %dot_general3A_283 {dimension_numbers = #tpu.dot_dimension_numbers<[1], [0], [0], [1], [0, 0, 1, 1], [], []>, transpose_lhs_hint = false} : vector<1024x128xf32>, vector<128x2xf32>, vector<1024x2xf32> -> vector<1024x2xf32>
    %max3A_285 = arith.constant 1.000000e+00 : f32
    %max3A_286 = vector.broadcast %max3A_285 : f32 to vector<1024x2xf32>
    %max3A_287 = arith.maximumf %dot_general3A_284, %max3A_286 : vector<1024x2xf32>
    %rsqrt3A_288 = math.rsqrt %max3A_287 : vector<1024x2xf32>
    %slice3A_289 = vector.extract_strided_slice %mul3A_251 {offsets = [0, 1], sizes = [1024, 1], strides = [1, 1]} : vector<1024x40xf32> to vector<1024x1xf32>
    %slice3A_290 = vector.extract_strided_slice %mul3A_251 {offsets = [0, 21], sizes = [1024, 1], strides = [1, 1]} : vector<1024x40xf32> to vector<1024x1xf32>
    %concatenate3A_291 = tpu.concatenate %slice3A_289, %slice3A_290 in 1 : vector<1024x1xf32>, vector<1024x1xf32> -> vector<1024x2xf32>
    %mul3A_292 = arith.mulf %rsqrt3A_288, %concatenate3A_291 : vector<1024x2xf32>
    %dot_general3A_293 = arith.constant dense<0.000000e+00> : vector<1024x128xf32>
    %dot_general3A_294 = tpu.matmul %mul3A_292, %select_n3A_25, %dot_general3A_293 {dimension_numbers = #tpu.dot_dimension_numbers<[1], [0], [0], [1], [0, 0, 1, 1], [], []>, transpose_lhs_hint = false} : vector<1024x2xf32>, vector<2x128xf32>, vector<1024x128xf32> -> vector<1024x128xf32>
    %mul3A_295 = arith.mulf %get3A_281, %dot_general3A_294 : vector<1024x128xf32>
    %add3A_296 = arith.addf %add3A, %mul3A_295 : vector<1024x128xf32>
    %mul3A_297 = arith.mulf %mul3A_295, %mul3A_295 : vector<1024x128xf32>
    %add3A_298 = arith.addf %add3A_276, %mul3A_297 : vector<1024x128xf32>
    %get3A_299 = arith.constant 2 : index
    %get3A_300 = arith.constant 0 : index
    %get3A_301 = arith.constant 0 : index
    %get3A_302 = vector.load %arg3[%get3A_299, %get3A_300, %get3A_301] : memref<20x1024x128xf32, #tpu.memory_space<vmem>>, vector<1x1024x128xf32>
    %get3A_303 = vector.shape_cast %get3A_302 : vector<1x1024x128xf32> to vector<1024x128xf32>
    %mul3A_304 = arith.mulf %get3A_303, %get3A_303 : vector<1024x128xf32>
    %dot_general3A_305 = arith.constant dense<0.000000e+00> : vector<1024x2xf32>
    %dot_general3A_306 = tpu.matmul %mul3A_304, %select_n3A, %dot_general3A_305 {dimension_numbers = #tpu.dot_dimension_numbers<[1], [0], [0], [1], [0, 0, 1, 1], [], []>, transpose_lhs_hint = false} : vector<1024x128xf32>, vector<128x2xf32>, vector<1024x2xf32> -> vector<1024x2xf32>
    %max3A_307 = arith.constant 1.000000e+00 : f32
    %max3A_308 = vector.broadcast %max3A_307 : f32 to vector<1024x2xf32>
    %max3A_309 = arith.maximumf %dot_general3A_306, %max3A_308 : vector<1024x2xf32>
    %rsqrt3A_310 = math.rsqrt %max3A_309 : vector<1024x2xf32>
    %slice3A_311 = vector.extract_strided_slice %mul3A_251 {offsets = [0, 2], sizes = [1024, 1], strides = [1, 1]} : vector<1024x40xf32> to vector<1024x1xf32>
    %slice3A_312 = vector.extract_strided_slice %mul3A_251 {offsets = [0, 22], sizes = [1024, 1], strides = [1, 1]} : vector<1024x40xf32> to vector<1024x1xf32>
    %concatenate3A_313 = tpu.concatenate %slice3A_311, %slice3A_312 in 1 : vector<1024x1xf32>, vector<1024x1xf32> -> vector<1024x2xf32>
    %mul3A_314 = arith.mulf %rsqrt3A_310, %concatenate3A_313 : vector<1024x2xf32>
    %dot_general3A_315 = arith.constant dense<0.000000e+00> : vector<1024x128xf32>
    %dot_general3A_316 = tpu.matmul %mul3A_314, %select_n3A_25, %dot_general3A_315 {dimension_numbers = #tpu.dot_dimension_numbers<[1], [0], [0], [1], [0, 0, 1, 1], [], []>, transpose_lhs_hint = false} : vector<1024x2xf32>, vector<2x128xf32>, vector<1024x128xf32> -> vector<1024x128xf32>
    %mul3A_317 = arith.mulf %get3A_303, %dot_general3A_316 : vector<1024x128xf32>
    %add3A_318 = arith.addf %add3A_296, %mul3A_317 : vector<1024x128xf32>
    %mul3A_319 = arith.mulf %mul3A_317, %mul3A_317 : vector<1024x128xf32>
    %add3A_320 = arith.addf %add3A_298, %mul3A_319 : vector<1024x128xf32>
    %get3A_321 = arith.constant 3 : index
    %get3A_322 = arith.constant 0 : index
    %get3A_323 = arith.constant 0 : index
    %get3A_324 = vector.load %arg3[%get3A_321, %get3A_322, %get3A_323] : memref<20x1024x128xf32, #tpu.memory_space<vmem>>, vector<1x1024x128xf32>
    %get3A_325 = vector.shape_cast %get3A_324 : vector<1x1024x128xf32> to vector<1024x128xf32>
    %mul3A_326 = arith.mulf %get3A_325, %get3A_325 : vector<1024x128xf32>
    %dot_general3A_327 = arith.constant dense<0.000000e+00> : vector<1024x2xf32>
    %dot_general3A_328 = tpu.matmul %mul3A_326, %select_n3A, %dot_general3A_327 {dimension_numbers = #tpu.dot_dimension_numbers<[1], [0], [0], [1], [0, 0, 1, 1], [], []>, transpose_lhs_hint = false} : vector<1024x128xf32>, vector<128x2xf32>, vector<1024x2xf32> -> vector<1024x2xf32>
    %max3A_329 = arith.constant 1.000000e+00 : f32
    %max3A_330 = vector.broadcast %max3A_329 : f32 to vector<1024x2xf32>
    %max3A_331 = arith.maximumf %dot_general3A_328, %max3A_330 : vector<1024x2xf32>
    %rsqrt3A_332 = math.rsqrt %max3A_331 : vector<1024x2xf32>
    %slice3A_333 = vector.extract_strided_slice %mul3A_251 {offsets = [0, 3], sizes = [1024, 1], strides = [1, 1]} : vector<1024x40xf32> to vector<1024x1xf32>
    %slice3A_334 = vector.extract_strided_slice %mul3A_251 {offsets = [0, 23], sizes = [1024, 1], strides = [1, 1]} : vector<1024x40xf32> to vector<1024x1xf32>
    %concatenate3A_335 = tpu.concatenate %slice3A_333, %slice3A_334 in 1 : vector<1024x1xf32>, vector<1024x1xf32> -> vector<1024x2xf32>
    %mul3A_336 = arith.mulf %rsqrt3A_332, %concatenate3A_335 : vector<1024x2xf32>
    %dot_general3A_337 = arith.constant dense<0.000000e+00> : vector<1024x128xf32>
    %dot_general3A_338 = tpu.matmul %mul3A_336, %select_n3A_25, %dot_general3A_337 {dimension_numbers = #tpu.dot_dimension_numbers<[1], [0], [0], [1], [0, 0, 1, 1], [], []>, transpose_lhs_hint = false} : vector<1024x2xf32>, vector<2x128xf32>, vector<1024x128xf32> -> vector<1024x128xf32>
    %mul3A_339 = arith.mulf %get3A_325, %dot_general3A_338 : vector<1024x128xf32>
    %add3A_340 = arith.addf %add3A_318, %mul3A_339 : vector<1024x128xf32>
    %mul3A_341 = arith.mulf %mul3A_339, %mul3A_339 : vector<1024x128xf32>
    %add3A_342 = arith.addf %add3A_320, %mul3A_341 : vector<1024x128xf32>
    %get3A_343 = arith.constant 4 : index
    %get3A_344 = arith.constant 0 : index
    %get3A_345 = arith.constant 0 : index
    %get3A_346 = vector.load %arg3[%get3A_343, %get3A_344, %get3A_345] : memref<20x1024x128xf32, #tpu.memory_space<vmem>>, vector<1x1024x128xf32>
    %get3A_347 = vector.shape_cast %get3A_346 : vector<1x1024x128xf32> to vector<1024x128xf32>
    %mul3A_348 = arith.mulf %get3A_347, %get3A_347 : vector<1024x128xf32>
    %dot_general3A_349 = arith.constant dense<0.000000e+00> : vector<1024x2xf32>
    %dot_general3A_350 = tpu.matmul %mul3A_348, %select_n3A, %dot_general3A_349 {dimension_numbers = #tpu.dot_dimension_numbers<[1], [0], [0], [1], [0, 0, 1, 1], [], []>, transpose_lhs_hint = false} : vector<1024x128xf32>, vector<128x2xf32>, vector<1024x2xf32> -> vector<1024x2xf32>
    %max3A_351 = arith.constant 1.000000e+00 : f32
    %max3A_352 = vector.broadcast %max3A_351 : f32 to vector<1024x2xf32>
    %max3A_353 = arith.maximumf %dot_general3A_350, %max3A_352 : vector<1024x2xf32>
    %rsqrt3A_354 = math.rsqrt %max3A_353 : vector<1024x2xf32>
    %slice3A_355 = vector.extract_strided_slice %mul3A_251 {offsets = [0, 4], sizes = [1024, 1], strides = [1, 1]} : vector<1024x40xf32> to vector<1024x1xf32>
    %slice3A_356 = vector.extract_strided_slice %mul3A_251 {offsets = [0, 24], sizes = [1024, 1], strides = [1, 1]} : vector<1024x40xf32> to vector<1024x1xf32>
    %concatenate3A_357 = tpu.concatenate %slice3A_355, %slice3A_356 in 1 : vector<1024x1xf32>, vector<1024x1xf32> -> vector<1024x2xf32>
    %mul3A_358 = arith.mulf %rsqrt3A_354, %concatenate3A_357 : vector<1024x2xf32>
    %dot_general3A_359 = arith.constant dense<0.000000e+00> : vector<1024x128xf32>
    %dot_general3A_360 = tpu.matmul %mul3A_358, %select_n3A_25, %dot_general3A_359 {dimension_numbers = #tpu.dot_dimension_numbers<[1], [0], [0], [1], [0, 0, 1, 1], [], []>, transpose_lhs_hint = false} : vector<1024x2xf32>, vector<2x128xf32>, vector<1024x128xf32> -> vector<1024x128xf32>
    %mul3A_361 = arith.mulf %get3A_347, %dot_general3A_360 : vector<1024x128xf32>
    %add3A_362 = arith.addf %add3A_340, %mul3A_361 : vector<1024x128xf32>
    %mul3A_363 = arith.mulf %mul3A_361, %mul3A_361 : vector<1024x128xf32>
    %add3A_364 = arith.addf %add3A_342, %mul3A_363 : vector<1024x128xf32>
    %get3A_365 = arith.constant 5 : index
    %get3A_366 = arith.constant 0 : index
    %get3A_367 = arith.constant 0 : index
    %get3A_368 = vector.load %arg3[%get3A_365, %get3A_366, %get3A_367] : memref<20x1024x128xf32, #tpu.memory_space<vmem>>, vector<1x1024x128xf32>
    %get3A_369 = vector.shape_cast %get3A_368 : vector<1x1024x128xf32> to vector<1024x128xf32>
    %mul3A_370 = arith.mulf %get3A_369, %get3A_369 : vector<1024x128xf32>
    %dot_general3A_371 = arith.constant dense<0.000000e+00> : vector<1024x2xf32>
    %dot_general3A_372 = tpu.matmul %mul3A_370, %select_n3A, %dot_general3A_371 {dimension_numbers = #tpu.dot_dimension_numbers<[1], [0], [0], [1], [0, 0, 1, 1], [], []>, transpose_lhs_hint = false} : vector<1024x128xf32>, vector<128x2xf32>, vector<1024x2xf32> -> vector<1024x2xf32>
    %max3A_373 = arith.constant 1.000000e+00 : f32
    %max3A_374 = vector.broadcast %max3A_373 : f32 to vector<1024x2xf32>
    %max3A_375 = arith.maximumf %dot_general3A_372, %max3A_374 : vector<1024x2xf32>
    %rsqrt3A_376 = math.rsqrt %max3A_375 : vector<1024x2xf32>
    %slice3A_377 = vector.extract_strided_slice %mul3A_251 {offsets = [0, 5], sizes = [1024, 1], strides = [1, 1]} : vector<1024x40xf32> to vector<1024x1xf32>
    %slice3A_378 = vector.extract_strided_slice %mul3A_251 {offsets = [0, 25], sizes = [1024, 1], strides = [1, 1]} : vector<1024x40xf32> to vector<1024x1xf32>
    %concatenate3A_379 = tpu.concatenate %slice3A_377, %slice3A_378 in 1 : vector<1024x1xf32>, vector<1024x1xf32> -> vector<1024x2xf32>
    %mul3A_380 = arith.mulf %rsqrt3A_376, %concatenate3A_379 : vector<1024x2xf32>
    %dot_general3A_381 = arith.constant dense<0.000000e+00> : vector<1024x128xf32>
    %dot_general3A_382 = tpu.matmul %mul3A_380, %select_n3A_25, %dot_general3A_381 {dimension_numbers = #tpu.dot_dimension_numbers<[1], [0], [0], [1], [0, 0, 1, 1], [], []>, transpose_lhs_hint = false} : vector<1024x2xf32>, vector<2x128xf32>, vector<1024x128xf32> -> vector<1024x128xf32>
    %mul3A_383 = arith.mulf %get3A_369, %dot_general3A_382 : vector<1024x128xf32>
    %add3A_384 = arith.addf %add3A_362, %mul3A_383 : vector<1024x128xf32>
    %mul3A_385 = arith.mulf %mul3A_383, %mul3A_383 : vector<1024x128xf32>
    %add3A_386 = arith.addf %add3A_364, %mul3A_385 : vector<1024x128xf32>
    %get3A_387 = arith.constant 6 : index
    %get3A_388 = arith.constant 0 : index
    %get3A_389 = arith.constant 0 : index
    %get3A_390 = vector.load %arg3[%get3A_387, %get3A_388, %get3A_389] : memref<20x1024x128xf32, #tpu.memory_space<vmem>>, vector<1x1024x128xf32>
    %get3A_391 = vector.shape_cast %get3A_390 : vector<1x1024x128xf32> to vector<1024x128xf32>
    %mul3A_392 = arith.mulf %get3A_391, %get3A_391 : vector<1024x128xf32>
    %dot_general3A_393 = arith.constant dense<0.000000e+00> : vector<1024x2xf32>
    %dot_general3A_394 = tpu.matmul %mul3A_392, %select_n3A, %dot_general3A_393 {dimension_numbers = #tpu.dot_dimension_numbers<[1], [0], [0], [1], [0, 0, 1, 1], [], []>, transpose_lhs_hint = false} : vector<1024x128xf32>, vector<128x2xf32>, vector<1024x2xf32> -> vector<1024x2xf32>
    %max3A_395 = arith.constant 1.000000e+00 : f32
    %max3A_396 = vector.broadcast %max3A_395 : f32 to vector<1024x2xf32>
    %max3A_397 = arith.maximumf %dot_general3A_394, %max3A_396 : vector<1024x2xf32>
    %rsqrt3A_398 = math.rsqrt %max3A_397 : vector<1024x2xf32>
    %slice3A_399 = vector.extract_strided_slice %mul3A_251 {offsets = [0, 6], sizes = [1024, 1], strides = [1, 1]} : vector<1024x40xf32> to vector<1024x1xf32>
    %slice3A_400 = vector.extract_strided_slice %mul3A_251 {offsets = [0, 26], sizes = [1024, 1], strides = [1, 1]} : vector<1024x40xf32> to vector<1024x1xf32>
    %concatenate3A_401 = tpu.concatenate %slice3A_399, %slice3A_400 in 1 : vector<1024x1xf32>, vector<1024x1xf32> -> vector<1024x2xf32>
    %mul3A_402 = arith.mulf %rsqrt3A_398, %concatenate3A_401 : vector<1024x2xf32>
    %dot_general3A_403 = arith.constant dense<0.000000e+00> : vector<1024x128xf32>
    %dot_general3A_404 = tpu.matmul %mul3A_402, %select_n3A_25, %dot_general3A_403 {dimension_numbers = #tpu.dot_dimension_numbers<[1], [0], [0], [1], [0, 0, 1, 1], [], []>, transpose_lhs_hint = false} : vector<1024x2xf32>, vector<2x128xf32>, vector<1024x128xf32> -> vector<1024x128xf32>
    %mul3A_405 = arith.mulf %get3A_391, %dot_general3A_404 : vector<1024x128xf32>
    %add3A_406 = arith.addf %add3A_384, %mul3A_405 : vector<1024x128xf32>
    %mul3A_407 = arith.mulf %mul3A_405, %mul3A_405 : vector<1024x128xf32>
    %add3A_408 = arith.addf %add3A_386, %mul3A_407 : vector<1024x128xf32>
    %get3A_409 = arith.constant 7 : index
    %get3A_410 = arith.constant 0 : index
    %get3A_411 = arith.constant 0 : index
    %get3A_412 = vector.load %arg3[%get3A_409, %get3A_410, %get3A_411] : memref<20x1024x128xf32, #tpu.memory_space<vmem>>, vector<1x1024x128xf32>
    %get3A_413 = vector.shape_cast %get3A_412 : vector<1x1024x128xf32> to vector<1024x128xf32>
    %mul3A_414 = arith.mulf %get3A_413, %get3A_413 : vector<1024x128xf32>
    %dot_general3A_415 = arith.constant dense<0.000000e+00> : vector<1024x2xf32>
    %dot_general3A_416 = tpu.matmul %mul3A_414, %select_n3A, %dot_general3A_415 {dimension_numbers = #tpu.dot_dimension_numbers<[1], [0], [0], [1], [0, 0, 1, 1], [], []>, transpose_lhs_hint = false} : vector<1024x128xf32>, vector<128x2xf32>, vector<1024x2xf32> -> vector<1024x2xf32>
    %max3A_417 = arith.constant 1.000000e+00 : f32
    %max3A_418 = vector.broadcast %max3A_417 : f32 to vector<1024x2xf32>
    %max3A_419 = arith.maximumf %dot_general3A_416, %max3A_418 : vector<1024x2xf32>
    %rsqrt3A_420 = math.rsqrt %max3A_419 : vector<1024x2xf32>
    %slice3A_421 = vector.extract_strided_slice %mul3A_251 {offsets = [0, 7], sizes = [1024, 1], strides = [1, 1]} : vector<1024x40xf32> to vector<1024x1xf32>
    %slice3A_422 = vector.extract_strided_slice %mul3A_251 {offsets = [0, 27], sizes = [1024, 1], strides = [1, 1]} : vector<1024x40xf32> to vector<1024x1xf32>
    %concatenate3A_423 = tpu.concatenate %slice3A_421, %slice3A_422 in 1 : vector<1024x1xf32>, vector<1024x1xf32> -> vector<1024x2xf32>
    %mul3A_424 = arith.mulf %rsqrt3A_420, %concatenate3A_423 : vector<1024x2xf32>
    %dot_general3A_425 = arith.constant dense<0.000000e+00> : vector<1024x128xf32>
    %dot_general3A_426 = tpu.matmul %mul3A_424, %select_n3A_25, %dot_general3A_425 {dimension_numbers = #tpu.dot_dimension_numbers<[1], [0], [0], [1], [0, 0, 1, 1], [], []>, transpose_lhs_hint = false} : vector<1024x2xf32>, vector<2x128xf32>, vector<1024x128xf32> -> vector<1024x128xf32>
    %mul3A_427 = arith.mulf %get3A_413, %dot_general3A_426 : vector<1024x128xf32>
    %add3A_428 = arith.addf %add3A_406, %mul3A_427 : vector<1024x128xf32>
    %mul3A_429 = arith.mulf %mul3A_427, %mul3A_427 : vector<1024x128xf32>
    %add3A_430 = arith.addf %add3A_408, %mul3A_429 : vector<1024x128xf32>
    %get3A_431 = arith.constant 8 : index
    %get3A_432 = arith.constant 0 : index
    %get3A_433 = arith.constant 0 : index
    %get3A_434 = vector.load %arg3[%get3A_431, %get3A_432, %get3A_433] : memref<20x1024x128xf32, #tpu.memory_space<vmem>>, vector<1x1024x128xf32>
    %get3A_435 = vector.shape_cast %get3A_434 : vector<1x1024x128xf32> to vector<1024x128xf32>
    %mul3A_436 = arith.mulf %get3A_435, %get3A_435 : vector<1024x128xf32>
    %dot_general3A_437 = arith.constant dense<0.000000e+00> : vector<1024x2xf32>
    %dot_general3A_438 = tpu.matmul %mul3A_436, %select_n3A, %dot_general3A_437 {dimension_numbers = #tpu.dot_dimension_numbers<[1], [0], [0], [1], [0, 0, 1, 1], [], []>, transpose_lhs_hint = false} : vector<1024x128xf32>, vector<128x2xf32>, vector<1024x2xf32> -> vector<1024x2xf32>
    %max3A_439 = arith.constant 1.000000e+00 : f32
    %max3A_440 = vector.broadcast %max3A_439 : f32 to vector<1024x2xf32>
    %max3A_441 = arith.maximumf %dot_general3A_438, %max3A_440 : vector<1024x2xf32>
    %rsqrt3A_442 = math.rsqrt %max3A_441 : vector<1024x2xf32>
    %slice3A_443 = vector.extract_strided_slice %mul3A_251 {offsets = [0, 8], sizes = [1024, 1], strides = [1, 1]} : vector<1024x40xf32> to vector<1024x1xf32>
    %slice3A_444 = vector.extract_strided_slice %mul3A_251 {offsets = [0, 28], sizes = [1024, 1], strides = [1, 1]} : vector<1024x40xf32> to vector<1024x1xf32>
    %concatenate3A_445 = tpu.concatenate %slice3A_443, %slice3A_444 in 1 : vector<1024x1xf32>, vector<1024x1xf32> -> vector<1024x2xf32>
    %mul3A_446 = arith.mulf %rsqrt3A_442, %concatenate3A_445 : vector<1024x2xf32>
    %dot_general3A_447 = arith.constant dense<0.000000e+00> : vector<1024x128xf32>
    %dot_general3A_448 = tpu.matmul %mul3A_446, %select_n3A_25, %dot_general3A_447 {dimension_numbers = #tpu.dot_dimension_numbers<[1], [0], [0], [1], [0, 0, 1, 1], [], []>, transpose_lhs_hint = false} : vector<1024x2xf32>, vector<2x128xf32>, vector<1024x128xf32> -> vector<1024x128xf32>
    %mul3A_449 = arith.mulf %get3A_435, %dot_general3A_448 : vector<1024x128xf32>
    %add3A_450 = arith.addf %add3A_428, %mul3A_449 : vector<1024x128xf32>
    %mul3A_451 = arith.mulf %mul3A_449, %mul3A_449 : vector<1024x128xf32>
    %add3A_452 = arith.addf %add3A_430, %mul3A_451 : vector<1024x128xf32>
    %get3A_453 = arith.constant 9 : index
    %get3A_454 = arith.constant 0 : index
    %get3A_455 = arith.constant 0 : index
    %get3A_456 = vector.load %arg3[%get3A_453, %get3A_454, %get3A_455] : memref<20x1024x128xf32, #tpu.memory_space<vmem>>, vector<1x1024x128xf32>
    %get3A_457 = vector.shape_cast %get3A_456 : vector<1x1024x128xf32> to vector<1024x128xf32>
    %mul3A_458 = arith.mulf %get3A_457, %get3A_457 : vector<1024x128xf32>
    %dot_general3A_459 = arith.constant dense<0.000000e+00> : vector<1024x2xf32>
    %dot_general3A_460 = tpu.matmul %mul3A_458, %select_n3A, %dot_general3A_459 {dimension_numbers = #tpu.dot_dimension_numbers<[1], [0], [0], [1], [0, 0, 1, 1], [], []>, transpose_lhs_hint = false} : vector<1024x128xf32>, vector<128x2xf32>, vector<1024x2xf32> -> vector<1024x2xf32>
    %max3A_461 = arith.constant 1.000000e+00 : f32
    %max3A_462 = vector.broadcast %max3A_461 : f32 to vector<1024x2xf32>
    %max3A_463 = arith.maximumf %dot_general3A_460, %max3A_462 : vector<1024x2xf32>
    %rsqrt3A_464 = math.rsqrt %max3A_463 : vector<1024x2xf32>
    %slice3A_465 = vector.extract_strided_slice %mul3A_251 {offsets = [0, 9], sizes = [1024, 1], strides = [1, 1]} : vector<1024x40xf32> to vector<1024x1xf32>
    %slice3A_466 = vector.extract_strided_slice %mul3A_251 {offsets = [0, 29], sizes = [1024, 1], strides = [1, 1]} : vector<1024x40xf32> to vector<1024x1xf32>
    %concatenate3A_467 = tpu.concatenate %slice3A_465, %slice3A_466 in 1 : vector<1024x1xf32>, vector<1024x1xf32> -> vector<1024x2xf32>
    %mul3A_468 = arith.mulf %rsqrt3A_464, %concatenate3A_467 : vector<1024x2xf32>
    %dot_general3A_469 = arith.constant dense<0.000000e+00> : vector<1024x128xf32>
    %dot_general3A_470 = tpu.matmul %mul3A_468, %select_n3A_25, %dot_general3A_469 {dimension_numbers = #tpu.dot_dimension_numbers<[1], [0], [0], [1], [0, 0, 1, 1], [], []>, transpose_lhs_hint = false} : vector<1024x2xf32>, vector<2x128xf32>, vector<1024x128xf32> -> vector<1024x128xf32>
    %mul3A_471 = arith.mulf %get3A_457, %dot_general3A_470 : vector<1024x128xf32>
    %add3A_472 = arith.addf %add3A_450, %mul3A_471 : vector<1024x128xf32>
    %mul3A_473 = arith.mulf %mul3A_471, %mul3A_471 : vector<1024x128xf32>
    %add3A_474 = arith.addf %add3A_452, %mul3A_473 : vector<1024x128xf32>
    %get3A_475 = arith.constant 10 : index
    %get3A_476 = arith.constant 0 : index
    %get3A_477 = arith.constant 0 : index
    %get3A_478 = vector.load %arg3[%get3A_475, %get3A_476, %get3A_477] : memref<20x1024x128xf32, #tpu.memory_space<vmem>>, vector<1x1024x128xf32>
    %get3A_479 = vector.shape_cast %get3A_478 : vector<1x1024x128xf32> to vector<1024x128xf32>
    %mul3A_480 = arith.mulf %get3A_479, %get3A_479 : vector<1024x128xf32>
    %dot_general3A_481 = arith.constant dense<0.000000e+00> : vector<1024x2xf32>
    %dot_general3A_482 = tpu.matmul %mul3A_480, %select_n3A, %dot_general3A_481 {dimension_numbers = #tpu.dot_dimension_numbers<[1], [0], [0], [1], [0, 0, 1, 1], [], []>, transpose_lhs_hint = false} : vector<1024x128xf32>, vector<128x2xf32>, vector<1024x2xf32> -> vector<1024x2xf32>
    %max3A_483 = arith.constant 1.000000e+00 : f32
    %max3A_484 = vector.broadcast %max3A_483 : f32 to vector<1024x2xf32>
    %max3A_485 = arith.maximumf %dot_general3A_482, %max3A_484 : vector<1024x2xf32>
    %rsqrt3A_486 = math.rsqrt %max3A_485 : vector<1024x2xf32>
    %slice3A_487 = vector.extract_strided_slice %mul3A_251 {offsets = [0, 10], sizes = [1024, 1], strides = [1, 1]} : vector<1024x40xf32> to vector<1024x1xf32>
    %slice3A_488 = vector.extract_strided_slice %mul3A_251 {offsets = [0, 30], sizes = [1024, 1], strides = [1, 1]} : vector<1024x40xf32> to vector<1024x1xf32>
    %concatenate3A_489 = tpu.concatenate %slice3A_487, %slice3A_488 in 1 : vector<1024x1xf32>, vector<1024x1xf32> -> vector<1024x2xf32>
    %mul3A_490 = arith.mulf %rsqrt3A_486, %concatenate3A_489 : vector<1024x2xf32>
    %dot_general3A_491 = arith.constant dense<0.000000e+00> : vector<1024x128xf32>
    %dot_general3A_492 = tpu.matmul %mul3A_490, %select_n3A_25, %dot_general3A_491 {dimension_numbers = #tpu.dot_dimension_numbers<[1], [0], [0], [1], [0, 0, 1, 1], [], []>, transpose_lhs_hint = false} : vector<1024x2xf32>, vector<2x128xf32>, vector<1024x128xf32> -> vector<1024x128xf32>
    %mul3A_493 = arith.mulf %get3A_479, %dot_general3A_492 : vector<1024x128xf32>
    %add3A_494 = arith.addf %add3A_472, %mul3A_493 : vector<1024x128xf32>
    %mul3A_495 = arith.mulf %mul3A_493, %mul3A_493 : vector<1024x128xf32>
    %add3A_496 = arith.addf %add3A_474, %mul3A_495 : vector<1024x128xf32>
    %get3A_497 = arith.constant 11 : index
    %get3A_498 = arith.constant 0 : index
    %get3A_499 = arith.constant 0 : index
    %get3A_500 = vector.load %arg3[%get3A_497, %get3A_498, %get3A_499] : memref<20x1024x128xf32, #tpu.memory_space<vmem>>, vector<1x1024x128xf32>
    %get3A_501 = vector.shape_cast %get3A_500 : vector<1x1024x128xf32> to vector<1024x128xf32>
    %mul3A_502 = arith.mulf %get3A_501, %get3A_501 : vector<1024x128xf32>
    %dot_general3A_503 = arith.constant dense<0.000000e+00> : vector<1024x2xf32>
    %dot_general3A_504 = tpu.matmul %mul3A_502, %select_n3A, %dot_general3A_503 {dimension_numbers = #tpu.dot_dimension_numbers<[1], [0], [0], [1], [0, 0, 1, 1], [], []>, transpose_lhs_hint = false} : vector<1024x128xf32>, vector<128x2xf32>, vector<1024x2xf32> -> vector<1024x2xf32>
    %max3A_505 = arith.constant 1.000000e+00 : f32
    %max3A_506 = vector.broadcast %max3A_505 : f32 to vector<1024x2xf32>
    %max3A_507 = arith.maximumf %dot_general3A_504, %max3A_506 : vector<1024x2xf32>
    %rsqrt3A_508 = math.rsqrt %max3A_507 : vector<1024x2xf32>
    %slice3A_509 = vector.extract_strided_slice %mul3A_251 {offsets = [0, 11], sizes = [1024, 1], strides = [1, 1]} : vector<1024x40xf32> to vector<1024x1xf32>
    %slice3A_510 = vector.extract_strided_slice %mul3A_251 {offsets = [0, 31], sizes = [1024, 1], strides = [1, 1]} : vector<1024x40xf32> to vector<1024x1xf32>
    %concatenate3A_511 = tpu.concatenate %slice3A_509, %slice3A_510 in 1 : vector<1024x1xf32>, vector<1024x1xf32> -> vector<1024x2xf32>
    %mul3A_512 = arith.mulf %rsqrt3A_508, %concatenate3A_511 : vector<1024x2xf32>
    %dot_general3A_513 = arith.constant dense<0.000000e+00> : vector<1024x128xf32>
    %dot_general3A_514 = tpu.matmul %mul3A_512, %select_n3A_25, %dot_general3A_513 {dimension_numbers = #tpu.dot_dimension_numbers<[1], [0], [0], [1], [0, 0, 1, 1], [], []>, transpose_lhs_hint = false} : vector<1024x2xf32>, vector<2x128xf32>, vector<1024x128xf32> -> vector<1024x128xf32>
    %mul3A_515 = arith.mulf %get3A_501, %dot_general3A_514 : vector<1024x128xf32>
    %add3A_516 = arith.addf %add3A_494, %mul3A_515 : vector<1024x128xf32>
    %mul3A_517 = arith.mulf %mul3A_515, %mul3A_515 : vector<1024x128xf32>
    %add3A_518 = arith.addf %add3A_496, %mul3A_517 : vector<1024x128xf32>
    %get3A_519 = arith.constant 12 : index
    %get3A_520 = arith.constant 0 : index
    %get3A_521 = arith.constant 0 : index
    %get3A_522 = vector.load %arg3[%get3A_519, %get3A_520, %get3A_521] : memref<20x1024x128xf32, #tpu.memory_space<vmem>>, vector<1x1024x128xf32>
    %get3A_523 = vector.shape_cast %get3A_522 : vector<1x1024x128xf32> to vector<1024x128xf32>
    %mul3A_524 = arith.mulf %get3A_523, %get3A_523 : vector<1024x128xf32>
    %dot_general3A_525 = arith.constant dense<0.000000e+00> : vector<1024x2xf32>
    %dot_general3A_526 = tpu.matmul %mul3A_524, %select_n3A, %dot_general3A_525 {dimension_numbers = #tpu.dot_dimension_numbers<[1], [0], [0], [1], [0, 0, 1, 1], [], []>, transpose_lhs_hint = false} : vector<1024x128xf32>, vector<128x2xf32>, vector<1024x2xf32> -> vector<1024x2xf32>
    %max3A_527 = arith.constant 1.000000e+00 : f32
    %max3A_528 = vector.broadcast %max3A_527 : f32 to vector<1024x2xf32>
    %max3A_529 = arith.maximumf %dot_general3A_526, %max3A_528 : vector<1024x2xf32>
    %rsqrt3A_530 = math.rsqrt %max3A_529 : vector<1024x2xf32>
    %slice3A_531 = vector.extract_strided_slice %mul3A_251 {offsets = [0, 12], sizes = [1024, 1], strides = [1, 1]} : vector<1024x40xf32> to vector<1024x1xf32>
    %slice3A_532 = vector.extract_strided_slice %mul3A_251 {offsets = [0, 32], sizes = [1024, 1], strides = [1, 1]} : vector<1024x40xf32> to vector<1024x1xf32>
    %concatenate3A_533 = tpu.concatenate %slice3A_531, %slice3A_532 in 1 : vector<1024x1xf32>, vector<1024x1xf32> -> vector<1024x2xf32>
    %mul3A_534 = arith.mulf %rsqrt3A_530, %concatenate3A_533 : vector<1024x2xf32>
    %dot_general3A_535 = arith.constant dense<0.000000e+00> : vector<1024x128xf32>
    %dot_general3A_536 = tpu.matmul %mul3A_534, %select_n3A_25, %dot_general3A_535 {dimension_numbers = #tpu.dot_dimension_numbers<[1], [0], [0], [1], [0, 0, 1, 1], [], []>, transpose_lhs_hint = false} : vector<1024x2xf32>, vector<2x128xf32>, vector<1024x128xf32> -> vector<1024x128xf32>
    %mul3A_537 = arith.mulf %get3A_523, %dot_general3A_536 : vector<1024x128xf32>
    %add3A_538 = arith.addf %add3A_516, %mul3A_537 : vector<1024x128xf32>
    %mul3A_539 = arith.mulf %mul3A_537, %mul3A_537 : vector<1024x128xf32>
    %add3A_540 = arith.addf %add3A_518, %mul3A_539 : vector<1024x128xf32>
    %get3A_541 = arith.constant 13 : index
    %get3A_542 = arith.constant 0 : index
    %get3A_543 = arith.constant 0 : index
    %get3A_544 = vector.load %arg3[%get3A_541, %get3A_542, %get3A_543] : memref<20x1024x128xf32, #tpu.memory_space<vmem>>, vector<1x1024x128xf32>
    %get3A_545 = vector.shape_cast %get3A_544 : vector<1x1024x128xf32> to vector<1024x128xf32>
    %mul3A_546 = arith.mulf %get3A_545, %get3A_545 : vector<1024x128xf32>
    %dot_general3A_547 = arith.constant dense<0.000000e+00> : vector<1024x2xf32>
    %dot_general3A_548 = tpu.matmul %mul3A_546, %select_n3A, %dot_general3A_547 {dimension_numbers = #tpu.dot_dimension_numbers<[1], [0], [0], [1], [0, 0, 1, 1], [], []>, transpose_lhs_hint = false} : vector<1024x128xf32>, vector<128x2xf32>, vector<1024x2xf32> -> vector<1024x2xf32>
    %max3A_549 = arith.constant 1.000000e+00 : f32
    %max3A_550 = vector.broadcast %max3A_549 : f32 to vector<1024x2xf32>
    %max3A_551 = arith.maximumf %dot_general3A_548, %max3A_550 : vector<1024x2xf32>
    %rsqrt3A_552 = math.rsqrt %max3A_551 : vector<1024x2xf32>
    %slice3A_553 = vector.extract_strided_slice %mul3A_251 {offsets = [0, 13], sizes = [1024, 1], strides = [1, 1]} : vector<1024x40xf32> to vector<1024x1xf32>
    %slice3A_554 = vector.extract_strided_slice %mul3A_251 {offsets = [0, 33], sizes = [1024, 1], strides = [1, 1]} : vector<1024x40xf32> to vector<1024x1xf32>
    %concatenate3A_555 = tpu.concatenate %slice3A_553, %slice3A_554 in 1 : vector<1024x1xf32>, vector<1024x1xf32> -> vector<1024x2xf32>
    %mul3A_556 = arith.mulf %rsqrt3A_552, %concatenate3A_555 : vector<1024x2xf32>
    %dot_general3A_557 = arith.constant dense<0.000000e+00> : vector<1024x128xf32>
    %dot_general3A_558 = tpu.matmul %mul3A_556, %select_n3A_25, %dot_general3A_557 {dimension_numbers = #tpu.dot_dimension_numbers<[1], [0], [0], [1], [0, 0, 1, 1], [], []>, transpose_lhs_hint = false} : vector<1024x2xf32>, vector<2x128xf32>, vector<1024x128xf32> -> vector<1024x128xf32>
    %mul3A_559 = arith.mulf %get3A_545, %dot_general3A_558 : vector<1024x128xf32>
    %add3A_560 = arith.addf %add3A_538, %mul3A_559 : vector<1024x128xf32>
    %mul3A_561 = arith.mulf %mul3A_559, %mul3A_559 : vector<1024x128xf32>
    %add3A_562 = arith.addf %add3A_540, %mul3A_561 : vector<1024x128xf32>
    %get3A_563 = arith.constant 14 : index
    %get3A_564 = arith.constant 0 : index
    %get3A_565 = arith.constant 0 : index
    %get3A_566 = vector.load %arg3[%get3A_563, %get3A_564, %get3A_565] : memref<20x1024x128xf32, #tpu.memory_space<vmem>>, vector<1x1024x128xf32>
    %get3A_567 = vector.shape_cast %get3A_566 : vector<1x1024x128xf32> to vector<1024x128xf32>
    %mul3A_568 = arith.mulf %get3A_567, %get3A_567 : vector<1024x128xf32>
    %dot_general3A_569 = arith.constant dense<0.000000e+00> : vector<1024x2xf32>
    %dot_general3A_570 = tpu.matmul %mul3A_568, %select_n3A, %dot_general3A_569 {dimension_numbers = #tpu.dot_dimension_numbers<[1], [0], [0], [1], [0, 0, 1, 1], [], []>, transpose_lhs_hint = false} : vector<1024x128xf32>, vector<128x2xf32>, vector<1024x2xf32> -> vector<1024x2xf32>
    %max3A_571 = arith.constant 1.000000e+00 : f32
    %max3A_572 = vector.broadcast %max3A_571 : f32 to vector<1024x2xf32>
    %max3A_573 = arith.maximumf %dot_general3A_570, %max3A_572 : vector<1024x2xf32>
    %rsqrt3A_574 = math.rsqrt %max3A_573 : vector<1024x2xf32>
    %slice3A_575 = vector.extract_strided_slice %mul3A_251 {offsets = [0, 14], sizes = [1024, 1], strides = [1, 1]} : vector<1024x40xf32> to vector<1024x1xf32>
    %slice3A_576 = vector.extract_strided_slice %mul3A_251 {offsets = [0, 34], sizes = [1024, 1], strides = [1, 1]} : vector<1024x40xf32> to vector<1024x1xf32>
    %concatenate3A_577 = tpu.concatenate %slice3A_575, %slice3A_576 in 1 : vector<1024x1xf32>, vector<1024x1xf32> -> vector<1024x2xf32>
    %mul3A_578 = arith.mulf %rsqrt3A_574, %concatenate3A_577 : vector<1024x2xf32>
    %dot_general3A_579 = arith.constant dense<0.000000e+00> : vector<1024x128xf32>
    %dot_general3A_580 = tpu.matmul %mul3A_578, %select_n3A_25, %dot_general3A_579 {dimension_numbers = #tpu.dot_dimension_numbers<[1], [0], [0], [1], [0, 0, 1, 1], [], []>, transpose_lhs_hint = false} : vector<1024x2xf32>, vector<2x128xf32>, vector<1024x128xf32> -> vector<1024x128xf32>
    %mul3A_581 = arith.mulf %get3A_567, %dot_general3A_580 : vector<1024x128xf32>
    %add3A_582 = arith.addf %add3A_560, %mul3A_581 : vector<1024x128xf32>
    %mul3A_583 = arith.mulf %mul3A_581, %mul3A_581 : vector<1024x128xf32>
    %add3A_584 = arith.addf %add3A_562, %mul3A_583 : vector<1024x128xf32>
    %get3A_585 = arith.constant 15 : index
    %get3A_586 = arith.constant 0 : index
    %get3A_587 = arith.constant 0 : index
    %get3A_588 = vector.load %arg3[%get3A_585, %get3A_586, %get3A_587] : memref<20x1024x128xf32, #tpu.memory_space<vmem>>, vector<1x1024x128xf32>
    %get3A_589 = vector.shape_cast %get3A_588 : vector<1x1024x128xf32> to vector<1024x128xf32>
    %mul3A_590 = arith.mulf %get3A_589, %get3A_589 : vector<1024x128xf32>
    %dot_general3A_591 = arith.constant dense<0.000000e+00> : vector<1024x2xf32>
    %dot_general3A_592 = tpu.matmul %mul3A_590, %select_n3A, %dot_general3A_591 {dimension_numbers = #tpu.dot_dimension_numbers<[1], [0], [0], [1], [0, 0, 1, 1], [], []>, transpose_lhs_hint = false} : vector<1024x128xf32>, vector<128x2xf32>, vector<1024x2xf32> -> vector<1024x2xf32>
    %max3A_593 = arith.constant 1.000000e+00 : f32
    %max3A_594 = vector.broadcast %max3A_593 : f32 to vector<1024x2xf32>
    %max3A_595 = arith.maximumf %dot_general3A_592, %max3A_594 : vector<1024x2xf32>
    %rsqrt3A_596 = math.rsqrt %max3A_595 : vector<1024x2xf32>
    %slice3A_597 = vector.extract_strided_slice %mul3A_251 {offsets = [0, 15], sizes = [1024, 1], strides = [1, 1]} : vector<1024x40xf32> to vector<1024x1xf32>
    %slice3A_598 = vector.extract_strided_slice %mul3A_251 {offsets = [0, 35], sizes = [1024, 1], strides = [1, 1]} : vector<1024x40xf32> to vector<1024x1xf32>
    %concatenate3A_599 = tpu.concatenate %slice3A_597, %slice3A_598 in 1 : vector<1024x1xf32>, vector<1024x1xf32> -> vector<1024x2xf32>
    %mul3A_600 = arith.mulf %rsqrt3A_596, %concatenate3A_599 : vector<1024x2xf32>
    %dot_general3A_601 = arith.constant dense<0.000000e+00> : vector<1024x128xf32>
    %dot_general3A_602 = tpu.matmul %mul3A_600, %select_n3A_25, %dot_general3A_601 {dimension_numbers = #tpu.dot_dimension_numbers<[1], [0], [0], [1], [0, 0, 1, 1], [], []>, transpose_lhs_hint = false} : vector<1024x2xf32>, vector<2x128xf32>, vector<1024x128xf32> -> vector<1024x128xf32>
    %mul3A_603 = arith.mulf %get3A_589, %dot_general3A_602 : vector<1024x128xf32>
    %add3A_604 = arith.addf %add3A_582, %mul3A_603 : vector<1024x128xf32>
    %mul3A_605 = arith.mulf %mul3A_603, %mul3A_603 : vector<1024x128xf32>
    %add3A_606 = arith.addf %add3A_584, %mul3A_605 : vector<1024x128xf32>
    %get3A_607 = arith.constant 16 : index
    %get3A_608 = arith.constant 0 : index
    %get3A_609 = arith.constant 0 : index
    %get3A_610 = vector.load %arg3[%get3A_607, %get3A_608, %get3A_609] : memref<20x1024x128xf32, #tpu.memory_space<vmem>>, vector<1x1024x128xf32>
    %get3A_611 = vector.shape_cast %get3A_610 : vector<1x1024x128xf32> to vector<1024x128xf32>
    %mul3A_612 = arith.mulf %get3A_611, %get3A_611 : vector<1024x128xf32>
    %dot_general3A_613 = arith.constant dense<0.000000e+00> : vector<1024x2xf32>
    %dot_general3A_614 = tpu.matmul %mul3A_612, %select_n3A, %dot_general3A_613 {dimension_numbers = #tpu.dot_dimension_numbers<[1], [0], [0], [1], [0, 0, 1, 1], [], []>, transpose_lhs_hint = false} : vector<1024x128xf32>, vector<128x2xf32>, vector<1024x2xf32> -> vector<1024x2xf32>
    %max3A_615 = arith.constant 1.000000e+00 : f32
    %max3A_616 = vector.broadcast %max3A_615 : f32 to vector<1024x2xf32>
    %max3A_617 = arith.maximumf %dot_general3A_614, %max3A_616 : vector<1024x2xf32>
    %rsqrt3A_618 = math.rsqrt %max3A_617 : vector<1024x2xf32>
    %slice3A_619 = vector.extract_strided_slice %mul3A_251 {offsets = [0, 16], sizes = [1024, 1], strides = [1, 1]} : vector<1024x40xf32> to vector<1024x1xf32>
    %slice3A_620 = vector.extract_strided_slice %mul3A_251 {offsets = [0, 36], sizes = [1024, 1], strides = [1, 1]} : vector<1024x40xf32> to vector<1024x1xf32>
    %concatenate3A_621 = tpu.concatenate %slice3A_619, %slice3A_620 in 1 : vector<1024x1xf32>, vector<1024x1xf32> -> vector<1024x2xf32>
    %mul3A_622 = arith.mulf %rsqrt3A_618, %concatenate3A_621 : vector<1024x2xf32>
    %dot_general3A_623 = arith.constant dense<0.000000e+00> : vector<1024x128xf32>
    %dot_general3A_624 = tpu.matmul %mul3A_622, %select_n3A_25, %dot_general3A_623 {dimension_numbers = #tpu.dot_dimension_numbers<[1], [0], [0], [1], [0, 0, 1, 1], [], []>, transpose_lhs_hint = false} : vector<1024x2xf32>, vector<2x128xf32>, vector<1024x128xf32> -> vector<1024x128xf32>
    %mul3A_625 = arith.mulf %get3A_611, %dot_general3A_624 : vector<1024x128xf32>
    %add3A_626 = arith.addf %add3A_604, %mul3A_625 : vector<1024x128xf32>
    %mul3A_627 = arith.mulf %mul3A_625, %mul3A_625 : vector<1024x128xf32>
    %add3A_628 = arith.addf %add3A_606, %mul3A_627 : vector<1024x128xf32>
    %get3A_629 = arith.constant 17 : index
    %get3A_630 = arith.constant 0 : index
    %get3A_631 = arith.constant 0 : index
    %get3A_632 = vector.load %arg3[%get3A_629, %get3A_630, %get3A_631] : memref<20x1024x128xf32, #tpu.memory_space<vmem>>, vector<1x1024x128xf32>
    %get3A_633 = vector.shape_cast %get3A_632 : vector<1x1024x128xf32> to vector<1024x128xf32>
    %mul3A_634 = arith.mulf %get3A_633, %get3A_633 : vector<1024x128xf32>
    %dot_general3A_635 = arith.constant dense<0.000000e+00> : vector<1024x2xf32>
    %dot_general3A_636 = tpu.matmul %mul3A_634, %select_n3A, %dot_general3A_635 {dimension_numbers = #tpu.dot_dimension_numbers<[1], [0], [0], [1], [0, 0, 1, 1], [], []>, transpose_lhs_hint = false} : vector<1024x128xf32>, vector<128x2xf32>, vector<1024x2xf32> -> vector<1024x2xf32>
    %max3A_637 = arith.constant 1.000000e+00 : f32
    %max3A_638 = vector.broadcast %max3A_637 : f32 to vector<1024x2xf32>
    %max3A_639 = arith.maximumf %dot_general3A_636, %max3A_638 : vector<1024x2xf32>
    %rsqrt3A_640 = math.rsqrt %max3A_639 : vector<1024x2xf32>
    %slice3A_641 = vector.extract_strided_slice %mul3A_251 {offsets = [0, 17], sizes = [1024, 1], strides = [1, 1]} : vector<1024x40xf32> to vector<1024x1xf32>
    %slice3A_642 = vector.extract_strided_slice %mul3A_251 {offsets = [0, 37], sizes = [1024, 1], strides = [1, 1]} : vector<1024x40xf32> to vector<1024x1xf32>
    %concatenate3A_643 = tpu.concatenate %slice3A_641, %slice3A_642 in 1 : vector<1024x1xf32>, vector<1024x1xf32> -> vector<1024x2xf32>
    %mul3A_644 = arith.mulf %rsqrt3A_640, %concatenate3A_643 : vector<1024x2xf32>
    %dot_general3A_645 = arith.constant dense<0.000000e+00> : vector<1024x128xf32>
    %dot_general3A_646 = tpu.matmul %mul3A_644, %select_n3A_25, %dot_general3A_645 {dimension_numbers = #tpu.dot_dimension_numbers<[1], [0], [0], [1], [0, 0, 1, 1], [], []>, transpose_lhs_hint = false} : vector<1024x2xf32>, vector<2x128xf32>, vector<1024x128xf32> -> vector<1024x128xf32>
    %mul3A_647 = arith.mulf %get3A_633, %dot_general3A_646 : vector<1024x128xf32>
    %add3A_648 = arith.addf %add3A_626, %mul3A_647 : vector<1024x128xf32>
    %mul3A_649 = arith.mulf %mul3A_647, %mul3A_647 : vector<1024x128xf32>
    %add3A_650 = arith.addf %add3A_628, %mul3A_649 : vector<1024x128xf32>
    %get3A_651 = arith.constant 18 : index
    %get3A_652 = arith.constant 0 : index
    %get3A_653 = arith.constant 0 : index
    %get3A_654 = vector.load %arg3[%get3A_651, %get3A_652, %get3A_653] : memref<20x1024x128xf32, #tpu.memory_space<vmem>>, vector<1x1024x128xf32>
    %get3A_655 = vector.shape_cast %get3A_654 : vector<1x1024x128xf32> to vector<1024x128xf32>
    %mul3A_656 = arith.mulf %get3A_655, %get3A_655 : vector<1024x128xf32>
    %dot_general3A_657 = arith.constant dense<0.000000e+00> : vector<1024x2xf32>
    %dot_general3A_658 = tpu.matmul %mul3A_656, %select_n3A, %dot_general3A_657 {dimension_numbers = #tpu.dot_dimension_numbers<[1], [0], [0], [1], [0, 0, 1, 1], [], []>, transpose_lhs_hint = false} : vector<1024x128xf32>, vector<128x2xf32>, vector<1024x2xf32> -> vector<1024x2xf32>
    %max3A_659 = arith.constant 1.000000e+00 : f32
    %max3A_660 = vector.broadcast %max3A_659 : f32 to vector<1024x2xf32>
    %max3A_661 = arith.maximumf %dot_general3A_658, %max3A_660 : vector<1024x2xf32>
    %rsqrt3A_662 = math.rsqrt %max3A_661 : vector<1024x2xf32>
    %slice3A_663 = vector.extract_strided_slice %mul3A_251 {offsets = [0, 18], sizes = [1024, 1], strides = [1, 1]} : vector<1024x40xf32> to vector<1024x1xf32>
    %slice3A_664 = vector.extract_strided_slice %mul3A_251 {offsets = [0, 38], sizes = [1024, 1], strides = [1, 1]} : vector<1024x40xf32> to vector<1024x1xf32>
    %concatenate3A_665 = tpu.concatenate %slice3A_663, %slice3A_664 in 1 : vector<1024x1xf32>, vector<1024x1xf32> -> vector<1024x2xf32>
    %mul3A_666 = arith.mulf %rsqrt3A_662, %concatenate3A_665 : vector<1024x2xf32>
    %dot_general3A_667 = arith.constant dense<0.000000e+00> : vector<1024x128xf32>
    %dot_general3A_668 = tpu.matmul %mul3A_666, %select_n3A_25, %dot_general3A_667 {dimension_numbers = #tpu.dot_dimension_numbers<[1], [0], [0], [1], [0, 0, 1, 1], [], []>, transpose_lhs_hint = false} : vector<1024x2xf32>, vector<2x128xf32>, vector<1024x128xf32> -> vector<1024x128xf32>
    %mul3A_669 = arith.mulf %get3A_655, %dot_general3A_668 : vector<1024x128xf32>
    %add3A_670 = arith.addf %add3A_648, %mul3A_669 : vector<1024x128xf32>
    %mul3A_671 = arith.mulf %mul3A_669, %mul3A_669 : vector<1024x128xf32>
    %add3A_672 = arith.addf %add3A_650, %mul3A_671 : vector<1024x128xf32>
    %get3A_673 = arith.constant 19 : index
    %get3A_674 = arith.constant 0 : index
    %get3A_675 = arith.constant 0 : index
    %get3A_676 = vector.load %arg3[%get3A_673, %get3A_674, %get3A_675] : memref<20x1024x128xf32, #tpu.memory_space<vmem>>, vector<1x1024x128xf32>
    %get3A_677 = vector.shape_cast %get3A_676 : vector<1x1024x128xf32> to vector<1024x128xf32>
    %mul3A_678 = arith.mulf %get3A_677, %get3A_677 : vector<1024x128xf32>
    %dot_general3A_679 = arith.constant dense<0.000000e+00> : vector<1024x2xf32>
    %dot_general3A_680 = tpu.matmul %mul3A_678, %select_n3A, %dot_general3A_679 {dimension_numbers = #tpu.dot_dimension_numbers<[1], [0], [0], [1], [0, 0, 1, 1], [], []>, transpose_lhs_hint = false} : vector<1024x128xf32>, vector<128x2xf32>, vector<1024x2xf32> -> vector<1024x2xf32>
    %max3A_681 = arith.constant 1.000000e+00 : f32
    %max3A_682 = vector.broadcast %max3A_681 : f32 to vector<1024x2xf32>
    %max3A_683 = arith.maximumf %dot_general3A_680, %max3A_682 : vector<1024x2xf32>
    %rsqrt3A_684 = math.rsqrt %max3A_683 : vector<1024x2xf32>
    %slice3A_685 = vector.extract_strided_slice %mul3A_251 {offsets = [0, 19], sizes = [1024, 1], strides = [1, 1]} : vector<1024x40xf32> to vector<1024x1xf32>
    %slice3A_686 = vector.extract_strided_slice %mul3A_251 {offsets = [0, 39], sizes = [1024, 1], strides = [1, 1]} : vector<1024x40xf32> to vector<1024x1xf32>
    %concatenate3A_687 = tpu.concatenate %slice3A_685, %slice3A_686 in 1 : vector<1024x1xf32>, vector<1024x1xf32> -> vector<1024x2xf32>
    %mul3A_688 = arith.mulf %rsqrt3A_684, %concatenate3A_687 : vector<1024x2xf32>
    %dot_general3A_689 = arith.constant dense<0.000000e+00> : vector<1024x128xf32>
    %dot_general3A_690 = tpu.matmul %mul3A_688, %select_n3A_25, %dot_general3A_689 {dimension_numbers = #tpu.dot_dimension_numbers<[1], [0], [0], [1], [0, 0, 1, 1], [], []>, transpose_lhs_hint = false} : vector<1024x2xf32>, vector<2x128xf32>, vector<1024x128xf32> -> vector<1024x128xf32>
    %mul3A_691 = arith.mulf %get3A_677, %dot_general3A_690 : vector<1024x128xf32>
    %add3A_692 = arith.addf %add3A_670, %mul3A_691 : vector<1024x128xf32>
    %mul3A_693 = arith.mulf %mul3A_691, %mul3A_691 : vector<1024x128xf32>
    %add3A_694 = arith.addf %add3A_672, %mul3A_693 : vector<1024x128xf32>
    %mul3A_695 = arith.mulf %add3A_692, %add3A_692 : vector<1024x128xf32>
    %sub3A_696 = arith.subf %mul3A_695, %add3A_694 : vector<1024x128xf32>
    %add3A_697 = arith.addf %mul3A_62, %sub3A_696 : vector<1024x128xf32>
    %mul3A_698 = arith.mulf %mul3A_62, %sub3A_696 : vector<1024x128xf32>
    %slice3A_699 = vector.extract_strided_slice %add3A_697 {offsets = [0, 0], sizes = [1024, 64], strides = [1, 1]} : vector<1024x128xf32> to vector<1024x64xf32>
    %get3A_700 = arith.constant 0 : index
    %get3A_701 = arith.constant 0 : index
    %get3A_702 = vector.load %arg6[%get3A_700, %get3A_701] : memref<64x64xf32, #tpu.memory_space<vmem>>, vector<64x64xf32>
    %dot_general3A_703 = arith.constant dense<0.000000e+00> : vector<1024x64xf32>
    %dot_general3A_704 = tpu.matmul %slice3A_699, %get3A_702, %dot_general3A_703 {dimension_numbers = #tpu.dot_dimension_numbers<[1], [1], [0], [0], [0, 0, 1, 0], [], []>, transpose_lhs_hint = false} : vector<1024x64xf32>, vector<64x64xf32>, vector<1024x64xf32> -> vector<1024x64xf32>
    %slice3A_705 = vector.extract_strided_slice %add3A_697 {offsets = [0, 64], sizes = [1024, 64], strides = [1, 1]} : vector<1024x128xf32> to vector<1024x64xf32>
    %get3A_706 = arith.constant 0 : index
    %get3A_707 = arith.constant 0 : index
    %get3A_708 = vector.load %arg6[%get3A_706, %get3A_707] : memref<64x64xf32, #tpu.memory_space<vmem>>, vector<64x64xf32>
    %dot_general3A_709 = arith.constant dense<0.000000e+00> : vector<1024x64xf32>
    %dot_general3A_710 = tpu.matmul %slice3A_705, %get3A_708, %dot_general3A_709 {dimension_numbers = #tpu.dot_dimension_numbers<[1], [1], [0], [0], [0, 0, 1, 0], [], []>, transpose_lhs_hint = false} : vector<1024x64xf32>, vector<64x64xf32>, vector<1024x64xf32> -> vector<1024x64xf32>
    %concatenate3A_711 = tpu.concatenate %dot_general3A_704, %dot_general3A_710 in 1 : vector<1024x64xf32>, vector<1024x64xf32> -> vector<1024x128xf32>
    %get3A_712 = arith.constant 0 : index
    %get3A_713 = arith.constant 0 : index
    %get3A_714 = vector.load %arg7[%get3A_712, %get3A_713] : memref<1x128xf32, #tpu.memory_space<vmem>>, vector<1x128xf32>
    %add3A_715 = vector.broadcast %get3A_714 : vector<1x128xf32> to vector<1024x128xf32>
    %add3A_716 = arith.addf %concatenate3A_711, %add3A_715 : vector<1024x128xf32>
    %slice3A_717 = vector.extract_strided_slice %mul3A_698 {offsets = [0, 0], sizes = [1024, 64], strides = [1, 1]} : vector<1024x128xf32> to vector<1024x64xf32>
    %get3A_718 = arith.constant 0 : index
    %get3A_719 = arith.constant 0 : index
    %get3A_720 = vector.load %arg8[%get3A_718, %get3A_719] : memref<64x64xf32, #tpu.memory_space<vmem>>, vector<64x64xf32>
    %dot_general3A_721 = arith.constant dense<0.000000e+00> : vector<1024x64xf32>
    %dot_general3A_722 = tpu.matmul %slice3A_717, %get3A_720, %dot_general3A_721 {dimension_numbers = #tpu.dot_dimension_numbers<[1], [1], [0], [0], [0, 0, 1, 0], [], []>, transpose_lhs_hint = false} : vector<1024x64xf32>, vector<64x64xf32>, vector<1024x64xf32> -> vector<1024x64xf32>
    %slice3A_723 = vector.extract_strided_slice %mul3A_698 {offsets = [0, 64], sizes = [1024, 64], strides = [1, 1]} : vector<1024x128xf32> to vector<1024x64xf32>
    %get3A_724 = arith.constant 0 : index
    %get3A_725 = arith.constant 0 : index
    %get3A_726 = vector.load %arg8[%get3A_724, %get3A_725] : memref<64x64xf32, #tpu.memory_space<vmem>>, vector<64x64xf32>
    %dot_general3A_727 = arith.constant dense<0.000000e+00> : vector<1024x64xf32>
    %dot_general3A_728 = tpu.matmul %slice3A_723, %get3A_726, %dot_general3A_727 {dimension_numbers = #tpu.dot_dimension_numbers<[1], [1], [0], [0], [0, 0, 1, 0], [], []>, transpose_lhs_hint = false} : vector<1024x64xf32>, vector<64x64xf32>, vector<1024x64xf32> -> vector<1024x64xf32>
    %concatenate3A_729 = tpu.concatenate %dot_general3A_722, %dot_general3A_728 in 1 : vector<1024x64xf32>, vector<1024x64xf32> -> vector<1024x128xf32>
    %get3A_730 = arith.constant 0 : index
    %get3A_731 = arith.constant 0 : index
    %get3A_732 = vector.load %arg9[%get3A_730, %get3A_731] : memref<1x128xf32, #tpu.memory_space<vmem>>, vector<1x128xf32>
    %add3A_733 = vector.broadcast %get3A_732 : vector<1x128xf32> to vector<1024x128xf32>
    %add3A_734 = arith.addf %concatenate3A_729, %add3A_733 : vector<1024x128xf32>
    %ge3A = arith.constant 0.000000e+00 : f32
    %ge3A_735 = vector.broadcast %ge3A : f32 to vector<1024x128xf32>
    %ge3A_736 = arith.cmpf oge, %add3A_716, %ge3A_735 : vector<1024x128xf32>
    %mul3A_737 = arith.constant 2.000000e-01 : f32
    %mul3A_738 = vector.broadcast %mul3A_737 : f32 to vector<1024x128xf32>
    %mul3A_739 = arith.mulf %mul3A_738, %add3A_716 : vector<1024x128xf32>
    %select_n3A_740 = arith.select %ge3A_736, %add3A_716, %mul3A_739 : vector<1024x128xi1>, vector<1024x128xf32>
    %ge3A_741 = arith.constant 0.000000e+00 : f32
    %ge3A_742 = vector.broadcast %ge3A_741 : f32 to vector<1024x128xf32>
    %ge3A_743 = arith.cmpf oge, %add3A_734, %ge3A_742 : vector<1024x128xf32>
    %mul3A_744 = arith.constant 2.000000e-01 : f32
    %mul3A_745 = vector.broadcast %mul3A_744 : f32 to vector<1024x128xf32>
    %mul3A_746 = arith.mulf %mul3A_745, %add3A_734 : vector<1024x128xf32>
    %select_n3A_747 = arith.select %ge3A_743, %add3A_734, %mul3A_746 : vector<1024x128xi1>, vector<1024x128xf32>
    %add3A_748 = arith.addf %select_n3A_740, %select_n3A_747 : vector<1024x128xf32>
    %mul3A_749 = arith.mulf %mul3A_49, %add3A_748 : vector<1024x128xf32>
    %dot_general3A_750 = arith.constant dense<0.000000e+00> : vector<1024x2xf32>
    %dot_general3A_751 = tpu.matmul %mul3A_749, %select_n3A, %dot_general3A_750 {dimension_numbers = #tpu.dot_dimension_numbers<[1], [0], [0], [1], [0, 0, 1, 1], [], []>, transpose_lhs_hint = false} : vector<1024x128xf32>, vector<128x2xf32>, vector<1024x2xf32> -> vector<1024x2xf32>
    %neg3A = arith.constant 0.000000e+00 : f32
    %neg3A_752 = vector.broadcast %neg3A : f32 to vector<1024x2xf32>
    %neg3A_753 = arith.subf %neg3A_752, %dot_general3A_751 : vector<1024x2xf32>
    %exp3A_754 = math.exp %neg3A_753 : vector<1024x2xf32>
    %add3A_755 = arith.constant 1.000000e+00 : f32
    %add3A_756 = vector.broadcast %add3A_755 : f32 to vector<1024x2xf32>
    %add3A_757 = arith.addf %add3A_756, %exp3A_754 : vector<1024x2xf32>
    %div3A_758 = arith.constant 1.000000e+00 : f32
    %div3A_759 = vector.broadcast %div3A_758 : f32 to vector<1024x2xf32>
    %div3A_760 = arith.divf %div3A_759, %add3A_757 : vector<1024x2xf32>
    %swap3A = arith.constant 0 : index
    %swap3A_761 = arith.constant 0 : index
    %swap3A_762 = vector.load %arg10[%swap3A, %swap3A_761] : memref<1024x2xf32, #tpu.memory_space<vmem>>, vector<1024x2xf32>
    tpu.vector_store %arg10[%swap3A, %swap3A_761], %div3A_760 {strides = array<i32>} : memref<1024x2xf32, #tpu.memory_space<vmem>>, vector<1024x2xf32>,
    return
  }
  func.func @transform_0(%arg0: i32) -> (i32, i32) {
    %c0_i32 = arith.constant 0 : i32
    %c0_i32_0 = arith.constant 0 : i32
    return %arg0, %c0_i32 : i32, i32
  }
  func.func @transform_1(%arg0: i32) -> (i32, i32) {
    %c0_i32 = arith.constant 0 : i32
    %c0_i32_0 = arith.constant 0 : i32
    return %arg0, %c0_i32 : i32, i32
  }
  func.func @transform_2(%arg0: i32) -> (i32, i32, i32) {
    %c0_i32 = arith.constant 0 : i32
    %c0_i32_0 = arith.constant 0 : i32
    %c0_i32_1 = arith.constant 0 : i32
    return %c0_i32, %arg0, %c0_i32_0 : i32, i32, i32
  }
  func.func @transform_3(%arg0: i32) -> (i32, i32) {
    %c0_i32 = arith.constant 0 : i32
    %c0_i32_0 = arith.constant 0 : i32
    return %arg0, %c0_i32 : i32, i32
  }
  func.func @transform_4(%arg0: i32) -> (i32, i32) {
    %c0_i32 = arith.constant 0 : i32
    %c0_i32_0 = arith.constant 0 : i32
    %c0_i32_1 = arith.constant 0 : i32
    return %c0_i32, %c0_i32_0 : i32, i32
  }
  func.func @transform_5(%arg0: i32) -> (i32, i32) {
    %c0_i32 = arith.constant 0 : i32
    %c0_i32_0 = arith.constant 0 : i32
    %c0_i32_1 = arith.constant 0 : i32
    return %c0_i32, %c0_i32_0 : i32, i32
  }
  func.func @transform_6(%arg0: i32) -> (i32, i32) {
    %c0_i32 = arith.constant 0 : i32
    %c0_i32_0 = arith.constant 0 : i32
    %c0_i32_1 = arith.constant 0 : i32
    return %c0_i32, %c0_i32_0 : i32, i32
  }
  func.func @transform_7(%arg0: i32) -> (i32, i32) {
    %c0_i32 = arith.constant 0 : i32
    %c0_i32_0 = arith.constant 0 : i32
    %c0_i32_1 = arith.constant 0 : i32
    return %c0_i32, %c0_i32_0 : i32, i32
  }
  func.func @transform_8(%arg0: i32) -> (i32, i32) {
    %c0_i32 = arith.constant 0 : i32
    %c0_i32_0 = arith.constant 0 : i32
    %c0_i32_1 = arith.constant 0 : i32
    return %c0_i32, %c0_i32_0 : i32, i32
  }
  func.func @transform_9(%arg0: i32) -> (i32, i32) {
    %c0_i32 = arith.constant 0 : i32
    %c0_i32_0 = arith.constant 0 : i32
    return %arg0, %c0_i32 : i32, i32
  }
}

</mosaic_0001>

<sc_bundles>
// kernel: gather_offload_async_start.1
scs
__scs_entry_jumppad:
0x0: {  	(pc) =	sbr.rel $0x88, $3  }
0x1: {  	(tag) =	ssettag $0x0;
	lr =	simm.s32 $0x1  }
0x2: {  	[smem:$0x3F96] =	sst lr;
	_ =	strace $0xD0000000  }
0x3: {  	_ = 	snop  }
0x4: {  	_ = 	snop  }
0x5: {  	_ = 	snop  }
0x6: {  	_ = 	snop  }
0x7: {  	_ = 	snop  }
__scs_overlays_trampoline_lowered:
0x8: {  	[smem:$0x3FA5] =	sst s0  }
0x9: {  	[smem:$0x3FA6] =	sst s1  }
0xa: {  	[smem:$0x3FA7] =	sst s2  }
0xb: {  	[smem:$0x3FA8] =	sst s3  }
0xc: {  	[smem:$0x3FA9] =	sst s4  }
0xd: {  	[smem:$0x3FAA] =	sst s5  }
0xe: {  	[smem:$0x3FAB] =	sst s6  }
0xf: {  	[smem:$0x3FAC] =	sst s7  }
0x10: {  	[smem:$0x3FAD] =	sst s8  }
0x11: {  	[smem:$0x3FAE] =	sst s9;
	s0 =	simm.s32 @!p0 $0x0  }
0x12: {  	s1 =	sld [smem:$0x3F94];
	s0 =	simm.s32 @p0 $0x1  }
0x13: {  	[smem:$0x3FAF] =	sst s0;
	s0 =	simm.s32 @!p1 $0x0  }
0x14: {  	s2 =	sld [smem:$0x3F93];
	s0 =	simm.s32 @p1 $0x1  }
0x15: {  	[smem:$0x3FB0] =	sst s0;
	s0 =	simm.s32 @!p2 $0x0  }
0x16: {  	s3 =	sld [smem:$0x3FDB];
	s0 =	simm.s32 @p2 $0x1  }
0x17: {  	s4 =	simm.s32 $0x1BF5;
	[smem:$0x3FB2] =	sst s0  }
0x18: {  	s0 =	sld [smem:$0x3F95];
	_ =	swait.ge [sflag:s4], $0x0  }
0x19: {  	s7 =	sld [smem:$0x3F96]  }
0x1a: {  	s8 =	sadd.s32 $0xFFFFE003, lr  }
0x1b: {  	s9 =	sadd.s32 $0xFFFFFEF7, lr;
	s5 =	simm.s32 $0xFFFFFFFF;
	p2 =	slt.u32 s8, $0xFFFFF086  }
0x1c: {  	p1 =	slt.u32 s9, $0xF7A;
	s5 =	simm.s32 @!p2 $0x0  }
0x1d: {  	s5 =	simm.s32 @p1 $0x1;
	p0 =	seq.s32 s7, s2  }
0x1e: {  	s7 =	smul.u32 @!p0 $0xF7A, s2;
	p2 =	seq.s32 @!p0 s5, $0x0  }
0x1f: {  	s9 =	smul.u32 $0xF7A, s1;
	s8 =	simm.s32 @!p0 $0x1BF5;
	p2 =	por !p2, p0  }
0x20: {  	[sflag:s8] =	ssyncset.s32 @!p0 $0xFFFFF086;
	s6 =	sadd.s32 @!p0 s3, s7;
	s7 =	simm.s32 @!p0 $0x108  }
0x21: {  	s3 =	sadd.s32 s3, s9;
	s6 =	sadd.s32 @!p0 $0x88, s6;
	s7 =	simm.s32 @p2 $0x1082  }
0x22: {  	[simem:s7], [sflag:s8] =	dma.local @!p0 [hbm:s6], $0xF7A  }
0x23: {  	s9 =	sor.u32 $0xD0000000, s2;
	s6 =	simm.s32 $0x108;
	_ =	swait.ge @!p0 [sflag:s8], $0x0  }
0x24: {  	s3 =	sadd.s32 $0x88, s3;
	s6 =	simm.s32 @!p1 $0x1082;
	[sflag:s4] =	ssyncset.s32 $0xFFFFF086  }
0x25: {  	[simem:s6], [sflag:s4] =	dma.local [hbm:s3], $0xF7A  }
0x26: {  	[smem:$0x3F96] =	sst s1;
	(tag) =	ssettag s2;
	_ =	strace s9  }
0x27: {  	s1 =	sld [smem:$0x3FA6]  }
0x28: {  	s2 =	sld [smem:$0x3FA7]  }
0x29: {  	s4 =	sld [smem:$0x3FA9]  }
0x2a: {  	p0 =	seq.s32 s5, $0x0;
	s5 =	sld [smem:$0x3FAA]  }
0x2b: {  	s6 =	sld [smem:$0x3FAB]  }
0x2c: {  	s7 =	sld [smem:$0x3FAC]  }
0x2d: {  	s3 =	simm.s32 $0x108;
	s8 =	sld [smem:$0x3FAD]  }
0x2e: {  	s3 =	simm.s32 @!p0 $0x1082;
	s9 =	sld [smem:$0x3FAE]  }
0x2f: {  	lr =	sadd.s32 s0, s3;
	s0 =	sld [smem:$0x3FA5]  }
0x30: {  	s3 =	sld [smem:$0x3FA8]  }
0x31: {  	[smem:$0x3FB1] =	sst s10  }
0x32: {  	s10 =	sld [smem:$0x3FAF];
	_ =	sdelay $0x3  }
0x33: {  	p0 =	seq.s32 s10, $0x1;
	s10 =	sld [smem:$0x3FB1];
	_ =	sdelay $0x3  }
0x34: {  	[smem:$0x3FB1] =	sst s10  }
0x35: {  	s10 =	sld [smem:$0x3FB0];
	_ =	sdelay $0x3  }
0x36: {  	p1 =	seq.s32 s10, $0x1;
	s10 =	sld [smem:$0x3FB1];
	_ =	sdelay $0x3  }
0x37: {  	[smem:$0x3FB1] =	sst s10  }
0x38: {  	s10 =	sld [smem:$0x3FB2]  }
0x39: {  	_ = 	snop;
	(pc) =	sbr.ind lr, $3  }
0x3a: {  	_ = 	snop  }
0x3b: {  	_ = 	snop  }
0x3c: {  	p2 =	seq.s32 s10, $0x1;
	s10 =	sld [smem:$0x3FB1]  }
0x3d: {  	_ =	shalt  }
0x3e: {  	_ =	shalt  }
0x3f: {  	_ =	shalt  }
0x40: {  	_ =	shalt  }
0x41: {  	_ =	shalt  }
0x42: {  	_ =	shalt  }
0x43: {  	_ =	shalt  }
0x44: {  	_ =	shalt  }
0x45: {  	_ =	shalt  }
0x46: {  	_ =	shalt  }
0x47: {  	_ =	shalt  }
0x48: {  	_ =	shalt  }
0x49: {  	_ =	shalt  }
0x4a: {  	_ =	shalt  }
0x4b: {  	_ =	shalt  }
0x4c: {  	_ =	shalt  }
0x4d: {  	_ =	shalt  }
0x4e: {  	_ =	shalt  }
0x4f: {  	_ =	shalt  }
0x50: {  	_ =	shalt  }
0x51: {  	_ =	shalt  }
0x52: {  	_ =	shalt  }
0x53: {  	_ =	shalt  }
0x54: {  	_ =	shalt  }
0x55: {  	_ =	shalt  }
0x56: {  	_ =	shalt  }
0x57: {  	_ =	shalt  }
0x58: {  	_ =	shalt  }
0x59: {  	_ =	shalt  }
0x5a: {  	_ =	shalt  }
0x5b: {  	_ =	shalt  }
0x5c: {  	_ =	shalt  }
0x5d: {  	_ =	shalt  }
0x5e: {  	_ =	shalt  }
0x5f: {  	_ =	shalt  }
0x60: {  	_ =	shalt  }
0x61: {  	_ =	shalt  }
0x62: {  	_ =	shalt  }
0x63: {  	_ =	shalt  }
0x64: {  	_ =	shalt  }
0x65: {  	_ =	shalt  }
0x66: {  	_ =	shalt  }
0x67: {  	_ =	shalt  }
0x68: {  	_ =	shalt  }
0x69: {  	_ =	shalt  }
0x6a: {  	_ =	shalt  }
0x6b: {  	_ =	shalt  }
0x6c: {  	_ =	shalt  }
0x6d: {  	_ =	shalt  }
0x6e: {  	_ =	shalt  }
0x6f: {  	_ =	shalt  }
0x70: {  	_ =	shalt  }
0x71: {  	_ =	shalt  }
0x72: {  	_ =	shalt  }
0x73: {  	_ =	shalt  }
0x74: {  	_ =	shalt  }
0x75: {  	_ =	shalt  }
0x76: {  	_ =	shalt  }
0x77: {  	_ =	shalt  }
0x78: {  	_ =	shalt  }
0x79: {  	_ =	shalt  }
0x7a: {  	_ =	shalt  }
0x7b: {  	_ =	shalt  }
0x7c: {  	_ =	shalt  }
0x7d: {  	_ =	shalt  }
0x7e: {  	_ =	shalt  }
0x7f: {  	_ =	shalt  }
0x80: {  	_ =	shalt  }
0x81: {  	_ =	shalt  }
0x82: {  	_ =	shalt  }
0x83: {  	_ =	shalt  }
0x84: {  	_ =	shalt  }
0x85: {  	_ =	shalt  }
0x86: {  	_ =	shalt  }
0x87: {  	_ =	shalt  }
.Lfunc_end0:
.L_simem_size_0:
called_computation.1_lowered:
.L_overlay_start_0:
0x88: {  	s2 =	sld [smem:$0x3FD9]  }
0x89: {  	s3 =	sld [smem:$0x3FFE];
	_ =	sdelay $0x1  }
0x8a: {  	s1 =	srdreg.scid  }
0x8b: {  	s0 =	sand.u32 $0x1, s1  }
0x8c: {  	s16 =	sshll.u32 s0, $0xA;
	s2 =	sadd.s32 s3, s2  }
0x8d: {  	s2 =	sadd.s32 s2, s16  }
0x8e: {  	[smem:$0x3FBD] =	sst s2  }
0x8f: {  	_ = 	snop  }
0x90: {  	(tm) =	ssettm $0x1  }
0x91: {  	s17 =	sld [smem:$0x3FFB];
	_ =	sdelay $0x3  }
0x92: {  	_ =	strace s17  }
0x93: {  	s2 =	sld [smem:$0x3FFC];
	_ =	sdelay $0x3  }
0x94: {  	_ =	strace s2  }
0x95: {  	s2 =	sld [smem:$0x3FFD];
	_ =	sdelay $0x3  }
0x96: {  	_ =	strace s2  }
0x97: {  	_ =	strace $0x8FFFFFFF  }
0x98: {  	s18 =	sld [smem:$0x3FDB];
	_ =	sdelay $0x1  }
0x99: {  	s19 =	simm.s32 $_scs_section_size  }
0x9a: {  	s4 =	simm.s32 $_size__tile_overlayer_lowered;
	s5 =	simm.s32 $_tile_overlayer_lowered  }
0x9b: {  	s22 =	simm.s32 $0x1BFF;
	s21 =	sshll.u32 s5, $0x1;
	s2 =	sadd.s32 s19, s18  }
0x9c: {  	s6 =	simm.s32 $0x0;
	s20 =	sshll.u32 s4, $0x1;
	s4 =	sadd.s32 s21, s2  }
0x9d: {  	[timem:s6], [sflag:s22] =	dma.local [hbm:s4], s20  }
0x9e: {  	_ =	swait.ge [sflag:s22], s20  }
0x9f: {  	s3 =	ssub.s32 $0x0, s20;
	[sflag:s22] =	ssyncset.done $0x0  }
0xa0: {  	[sflag:s22] =	ssyncadd.s32 s3;
	_ =	sdelay $0x1  }
0xa1: {  	s23 =	simm.s32 $0x1B8B  }
0xa2: {  	_ =	swait.ge [sflag:s23], $0x1  }
0xa3: {  	[sflag:s23] =	ssyncset.done $0x0  }
0xa4: {  	s25 =	simm.s32 $0x1B8E;
	s24 =	sld [smem:$0x3FFE];
	[sflag:s23] =	ssyncadd.s32 $0xFFFFFFFF  }
0xa5: {  	s26 =	simm.s32 $execute0_lowered;
	[smem:$0x3FD2] =	sst s25  }
0xa6: {  	s4 =	sshll.u32 s26, $0x1;
	_ =	strace $0x80000046;
	[dreg:$0x1] =	wrdreg $0xFFFFFFFF  }
0xa7: {  	s28 =	simm.s32 $_size_execute0_lowered;
	s2 =	sadd.s32 s2, s4;
	[dreg:$0x0] =	wrdreg $0x0  }
0xa8: {  	s4 =	sshll.u32 s28, $0x1;
	[dreg:$0x2] =	wrdreg s2  }
0xa9: {  	[dreg:$0x3] =	wrdreg s4  }
0xaa: {  	[dreg:$0x4] =	wrdreg $0xC0  }
0xab: {  	_ =	task [dreg:s6], $0x5FFFF  }
0xac: {  	[dreg:$0x1] =	wrdreg $0xFFFFFFFF  }
0xad: {  	[dreg:$0x0] =	wrdreg $0x60  }
0xae: {  	[dreg:$0x2] =	wrdreg s24  }
0xaf: {  	[dreg:$0x3] =	wrdreg $0xB  }
0xb0: {  	_ =	task.clear_ibuf [dreg:s6], $0x4FFFF;
	_ =	strace $0x90000046  }
0xb1: {  	s29 =	simm.s32 $0xB;
	_ =	strace $0x80000048  }
0xb2: {  	_ =	swait.ge [sflag:s29], $0x1  }
0xb3: {  	[sflag:s29] =	ssyncadd.s32 $0xFFFFFFFF  }
0xb4: {  	_ =	strace $0x90000048  }
0xb5: {  	_ =	sfence  }
0xb6: {  	s30 =	sld [smem:$0x0];
	_ =	sdelay $0x2  }
0xb7: {  	s31 =	sshll.u32 s1, $0xD;
	s1 =	sshrl.u32 s1, $0x2  }
0xb8: {  	s3 =	sand.u32 $0x4000, s31;
	s1 =	sadd.s32 s1, s30  }
0xb9: {  	s0 =	sor.u32 s3, s0;
	s1 =	sshll.u32 s1, $0x11  }
0xba: {  	s0 =	sor.u32 s1, s0  }
0xbb: {  	s0 =	sadd.s32 $0x8F2B, s0  }
0xbc: {  	[sflag:s0] =	ssyncadd.remote.s32 $0x1  }
0xbd: {  	_ =	sfence.sel $0xFFFF  }
0xbe: {  	[dreg:$0x0] =	wrdreg $0xFFFFFFFF;
	(pc) =	sbr.abs _section_cstart, $3  }
0xbf: {  	[dreg:$0x1] =	wrdreg $0xFFFFFFFF  }
0xc0: {  	_ =	task.clear_ibuf [dreg:s6], $0x2FFFF;
	_ =	strace $0x9FFFFFFF  }
0xc1: {  	(tm) =	ssettm $0x7FFFFFFF  }
tec
execute0_lowered:
.L_overlay_start_1:
0x0: {  	(tag) =	ssettag $0x1  }
0x1: {  	s7 =	rddreg [dreg:$0x0]  }
0x2: {  	s0 =	rddreg [dreg:$0x1];
	_ =	strace $0x80000047  }
0x3: {  	s1 =	srdreg.scid;
	s4 =	simm.s32 $0x1;
	s9 =	simm.s32 $0x3  }
0x4: {  	s12 =	simm.s32 $0x0;
	s10 =	simm.s32 $0x0;
	s5 =	sshll.u32 s1, $0x4  }
.Ltmp0:
0x5: {  	s1 =	stileid.u32;
	s5 =	sand.u32 $0x10, s5;
	(pc) =	sbr.rel .LBB2_1-.Ltmp0, $4  }
0x6: {  	s2 =	sadd.s32 $0x6C00, s7;
	s3 =	sadd.s32 $0x6A00, s7;
	s6 =	sor.u32 s1, s5  }
0x7: {  	[sflag:s4] =	ssyncpa.u1 $0x0;
	s5 =	simm.s32 $0x2;
	s6 =	sshll.u32 s6, $0x7  }
0x8: {  	s7 =	sadd.s32 $0x18D600, s7;
	[sflag:s5] =	ssyncpa.u1 $0x0;
	s8 =	sadd.s32 $0x80, s6  }
0x9: {  	vm0 =	vmmov $0xff;
	vm1 =	vcmask $0x3F20;
	[sflag:s9] =	ssyncpa.u1 $0x0;
	s9 =	simm.s32 $0x80;
	s11 =	smov.u32 s6  }
.LBB2_9:
0xa: {  	p0 =	seq.s32 s10, $0x2  }
.Ltmp1:
0xb: {  	_ = 	snop;
	(pc) =	sbr.rel @p0 .LBB2_11-.Ltmp1, $1  }
0xc: {  	_ =	sdelay $0x3  }
.LBB2_10:
0xd: {  	s12 =	sadd.s32 $0x80, s11  }
0xe: {  	s13 =	smov.u32 s6;
	p0 =	slt.s32 s12, s8  }
0xf: {  	s13 =	smov.u32 @p0 s12  }
0x10: {  	s10 =	sadd.s32 $0x1, s10;
	s12 =	smov.u32 s11;
	s11 =	smov.u32 s13  }
.LBB2_1:
0x11: {  	p0 =	sne.s32 s10, $0x0  }
.Ltmp2:
0x12: {  	_ = 	snop;
	(pc) =	sbr.rel @!p0 .LBB2_2-.Ltmp2, $1  }
0x13: {  	_ =	sdelay $0x3  }
0x14: {  	s13 =	sand.u32 $0x1, s10  }
0x15: {  	p0 =	seq.s32 s13, $0x0  }
.Ltmp3:
0x16: {  	_ = 	snop;
	(pc) =	sbr.rel @p0 .LBB2_9-.Ltmp3, $1  }
0x17: {  	_ =	sdelay $0x3  }
0x18: {  	_ =	swait.ge [sflag:s5], $0x80  }
0x19: {  	[sflag:s5] =	ssyncset.done $0x0  }
0x1a: {  	s13 =	simm.s32 $0x0;
	[sflag:s5] =	ssyncadd.s32 $0xFFFFFF80  }
0x1b: {  	v0 =	vld.msk [tilespmem:s13+$0x80 ss:$0x1], $0xffff;
	_ =	sdelay $0x4  }
0x1c: {  	vm2 =	vgt.s32 v0, $0x0  }
0x1d: {  	v0 =	vnsel vm2, $0x0, v0  }
0x1e: {  	v0 =	vmin.u32 v0, $0x1869F  }
0x1f: {  	v0 =	vshll.u32 v0, $0x4;
	_ =	sdelay $0x3  }
0x20: {  	s13 =	simm.s32 $0x4100  }
0x21: {  	[tilespmem:s13], [sflag:$0x1] =	stream.indirect_vreg.gather [hbm:s2], $0x80, v0, vm0, $0x38;
	[tilespmem:$0x8100] =	vst v63  }
0x22: {  	s14 =	simm.s32 $0x4500;
	s31 =	simm.s32 $0x10  }
0x23: {  	[tilespmem:s14], [sflag:$0x1] =	stream.indirect_vreg.gather [hbm:s2], $0x80, v0, vm1, $0x38;
	[tilespmem:$0x8100] =	vst v63  }
0x24: {  	s14 =	simm.s32 $0x80;
	v0 =	vld.msk [tilespmem:s31+$0x80 ss:$0x1], $0xffff  }
.LBB2_5:
0x25: {  	p0 =	sne.s32 s14, $0x1C0;
	_ =	sdelay $0x4  }
0x26: {  	vm2 =	vgt.s32 v0, $0x0  }
0x27: {  	v0 =	vnsel vm2, $0x0, v0  }
0x28: {  	v0 =	vmin.u32 v0, $0x1869F  }
0x29: {  	v0 =	vshll.u32 v0, $0x4;
	_ =	sdelay $0x3  }
.Ltmp4:
0x2a: {  	s13 =	sadd.s32 $0x800, s13;
	(pc) =	sbr.rel @p0 .LBB2_5-.Ltmp4, $4  }
0x2b: {  	[tilespmem:s13], [sflag:$0x1] =	stream.indirect_vreg.gather [hbm:s2], $0x80, v0, vm0, $0x38;
	[tilespmem:$0x8100] =	vst v63  }
0x2c: {  	s15 =	sshra.s32 s14, $0x2;
	s16 =	sadd.s32 $0x400, s13  }
0x2d: {  	[tilespmem:s16], [sflag:$0x1] =	stream.indirect_vreg.gather [hbm:s2], $0x80, v0, vm1, $0x38;
	[tilespmem:$0x8100] =	vst v63  }
0x2e: {  	s14 =	sadd.s32 $0x40, s14;
	v0 =	vld.msk [tilespmem:s15+$0x80 ss:$0x1], $0xffff  }
0x2f: {  	_ =	sdelay $0x3  }
0x30: {  	vm2 =	vgt.s32 v0, $0x0  }
0x31: {  	v0 =	vnsel vm2, $0x0, v0  }
0x32: {  	v0 =	vmin.u32 v0, $0x1869F  }
0x33: {  	v0 =	vshll.u32 v0, $0x4;
	_ =	sdelay $0x3  }
0x34: {  	s13 =	sadd.s32 $0x800, s13  }
0x35: {  	[tilespmem:s13], [sflag:$0x1] =	stream.indirect_vreg.gather [hbm:s2], $0x80, v0, vm0, $0x38;
	[tilespmem:$0x8100] =	vst v63  }
0x36: {  	s13 =	sadd.s32 $0x400, s13  }
0x37: {  	[tilespmem:s13], [sflag:$0x1] =	stream.indirect_vreg.gather [hbm:s2], $0x80, v0, vm1, $0x38;
	[tilespmem:$0x8100] =	vst v63  }
0x38: {  	s12 =	sshll.u32 s12, $0x4;
	s14 =	simm.s32 $0x80;
	_ =	swait.ge [sflag:s4], $0x4000  }
0x39: {  	s15 =	simm.s32 $0x4500;
	s12 =	sadd.s32 s12, s7;
	[sflag:s4] =	ssyncset.done $0x0  }
0x3a: {  	s16 =	sadd.s32 $0x0, s12;
	s13 =	simm.s32 $0x4100;
	[sflag:s4] =	ssyncadd.s32 $0xFFFFC000  }
.LBB2_7:
0x3b: {  	[hbm:s16] =	stream.linear.scatter [tilespmem:s13], [sflag:$0x3], $0x400, $0x38;
	[tilespmem:$0x8100] =	vst v63  }
0x3c: {  	s16 =	smov.u32 s14;
	s13 =	smov.u32 s15;
	p0 =	sne.s32 s14, $0x780  }
.Ltmp5:
0x3d: {  	s14 =	sadd.s32 $0x80, s14;
	(pc) =	sbr.rel @p0 .LBB2_7-.Ltmp5, $2  }
0x3e: {  	_ =	sdelay $0x2  }
0x3f: {  	s15 =	sadd.s32 $0x400, s15;
	s16 =	sadd.s32 s16, s12  }
.Ltmp6:
0x40: {  	(pc) =	sbr.rel .LBB2_9-.Ltmp6, $2  }
0x41: {  	_ =	sdelay $0x2  }
0x42: {  	[hbm:s16] =	stream.linear.scatter [tilespmem:s13], [sflag:$0x3], $0x400, $0x38;
	[tilespmem:$0x8100] =	vst v63  }
.LBB2_2:
.Ltmp7:
0x43: {  	(pc) =	sbr.rel .LBB2_10-.Ltmp7, $4  }
0x44: {  	_ = 	snop  }
0x45: {  	s12 =	sshrl.u32 s11, $0x3  }
0x46: {  	s13 =	sand.u32 $0x7, s11;
	s12 =	sadd.s32 s3, s12  }
0x47: {  	[tilespmem:s9], [sflag:$0x2] =	stream.linear.gather [hbm4b:s12+s13], $0x80, $0x38;
	[tilespmem:$0x8100] =	vst v63  }
.LBB2_11:
0x48: {  	s2 =	simm.s32 $0x3  }
0x49: {  	_ =	swait.ge [sflag:s2], $0x4000  }
0x4a: {  	[sflag:s2] =	ssyncset.done $0x0  }
0x4b: {  	[sflag:s2] =	ssyncadd.s32 $0xFFFFC000  }
0x4c: {  	_ =	sfence.sel $0x180000  }
0x4d: {  	s3 =	simm.s32 $0x2;
	[bflag:$0x0] =	sbarrier.arrive $0xFFFF  }
0x4e: {  	[sflag:s3] =	ssyncpa.u1 $0x1  }
0x4f: {  	s31 =	simm.s32 $0x1;
	[sflag:s2] =	ssyncpa.u1 $0x1  }
0x50: {  	[sflag:s31] =	ssyncpa.u1 $0x1  }
0x51: {  	p0 =	sne.s32 s1, $0x0;
	_ =	strace $0x90000047  }
0x52: {  	s0 =	sadd.s32 @!p0 $0x100000, s0;
	[bflag:$0x2] =	sbarrier.arrive $0xFFFF  }
0x53: {  	[sflag:s0] =	ssyncadd.tile.s32 @!p0 $0x1;
	_ =	shalt  }
.Lfunc_end2:
_tile_overlayer_lowered:
.L_overlay_start_2:
0x54: {  	(tag) =	ssettag $0x2  }
0x55: {  	s0 =	rddreg [dreg:$0x0];
	s2 =	stileid.u32  }
0x56: {  	s1 =	rddreg [dreg:$0x1];
	p0 =	sne.s32 s2, $0x0  }
0x57: {  	s3 =	rddreg [dreg:$0x2];
	[bflag:$0x3] =	sbarrier.arrive $0xFFFF;
	s2 =	simm.s32 @!p0 $0x1C01  }
0x58: {  	[timem:s3], [sflag:s2] =	dma.local @!p0 [hbm:s0], s1  }
0x59: {  	s0 =	simm.s32 @!p0 $0x1  }
0x5a: {  	_ =	swait.ge @!p0 [sflag:s0], s1  }
0x5b: {  	s1 =	ssub.s32 @!p0 $0x0, s1;
	[sflag:s0] =	ssyncset.done @!p0 $0x0  }
0x5c: {  	[sflag:s0] =	ssyncadd.s32 @!p0 s1  }
0x5d: {  	[bflag:$0x3] =	sbarrier.arrive $0xFFFF  }
0x5e: {  	_ =	shalt  }

// kernel: gather_offload_async_start.2
scs
__scs_entry_jumppad:
0x0: {  	(pc) =	sbr.rel $0x88, $3  }
0x1: {  	(tag) =	ssettag $0x0;
	lr =	simm.s32 $0x1  }
0x2: {  	[smem:$0x3F96] =	sst lr;
	_ =	strace $0xD0000000  }
0x3: {  	_ = 	snop  }
0x4: {  	_ = 	snop  }
0x5: {  	_ = 	snop  }
0x6: {  	_ = 	snop  }
0x7: {  	_ = 	snop  }
__scs_overlays_trampoline_lowered:
0x8: {  	[smem:$0x3FA5] =	sst s0  }
0x9: {  	[smem:$0x3FA6] =	sst s1  }
0xa: {  	[smem:$0x3FA7] =	sst s2  }
0xb: {  	[smem:$0x3FA8] =	sst s3  }
0xc: {  	[smem:$0x3FA9] =	sst s4  }
0xd: {  	[smem:$0x3FAA] =	sst s5  }
0xe: {  	[smem:$0x3FAB] =	sst s6  }
0xf: {  	[smem:$0x3FAC] =	sst s7  }
0x10: {  	[smem:$0x3FAD] =	sst s8  }
0x11: {  	[smem:$0x3FAE] =	sst s9;
	s0 =	simm.s32 @!p0 $0x0  }
0x12: {  	s1 =	sld [smem:$0x3F94];
	s0 =	simm.s32 @p0 $0x1  }
0x13: {  	[smem:$0x3FAF] =	sst s0;
	s0 =	simm.s32 @!p1 $0x0  }
0x14: {  	s2 =	sld [smem:$0x3F93];
	s0 =	simm.s32 @p1 $0x1  }
0x15: {  	[smem:$0x3FB0] =	sst s0;
	s0 =	simm.s32 @!p2 $0x0  }
0x16: {  	s3 =	sld [smem:$0x3FDB];
	s0 =	simm.s32 @p2 $0x1  }
0x17: {  	s4 =	simm.s32 $0x1BF5;
	[smem:$0x3FB2] =	sst s0  }
0x18: {  	s0 =	sld [smem:$0x3F95];
	_ =	swait.ge [sflag:s4], $0x0  }
0x19: {  	s7 =	sld [smem:$0x3F96]  }
0x1a: {  	s8 =	sadd.s32 $0xFFFFE003, lr  }
0x1b: {  	s9 =	sadd.s32 $0xFFFFFEF7, lr;
	s5 =	simm.s32 $0xFFFFFFFF;
	p2 =	slt.u32 s8, $0xFFFFF086  }
0x1c: {  	p1 =	slt.u32 s9, $0xF7A;
	s5 =	simm.s32 @!p2 $0x0  }
0x1d: {  	s5 =	simm.s32 @p1 $0x1;
	p0 =	seq.s32 s7, s2  }
0x1e: {  	s7 =	smul.u32 @!p0 $0xF7A, s2;
	p2 =	seq.s32 @!p0 s5, $0x0  }
0x1f: {  	s9 =	smul.u32 $0xF7A, s1;
	s8 =	simm.s32 @!p0 $0x1BF5;
	p2 =	por !p2, p0  }
0x20: {  	[sflag:s8] =	ssyncset.s32 @!p0 $0xFFFFF086;
	s6 =	sadd.s32 @!p0 s3, s7;
	s7 =	simm.s32 @!p0 $0x108  }
0x21: {  	s3 =	sadd.s32 s3, s9;
	s6 =	sadd.s32 @!p0 $0x88, s6;
	s7 =	simm.s32 @p2 $0x1082  }
0x22: {  	[simem:s7], [sflag:s8] =	dma.local @!p0 [hbm:s6], $0xF7A  }
0x23: {  	s9 =	sor.u32 $0xD0000000, s2;
	s6 =	simm.s32 $0x108;
	_ =	swait.ge @!p0 [sflag:s8], $0x0  }
0x24: {  	s3 =	sadd.s32 $0x88, s3;
	s6 =	simm.s32 @!p1 $0x1082;
	[sflag:s4] =	ssyncset.s32 $0xFFFFF086  }
0x25: {  	[simem:s6], [sflag:s4] =	dma.local [hbm:s3], $0xF7A  }
0x26: {  	[smem:$0x3F96] =	sst s1;
	(tag) =	ssettag s2;
	_ =	strace s9  }
0x27: {  	s1 =	sld [smem:$0x3FA6]  }
0x28: {  	s2 =	sld [smem:$0x3FA7]  }
0x29: {  	s4 =	sld [smem:$0x3FA9]  }
0x2a: {  	p0 =	seq.s32 s5, $0x0;
	s5 =	sld [smem:$0x3FAA]  }
0x2b: {  	s6 =	sld [smem:$0x3FAB]  }
0x2c: {  	s7 =	sld [smem:$0x3FAC]  }
0x2d: {  	s3 =	simm.s32 $0x108;
	s8 =	sld [smem:$0x3FAD]  }
0x2e: {  	s3 =	simm.s32 @!p0 $0x1082;
	s9 =	sld [smem:$0x3FAE]  }
0x2f: {  	lr =	sadd.s32 s0, s3;
	s0 =	sld [smem:$0x3FA5]  }
0x30: {  	s3 =	sld [smem:$0x3FA8]  }
0x31: {  	[smem:$0x3FB1] =	sst s10  }
0x32: {  	s10 =	sld [smem:$0x3FAF];
	_ =	sdelay $0x3  }
0x33: {  	p0 =	seq.s32 s10, $0x1;
	s10 =	sld [smem:$0x3FB1];
	_ =	sdelay $0x3  }
0x34: {  	[smem:$0x3FB1] =	sst s10  }
0x35: {  	s10 =	sld [smem:$0x3FB0];
	_ =	sdelay $0x3  }
0x36: {  	p1 =	seq.s32 s10, $0x1;
	s10 =	sld [smem:$0x3FB1];
	_ =	sdelay $0x3  }
0x37: {  	[smem:$0x3FB1] =	sst s10  }
0x38: {  	s10 =	sld [smem:$0x3FB2]  }
0x39: {  	_ = 	snop;
	(pc) =	sbr.ind lr, $3  }
0x3a: {  	_ = 	snop  }
0x3b: {  	_ = 	snop  }
0x3c: {  	p2 =	seq.s32 s10, $0x1;
	s10 =	sld [smem:$0x3FB1]  }
0x3d: {  	_ =	shalt  }
0x3e: {  	_ =	shalt  }
0x3f: {  	_ =	shalt  }
0x40: {  	_ =	shalt  }
0x41: {  	_ =	shalt  }
0x42: {  	_ =	shalt  }
0x43: {  	_ =	shalt  }
0x44: {  	_ =	shalt  }
0x45: {  	_ =	shalt  }
0x46: {  	_ =	shalt  }
0x47: {  	_ =	shalt  }
0x48: {  	_ =	shalt  }
0x49: {  	_ =	shalt  }
0x4a: {  	_ =	shalt  }
0x4b: {  	_ =	shalt  }
0x4c: {  	_ =	shalt  }
0x4d: {  	_ =	shalt  }
0x4e: {  	_ =	shalt  }
0x4f: {  	_ =	shalt  }
0x50: {  	_ =	shalt  }
0x51: {  	_ =	shalt  }
0x52: {  	_ =	shalt  }
0x53: {  	_ =	shalt  }
0x54: {  	_ =	shalt  }
0x55: {  	_ =	shalt  }
0x56: {  	_ =	shalt  }
0x57: {  	_ =	shalt  }
0x58: {  	_ =	shalt  }
0x59: {  	_ =	shalt  }
0x5a: {  	_ =	shalt  }
0x5b: {  	_ =	shalt  }
0x5c: {  	_ =	shalt  }
0x5d: {  	_ =	shalt  }
0x5e: {  	_ =	shalt  }
0x5f: {  	_ =	shalt  }
0x60: {  	_ =	shalt  }
0x61: {  	_ =	shalt  }
0x62: {  	_ =	shalt  }
0x63: {  	_ =	shalt  }
0x64: {  	_ =	shalt  }
0x65: {  	_ =	shalt  }
0x66: {  	_ =	shalt  }
0x67: {  	_ =	shalt  }
0x68: {  	_ =	shalt  }
0x69: {  	_ =	shalt  }
0x6a: {  	_ =	shalt  }
0x6b: {  	_ =	shalt  }
0x6c: {  	_ =	shalt  }
0x6d: {  	_ =	shalt  }
0x6e: {  	_ =	shalt  }
0x6f: {  	_ =	shalt  }
0x70: {  	_ =	shalt  }
0x71: {  	_ =	shalt  }
0x72: {  	_ =	shalt  }
0x73: {  	_ =	shalt  }
0x74: {  	_ =	shalt  }
0x75: {  	_ =	shalt  }
0x76: {  	_ =	shalt  }
0x77: {  	_ =	shalt  }
0x78: {  	_ =	shalt  }
0x79: {  	_ =	shalt  }
0x7a: {  	_ =	shalt  }
0x7b: {  	_ =	shalt  }
0x7c: {  	_ =	shalt  }
0x7d: {  	_ =	shalt  }
0x7e: {  	_ =	shalt  }
0x7f: {  	_ =	shalt  }
0x80: {  	_ =	shalt  }
0x81: {  	_ =	shalt  }
0x82: {  	_ =	shalt  }
0x83: {  	_ =	shalt  }
0x84: {  	_ =	shalt  }
0x85: {  	_ =	shalt  }
0x86: {  	_ =	shalt  }
0x87: {  	_ =	shalt  }
.Lfunc_end0:
.L_simem_size_0:
called_computation.2_lowered:
.L_overlay_start_0:
0x88: {  	s2 =	sld [smem:$0x3FD9]  }
0x89: {  	s3 =	sld [smem:$0x3FFE];
	_ =	sdelay $0x1  }
0x8a: {  	s1 =	srdreg.scid  }
0x8b: {  	s0 =	sand.u32 $0x1, s1  }
0x8c: {  	s17 =	sshll.u32 s0, $0xA;
	s2 =	sadd.s32 s3, s2  }
0x8d: {  	s2 =	sadd.s32 s2, s17  }
0x8e: {  	[smem:$0x3FBD] =	sst s2  }
0x8f: {  	_ = 	snop  }
0x90: {  	(tm) =	ssettm $0x1  }
0x91: {  	s18 =	sld [smem:$0x3FFB];
	_ =	sdelay $0x3  }
0x92: {  	_ =	strace s18  }
0x93: {  	s2 =	sld [smem:$0x3FFC];
	_ =	sdelay $0x3  }
0x94: {  	_ =	strace s2  }
0x95: {  	s2 =	sld [smem:$0x3FFD];
	_ =	sdelay $0x3  }
0x96: {  	_ =	strace s2  }
0x97: {  	_ =	strace $0x8FFFFFFF  }
0x98: {  	s19 =	sld [smem:$0x3FDB];
	_ =	sdelay $0x1  }
0x99: {  	s20 =	simm.s32 $_scs_section_size  }
0x9a: {  	s4 =	simm.s32 $_size__tile_overlayer_lowered;
	s5 =	simm.s32 $_tile_overlayer_lowered  }
0x9b: {  	s6 =	simm.s32 $0x1BFF;
	s21 =	sshll.u32 s5, $0x1;
	s3 =	sadd.s32 s20, s19  }
0x9c: {  	s22 =	simm.s32 $0x0;
	s4 =	sshll.u32 s4, $0x1;
	s5 =	sadd.s32 s21, s3  }
0x9d: {  	[timem:s22], [sflag:s6] =	dma.local [hbm:s5], s4  }
0x9e: {  	_ =	swait.ge [sflag:s6], s4  }
0x9f: {  	s4 =	ssub.s32 $0x0, s4;
	[sflag:s6] =	ssyncset.done $0x0  }
0xa0: {  	[sflag:s6] =	ssyncadd.s32 s4;
	_ =	sdelay $0x1  }
0xa1: {  	s23 =	simm.s32 $0x1B8B  }
0xa2: {  	_ =	swait.ge [sflag:s23], $0x1  }
0xa3: {  	[sflag:s23] =	ssyncset.done $0x0  }
0xa4: {  	[sflag:s23] =	ssyncadd.s32 $0xFFFFFFFF  }
0xa5: {  	s4 =	sld [smem:$0x0]  }
0xa6: {  	s5 =	sand.u32 $0xFFFFFFFE, s1  }
0xa7: {  	p0 =	sne.s32 s1, s5  }
0xa8: {  	s5 =	sshll.u32 @p0 s5, $0xE  }
0xa9: {  	s5 =	sadd.s32 @p0 $0x11B8D, s5;
	s6 =	sshll.u32 @p0 s4, $0x11  }
0xaa: {  	s5 =	sor.u32 @p0 s6, s5  }
0xab: {  	[sflag:s5] =	ssyncadd.remote.s32 @p0 $0x1;
	_ =	sdelay $0x1  }
0xac: {  	s5 =	simm.s32 @p0 $0x1B8D  }
0xad: {  	_ =	swait.eq @p0 [sflag:s5], $0x1  }
0xae: {  	[sflag:s5] =	ssyncadd.s32 @p0 $0xFFFFFFFF  }
0xaf: {  	s6 =	sshll.u32 @!p0 s1, $0xE  }
0xb0: {  	s6 =	sor.u32 @!p0 $0x4000, s6;
	s5 =	simm.s32 @!p0 $0x1B8D  }
0xb1: {  	s4 =	sshll.u32 @!p0 s4, $0x11;
	s6 =	sadd.s32 @!p0 $0x11B8D, s6;
	_ =	swait.eq @!p0 [sflag:s5], $0x1  }
0xb2: {  	s4 =	sor.u32 @!p0 s4, s6;
	[sflag:s5] =	ssyncadd.s32 @!p0 $0xFFFFFFFF  }
0xb3: {  	s25 =	simm.s32 $0x1B8E;
	s24 =	sld [smem:$0x3FFE];
	[sflag:s4] =	ssyncadd.remote.s32 @!p0 $0x1  }
0xb4: {  	s26 =	simm.s32 $execute0_lowered;
	[smem:$0x3FD2] =	sst s25  }
0xb5: {  	s5 =	sshll.u32 s26, $0x1;
	_ =	strace $0x80000049;
	[dreg:$0x1] =	wrdreg $0xFFFFFFFF  }
0xb6: {  	s28 =	simm.s32 $_size_execute0_lowered;
	s3 =	sadd.s32 s3, s5;
	[dreg:$0x0] =	wrdreg $0x0  }
0xb7: {  	s5 =	sshll.u32 s28, $0x1;
	[dreg:$0x2] =	wrdreg s3  }
0xb8: {  	[dreg:$0x3] =	wrdreg s5  }
0xb9: {  	[dreg:$0x4] =	wrdreg $0xC0  }
0xba: {  	_ =	task [dreg:s22], $0x5FFFF  }
0xbb: {  	[dreg:$0x1] =	wrdreg $0xFFFFFFFF  }
0xbc: {  	[dreg:$0x0] =	wrdreg $0x60  }
0xbd: {  	[dreg:$0x2] =	wrdreg s24  }
0xbe: {  	[dreg:$0x3] =	wrdreg $0xA  }
0xbf: {  	_ =	task.clear_ibuf [dreg:s22], $0x4FFFF;
	_ =	strace $0x90000049  }
0xc0: {  	s29 =	simm.s32 $0xA;
	_ =	strace $0x8000004B  }
0xc1: {  	_ =	swait.ge [sflag:s29], $0x1  }
0xc2: {  	[sflag:s29] =	ssyncadd.s32 $0xFFFFFFFF  }
0xc3: {  	_ =	strace $0x9000004B  }
0xc4: {  	_ =	sfence  }
0xc5: {  	s30 =	sld [smem:$0x0];
	_ =	sdelay $0x2  }
0xc6: {  	s31 =	sshll.u32 s1, $0xD;
	s1 =	sshrl.u32 s1, $0x2  }
0xc7: {  	s4 =	sand.u32 $0x4000, s31;
	s1 =	sadd.s32 s1, s30  }
0xc8: {  	s0 =	sor.u32 s4, s0;
	s1 =	sshll.u32 s1, $0x11  }
0xc9: {  	s0 =	sor.u32 s1, s0  }
0xca: {  	s0 =	sadd.s32 $0x8F2B, s0  }
0xcb: {  	[sflag:s0] =	ssyncadd.remote.s32 $0x1  }
0xcc: {  	_ =	sfence.sel $0xFFFF  }
0xcd: {  	[dreg:$0x0] =	wrdreg $0xFFFFFFFF;
	(pc) =	sbr.abs _section_cstart, $3  }
0xce: {  	[dreg:$0x1] =	wrdreg $0xFFFFFFFF  }
0xcf: {  	_ =	task.clear_ibuf [dreg:s22], $0x2FFFF;
	_ =	strace $0x9FFFFFFF  }
0xd0: {  	(tm) =	ssettm $0x7FFFFFFF  }
0xd1: {  	_ =	shalt  }
tec
execute0_lowered:
.L_overlay_start_1:
0x0: {  	(tag) =	ssettag $0x1  }
0x1: {  	s7 =	rddreg [dreg:$0x0]  }
0x2: {  	s0 =	rddreg [dreg:$0x1];
	_ =	strace $0x8000004A  }
0x3: {  	s1 =	srdreg.scid;
	s4 =	simm.s32 $0x1;
	s9 =	simm.s32 $0x3  }
0x4: {  	s12 =	simm.s32 $0x0;
	s10 =	simm.s32 $0x0;
	s5 =	sshll.u32 s1, $0x4  }
.Ltmp0:
0x5: {  	s1 =	stileid.u32;
	s5 =	sand.u32 $0x10, s5;
	(pc) =	sbr.rel .LBB2_1-.Ltmp0, $4  }
0x6: {  	s2 =	sadd.s32 $0x19D600, s7;
	s3 =	sadd.s32 $0x6A00, s7;
	s6 =	sor.u32 s1, s5  }
0x7: {  	[sflag:s4] =	ssyncpa.u1 $0x0;
	s5 =	simm.s32 $0x2;
	s6 =	sshll.u32 s6, $0x7  }
0x8: {  	s7 =	sadd.s32 $0x324000, s7;
	[sflag:s5] =	ssyncpa.u1 $0x0;
	s8 =	sadd.s32 $0x80, s6  }
0x9: {  	vm0 =	vmmov $0xff;
	vm1 =	vcmask $0x3F20;
	[sflag:s9] =	ssyncpa.u1 $0x0;
	s9 =	simm.s32 $0x80;
	s11 =	smov.u32 s6  }
.LBB2_9:
0xa: {  	p0 =	seq.s32 s10, $0x2  }
.Ltmp1:
0xb: {  	_ = 	snop;
	(pc) =	sbr.rel @p0 .LBB2_11-.Ltmp1, $1  }
0xc: {  	_ =	sdelay $0x3  }
.LBB2_10:
0xd: {  	s12 =	sadd.s32 $0x80, s11  }
0xe: {  	s13 =	smov.u32 s6;
	p0 =	slt.s32 s12, s8  }
0xf: {  	s13 =	smov.u32 @p0 s12  }
0x10: {  	s10 =	sadd.s32 $0x1, s10;
	s12 =	smov.u32 s11;
	s11 =	smov.u32 s13  }
.LBB2_1:
0x11: {  	p0 =	sne.s32 s10, $0x0  }
.Ltmp2:
0x12: {  	_ = 	snop;
	(pc) =	sbr.rel @!p0 .LBB2_2-.Ltmp2, $1  }
0x13: {  	_ =	sdelay $0x3  }
0x14: {  	s13 =	sand.u32 $0x1, s10  }
0x15: {  	p0 =	seq.s32 s13, $0x0  }
.Ltmp3:
0x16: {  	_ = 	snop;
	(pc) =	sbr.rel @p0 .LBB2_9-.Ltmp3, $1  }
0x17: {  	_ =	sdelay $0x3  }
0x18: {  	_ =	swait.ge [sflag:s5], $0x80  }
0x19: {  	[sflag:s5] =	ssyncset.done $0x0  }
0x1a: {  	s13 =	simm.s32 $0x0;
	[sflag:s5] =	ssyncadd.s32 $0xFFFFFF80  }
0x1b: {  	v0 =	vld.msk [tilespmem:s13+$0x80 ss:$0x1], $0xffff;
	_ =	sdelay $0x4  }
0x1c: {  	vm2 =	vgt.s32 v0, $0x0  }
0x1d: {  	v0 =	vnsel vm2, $0x0, v0  }
0x1e: {  	v0 =	vmin.u32 v0, $0x1869F  }
0x1f: {  	v0 =	vshll.u32 v0, $0x4;
	_ =	sdelay $0x3  }
0x20: {  	s13 =	simm.s32 $0x4100  }
0x21: {  	[tilespmem:s13], [sflag:$0x1] =	stream.indirect_vreg.gather [hbm:s2], $0x80, v0, vm0, $0x38;
	[tilespmem:$0x8100] =	vst v63  }
0x22: {  	s14 =	simm.s32 $0x4500;
	s31 =	simm.s32 $0x10  }
0x23: {  	[tilespmem:s14], [sflag:$0x1] =	stream.indirect_vreg.gather [hbm:s2], $0x80, v0, vm1, $0x38;
	[tilespmem:$0x8100] =	vst v63  }
0x24: {  	s14 =	simm.s32 $0x80;
	v0 =	vld.msk [tilespmem:s31+$0x80 ss:$0x1], $0xffff  }
.LBB2_5:
0x25: {  	p0 =	sne.s32 s14, $0x1C0;
	_ =	sdelay $0x4  }
0x26: {  	vm2 =	vgt.s32 v0, $0x0  }
0x27: {  	v0 =	vnsel vm2, $0x0, v0  }
0x28: {  	v0 =	vmin.u32 v0, $0x1869F  }
0x29: {  	v0 =	vshll.u32 v0, $0x4;
	_ =	sdelay $0x3  }
.Ltmp4:
0x2a: {  	s13 =	sadd.s32 $0x800, s13;
	(pc) =	sbr.rel @p0 .LBB2_5-.Ltmp4, $4  }
0x2b: {  	[tilespmem:s13], [sflag:$0x1] =	stream.indirect_vreg.gather [hbm:s2], $0x80, v0, vm0, $0x38;
	[tilespmem:$0x8100] =	vst v63  }
0x2c: {  	s15 =	sshra.s32 s14, $0x2;
	s16 =	sadd.s32 $0x400, s13  }
0x2d: {  	[tilespmem:s16], [sflag:$0x1] =	stream.indirect_vreg.gather [hbm:s2], $0x80, v0, vm1, $0x38;
	[tilespmem:$0x8100] =	vst v63  }
0x2e: {  	s14 =	sadd.s32 $0x40, s14;
	v0 =	vld.msk [tilespmem:s15+$0x80 ss:$0x1], $0xffff  }
0x2f: {  	_ =	sdelay $0x3  }
0x30: {  	vm2 =	vgt.s32 v0, $0x0  }
0x31: {  	v0 =	vnsel vm2, $0x0, v0  }
0x32: {  	v0 =	vmin.u32 v0, $0x1869F  }
0x33: {  	v0 =	vshll.u32 v0, $0x4;
	_ =	sdelay $0x3  }
0x34: {  	s13 =	sadd.s32 $0x800, s13  }
0x35: {  	[tilespmem:s13], [sflag:$0x1] =	stream.indirect_vreg.gather [hbm:s2], $0x80, v0, vm0, $0x38;
	[tilespmem:$0x8100] =	vst v63  }
0x36: {  	s13 =	sadd.s32 $0x400, s13  }
0x37: {  	[tilespmem:s13], [sflag:$0x1] =	stream.indirect_vreg.gather [hbm:s2], $0x80, v0, vm1, $0x38;
	[tilespmem:$0x8100] =	vst v63  }
0x38: {  	s12 =	sshll.u32 s12, $0x4;
	s14 =	simm.s32 $0x80;
	_ =	swait.ge [sflag:s4], $0x4000  }
0x39: {  	s15 =	simm.s32 $0x4500;
	s12 =	sadd.s32 s12, s7;
	[sflag:s4] =	ssyncset.done $0x0  }
0x3a: {  	s16 =	sadd.s32 $0x0, s12;
	s13 =	simm.s32 $0x4100;
	[sflag:s4] =	ssyncadd.s32 $0xFFFFC000  }
.LBB2_7:
0x3b: {  	[hbm:s16] =	stream.linear.scatter [tilespmem:s13], [sflag:$0x3], $0x400, $0x38;
	[tilespmem:$0x8100] =	vst v63  }
0x3c: {  	s16 =	smov.u32 s14;
	s13 =	smov.u32 s15;
	p0 =	sne.s32 s14, $0x780  }
.Ltmp5:
0x3d: {  	s14 =	sadd.s32 $0x80, s14;
	(pc) =	sbr.rel @p0 .LBB2_7-.Ltmp5, $2  }
0x3e: {  	_ =	sdelay $0x2  }
0x3f: {  	s15 =	sadd.s32 $0x400, s15;
	s16 =	sadd.s32 s16, s12  }
.Ltmp6:
0x40: {  	(pc) =	sbr.rel .LBB2_9-.Ltmp6, $2  }
0x41: {  	_ =	sdelay $0x2  }
0x42: {  	[hbm:s16] =	stream.linear.scatter [tilespmem:s13], [sflag:$0x3], $0x400, $0x38;
	[tilespmem:$0x8100] =	vst v63  }
.LBB2_2:
.Ltmp7:
0x43: {  	(pc) =	sbr.rel .LBB2_10-.Ltmp7, $4  }
0x44: {  	_ = 	snop  }
0x45: {  	s12 =	sshrl.u32 s11, $0x3  }
0x46: {  	s13 =	sand.u32 $0x7, s11;
	s12 =	sadd.s32 s3, s12  }
0x47: {  	[tilespmem:s9], [sflag:$0x2] =	stream.linear.gather [hbm4b:s12+s13], $0x80, $0x38;
	[tilespmem:$0x8100] =	vst v63  }
.LBB2_11:
0x48: {  	s2 =	simm.s32 $0x3  }
0x49: {  	_ =	swait.ge [sflag:s2], $0x4000  }
0x4a: {  	[sflag:s2] =	ssyncset.done $0x0  }
0x4b: {  	[sflag:s2] =	ssyncadd.s32 $0xFFFFC000  }
0x4c: {  	_ =	sfence.sel $0x180000  }
0x4d: {  	s3 =	simm.s32 $0x2;
	[bflag:$0x0] =	sbarrier.arrive $0xFFFF  }
0x4e: {  	[sflag:s3] =	ssyncpa.u1 $0x1  }
0x4f: {  	s31 =	simm.s32 $0x1;
	[sflag:s2] =	ssyncpa.u1 $0x1  }
0x50: {  	[sflag:s31] =	ssyncpa.u1 $0x1  }
0x51: {  	p0 =	sne.s32 s1, $0x0;
	_ =	strace $0x9000004A  }
0x52: {  	s0 =	sadd.s32 @!p0 $0x100000, s0;
	[bflag:$0x2] =	sbarrier.arrive $0xFFFF  }
0x53: {  	[sflag:s0] =	ssyncadd.tile.s32 @!p0 $0x1;
	_ =	shalt  }
.Lfunc_end2:
_tile_overlayer_lowered:
.L_overlay_start_2:
0x54: {  	(tag) =	ssettag $0x2  }
0x55: {  	s0 =	rddreg [dreg:$0x0];
	s2 =	stileid.u32  }
0x56: {  	s1 =	rddreg [dreg:$0x1];
	p0 =	sne.s32 s2, $0x0  }
0x57: {  	s3 =	rddreg [dreg:$0x2];
	[bflag:$0x3] =	sbarrier.arrive $0xFFFF;
	s2 =	simm.s32 @!p0 $0x1C01  }
0x58: {  	[timem:s3], [sflag:s2] =	dma.local @!p0 [hbm:s0], s1  }
0x59: {  	s0 =	simm.s32 @!p0 $0x1  }
0x5a: {  	_ =	swait.ge @!p0 [sflag:s0], s1  }
0x5b: {  	s1 =	ssub.s32 @!p0 $0x0, s1;
	[sflag:s0] =	ssyncset.done @!p0 $0x0  }
0x5c: {  	[sflag:s0] =	ssyncadd.s32 @!p0 s1  }
0x5d: {  	[bflag:$0x3] =	sbarrier.arrive $0xFFFF  }
0x5e: {  	_ =	shalt  }

// kernel: gather_offload_async_start
scs
__scs_entry_jumppad:
0x0: {  	(pc) =	sbr.rel $0x88, $3  }
0x1: {  	(tag) =	ssettag $0x0;
	lr =	simm.s32 $0x1  }
0x2: {  	[smem:$0x3F96] =	sst lr;
	_ =	strace $0xD0000000  }
0x3: {  	_ = 	snop  }
0x4: {  	_ = 	snop  }
0x5: {  	_ = 	snop  }
0x6: {  	_ = 	snop  }
0x7: {  	_ = 	snop  }
__scs_overlays_trampoline_lowered:
0x8: {  	[smem:$0x3FA5] =	sst s0  }
0x9: {  	[smem:$0x3FA6] =	sst s1  }
0xa: {  	[smem:$0x3FA7] =	sst s2  }
0xb: {  	[smem:$0x3FA8] =	sst s3  }
0xc: {  	[smem:$0x3FA9] =	sst s4  }
0xd: {  	[smem:$0x3FAA] =	sst s5  }
0xe: {  	[smem:$0x3FAB] =	sst s6  }
0xf: {  	[smem:$0x3FAC] =	sst s7  }
0x10: {  	[smem:$0x3FAD] =	sst s8  }
0x11: {  	[smem:$0x3FAE] =	sst s9;
	s0 =	simm.s32 @!p0 $0x0  }
0x12: {  	s1 =	sld [smem:$0x3F94];
	s0 =	simm.s32 @p0 $0x1  }
0x13: {  	[smem:$0x3FAF] =	sst s0;
	s0 =	simm.s32 @!p1 $0x0  }
0x14: {  	s2 =	sld [smem:$0x3F93];
	s0 =	simm.s32 @p1 $0x1  }
0x15: {  	[smem:$0x3FB0] =	sst s0;
	s0 =	simm.s32 @!p2 $0x0  }
0x16: {  	s3 =	sld [smem:$0x3FDB];
	s0 =	simm.s32 @p2 $0x1  }
0x17: {  	s4 =	simm.s32 $0x1BF5;
	[smem:$0x3FB2] =	sst s0  }
0x18: {  	s0 =	sld [smem:$0x3F95];
	_ =	swait.ge [sflag:s4], $0x0  }
0x19: {  	s7 =	sld [smem:$0x3F96]  }
0x1a: {  	s8 =	sadd.s32 $0xFFFFE003, lr  }
0x1b: {  	s9 =	sadd.s32 $0xFFFFFEF7, lr;
	s5 =	simm.s32 $0xFFFFFFFF;
	p2 =	slt.u32 s8, $0xFFFFF086  }
0x1c: {  	p1 =	slt.u32 s9, $0xF7A;
	s5 =	simm.s32 @!p2 $0x0  }
0x1d: {  	s5 =	simm.s32 @p1 $0x1;
	p0 =	seq.s32 s7, s2  }
0x1e: {  	s7 =	smul.u32 @!p0 $0xF7A, s2;
	p2 =	seq.s32 @!p0 s5, $0x0  }
0x1f: {  	s9 =	smul.u32 $0xF7A, s1;
	s8 =	simm.s32 @!p0 $0x1BF5;
	p2 =	por !p2, p0  }
0x20: {  	[sflag:s8] =	ssyncset.s32 @!p0 $0xFFFFF086;
	s6 =	sadd.s32 @!p0 s3, s7;
	s7 =	simm.s32 @!p0 $0x108  }
0x21: {  	s3 =	sadd.s32 s3, s9;
	s6 =	sadd.s32 @!p0 $0x88, s6;
	s7 =	simm.s32 @p2 $0x1082  }
0x22: {  	[simem:s7], [sflag:s8] =	dma.local @!p0 [hbm:s6], $0xF7A  }
0x23: {  	s9 =	sor.u32 $0xD0000000, s2;
	s6 =	simm.s32 $0x108;
	_ =	swait.ge @!p0 [sflag:s8], $0x0  }
0x24: {  	s3 =	sadd.s32 $0x88, s3;
	s6 =	simm.s32 @!p1 $0x1082;
	[sflag:s4] =	ssyncset.s32 $0xFFFFF086  }
0x25: {  	[simem:s6], [sflag:s4] =	dma.local [hbm:s3], $0xF7A  }
0x26: {  	[smem:$0x3F96] =	sst s1;
	(tag) =	ssettag s2;
	_ =	strace s9  }
0x27: {  	s1 =	sld [smem:$0x3FA6]  }
0x28: {  	s2 =	sld [smem:$0x3FA7]  }
0x29: {  	s4 =	sld [smem:$0x3FA9]  }
0x2a: {  	p0 =	seq.s32 s5, $0x0;
	s5 =	sld [smem:$0x3FAA]  }
0x2b: {  	s6 =	sld [smem:$0x3FAB]  }
0x2c: {  	s7 =	sld [smem:$0x3FAC]  }
0x2d: {  	s3 =	simm.s32 $0x108;
	s8 =	sld [smem:$0x3FAD]  }
0x2e: {  	s3 =	simm.s32 @!p0 $0x1082;
	s9 =	sld [smem:$0x3FAE]  }
0x2f: {  	lr =	sadd.s32 s0, s3;
	s0 =	sld [smem:$0x3FA5]  }
0x30: {  	s3 =	sld [smem:$0x3FA8]  }
0x31: {  	[smem:$0x3FB1] =	sst s10  }
0x32: {  	s10 =	sld [smem:$0x3FAF];
	_ =	sdelay $0x3  }
0x33: {  	p0 =	seq.s32 s10, $0x1;
	s10 =	sld [smem:$0x3FB1];
	_ =	sdelay $0x3  }
0x34: {  	[smem:$0x3FB1] =	sst s10  }
0x35: {  	s10 =	sld [smem:$0x3FB0];
	_ =	sdelay $0x3  }
0x36: {  	p1 =	seq.s32 s10, $0x1;
	s10 =	sld [smem:$0x3FB1];
	_ =	sdelay $0x3  }
0x37: {  	[smem:$0x3FB1] =	sst s10  }
0x38: {  	s10 =	sld [smem:$0x3FB2]  }
0x39: {  	_ = 	snop;
	(pc) =	sbr.ind lr, $3  }
0x3a: {  	_ = 	snop  }
0x3b: {  	_ = 	snop  }
0x3c: {  	p2 =	seq.s32 s10, $0x1;
	s10 =	sld [smem:$0x3FB1]  }
0x3d: {  	_ =	shalt  }
0x3e: {  	_ =	shalt  }
0x3f: {  	_ =	shalt  }
0x40: {  	_ =	shalt  }
0x41: {  	_ =	shalt  }
0x42: {  	_ =	shalt  }
0x43: {  	_ =	shalt  }
0x44: {  	_ =	shalt  }
0x45: {  	_ =	shalt  }
0x46: {  	_ =	shalt  }
0x47: {  	_ =	shalt  }
0x48: {  	_ =	shalt  }
0x49: {  	_ =	shalt  }
0x4a: {  	_ =	shalt  }
0x4b: {  	_ =	shalt  }
0x4c: {  	_ =	shalt  }
0x4d: {  	_ =	shalt  }
0x4e: {  	_ =	shalt  }
0x4f: {  	_ =	shalt  }
0x50: {  	_ =	shalt  }
0x51: {  	_ =	shalt  }
0x52: {  	_ =	shalt  }
0x53: {  	_ =	shalt  }
0x54: {  	_ =	shalt  }
0x55: {  	_ =	shalt  }
0x56: {  	_ =	shalt  }
0x57: {  	_ =	shalt  }
0x58: {  	_ =	shalt  }
0x59: {  	_ =	shalt  }
0x5a: {  	_ =	shalt  }
0x5b: {  	_ =	shalt  }
0x5c: {  	_ =	shalt  }
0x5d: {  	_ =	shalt  }
0x5e: {  	_ =	shalt  }
0x5f: {  	_ =	shalt  }
0x60: {  	_ =	shalt  }
0x61: {  	_ =	shalt  }
0x62: {  	_ =	shalt  }
0x63: {  	_ =	shalt  }
0x64: {  	_ =	shalt  }
0x65: {  	_ =	shalt  }
0x66: {  	_ =	shalt  }
0x67: {  	_ =	shalt  }
0x68: {  	_ =	shalt  }
0x69: {  	_ =	shalt  }
0x6a: {  	_ =	shalt  }
0x6b: {  	_ =	shalt  }
0x6c: {  	_ =	shalt  }
0x6d: {  	_ =	shalt  }
0x6e: {  	_ =	shalt  }
0x6f: {  	_ =	shalt  }
0x70: {  	_ =	shalt  }
0x71: {  	_ =	shalt  }
0x72: {  	_ =	shalt  }
0x73: {  	_ =	shalt  }
0x74: {  	_ =	shalt  }
0x75: {  	_ =	shalt  }
0x76: {  	_ =	shalt  }
0x77: {  	_ =	shalt  }
0x78: {  	_ =	shalt  }
0x79: {  	_ =	shalt  }
0x7a: {  	_ =	shalt  }
0x7b: {  	_ =	shalt  }
0x7c: {  	_ =	shalt  }
0x7d: {  	_ =	shalt  }
0x7e: {  	_ =	shalt  }
0x7f: {  	_ =	shalt  }
0x80: {  	_ =	shalt  }
0x81: {  	_ =	shalt  }
0x82: {  	_ =	shalt  }
0x83: {  	_ =	shalt  }
0x84: {  	_ =	shalt  }
0x85: {  	_ =	shalt  }
0x86: {  	_ =	shalt  }
0x87: {  	_ =	shalt  }
.Lfunc_end0:
.L_simem_size_0:
called_computation_lowered:
.L_overlay_start_0:
0x88: {  	s2 =	sld [smem:$0x3FD9]  }
0x89: {  	s3 =	sld [smem:$0x3FFE];
	_ =	sdelay $0x1  }
0x8a: {  	s1 =	srdreg.scid  }
0x8b: {  	s0 =	sand.u32 $0x1, s1  }
0x8c: {  	s17 =	sshll.u32 s0, $0xA;
	s2 =	sadd.s32 s3, s2  }
0x8d: {  	s2 =	sadd.s32 s2, s17  }
0x8e: {  	[smem:$0x3FBD] =	sst s2  }
0x8f: {  	_ = 	snop  }
0x90: {  	s18 =	sld [smem:$0x3FD0];
	(tm) =	ssettm $0x1  }
0x91: {  	s19 =	sld [smem:$0x3FFB];
	_ =	sdelay $0x3  }
0x92: {  	_ =	strace s19  }
0x93: {  	s2 =	sld [smem:$0x3FFC];
	_ =	sdelay $0x3  }
0x94: {  	_ =	strace s2  }
0x95: {  	s2 =	sld [smem:$0x3FFD];
	_ =	sdelay $0x3  }
0x96: {  	_ =	strace s2  }
0x97: {  	_ =	strace $0x8FFFFFFF  }
0x98: {  	s20 =	sld [smem:$0x3FDB];
	_ =	sdelay $0x1  }
0x99: {  	s4 =	simm.s32 $_scs_section_size  }
0x9a: {  	s5 =	simm.s32 $_size__tile_overlayer_lowered;
	s6 =	simm.s32 $_tile_overlayer_lowered  }
0x9b: {  	s7 =	simm.s32 $0x1BFF;
	s21 =	sshll.u32 s6, $0x1;
	s4 =	sadd.s32 s4, s20  }
0x9c: {  	s22 =	simm.s32 $0x0;
	s5 =	sshll.u32 s5, $0x1;
	s6 =	sadd.s32 s21, s4  }
0x9d: {  	[timem:s22], [sflag:s7] =	dma.local [hbm:s6], s5  }
0x9e: {  	_ =	swait.ge [sflag:s7], s5  }
0x9f: {  	s5 =	ssub.s32 $0x0, s5;
	[sflag:s7] =	ssyncset.done $0x0  }
0xa0: {  	[sflag:s7] =	ssyncadd.s32 s5;
	_ =	sdelay $0x1  }
0xa1: {  	s23 =	simm.s32 $0x1B8B  }
0xa2: {  	_ =	swait.ge [sflag:s23], $0x1  }
0xa3: {  	[sflag:s23] =	ssyncset.done $0x0  }
0xa4: {  	[sflag:s23] =	ssyncadd.s32 $0xFFFFFFFF  }
0xa5: {  	s5 =	sld [smem:$0x0]  }
0xa6: {  	s6 =	sand.u32 $0xFFFFFFFE, s1  }
0xa7: {  	p0 =	sne.s32 s1, s6  }
0xa8: {  	s6 =	sshll.u32 @p0 s6, $0xE  }
0xa9: {  	s6 =	sadd.s32 @p0 $0x11B8D, s6;
	s7 =	sshll.u32 @p0 s5, $0x11  }
0xaa: {  	s6 =	sor.u32 @p0 s7, s6  }
0xab: {  	[sflag:s6] =	ssyncadd.remote.s32 @p0 $0x1;
	_ =	sdelay $0x1  }
0xac: {  	s6 =	simm.s32 @p0 $0x1B8D  }
0xad: {  	_ =	swait.eq @p0 [sflag:s6], $0x1  }
0xae: {  	[sflag:s6] =	ssyncadd.s32 @p0 $0xFFFFFFFF  }
0xaf: {  	s7 =	sshll.u32 @!p0 s1, $0xE  }
0xb0: {  	s7 =	sor.u32 @!p0 $0x4000, s7;
	s6 =	simm.s32 @!p0 $0x1B8D  }
0xb1: {  	s5 =	sshll.u32 @!p0 s5, $0x11;
	s7 =	sadd.s32 @!p0 $0x11B8D, s7;
	_ =	swait.eq @!p0 [sflag:s6], $0x1  }
0xb2: {  	s5 =	sor.u32 @!p0 s5, s7;
	[sflag:s6] =	ssyncadd.s32 @!p0 $0xFFFFFFFF  }
0xb3: {  	s25 =	simm.s32 $0x1B8E;
	s24 =	sld [smem:$0x3FFE];
	[sflag:s5] =	ssyncadd.remote.s32 @!p0 $0x1  }
0xb4: {  	s26 =	simm.s32 $execute0_lowered;
	[smem:$0x3FD2] =	sst s25  }
0xb5: {  	s6 =	sshll.u32 s26, $0x1;
	_ =	strace $0x8000004C;
	[dreg:$0x1] =	wrdreg $0xFFFFFFFF  }
0xb6: {  	s28 =	simm.s32 $_size_execute0_lowered;
	s4 =	sadd.s32 s4, s6;
	[dreg:$0x0] =	wrdreg $0x0  }
0xb7: {  	s6 =	sshll.u32 s28, $0x1;
	[dreg:$0x2] =	wrdreg s4  }
0xb8: {  	[dreg:$0x3] =	wrdreg s6  }
0xb9: {  	[dreg:$0x4] =	wrdreg $0xC0  }
0xba: {  	_ =	task [dreg:s22], $0x5FFFF  }
0xbb: {  	[dreg:$0x1] =	wrdreg $0xFFFFFFFF  }
0xbc: {  	[dreg:$0x0] =	wrdreg $0x60  }
0xbd: {  	[dreg:$0x2] =	wrdreg s24  }
0xbe: {  	[dreg:$0x3] =	wrdreg s18  }
0xbf: {  	[dreg:$0x4] =	wrdreg $0x9  }
0xc0: {  	_ =	task.clear_ibuf [dreg:s22], $0x5FFFF;
	_ =	strace $0x9000004C  }
0xc1: {  	s29 =	simm.s32 $0x9;
	_ =	strace $0x8000004E  }
0xc2: {  	_ =	swait.ge [sflag:s29], $0x1  }
0xc3: {  	[sflag:s29] =	ssyncadd.s32 $0xFFFFFFFF  }
0xc4: {  	_ =	strace $0x9000004E  }
0xc5: {  	_ =	sfence  }
0xc6: {  	s30 =	sld [smem:$0x0];
	_ =	sdelay $0x2  }
0xc7: {  	s31 =	sshll.u32 s1, $0xD;
	s1 =	sshrl.u32 s1, $0x2  }
0xc8: {  	s4 =	sand.u32 $0x4000, s31;
	s1 =	sadd.s32 s1, s30  }
0xc9: {  	s0 =	sor.u32 s4, s0;
	s1 =	sshll.u32 s1, $0x11  }
0xca: {  	s0 =	sor.u32 s1, s0  }
0xcb: {  	s0 =	sadd.s32 $0x8F2B, s0  }
0xcc: {  	[sflag:s0] =	ssyncadd.remote.s32 $0x1  }
0xcd: {  	_ =	sfence.sel $0xFFFF  }
0xce: {  	[dreg:$0x0] =	wrdreg $0xFFFFFFFF;
	(pc) =	sbr.abs _section_cstart, $3  }
0xcf: {  	[dreg:$0x1] =	wrdreg $0xFFFFFFFF  }
0xd0: {  	_ =	task.clear_ibuf [dreg:s22], $0x2FFFF;
	_ =	strace $0x9FFFFFFF  }
0xd1: {  	(tm) =	ssettm $0x7FFFFFFF  }
tec
execute0_lowered:
.L_overlay_start_1:
0x0: {  	(tag) =	ssettag $0x1  }
0x1: {  	s7 =	rddreg [dreg:$0x0]  }
0x2: {  	s2 =	rddreg [dreg:$0x1]  }
0x3: {  	s0 =	rddreg [dreg:$0x2]  }
0x4: {  	s1 =	srdreg.scid;
	_ =	strace $0x8000004D;
	s4 =	simm.s32 $0x1  }
0x5: {  	s9 =	simm.s32 $0x3;
	s12 =	simm.s32 $0x0;
	s5 =	sshll.u32 s1, $0x4  }
.Ltmp0:
0x6: {  	s1 =	stileid.u32;
	s5 =	sand.u32 $0x10, s5;
	(pc) =	sbr.rel .LBB2_1-.Ltmp0, $4  }
0x7: {  	s10 =	simm.s32 $0x0;
	s3 =	sadd.s32 $0x334000, s7;
	s6 =	sor.u32 s1, s5  }
0x8: {  	[sflag:s4] =	ssyncpa.u1 $0x0;
	s5 =	simm.s32 $0x2;
	s6 =	sshll.u32 s6, $0x7  }
0x9: {  	s7 =	sadd.s32 $0x4BAA00, s7;
	[sflag:s5] =	ssyncpa.u1 $0x0;
	s8 =	sadd.s32 $0x80, s6  }
0xa: {  	vm0 =	vmmov $0xff;
	vm1 =	vcmask $0x3F20;
	[sflag:s9] =	ssyncpa.u1 $0x0;
	s9 =	simm.s32 $0x80;
	s11 =	smov.u32 s6  }
.LBB2_9:
0xb: {  	p0 =	seq.s32 s10, $0x2  }
.Ltmp1:
0xc: {  	_ = 	snop;
	(pc) =	sbr.rel @p0 .LBB2_11-.Ltmp1, $1  }
0xd: {  	_ =	sdelay $0x3  }
.LBB2_10:
0xe: {  	s12 =	sadd.s32 $0x80, s11  }
0xf: {  	s13 =	smov.u32 s6;
	p0 =	slt.s32 s12, s8  }
0x10: {  	s13 =	smov.u32 @p0 s12  }
0x11: {  	s10 =	sadd.s32 $0x1, s10;
	s12 =	smov.u32 s11;
	s11 =	smov.u32 s13  }
.LBB2_1:
0x12: {  	p0 =	sne.s32 s10, $0x0  }
.Ltmp2:
0x13: {  	_ = 	snop;
	(pc) =	sbr.rel @!p0 .LBB2_2-.Ltmp2, $1  }
0x14: {  	_ =	sdelay $0x3  }
0x15: {  	s13 =	sand.u32 $0x1, s10  }
0x16: {  	p0 =	seq.s32 s13, $0x0  }
.Ltmp3:
0x17: {  	_ = 	snop;
	(pc) =	sbr.rel @p0 .LBB2_9-.Ltmp3, $1  }
0x18: {  	_ =	sdelay $0x3  }
0x19: {  	_ =	swait.ge [sflag:s5], $0x80  }
0x1a: {  	[sflag:s5] =	ssyncset.done $0x0  }
0x1b: {  	s13 =	simm.s32 $0x0;
	[sflag:s5] =	ssyncadd.s32 $0xFFFFFF80  }
0x1c: {  	v0 =	vld.msk [tilespmem:s13+$0x80 ss:$0x1], $0xffff;
	_ =	sdelay $0x4  }
0x1d: {  	vm2 =	vgt.s32 v0, $0x0  }
0x1e: {  	v0 =	vnsel vm2, $0x0, v0  }
0x1f: {  	v0 =	vmin.u32 v0, $0x1869F  }
0x20: {  	v0 =	vshll.u32 v0, $0x4;
	_ =	sdelay $0x3  }
0x21: {  	s13 =	simm.s32 $0x4100  }
0x22: {  	[tilespmem:s13], [sflag:$0x1] =	stream.indirect_vreg.gather [hbm:s3], $0x80, v0, vm0, $0x38;
	[tilespmem:$0x8100] =	vst v63  }
0x23: {  	s14 =	simm.s32 $0x4500;
	s31 =	simm.s32 $0x10  }
0x24: {  	[tilespmem:s14], [sflag:$0x1] =	stream.indirect_vreg.gather [hbm:s3], $0x80, v0, vm1, $0x38;
	[tilespmem:$0x8100] =	vst v63  }
0x25: {  	s14 =	simm.s32 $0x80;
	v0 =	vld.msk [tilespmem:s31+$0x80 ss:$0x1], $0xffff  }
.LBB2_5:
0x26: {  	p0 =	sne.s32 s14, $0x1C0;
	_ =	sdelay $0x4  }
0x27: {  	vm2 =	vgt.s32 v0, $0x0  }
0x28: {  	v0 =	vnsel vm2, $0x0, v0  }
0x29: {  	v0 =	vmin.u32 v0, $0x1869F  }
0x2a: {  	v0 =	vshll.u32 v0, $0x4;
	_ =	sdelay $0x3  }
.Ltmp4:
0x2b: {  	s13 =	sadd.s32 $0x800, s13;
	(pc) =	sbr.rel @p0 .LBB2_5-.Ltmp4, $4  }
0x2c: {  	[tilespmem:s13], [sflag:$0x1] =	stream.indirect_vreg.gather [hbm:s3], $0x80, v0, vm0, $0x38;
	[tilespmem:$0x8100] =	vst v63  }
0x2d: {  	s15 =	sshra.s32 s14, $0x2;
	s16 =	sadd.s32 $0x400, s13  }
0x2e: {  	[tilespmem:s16], [sflag:$0x1] =	stream.indirect_vreg.gather [hbm:s3], $0x80, v0, vm1, $0x38;
	[tilespmem:$0x8100] =	vst v63  }
0x2f: {  	s14 =	sadd.s32 $0x40, s14;
	v0 =	vld.msk [tilespmem:s15+$0x80 ss:$0x1], $0xffff  }
0x30: {  	_ =	sdelay $0x3  }
0x31: {  	vm2 =	vgt.s32 v0, $0x0  }
0x32: {  	v0 =	vnsel vm2, $0x0, v0  }
0x33: {  	v0 =	vmin.u32 v0, $0x1869F  }
0x34: {  	v0 =	vshll.u32 v0, $0x4;
	_ =	sdelay $0x3  }
0x35: {  	s13 =	sadd.s32 $0x800, s13  }
0x36: {  	[tilespmem:s13], [sflag:$0x1] =	stream.indirect_vreg.gather [hbm:s3], $0x80, v0, vm0, $0x38;
	[tilespmem:$0x8100] =	vst v63  }
0x37: {  	s13 =	sadd.s32 $0x400, s13  }
0x38: {  	[tilespmem:s13], [sflag:$0x1] =	stream.indirect_vreg.gather [hbm:s3], $0x80, v0, vm1, $0x38;
	[tilespmem:$0x8100] =	vst v63  }
0x39: {  	s12 =	sshll.u32 s12, $0x4;
	s14 =	simm.s32 $0x80;
	_ =	swait.ge [sflag:s4], $0x4000  }
0x3a: {  	s15 =	simm.s32 $0x4500;
	s12 =	sadd.s32 s12, s7;
	[sflag:s4] =	ssyncset.done $0x0  }
0x3b: {  	s16 =	sadd.s32 $0x0, s12;
	s13 =	simm.s32 $0x4100;
	[sflag:s4] =	ssyncadd.s32 $0xFFFFC000  }
.LBB2_7:
0x3c: {  	[hbm:s16] =	stream.linear.scatter [tilespmem:s13], [sflag:$0x3], $0x400, $0x38;
	[tilespmem:$0x8100] =	vst v63  }
0x3d: {  	s16 =	smov.u32 s14;
	s13 =	smov.u32 s15;
	p0 =	sne.s32 s14, $0x780  }
.Ltmp5:
0x3e: {  	s14 =	sadd.s32 $0x80, s14;
	(pc) =	sbr.rel @p0 .LBB2_7-.Ltmp5, $2  }
0x3f: {  	_ =	sdelay $0x2  }
0x40: {  	s15 =	sadd.s32 $0x400, s15;
	s16 =	sadd.s32 s16, s12  }
.Ltmp6:
0x41: {  	(pc) =	sbr.rel .LBB2_9-.Ltmp6, $2  }
0x42: {  	_ =	sdelay $0x2  }
0x43: {  	[hbm:s16] =	stream.linear.scatter [tilespmem:s13], [sflag:$0x3], $0x400, $0x38;
	[tilespmem:$0x8100] =	vst v63  }
.LBB2_2:
.Ltmp7:
0x44: {  	(pc) =	sbr.rel .LBB2_10-.Ltmp7, $4  }
0x45: {  	_ = 	snop  }
0x46: {  	s12 =	sshrl.u32 s11, $0x3  }
0x47: {  	s13 =	sand.u32 $0x7, s11;
	s12 =	sadd.s32 s2, s12  }
0x48: {  	[tilespmem:s9], [sflag:$0x2] =	stream.linear.gather [hbm4b:s12+s13], $0x80, $0x38;
	[tilespmem:$0x8100] =	vst v63  }
.LBB2_11:
0x49: {  	s2 =	simm.s32 $0x3  }
0x4a: {  	_ =	swait.ge [sflag:s2], $0x4000  }
0x4b: {  	[sflag:s2] =	ssyncset.done $0x0  }
0x4c: {  	[sflag:s2] =	ssyncadd.s32 $0xFFFFC000  }
0x4d: {  	_ =	sfence.sel $0x180000  }
0x4e: {  	s3 =	simm.s32 $0x2;
	[bflag:$0x0] =	sbarrier.arrive $0xFFFF  }
0x4f: {  	[sflag:s3] =	ssyncpa.u1 $0x1  }
0x50: {  	s31 =	simm.s32 $0x1;
	[sflag:s2] =	ssyncpa.u1 $0x1  }
0x51: {  	[sflag:s31] =	ssyncpa.u1 $0x1  }
0x52: {  	p0 =	sne.s32 s1, $0x0;
	_ =	strace $0x9000004D  }
0x53: {  	s0 =	sadd.s32 @!p0 $0x100000, s0;
	[bflag:$0x2] =	sbarrier.arrive $0xFFFF  }
0x54: {  	[sflag:s0] =	ssyncadd.tile.s32 @!p0 $0x1;
	_ =	shalt  }
.Lfunc_end2:
_tile_overlayer_lowered:
.L_overlay_start_2:
0x55: {  	(tag) =	ssettag $0x2  }
0x56: {  	s0 =	rddreg [dreg:$0x0];
	s2 =	stileid.u32  }
0x57: {  	s1 =	rddreg [dreg:$0x1];
	p0 =	sne.s32 s2, $0x0  }
0x58: {  	s3 =	rddreg [dreg:$0x2];
	[bflag:$0x3] =	sbarrier.arrive $0xFFFF;
	s2 =	simm.s32 @!p0 $0x1C01  }
0x59: {  	[timem:s3], [sflag:s2] =	dma.local @!p0 [hbm:s0], s1  }
0x5a: {  	s0 =	simm.s32 @!p0 $0x1  }
0x5b: {  	_ =	swait.ge @!p0 [sflag:s0], s1  }
0x5c: {  	s1 =	ssub.s32 @!p0 $0x0, s1;
	[sflag:s0] =	ssyncset.done @!p0 $0x0  }
0x5d: {  	[sflag:s0] =	ssyncadd.s32 @!p0 s1  }
0x5e: {  	[bflag:$0x3] =	sbarrier.arrive $0xFFFF  }
0x5f: {  	_ =	shalt  }

// kernel: kernel.4.cloned.1.call-start
scs
__scs_entry_jumppad:
0x0: {  	(pc) =	sbr.rel $0x88, $3  }
0x1: {  	(tag) =	ssettag $0x0;
	lr =	simm.s32 $0x1  }
0x2: {  	[smem:$0x3F96] =	sst lr;
	_ =	strace $0xD0000000  }
0x3: {  	_ = 	snop  }
0x4: {  	_ = 	snop  }
0x5: {  	_ = 	snop  }
0x6: {  	_ = 	snop  }
0x7: {  	_ = 	snop  }
__scs_overlays_trampoline_lowered:
0x8: {  	[smem:$0x3FA5] =	sst s0  }
0x9: {  	[smem:$0x3FA6] =	sst s1  }
0xa: {  	[smem:$0x3FA7] =	sst s2  }
0xb: {  	[smem:$0x3FA8] =	sst s3  }
0xc: {  	[smem:$0x3FA9] =	sst s4  }
0xd: {  	[smem:$0x3FAA] =	sst s5  }
0xe: {  	[smem:$0x3FAB] =	sst s6  }
0xf: {  	[smem:$0x3FAC] =	sst s7  }
0x10: {  	[smem:$0x3FAD] =	sst s8  }
0x11: {  	[smem:$0x3FAE] =	sst s9;
	s0 =	simm.s32 @!p0 $0x0  }
0x12: {  	s1 =	sld [smem:$0x3F94];
	s0 =	simm.s32 @p0 $0x1  }
0x13: {  	[smem:$0x3FAF] =	sst s0;
	s0 =	simm.s32 @!p1 $0x0  }
0x14: {  	s2 =	sld [smem:$0x3F93];
	s0 =	simm.s32 @p1 $0x1  }
0x15: {  	[smem:$0x3FB0] =	sst s0;
	s0 =	simm.s32 @!p2 $0x0  }
0x16: {  	s3 =	sld [smem:$0x3FDB];
	s0 =	simm.s32 @p2 $0x1  }
0x17: {  	s4 =	simm.s32 $0x1BF5;
	[smem:$0x3FB2] =	sst s0  }
0x18: {  	s0 =	sld [smem:$0x3F95];
	_ =	swait.ge [sflag:s4], $0x0  }
0x19: {  	s7 =	sld [smem:$0x3F96]  }
0x1a: {  	s8 =	sadd.s32 $0xFFFFE003, lr  }
0x1b: {  	s9 =	sadd.s32 $0xFFFFFEF7, lr;
	s5 =	simm.s32 $0xFFFFFFFF;
	p2 =	slt.u32 s8, $0xFFFFF086  }
0x1c: {  	p1 =	slt.u32 s9, $0xF7A;
	s5 =	simm.s32 @!p2 $0x0  }
0x1d: {  	s5 =	simm.s32 @p1 $0x1;
	p0 =	seq.s32 s7, s2  }
0x1e: {  	s7 =	smul.u32 @!p0 $0xF7A, s2;
	p2 =	seq.s32 @!p0 s5, $0x0  }
0x1f: {  	s9 =	smul.u32 $0xF7A, s1;
	s8 =	simm.s32 @!p0 $0x1BF5;
	p2 =	por !p2, p0  }
0x20: {  	[sflag:s8] =	ssyncset.s32 @!p0 $0xFFFFF086;
	s6 =	sadd.s32 @!p0 s3, s7;
	s7 =	simm.s32 @!p0 $0x108  }
0x21: {  	s3 =	sadd.s32 s3, s9;
	s6 =	sadd.s32 @!p0 $0x88, s6;
	s7 =	simm.s32 @p2 $0x1082  }
0x22: {  	[simem:s7], [sflag:s8] =	dma.local @!p0 [hbm:s6], $0xF7A  }
0x23: {  	s9 =	sor.u32 $0xD0000000, s2;
	s6 =	simm.s32 $0x108;
	_ =	swait.ge @!p0 [sflag:s8], $0x0  }
0x24: {  	s3 =	sadd.s32 $0x88, s3;
	s6 =	simm.s32 @!p1 $0x1082;
	[sflag:s4] =	ssyncset.s32 $0xFFFFF086  }
0x25: {  	[simem:s6], [sflag:s4] =	dma.local [hbm:s3], $0xF7A  }
0x26: {  	[smem:$0x3F96] =	sst s1;
	(tag) =	ssettag s2;
	_ =	strace s9  }
0x27: {  	s1 =	sld [smem:$0x3FA6]  }
0x28: {  	s2 =	sld [smem:$0x3FA7]  }
0x29: {  	s4 =	sld [smem:$0x3FA9]  }
0x2a: {  	p0 =	seq.s32 s5, $0x0;
	s5 =	sld [smem:$0x3FAA]  }
0x2b: {  	s6 =	sld [smem:$0x3FAB]  }
0x2c: {  	s7 =	sld [smem:$0x3FAC]  }
0x2d: {  	s3 =	simm.s32 $0x108;
	s8 =	sld [smem:$0x3FAD]  }
0x2e: {  	s3 =	simm.s32 @!p0 $0x1082;
	s9 =	sld [smem:$0x3FAE]  }
0x2f: {  	lr =	sadd.s32 s0, s3;
	s0 =	sld [smem:$0x3FA5]  }
0x30: {  	s3 =	sld [smem:$0x3FA8]  }
0x31: {  	[smem:$0x3FB1] =	sst s10  }
0x32: {  	s10 =	sld [smem:$0x3FAF];
	_ =	sdelay $0x3  }
0x33: {  	p0 =	seq.s32 s10, $0x1;
	s10 =	sld [smem:$0x3FB1];
	_ =	sdelay $0x3  }
0x34: {  	[smem:$0x3FB1] =	sst s10  }
0x35: {  	s10 =	sld [smem:$0x3FB0];
	_ =	sdelay $0x3  }
0x36: {  	p1 =	seq.s32 s10, $0x1;
	s10 =	sld [smem:$0x3FB1];
	_ =	sdelay $0x3  }
0x37: {  	[smem:$0x3FB1] =	sst s10  }
0x38: {  	s10 =	sld [smem:$0x3FB2]  }
0x39: {  	_ = 	snop;
	(pc) =	sbr.ind lr, $3  }
0x3a: {  	_ = 	snop  }
0x3b: {  	_ = 	snop  }
0x3c: {  	p2 =	seq.s32 s10, $0x1;
	s10 =	sld [smem:$0x3FB1]  }
0x3d: {  	_ =	shalt  }
0x3e: {  	_ =	shalt  }
0x3f: {  	_ =	shalt  }
0x40: {  	_ =	shalt  }
0x41: {  	_ =	shalt  }
0x42: {  	_ =	shalt  }
0x43: {  	_ =	shalt  }
0x44: {  	_ =	shalt  }
0x45: {  	_ =	shalt  }
0x46: {  	_ =	shalt  }
0x47: {  	_ =	shalt  }
0x48: {  	_ =	shalt  }
0x49: {  	_ =	shalt  }
0x4a: {  	_ =	shalt  }
0x4b: {  	_ =	shalt  }
0x4c: {  	_ =	shalt  }
0x4d: {  	_ =	shalt  }
0x4e: {  	_ =	shalt  }
0x4f: {  	_ =	shalt  }
0x50: {  	_ =	shalt  }
0x51: {  	_ =	shalt  }
0x52: {  	_ =	shalt  }
0x53: {  	_ =	shalt  }
0x54: {  	_ =	shalt  }
0x55: {  	_ =	shalt  }
0x56: {  	_ =	shalt  }
0x57: {  	_ =	shalt  }
0x58: {  	_ =	shalt  }
0x59: {  	_ =	shalt  }
0x5a: {  	_ =	shalt  }
0x5b: {  	_ =	shalt  }
0x5c: {  	_ =	shalt  }
0x5d: {  	_ =	shalt  }
0x5e: {  	_ =	shalt  }
0x5f: {  	_ =	shalt  }
0x60: {  	_ =	shalt  }
0x61: {  	_ =	shalt  }
0x62: {  	_ =	shalt  }
0x63: {  	_ =	shalt  }
0x64: {  	_ =	shalt  }
0x65: {  	_ =	shalt  }
0x66: {  	_ =	shalt  }
0x67: {  	_ =	shalt  }
0x68: {  	_ =	shalt  }
0x69: {  	_ =	shalt  }
0x6a: {  	_ =	shalt  }
0x6b: {  	_ =	shalt  }
0x6c: {  	_ =	shalt  }
0x6d: {  	_ =	shalt  }
0x6e: {  	_ =	shalt  }
0x6f: {  	_ =	shalt  }
0x70: {  	_ =	shalt  }
0x71: {  	_ =	shalt  }
0x72: {  	_ =	shalt  }
0x73: {  	_ =	shalt  }
0x74: {  	_ =	shalt  }
0x75: {  	_ =	shalt  }
0x76: {  	_ =	shalt  }
0x77: {  	_ =	shalt  }
0x78: {  	_ =	shalt  }
0x79: {  	_ =	shalt  }
0x7a: {  	_ =	shalt  }
0x7b: {  	_ =	shalt  }
0x7c: {  	_ =	shalt  }
0x7d: {  	_ =	shalt  }
0x7e: {  	_ =	shalt  }
0x7f: {  	_ =	shalt  }
0x80: {  	_ =	shalt  }
0x81: {  	_ =	shalt  }
0x82: {  	_ =	shalt  }
0x83: {  	_ =	shalt  }
0x84: {  	_ =	shalt  }
0x85: {  	_ =	shalt  }
0x86: {  	_ =	shalt  }
0x87: {  	_ =	shalt  }
.Lfunc_end0:
.L_simem_size_0:
called_computation.3_lowered:
.L_overlay_start_0:
0x88: {  	s2 =	sld [smem:$0x3FD9]  }
0x89: {  	s3 =	sld [smem:$0x3FFE];
	_ =	sdelay $0x1  }
0x8a: {  	s1 =	srdreg.scid  }
0x8b: {  	s0 =	sand.u32 $0x1, s1  }
0x8c: {  	s17 =	sshll.u32 s0, $0xA;
	s2 =	sadd.s32 s3, s2  }
0x8d: {  	s2 =	sadd.s32 s2, s17  }
0x8e: {  	[smem:$0x3FBD] =	sst s2  }
0x8f: {  	_ = 	snop  }
0x90: {  	(tm) =	ssettm $0x1  }
0x91: {  	s18 =	sld [smem:$0x3FFB];
	_ =	sdelay $0x3  }
0x92: {  	_ =	strace s18  }
0x93: {  	s2 =	sld [smem:$0x3FFC];
	_ =	sdelay $0x3  }
0x94: {  	_ =	strace s2  }
0x95: {  	s2 =	sld [smem:$0x3FFD];
	_ =	sdelay $0x3  }
0x96: {  	_ =	strace s2  }
0x97: {  	_ =	strace $0x8FFFFFFF  }
0x98: {  	s19 =	sld [smem:$0x3FDB];
	_ =	sdelay $0x1  }
0x99: {  	s20 =	simm.s32 $_scs_section_size  }
0x9a: {  	s4 =	simm.s32 $_size__tile_overlayer_lowered;
	s5 =	simm.s32 $_tile_overlayer_lowered  }
0x9b: {  	s6 =	simm.s32 $0x1BFF;
	s21 =	sshll.u32 s5, $0x1;
	s3 =	sadd.s32 s20, s19  }
0x9c: {  	s22 =	simm.s32 $0x0;
	s4 =	sshll.u32 s4, $0x1;
	s5 =	sadd.s32 s21, s3  }
0x9d: {  	[timem:s22], [sflag:s6] =	dma.local [hbm:s5], s4  }
0x9e: {  	_ =	swait.ge [sflag:s6], s4  }
0x9f: {  	s4 =	ssub.s32 $0x0, s4;
	[sflag:s6] =	ssyncset.done $0x0  }
0xa0: {  	[sflag:s6] =	ssyncadd.s32 s4;
	_ =	sdelay $0x1  }
0xa1: {  	s23 =	simm.s32 $0x1B8B  }
0xa2: {  	_ =	swait.ge [sflag:s23], $0x1  }
0xa3: {  	[sflag:s23] =	ssyncset.done $0x0  }
0xa4: {  	[sflag:s23] =	ssyncadd.s32 $0xFFFFFFFF  }
0xa5: {  	s4 =	sld [smem:$0x0]  }
0xa6: {  	s5 =	sand.u32 $0xFFFFFFFE, s1  }
0xa7: {  	p0 =	sne.s32 s1, s5  }
0xa8: {  	s5 =	sshll.u32 @p0 s5, $0xE  }
0xa9: {  	s5 =	sadd.s32 @p0 $0x11B8D, s5;
	s6 =	sshll.u32 @p0 s4, $0x11  }
0xaa: {  	s5 =	sor.u32 @p0 s6, s5  }
0xab: {  	[sflag:s5] =	ssyncadd.remote.s32 @p0 $0x1;
	_ =	sdelay $0x1  }
0xac: {  	s5 =	simm.s32 @p0 $0x1B8D  }
0xad: {  	_ =	swait.eq @p0 [sflag:s5], $0x1  }
0xae: {  	[sflag:s5] =	ssyncadd.s32 @p0 $0xFFFFFFFF  }
0xaf: {  	s6 =	sshll.u32 @!p0 s1, $0xE  }
0xb0: {  	s6 =	sor.u32 @!p0 $0x4000, s6;
	s5 =	simm.s32 @!p0 $0x1B8D  }
0xb1: {  	s4 =	sshll.u32 @!p0 s4, $0x11;
	s6 =	sadd.s32 @!p0 $0x11B8D, s6;
	_ =	swait.eq @!p0 [sflag:s5], $0x1  }
0xb2: {  	s4 =	sor.u32 @!p0 s4, s6;
	[sflag:s5] =	ssyncadd.s32 @!p0 $0xFFFFFFFF  }
0xb3: {  	s25 =	simm.s32 $0x1B8E;
	s24 =	sld [smem:$0x3FFE];
	[sflag:s4] =	ssyncadd.remote.s32 @!p0 $0x1  }
0xb4: {  	s26 =	simm.s32 $execute0_lowered;
	[smem:$0x3FD2] =	sst s25  }
0xb5: {  	s5 =	sshll.u32 s26, $0x1;
	_ =	strace $0x8000004F;
	[dreg:$0x1] =	wrdreg $0xFFFFFFFF  }
0xb6: {  	s28 =	simm.s32 $_size_execute0_lowered;
	s3 =	sadd.s32 s3, s5;
	[dreg:$0x0] =	wrdreg $0x0  }
0xb7: {  	s5 =	sshll.u32 s28, $0x1;
	[dreg:$0x2] =	wrdreg s3  }
0xb8: {  	[dreg:$0x3] =	wrdreg s5  }
0xb9: {  	[dreg:$0x4] =	wrdreg $0xC0  }
0xba: {  	_ =	task [dreg:s22], $0x5FFFF  }
0xbb: {  	[dreg:$0x1] =	wrdreg $0xFFFFFFFF  }
0xbc: {  	[dreg:$0x0] =	wrdreg $0x60  }
0xbd: {  	[dreg:$0x2] =	wrdreg s24  }
0xbe: {  	[dreg:$0x3] =	wrdreg $0xB  }
0xbf: {  	_ =	task.clear_ibuf [dreg:s22], $0x4FFFF;
	_ =	strace $0x9000004F  }
0xc0: {  	s29 =	simm.s32 $0xB;
	_ =	strace $0x80000051  }
0xc1: {  	_ =	swait.ge [sflag:s29], $0x1  }
0xc2: {  	[sflag:s29] =	ssyncadd.s32 $0xFFFFFFFF  }
0xc3: {  	_ =	strace $0x90000051  }
0xc4: {  	_ =	sfence  }
0xc5: {  	s30 =	sld [smem:$0x0];
	_ =	sdelay $0x2  }
0xc6: {  	s31 =	sshll.u32 s1, $0xD;
	s1 =	sshrl.u32 s1, $0x2  }
0xc7: {  	s4 =	sand.u32 $0x4000, s31;
	s1 =	sadd.s32 s1, s30  }
0xc8: {  	s0 =	sor.u32 s4, s0;
	s1 =	sshll.u32 s1, $0x11  }
0xc9: {  	s0 =	sor.u32 s1, s0  }
0xca: {  	s0 =	sadd.s32 $0x8F2B, s0  }
0xcb: {  	[sflag:s0] =	ssyncadd.remote.s32 $0x1  }
0xcc: {  	_ =	sfence.sel $0xFFFF  }
0xcd: {  	[dreg:$0x0] =	wrdreg $0xFFFFFFFF;
	(pc) =	sbr.abs _section_cstart, $3  }
0xce: {  	[dreg:$0x1] =	wrdreg $0xFFFFFFFF  }
0xcf: {  	_ =	task.clear_ibuf [dreg:s22], $0x2FFFF;
	_ =	strace $0x9FFFFFFF  }
0xd0: {  	(tm) =	ssettm $0x7FFFFFFF  }
0xd1: {  	_ =	shalt  }
tec
execute0_lowered:
.L_overlay_start_1:
0x0: {  	(tag) =	ssettag $0x1  }
0x1: {  	s0 =	srdreg.scid;
	s12 =	stileid.u32  }
0x2: {  	s2 =	sand.u32 $0x1, s0;
	s15 =	sshll.u32 s12, $0x1  }
0x3: {  	s1 =	rddreg [dreg:$0x0];
	s3 =	sor.u32 s2, s15  }
0x4: {  	s25 =	simm.s32 $0x0;
	s0 =	smul.u32 $0x140, s3;
	s4 =	sshll.u32 s3, $0x4  }
0x5: {  	[smem:$0x7FF] =	sst s25;
	s5 =	smul.u32 $0x28000, s3;
	s4 =	sadd.s32 s4, s1  }
0x6: {  	_ =	strace $0x80000050;
	s0 =	sadd.s32 s0, s1;
	s6 =	sadd.s32 $0x4CAA00, s4  }
0x7: {  	s5 =	sshrl.u32 s5, $0x3;
	[dreg:$0x2] =	wrdreg s6;
	s0 =	sadd.s32 $0x4CAC00, s0  }
0x8: {  	s4 =	sadd.s32 s5, s1;
	[dreg:$0x3] =	wrdreg s0  }
0x9: {  	s16 =	sadd.s32 $0x4D5400, s4;
	s0 =	rddreg [dreg:$0x2]  }
0xa: {  	s17 =	sadd.s32 $0x4D5408, s4;
	[dreg:$0x4] =	wrdreg s16  }
0xb: {  	s18 =	sadd.s32 $0x4D5800, s4;
	[dreg:$0x5] =	wrdreg s17  }
0xc: {  	s19 =	sadd.s32 $0x4D5808, s4;
	[dreg:$0x6] =	wrdreg s18  }
0xd: {  	s20 =	sadd.s32 $0x4D5C00, s4;
	[dreg:$0x7] =	wrdreg s19  }
0xe: {  	s21 =	sadd.s32 $0x4D5C08, s4;
	[dreg:$0x8] =	wrdreg s20  }
0xf: {  	s22 =	sadd.s32 $0x4D6000, s4;
	[dreg:$0x9] =	wrdreg s21  }
0x10: {  	s23 =	sadd.s32 $0x4D6008, s4;
	[dreg:$0xa] =	wrdreg s22  }
0x11: {  	s24 =	sadd.s32 $0x4D6400, s4;
	[dreg:$0xb] =	wrdreg s23  }
0x12: {  	s26 =	sadd.s32 $0x4D6408, s4;
	[dreg:$0xc] =	wrdreg s24  }
0x13: {  	s5 =	sadd.s32 $0x4D6800, s4;
	[dreg:$0xd] =	wrdreg s26  }
0x14: {  	s6 =	sadd.s32 $0x4D6808, s4;
	[dreg:$0xe] =	wrdreg s5  }
0x15: {  	s7 =	sadd.s32 $0x4D6C00, s4;
	[dreg:$0xf] =	wrdreg s6  }
0x16: {  	s8 =	sadd.s32 $0x4D6C08, s4;
	[dreg:$0x10] =	wrdreg s7  }
0x17: {  	s9 =	sadd.s32 $0x4D7000, s4;
	[dreg:$0x11] =	wrdreg s8  }
0x18: {  	s10 =	sadd.s32 $0x4D7008, s4;
	[dreg:$0x12] =	wrdreg s9  }
0x19: {  	s11 =	sadd.s32 $0x4D7400, s4;
	[dreg:$0x13] =	wrdreg s10  }
0x1a: {  	s13 =	sadd.s32 $0x4D7408, s4;
	[dreg:$0x14] =	wrdreg s11  }
0x1b: {  	s14 =	sadd.s32 $0x4D7800, s4;
	[dreg:$0x15] =	wrdreg s13  }
0x1c: {  	s15 =	sadd.s32 $0x4D7808, s4;
	[dreg:$0x16] =	wrdreg s14  }
0x1d: {  	[dreg:$0x17] =	wrdreg s15;
	s16 =	sadd.s32 $0x4D7C00, s4  }
0x1e: {  	s17 =	sadd.s32 $0x4D7C08, s4;
	[dreg:$0x18] =	wrdreg s16  }
0x1f: {  	s18 =	sadd.s32 $0x4D8000, s4;
	[dreg:$0x19] =	wrdreg s17  }
0x20: {  	s19 =	sadd.s32 $0x4D8008, s4;
	[dreg:$0x1a] =	wrdreg s18  }
0x21: {  	s20 =	sadd.s32 $0x4D8400, s4;
	[dreg:$0x1b] =	wrdreg s19  }
0x22: {  	s21 =	sadd.s32 $0x4D8408, s4;
	[dreg:$0x1c] =	wrdreg s20  }
0x23: {  	s22 =	sadd.s32 $0x4D8800, s4;
	[dreg:$0x1d] =	wrdreg s21  }
0x24: {  	s23 =	sadd.s32 $0x4D8808, s4;
	[dreg:$0x1e] =	wrdreg s22  }
0x25: {  	s24 =	sadd.s32 $0x4D8C00, s4;
	[dreg:$0x1f] =	wrdreg s23  }
0x26: {  	s26 =	sadd.s32 $0x4D8C08, s4;
	[smem:$0x7EC] =	sst s24  }
0x27: {  	s5 =	sadd.s32 $0x4D9000, s4;
	[smem:$0x7ED] =	sst s26  }
0x28: {  	s6 =	sadd.s32 $0x4D9008, s4;
	[smem:$0x7EE] =	sst s5  }
0x29: {  	s31 =	simm.s32 $0xA00;
	s7 =	sadd.s32 $0x4D9400, s4;
	[smem:$0x7EF] =	sst s6  }
0x2a: {  	s30 =	simm.s32 $0x380;
	s8 =	sadd.s32 $0x4D9408, s4;
	[smem:$0x7F0] =	sst s7  }
0x2b: {  	s29 =	simm.s32 $0x400;
	s9 =	sadd.s32 $0x4D9800, s4;
	[smem:$0x7F1] =	sst s8  }
0x2c: {  	s28 =	simm.s32 $0x480;
	s10 =	sadd.s32 $0x4D9808, s4;
	[smem:$0x7F2] =	sst s9  }
0x2d: {  	p0 =	por $0x0, $0x0;
	s11 =	sadd.s32 $0x4D9C00, s4;
	[smem:$0x7F3] =	sst s10  }
0x2e: {  	s2 =	ssub.s32 $0x2, s2;
	s13 =	sadd.s32 $0x4D9C08, s4;
	[smem:$0x7F4] =	sst s11  }
0x2f: {  	s3 =	sshll.u32 s3, $0xA;
	s14 =	sadd.s32 $0x4DA000, s4;
	[smem:$0x7F5] =	sst s13  }
0x30: {  	s3 =	sadd.s32 s3, s1;
	s15 =	sadd.s32 $0x4DA008, s4;
	[smem:$0x7F6] =	sst s14  }
0x31: {  	s4 =	simm.s32 $0x40;
	[smem:$0x7F7] =	sst s15;
	s17 =	sadd.s32 $0x4CD400, s3  }
0x32: {  	s16 =	sshrl.u32 s2, $0x1;
	s18 =	sadd.s32 $0x4CD408, s3;
	s9 =	sadd.s32 $0x651600, s1  }
0x33: {  	s3 =	simm.s32 $0x80;
	s5 =	simm.s32 $0xA80;
	s10 =	simm.s32 $0x2A80  }
0x34: {  	s8 =	simm.s32 $0x4A80;
	s6 =	simm.s32 $0x1;
	s22 =	simm.s32 $0x100  }
0x35: {  	s13 =	simm.s32 $0x3A80;
	s23 =	simm.s32 $0x180;
	s7 =	simm.s32 $0x2  }
0x36: {  	s24 =	simm.s32 $0x200;
	s11 =	simm.s32 $0x5A80;
	[smem:$0x7F8] =	sst s17  }
0x37: {  	s26 =	simm.s32 $0x280;
	s2 =	ssub.s32 s2, s16;
	[smem:$0x7F9] =	sst s18  }
0x38: {  	s21 =	simm.s32 $0x700;
	[smem:$0x7FA] =	sst s22;
	s19 =	smax.u32 s2, $0x1  }
0x39: {  	s20 =	simm.s32 $0x780;
	[smem:$0x7FB] =	sst s23;
	p1 =	sne.s32 s19, $0x1  }
.Ltmp0:
0x3a: {  	s14 =	simm.s32 $0x3;
	[smem:$0x7FC] =	sst s24;
	(pc) =	sbr.rel @!p1 .LBB2_1-.Ltmp0, $4  }
0x3b: {  	s15 =	simm.s32 $0x1A80;
	[smem:$0x7FD] =	sst s26;
	s26 =	simm.s32 $0x500  }
0x3c: {  	s24 =	simm.s32 $0x580;
	s23 =	simm.s32 $0x600;
	s22 =	simm.s32 $0x680  }
0x3d: {  	s18 =	simm.s32 $0x880;
	s17 =	simm.s32 $0x900;
	s16 =	simm.s32 $0x980  }
0x3e: {  	s2 =	simm.s32 $0x4;
	s1 =	sadd.s32 $0xFFFFFFFF, s19;
	s19 =	simm.s32 $0x800  }
0x3f: {  	[tilespmem:s31], [sflag:$0x4] =	stream.linear.gather [hbm4b:s0+s25], $0x80, $0x38;
	[tilespmem:$0x6A80] =	vst v63  }
0x40: {  	_ =	swait.ge [sflag:s2], $0x80  }
0x41: {  	[sflag:s2] =	ssyncset.done $0x0  }
0x42: {  	[sflag:s2] =	ssyncadd.s32 $0xFFFFFF80  }
0x43: {  	[tilespmem:s5], [sflag:$0x3] =	stream.indirect.gather [hbm4b:s9+s3], $0x40, s31, s3, $0xb8;
	[tilespmem:$0x6A80] =	vst v63  }
0x44: {  	s12 =	rddreg [dreg:$0x3]  }
0x45: {  	[tilespmem:s25], [sflag:$0x4] =	stream.linear.gather [hbm4b:s12+s25], $0xA00, $0x38;
	[tilespmem:$0x6A80] =	vst v63  }
0x46: {  	_ =	swait.ge [sflag:s2], $0xA00  }
0x47: {  	[sflag:s2] =	ssyncset.done $0x0  }
0x48: {  	[sflag:s2] =	ssyncadd.s32 $0xFFFFF600  }
0x49: {  	[tilespmem:s10], [sflag:$0x1] =	stream.indirect.gather [hbm4b:s9+s3], $0x40, s25, s3, $0xb8;
	[tilespmem:$0x6A80] =	vst v63  }
0x4a: {  	_ = 	snop  }
0x4b: {  	[tilespmem:s8], [sflag:$0x2] =	stream.indirect.gather [hbm4b:s9+s3], $0x40, s3, s3, $0xb8;
	[tilespmem:$0x6A80] =	vst v63  }
0x4c: {  	_ =	swait.ge [sflag:s6], $0x2000  }
0x4d: {  	[sflag:s6] =	ssyncset.done $0x0  }
0x4e: {  	s0 =	rddreg [dreg:$0x4];
	[sflag:s6] =	ssyncadd.s32 $0xFFFFE000  }
0x4f: {  	[hbm4b:s0+s4] =	stream.strided.scatter [tilespmem:s10], [sflag:$0x1], $0x1000, s3, s4, $0x38;
	[tilespmem:$0x6A80] =	vst v63  }
0x50: {  	s12 =	smov.u32 s1;
	s1 =	rddreg [dreg:$0x5]  }
0x51: {  	[hbm4b:s1+s4] =	stream.strided.scatter [tilespmem:s13], [sflag:$0x1], $0x1000, s3, s4, $0x38;
	[tilespmem:$0x6A80] =	vst v63  }
0x52: {  	_ =	swait.ge [sflag:s6], $0x1000  }
0x53: {  	[sflag:s6] =	ssyncset.done $0x0  }
0x54: {  	[sflag:s6] =	ssyncadd.s32 $0xFFFFF000  }
0x55: {  	_ =	swait.ge [sflag:s6], $0x1000  }
0x56: {  	s1 =	sld [smem:$0x7FA]  }
0x57: {  	[sflag:s6] =	ssyncset.done $0x0  }
0x58: {  	[sflag:s6] =	ssyncadd.s32 $0xFFFFF000  }
0x59: {  	[tilespmem:s10], [sflag:$0x1] =	stream.indirect.gather [hbm4b:s9+s3], $0x40, s1, s3, $0xb8;
	[tilespmem:$0x6A80] =	vst v63  }
0x5a: {  	_ =	swait.ge [sflag:s7], $0x2000  }
0x5b: {  	[sflag:s7] =	ssyncset.done $0x0  }
0x5c: {  	s0 =	rddreg [dreg:$0x6];
	[sflag:s7] =	ssyncadd.s32 $0xFFFFE000  }
0x5d: {  	[hbm4b:s0+s4] =	stream.strided.scatter [tilespmem:s8], [sflag:$0x2], $0x1000, s3, s4, $0x38;
	[tilespmem:$0x6A80] =	vst v63  }
0x5e: {  	s1 =	rddreg [dreg:$0x7]  }
0x5f: {  	[hbm4b:s1+s4] =	stream.strided.scatter [tilespmem:s11], [sflag:$0x2], $0x1000, s3, s4, $0x38;
	[tilespmem:$0x6A80] =	vst v63  }
0x60: {  	_ =	swait.ge [sflag:s7], $0x1000  }
0x61: {  	[sflag:s7] =	ssyncset.done $0x0  }
0x62: {  	[sflag:s7] =	ssyncadd.s32 $0xFFFFF000  }
0x63: {  	_ =	swait.ge [sflag:s7], $0x1000  }
0x64: {  	s1 =	sld [smem:$0x7FB]  }
0x65: {  	[sflag:s7] =	ssyncset.done $0x0  }
0x66: {  	[sflag:s7] =	ssyncadd.s32 $0xFFFFF000  }
0x67: {  	[tilespmem:s8], [sflag:$0x2] =	stream.indirect.gather [hbm4b:s9+s3], $0x40, s1, s3, $0xb8;
	[tilespmem:$0x6A80] =	vst v63  }
0x68: {  	_ =	swait.ge [sflag:s6], $0x2000  }
0x69: {  	[sflag:s6] =	ssyncset.done $0x0  }
0x6a: {  	s0 =	rddreg [dreg:$0x8];
	[sflag:s6] =	ssyncadd.s32 $0xFFFFE000  }
0x6b: {  	[hbm4b:s0+s4] =	stream.strided.scatter [tilespmem:s10], [sflag:$0x1], $0x1000, s3, s4, $0x38;
	[tilespmem:$0x6A80] =	vst v63  }
0x6c: {  	s1 =	rddreg [dreg:$0x9]  }
0x6d: {  	[hbm4b:s1+s4] =	stream.strided.scatter [tilespmem:s13], [sflag:$0x1], $0x1000, s3, s4, $0x38;
	[tilespmem:$0x6A80] =	vst v63  }
0x6e: {  	_ =	swait.ge [sflag:s6], $0x1000  }
0x6f: {  	[sflag:s6] =	ssyncset.done $0x0  }
0x70: {  	[sflag:s6] =	ssyncadd.s32 $0xFFFFF000  }
0x71: {  	_ =	swait.ge [sflag:s6], $0x1000  }
0x72: {  	s1 =	sld [smem:$0x7FC]  }
0x73: {  	[sflag:s6] =	ssyncset.done $0x0  }
0x74: {  	[sflag:s6] =	ssyncadd.s32 $0xFFFFF000  }
0x75: {  	[tilespmem:s10], [sflag:$0x1] =	stream.indirect.gather [hbm4b:s9+s3], $0x40, s1, s3, $0xb8;
	[tilespmem:$0x6A80] =	vst v63  }
0x76: {  	_ =	swait.ge [sflag:s7], $0x2000  }
0x77: {  	[sflag:s7] =	ssyncset.done $0x0  }
0x78: {  	s0 =	rddreg [dreg:$0xa];
	[sflag:s7] =	ssyncadd.s32 $0xFFFFE000  }
0x79: {  	[hbm4b:s0+s4] =	stream.strided.scatter [tilespmem:s8], [sflag:$0x2], $0x1000, s3, s4, $0x38;
	[tilespmem:$0x6A80] =	vst v63  }
0x7a: {  	s1 =	rddreg [dreg:$0xb]  }
0x7b: {  	[hbm4b:s1+s4] =	stream.strided.scatter [tilespmem:s11], [sflag:$0x2], $0x1000, s3, s4, $0x38;
	[tilespmem:$0x6A80] =	vst v63  }
0x7c: {  	_ =	swait.ge [sflag:s7], $0x1000  }
0x7d: {  	[sflag:s7] =	ssyncset.done $0x0  }
0x7e: {  	[sflag:s7] =	ssyncadd.s32 $0xFFFFF000  }
0x7f: {  	_ =	swait.ge [sflag:s7], $0x1000  }
0x80: {  	s1 =	sld [smem:$0x7FD]  }
0x81: {  	[sflag:s7] =	ssyncset.done $0x0  }
0x82: {  	[sflag:s7] =	ssyncadd.s32 $0xFFFFF000  }
0x83: {  	[tilespmem:s8], [sflag:$0x2] =	stream.indirect.gather [hbm4b:s9+s3], $0x40, s1, s3, $0xb8;
	[tilespmem:$0x6A80] =	vst v63  }
0x84: {  	_ =	swait.ge [sflag:s6], $0x2000  }
0x85: {  	[sflag:s6] =	ssyncset.done $0x0  }
0x86: {  	s0 =	rddreg [dreg:$0xc];
	[sflag:s6] =	ssyncadd.s32 $0xFFFFE000  }
0x87: {  	[hbm4b:s0+s4] =	stream.strided.scatter [tilespmem:s10], [sflag:$0x1], $0x1000, s3, s4, $0x38;
	[tilespmem:$0x6A80] =	vst v63  }
0x88: {  	s1 =	rddreg [dreg:$0xd]  }
0x89: {  	[hbm4b:s1+s4] =	stream.strided.scatter [tilespmem:s13], [sflag:$0x1], $0x1000, s3, s4, $0x38;
	[tilespmem:$0x6A80] =	vst v63  }
0x8a: {  	_ =	swait.ge [sflag:s6], $0x1000  }
0x8b: {  	[sflag:s6] =	ssyncset.done $0x0  }
0x8c: {  	[sflag:s6] =	ssyncadd.s32 $0xFFFFF000  }
0x8d: {  	_ =	swait.ge [sflag:s6], $0x1000  }
0x8e: {  	[sflag:s6] =	ssyncset.done $0x0  }
0x8f: {  	s1 =	simm.s32 $0x300;
	[sflag:s6] =	ssyncadd.s32 $0xFFFFF000  }
0x90: {  	[tilespmem:s10], [sflag:$0x1] =	stream.indirect.gather [hbm4b:s9+s3], $0x40, s1, s3, $0xb8;
	[tilespmem:$0x6A80] =	vst v63  }
0x91: {  	_ =	swait.ge [sflag:s7], $0x2000  }
0x92: {  	[sflag:s7] =	ssyncset.done $0x0  }
0x93: {  	s0 =	rddreg [dreg:$0xe];
	[sflag:s7] =	ssyncadd.s32 $0xFFFFE000  }
0x94: {  	[hbm4b:s0+s4] =	stream.strided.scatter [tilespmem:s8], [sflag:$0x2], $0x1000, s3, s4, $0x38;
	[tilespmem:$0x6A80] =	vst v63  }
0x95: {  	s1 =	rddreg [dreg:$0xf]  }
0x96: {  	[hbm4b:s1+s4] =	stream.strided.scatter [tilespmem:s11], [sflag:$0x2], $0x1000, s3, s4, $0x38;
	[tilespmem:$0x6A80] =	vst v63  }
0x97: {  	_ =	swait.ge [sflag:s7], $0x1000  }
0x98: {  	[sflag:s7] =	ssyncset.done $0x0  }
0x99: {  	[sflag:s7] =	ssyncadd.s32 $0xFFFFF000  }
0x9a: {  	_ =	swait.ge [sflag:s7], $0x1000  }
0x9b: {  	[sflag:s7] =	ssyncset.done $0x0  }
0x9c: {  	[sflag:s7] =	ssyncadd.s32 $0xFFFFF000  }
0x9d: {  	[tilespmem:s8], [sflag:$0x2] =	stream.indirect.gather [hbm4b:s9+s3], $0x40, s30, s3, $0xb8;
	[tilespmem:$0x6A80] =	vst v63  }
0x9e: {  	_ =	swait.ge [sflag:s6], $0x2000  }
0x9f: {  	[sflag:s6] =	ssyncset.done $0x0  }
0xa0: {  	s0 =	rddreg [dreg:$0x10];
	[sflag:s6] =	ssyncadd.s32 $0xFFFFE000  }
0xa1: {  	[hbm4b:s0+s4] =	stream.strided.scatter [tilespmem:s10], [sflag:$0x1], $0x1000, s3, s4, $0x38;
	[tilespmem:$0x6A80] =	vst v63  }
0xa2: {  	s1 =	rddreg [dreg:$0x11]  }
0xa3: {  	[hbm4b:s1+s4] =	stream.strided.scatter [tilespmem:s13], [sflag:$0x1], $0x1000, s3, s4, $0x38;
	[tilespmem:$0x6A80] =	vst v63  }
0xa4: {  	_ =	swait.ge [sflag:s6], $0x1000  }
0xa5: {  	[sflag:s6] =	ssyncset.done $0x0  }
0xa6: {  	[sflag:s6] =	ssyncadd.s32 $0xFFFFF000  }
0xa7: {  	_ =	swait.ge [sflag:s6], $0x1000  }
0xa8: {  	[sflag:s6] =	ssyncset.done $0x0  }
0xa9: {  	[sflag:s6] =	ssyncadd.s32 $0xFFFFF000  }
0xaa: {  	[tilespmem:s10], [sflag:$0x1] =	stream.indirect.gather [hbm4b:s9+s3], $0x40, s29, s3, $0xb8;
	[tilespmem:$0x6A80] =	vst v63  }
0xab: {  	_ =	swait.ge [sflag:s7], $0x2000  }
0xac: {  	[sflag:s7] =	ssyncset.done $0x0  }
0xad: {  	s0 =	rddreg [dreg:$0x12];
	[sflag:s7] =	ssyncadd.s32 $0xFFFFE000  }
0xae: {  	[hbm4b:s0+s4] =	stream.strided.scatter [tilespmem:s8], [sflag:$0x2], $0x1000, s3, s4, $0x38;
	[tilespmem:$0x6A80] =	vst v63  }
0xaf: {  	s1 =	rddreg [dreg:$0x13]  }
0xb0: {  	[hbm4b:s1+s4] =	stream.strided.scatter [tilespmem:s11], [sflag:$0x2], $0x1000, s3, s4, $0x38;
	[tilespmem:$0x6A80] =	vst v63  }
0xb1: {  	_ =	swait.ge [sflag:s7], $0x1000  }
0xb2: {  	[sflag:s7] =	ssyncset.done $0x0  }
0xb3: {  	[sflag:s7] =	ssyncadd.s32 $0xFFFFF000  }
0xb4: {  	_ =	swait.ge [sflag:s7], $0x1000  }
0xb5: {  	[sflag:s7] =	ssyncset.done $0x0  }
0xb6: {  	[sflag:s7] =	ssyncadd.s32 $0xFFFFF000  }
0xb7: {  	[tilespmem:s8], [sflag:$0x2] =	stream.indirect.gather [hbm4b:s9+s3], $0x40, s28, s3, $0xb8;
	[tilespmem:$0x6A80] =	vst v63  }
0xb8: {  	_ =	swait.ge [sflag:s6], $0x2000  }
0xb9: {  	[sflag:s6] =	ssyncset.done $0x0  }
0xba: {  	s0 =	rddreg [dreg:$0x14];
	[sflag:s6] =	ssyncadd.s32 $0xFFFFE000  }
0xbb: {  	[hbm4b:s0+s4] =	stream.strided.scatter [tilespmem:s10], [sflag:$0x1], $0x1000, s3, s4, $0x38;
	[tilespmem:$0x6A80] =	vst v63  }
0xbc: {  	s1 =	rddreg [dreg:$0x15]  }
0xbd: {  	[hbm4b:s1+s4] =	stream.strided.scatter [tilespmem:s13], [sflag:$0x1], $0x1000, s3, s4, $0x38;
	[tilespmem:$0x6A80] =	vst v63  }
0xbe: {  	_ =	swait.ge [sflag:s6], $0x1000  }
0xbf: {  	[sflag:s6] =	ssyncset.done $0x0  }
0xc0: {  	[sflag:s6] =	ssyncadd.s32 $0xFFFFF000  }
0xc1: {  	_ =	swait.ge [sflag:s6], $0x1000  }
0xc2: {  	[sflag:s6] =	ssyncset.done $0x0  }
0xc3: {  	[sflag:s6] =	ssyncadd.s32 $0xFFFFF000  }
0xc4: {  	[tilespmem:s10], [sflag:$0x1] =	stream.indirect.gather [hbm4b:s9+s3], $0x40, s26, s3, $0xb8;
	[tilespmem:$0x6A80] =	vst v63  }
0xc5: {  	_ =	swait.ge [sflag:s7], $0x2000  }
0xc6: {  	[sflag:s7] =	ssyncset.done $0x0  }
0xc7: {  	s0 =	rddreg [dreg:$0x16];
	[sflag:s7] =	ssyncadd.s32 $0xFFFFE000  }
0xc8: {  	[hbm4b:s0+s4] =	stream.strided.scatter [tilespmem:s8], [sflag:$0x2], $0x1000, s3, s4, $0x38;
	[tilespmem:$0x6A80] =	vst v63  }
0xc9: {  	s1 =	rddreg [dreg:$0x17]  }
0xca: {  	[hbm4b:s1+s4] =	stream.strided.scatter [tilespmem:s11], [sflag:$0x2], $0x1000, s3, s4, $0x38;
	[tilespmem:$0x6A80] =	vst v63  }
0xcb: {  	_ =	swait.ge [sflag:s7], $0x1000  }
0xcc: {  	[sflag:s7] =	ssyncset.done $0x0  }
0xcd: {  	[sflag:s7] =	ssyncadd.s32 $0xFFFFF000  }
0xce: {  	_ =	swait.ge [sflag:s7], $0x1000  }
0xcf: {  	[sflag:s7] =	ssyncset.done $0x0  }
0xd0: {  	[sflag:s7] =	ssyncadd.s32 $0xFFFFF000  }
0xd1: {  	[tilespmem:s8], [sflag:$0x2] =	stream.indirect.gather [hbm4b:s9+s3], $0x40, s24, s3, $0xb8;
	[tilespmem:$0x6A80] =	vst v63  }
0xd2: {  	_ =	swait.ge [sflag:s6], $0x2000  }
0xd3: {  	[sflag:s6] =	ssyncset.done $0x0  }
0xd4: {  	s0 =	rddreg [dreg:$0x18];
	[sflag:s6] =	ssyncadd.s32 $0xFFFFE000  }
0xd5: {  	[hbm4b:s0+s4] =	stream.strided.scatter [tilespmem:s10], [sflag:$0x1], $0x1000, s3, s4, $0x38;
	[tilespmem:$0x6A80] =	vst v63  }
0xd6: {  	s1 =	rddreg [dreg:$0x19]  }
0xd7: {  	[hbm4b:s1+s4] =	stream.strided.scatter [tilespmem:s13], [sflag:$0x1], $0x1000, s3, s4, $0x38;
	[tilespmem:$0x6A80] =	vst v63  }
0xd8: {  	_ =	swait.ge [sflag:s6], $0x1000  }
0xd9: {  	[sflag:s6] =	ssyncset.done $0x0  }
0xda: {  	[sflag:s6] =	ssyncadd.s32 $0xFFFFF000  }
0xdb: {  	_ =	swait.ge [sflag:s6], $0x1000  }
0xdc: {  	[sflag:s6] =	ssyncset.done $0x0  }
0xdd: {  	[sflag:s6] =	ssyncadd.s32 $0xFFFFF000  }
0xde: {  	[tilespmem:s10], [sflag:$0x1] =	stream.indirect.gather [hbm4b:s9+s3], $0x40, s23, s3, $0xb8;
	[tilespmem:$0x6A80] =	vst v63  }
0xdf: {  	_ =	swait.ge [sflag:s7], $0x2000  }
0xe0: {  	[sflag:s7] =	ssyncset.done $0x0  }
0xe1: {  	s0 =	rddreg [dreg:$0x1a];
	[sflag:s7] =	ssyncadd.s32 $0xFFFFE000  }
0xe2: {  	[hbm4b:s0+s4] =	stream.strided.scatter [tilespmem:s8], [sflag:$0x2], $0x1000, s3, s4, $0x38;
	[tilespmem:$0x6A80] =	vst v63  }
0xe3: {  	s1 =	rddreg [dreg:$0x1b]  }
0xe4: {  	[hbm4b:s1+s4] =	stream.strided.scatter [tilespmem:s11], [sflag:$0x2], $0x1000, s3, s4, $0x38;
	[tilespmem:$0x6A80] =	vst v63  }
0xe5: {  	_ =	swait.ge [sflag:s7], $0x1000  }
0xe6: {  	[sflag:s7] =	ssyncset.done $0x0  }
0xe7: {  	[sflag:s7] =	ssyncadd.s32 $0xFFFFF000  }
0xe8: {  	_ =	swait.ge [sflag:s7], $0x1000  }
0xe9: {  	[sflag:s7] =	ssyncset.done $0x0  }
0xea: {  	[sflag:s7] =	ssyncadd.s32 $0xFFFFF000  }
0xeb: {  	[tilespmem:s8], [sflag:$0x2] =	stream.indirect.gather [hbm4b:s9+s3], $0x40, s22, s3, $0xb8;
	[tilespmem:$0x6A80] =	vst v63  }
0xec: {  	_ =	swait.ge [sflag:s6], $0x2000  }
0xed: {  	[sflag:s6] =	ssyncset.done $0x0  }
0xee: {  	s0 =	rddreg [dreg:$0x1c];
	[sflag:s6] =	ssyncadd.s32 $0xFFFFE000  }
0xef: {  	[hbm4b:s0+s4] =	stream.strided.scatter [tilespmem:s10], [sflag:$0x1], $0x1000, s3, s4, $0x38;
	[tilespmem:$0x6A80] =	vst v63  }
0xf0: {  	s1 =	rddreg [dreg:$0x1d]  }
0xf1: {  	[hbm4b:s1+s4] =	stream.strided.scatter [tilespmem:s13], [sflag:$0x1], $0x1000, s3, s4, $0x38;
	[tilespmem:$0x6A80] =	vst v63  }
0xf2: {  	_ =	swait.ge [sflag:s6], $0x1000  }
0xf3: {  	[sflag:s6] =	ssyncset.done $0x0  }
0xf4: {  	[sflag:s6] =	ssyncadd.s32 $0xFFFFF000  }
0xf5: {  	_ =	swait.ge [sflag:s6], $0x1000  }
0xf6: {  	[sflag:s6] =	ssyncset.done $0x0  }
0xf7: {  	[sflag:s6] =	ssyncadd.s32 $0xFFFFF000  }
0xf8: {  	[tilespmem:s10], [sflag:$0x1] =	stream.indirect.gather [hbm4b:s9+s3], $0x40, s21, s3, $0xb8;
	[tilespmem:$0x6A80] =	vst v63  }
0xf9: {  	_ =	swait.ge [sflag:s7], $0x2000  }
0xfa: {  	[sflag:s7] =	ssyncset.done $0x0  }
0xfb: {  	s0 =	rddreg [dreg:$0x1e];
	[sflag:s7] =	ssyncadd.s32 $0xFFFFE000  }
0xfc: {  	[hbm4b:s0+s4] =	stream.strided.scatter [tilespmem:s8], [sflag:$0x2], $0x1000, s3, s4, $0x38;
	[tilespmem:$0x6A80] =	vst v63  }
0xfd: {  	s1 =	rddreg [dreg:$0x1f]  }
0xfe: {  	[hbm4b:s1+s4] =	stream.strided.scatter [tilespmem:s11], [sflag:$0x2], $0x1000, s3, s4, $0x38;
	[tilespmem:$0x6A80] =	vst v63  }
0xff: {  	_ =	swait.ge [sflag:s7], $0x1000  }
0x100: {  	[sflag:s7] =	ssyncset.done $0x0  }
0x101: {  	[sflag:s7] =	ssyncadd.s32 $0xFFFFF000  }
0x102: {  	_ =	swait.ge [sflag:s7], $0x1000  }
0x103: {  	[sflag:s7] =	ssyncset.done $0x0  }
0x104: {  	[sflag:s7] =	ssyncadd.s32 $0xFFFFF000  }
0x105: {  	[tilespmem:s8], [sflag:$0x2] =	stream.indirect.gather [hbm4b:s9+s3], $0x40, s20, s3, $0xb8;
	[tilespmem:$0x6A80] =	vst v63  }
0x106: {  	_ =	swait.ge [sflag:s6], $0x2000  }
0x107: {  	s0 =	sld [smem:$0x7EC]  }
0x108: {  	[sflag:s6] =	ssyncset.done $0x0  }
0x109: {  	s1 =	sld [smem:$0x7ED];
	[sflag:s6] =	ssyncadd.s32 $0xFFFFE000  }
0x10a: {  	[hbm4b:s0+s4] =	stream.strided.scatter [tilespmem:s10], [sflag:$0x1], $0x1000, s3, s4, $0x38;
	[tilespmem:$0x6A80] =	vst v63  }
0x10b: {  	_ = 	snop  }
0x10c: {  	[hbm4b:s1+s4] =	stream.strided.scatter [tilespmem:s13], [sflag:$0x1], $0x1000, s3, s4, $0x38;
	[tilespmem:$0x6A80] =	vst v63  }
0x10d: {  	_ =	swait.ge [sflag:s6], $0x1000  }
0x10e: {  	[sflag:s6] =	ssyncset.done $0x0  }
0x10f: {  	[sflag:s6] =	ssyncadd.s32 $0xFFFFF000  }
0x110: {  	_ =	swait.ge [sflag:s6], $0x1000  }
0x111: {  	[sflag:s6] =	ssyncset.done $0x0  }
0x112: {  	[sflag:s6] =	ssyncadd.s32 $0xFFFFF000  }
0x113: {  	[tilespmem:s10], [sflag:$0x1] =	stream.indirect.gather [hbm4b:s9+s3], $0x40, s19, s3, $0xb8;
	[tilespmem:$0x6A80] =	vst v63  }
0x114: {  	_ =	swait.ge [sflag:s7], $0x2000  }
0x115: {  	s0 =	sld [smem:$0x7EE]  }
0x116: {  	[sflag:s7] =	ssyncset.done $0x0  }
0x117: {  	s1 =	sld [smem:$0x7EF];
	[sflag:s7] =	ssyncadd.s32 $0xFFFFE000  }
0x118: {  	[hbm4b:s0+s4] =	stream.strided.scatter [tilespmem:s8], [sflag:$0x2], $0x1000, s3, s4, $0x38;
	[tilespmem:$0x6A80] =	vst v63  }
0x119: {  	_ = 	snop  }
0x11a: {  	[hbm4b:s1+s4] =	stream.strided.scatter [tilespmem:s11], [sflag:$0x2], $0x1000, s3, s4, $0x38;
	[tilespmem:$0x6A80] =	vst v63  }
0x11b: {  	_ =	swait.ge [sflag:s7], $0x1000  }
0x11c: {  	[sflag:s7] =	ssyncset.done $0x0  }
0x11d: {  	[sflag:s7] =	ssyncadd.s32 $0xFFFFF000  }
0x11e: {  	_ =	swait.ge [sflag:s7], $0x1000  }
0x11f: {  	[sflag:s7] =	ssyncset.done $0x0  }
0x120: {  	[sflag:s7] =	ssyncadd.s32 $0xFFFFF000  }
0x121: {  	[tilespmem:s8], [sflag:$0x2] =	stream.indirect.gather [hbm4b:s9+s3], $0x40, s18, s3, $0xb8;
	[tilespmem:$0x6A80] =	vst v63  }
0x122: {  	_ =	swait.ge [sflag:s6], $0x2000  }
0x123: {  	s0 =	sld [smem:$0x7F0]  }
0x124: {  	[sflag:s6] =	ssyncset.done $0x0  }
0x125: {  	s1 =	sld [smem:$0x7F1];
	[sflag:s6] =	ssyncadd.s32 $0xFFFFE000  }
0x126: {  	[hbm4b:s0+s4] =	stream.strided.scatter [tilespmem:s10], [sflag:$0x1], $0x1000, s3, s4, $0x38;
	[tilespmem:$0x6A80] =	vst v63  }
0x127: {  	_ = 	snop  }
0x128: {  	[hbm4b:s1+s4] =	stream.strided.scatter [tilespmem:s13], [sflag:$0x1], $0x1000, s3, s4, $0x38;
	[tilespmem:$0x6A80] =	vst v63  }
0x129: {  	_ =	swait.ge [sflag:s6], $0x1000  }
0x12a: {  	[sflag:s6] =	ssyncset.done $0x0  }
0x12b: {  	[sflag:s6] =	ssyncadd.s32 $0xFFFFF000  }
0x12c: {  	_ =	swait.ge [sflag:s6], $0x1000  }
0x12d: {  	[sflag:s6] =	ssyncset.done $0x0  }
0x12e: {  	[sflag:s6] =	ssyncadd.s32 $0xFFFFF000  }
0x12f: {  	[tilespmem:s10], [sflag:$0x1] =	stream.indirect.gather [hbm4b:s9+s3], $0x40, s17, s3, $0xb8;
	[tilespmem:$0x6A80] =	vst v63  }
0x130: {  	_ =	swait.ge [sflag:s7], $0x2000  }
0x131: {  	s0 =	sld [smem:$0x7F2]  }
0x132: {  	[sflag:s7] =	ssyncset.done $0x0  }
0x133: {  	s1 =	sld [smem:$0x7F3];
	[sflag:s7] =	ssyncadd.s32 $0xFFFFE000  }
0x134: {  	[hbm4b:s0+s4] =	stream.strided.scatter [tilespmem:s8], [sflag:$0x2], $0x1000, s3, s4, $0x38;
	[tilespmem:$0x6A80] =	vst v63  }
0x135: {  	_ = 	snop  }
0x136: {  	[hbm4b:s1+s4] =	stream.strided.scatter [tilespmem:s11], [sflag:$0x2], $0x1000, s3, s4, $0x38;
	[tilespmem:$0x6A80] =	vst v63  }
0x137: {  	_ =	swait.ge [sflag:s7], $0x1000  }
0x138: {  	[sflag:s7] =	ssyncset.done $0x0  }
0x139: {  	[sflag:s7] =	ssyncadd.s32 $0xFFFFF000  }
0x13a: {  	_ =	swait.ge [sflag:s7], $0x1000  }
0x13b: {  	[sflag:s7] =	ssyncset.done $0x0  }
0x13c: {  	[sflag:s7] =	ssyncadd.s32 $0xFFFFF000  }
0x13d: {  	[tilespmem:s8], [sflag:$0x2] =	stream.indirect.gather [hbm4b:s9+s3], $0x40, s16, s3, $0xb8;
	[tilespmem:$0x6A80] =	vst v63  }
0x13e: {  	_ =	swait.ge [sflag:s6], $0x2000  }
0x13f: {  	s0 =	sld [smem:$0x7F4]  }
0x140: {  	[sflag:s6] =	ssyncset.done $0x0  }
0x141: {  	s1 =	sld [smem:$0x7F5];
	[sflag:s6] =	ssyncadd.s32 $0xFFFFE000  }
0x142: {  	[hbm4b:s0+s4] =	stream.strided.scatter [tilespmem:s10], [sflag:$0x1], $0x1000, s3, s4, $0x38;
	[tilespmem:$0x6A80] =	vst v63  }
0x143: {  	_ = 	snop  }
0x144: {  	[hbm4b:s1+s4] =	stream.strided.scatter [tilespmem:s13], [sflag:$0x1], $0x1000, s3, s4, $0x38;
	[tilespmem:$0x6A80] =	vst v63  }
0x145: {  	_ =	swait.ge [sflag:s7], $0x2000  }
0x146: {  	s0 =	sld [smem:$0x7F6]  }
0x147: {  	[sflag:s7] =	ssyncset.done $0x0  }
0x148: {  	s1 =	sld [smem:$0x7F7];
	[sflag:s7] =	ssyncadd.s32 $0xFFFFE000  }
0x149: {  	[hbm4b:s0+s4] =	stream.strided.scatter [tilespmem:s8], [sflag:$0x2], $0x1000, s3, s4, $0x38;
	[tilespmem:$0x6A80] =	vst v63  }
0x14a: {  	_ = 	snop  }
0x14b: {  	[hbm4b:s1+s4] =	stream.strided.scatter [tilespmem:s11], [sflag:$0x2], $0x1000, s3, s4, $0x38;
	[tilespmem:$0x6A80] =	vst v63  }
0x14c: {  	_ =	swait.ge [sflag:s6], $0x1000  }
0x14d: {  	[sflag:s6] =	ssyncset.done $0x0  }
0x14e: {  	[sflag:s6] =	ssyncadd.s32 $0xFFFFF000  }
0x14f: {  	_ =	swait.ge [sflag:s6], $0x1000  }
0x150: {  	[sflag:s6] =	ssyncset.done $0x0  }
0x151: {  	[sflag:s6] =	ssyncadd.s32 $0xFFFFF000  }
0x152: {  	_ =	swait.ge [sflag:s7], $0x1000  }
0x153: {  	[sflag:s7] =	ssyncset.done $0x0  }
0x154: {  	[sflag:s7] =	ssyncadd.s32 $0xFFFFF000  }
0x155: {  	_ =	swait.ge [sflag:s7], $0x1000  }
0x156: {  	[sflag:s7] =	ssyncset.done $0x0  }
0x157: {  	[sflag:s7] =	ssyncadd.s32 $0xFFFFF000  }
0x158: {  	_ =	swait.ge [sflag:s14], $0x2000  }
0x159: {  	s1 =	sld [smem:$0x7F8]  }
0x15a: {  	[sflag:s14] =	ssyncset.done $0x0  }
0x15b: {  	[sflag:s14] =	ssyncadd.s32 $0xFFFFE000  }
0x15c: {  	[hbm4b:s1+s4] =	stream.strided.scatter [tilespmem:s5], [sflag:$0x4], $0x1000, s3, s4, $0x38;
	[tilespmem:$0x6A80] =	vst v63  }
0x15d: {  	_ =	swait.ge [sflag:s2], $0x1000  }
0x15e: {  	p1 =	sne.s32 s12, $0x1;
	s1 =	sld [smem:$0x7F9]  }
.Ltmp1:
0x15f: {  	[sflag:s2] =	ssyncset.done $0x0;
	(pc) =	sbr.rel @!p1 .LBB2_3-.Ltmp1, $4  }
0x160: {  	[sflag:s2] =	ssyncadd.s32 $0xFFFFF000  }
0x161: {  	[hbm4b:s1+s4] =	stream.strided.scatter [tilespmem:s15], [sflag:$0x4], $0x1000, s3, s4, $0x38;
	[tilespmem:$0x6A80] =	vst v63  }
0x162: {  	p0 =	por $0x1, $0x1;
	_ =	swait.ge [sflag:s2], $0x1000  }
0x163: {  	s1 =	sadd.s32 $0xFFFFFFFF, s12;
	s0 =	rddreg [dreg:$0x2];
	[sflag:s2] =	ssyncset.done $0x0  }
.LBB2_4:
0x164: {  	[sflag:s2] =	ssyncadd.s32 $0xFFFFF000  }
0x165: {  	[tilespmem:s31], [sflag:$0x4] =	stream.linear.gather [hbm4b:s0+s25], $0x80, $0x38;
	[tilespmem:$0x6A80] =	vst v63  }
0x166: {  	_ =	swait.ge [sflag:s2], $0x80  }
0x167: {  	[sflag:s2] =	ssyncset.done $0x0  }
0x168: {  	[sflag:s2] =	ssyncadd.s32 $0xFFFFFF80  }
0x169: {  	[tilespmem:s5], [sflag:$0x3] =	stream.indirect.gather [hbm4b:s9+s3], $0x40, s31, s3, $0xb8;
	[tilespmem:$0x6A80] =	vst v63  }
0x16a: {  	s12 =	rddreg [dreg:$0x3]  }
0x16b: {  	[tilespmem:s25], [sflag:$0x4] =	stream.linear.gather [hbm4b:s12+s25], $0xA00, $0x38;
	[tilespmem:$0x6A80] =	vst v63  }
0x16c: {  	_ =	swait.ge [sflag:s2], $0xA00  }
0x16d: {  	[sflag:s2] =	ssyncset.done $0x0  }
0x16e: {  	[sflag:s2] =	ssyncadd.s32 $0xFFFFF600  }
0x16f: {  	[tilespmem:s10], [sflag:$0x1] =	stream.indirect.gather [hbm4b:s9+s3], $0x40, s25, s3, $0xb8;
	[tilespmem:$0x6A80] =	vst v63  }
0x170: {  	_ = 	snop  }
0x171: {  	[tilespmem:s8], [sflag:$0x2] =	stream.indirect.gather [hbm4b:s9+s3], $0x40, s3, s3, $0xb8;
	[tilespmem:$0x6A80] =	vst v63  }
0x172: {  	_ =	swait.ge [sflag:s6], $0x2000  }
0x173: {  	[sflag:s6] =	ssyncset.done $0x0  }
0x174: {  	s0 =	rddreg [dreg:$0x4];
	[sflag:s6] =	ssyncadd.s32 $0xFFFFE000  }
0x175: {  	[hbm4b:s0+s4] =	stream.strided.scatter [tilespmem:s10], [sflag:$0x1], $0x1000, s3, s4, $0x38;
	[tilespmem:$0x6A80] =	vst v63  }
0x176: {  	s12 =	rddreg [dreg:$0x5]  }
0x177: {  	[hbm4b:s12+s4] =	stream.strided.scatter [tilespmem:s13], [sflag:$0x1], $0x1000, s3, s4, $0x38;
	[tilespmem:$0x6A80] =	vst v63  }
0x178: {  	_ =	swait.ge [sflag:s6], $0x1000  }
0x179: {  	[sflag:s6] =	ssyncset.done $0x0  }
0x17a: {  	[sflag:s6] =	ssyncadd.s32 $0xFFFFF000  }
0x17b: {  	_ =	swait.ge [sflag:s6], $0x1000  }
0x17c: {  	s12 =	sld [smem:$0x7FA]  }
0x17d: {  	[sflag:s6] =	ssyncset.done $0x0  }
0x17e: {  	[sflag:s6] =	ssyncadd.s32 $0xFFFFF000  }
0x17f: {  	[tilespmem:s10], [sflag:$0x1] =	stream.indirect.gather [hbm4b:s9+s3], $0x40, s12, s3, $0xb8;
	[tilespmem:$0x6A80] =	vst v63  }
0x180: {  	_ =	swait.ge [sflag:s7], $0x2000  }
0x181: {  	[sflag:s7] =	ssyncset.done $0x0  }
0x182: {  	s0 =	rddreg [dreg:$0x6];
	[sflag:s7] =	ssyncadd.s32 $0xFFFFE000  }
0x183: {  	[hbm4b:s0+s4] =	stream.strided.scatter [tilespmem:s8], [sflag:$0x2], $0x1000, s3, s4, $0x38;
	[tilespmem:$0x6A80] =	vst v63  }
0x184: {  	s12 =	rddreg [dreg:$0x7]  }
0x185: {  	[hbm4b:s12+s4] =	stream.strided.scatter [tilespmem:s11], [sflag:$0x2], $0x1000, s3, s4, $0x38;
	[tilespmem:$0x6A80] =	vst v63  }
0x186: {  	_ =	swait.ge [sflag:s7], $0x1000  }
0x187: {  	[sflag:s7] =	ssyncset.done $0x0  }
0x188: {  	[sflag:s7] =	ssyncadd.s32 $0xFFFFF000  }
0x189: {  	_ =	swait.ge [sflag:s7], $0x1000  }
0x18a: {  	s12 =	sld [smem:$0x7FB]  }
0x18b: {  	[sflag:s7] =	ssyncset.done $0x0  }
0x18c: {  	[sflag:s7] =	ssyncadd.s32 $0xFFFFF000  }
0x18d: {  	[tilespmem:s8], [sflag:$0x2] =	stream.indirect.gather [hbm4b:s9+s3], $0x40, s12, s3, $0xb8;
	[tilespmem:$0x6A80] =	vst v63  }
0x18e: {  	_ =	swait.ge [sflag:s6], $0x2000  }
0x18f: {  	[sflag:s6] =	ssyncset.done $0x0  }
0x190: {  	s0 =	rddreg [dreg:$0x8];
	[sflag:s6] =	ssyncadd.s32 $0xFFFFE000  }
0x191: {  	[hbm4b:s0+s4] =	stream.strided.scatter [tilespmem:s10], [sflag:$0x1], $0x1000, s3, s4, $0x38;
	[tilespmem:$0x6A80] =	vst v63  }
0x192: {  	s12 =	rddreg [dreg:$0x9]  }
0x193: {  	[hbm4b:s12+s4] =	stream.strided.scatter [tilespmem:s13], [sflag:$0x1], $0x1000, s3, s4, $0x38;
	[tilespmem:$0x6A80] =	vst v63  }
0x194: {  	_ =	swait.ge [sflag:s6], $0x1000  }
0x195: {  	[sflag:s6] =	ssyncset.done $0x0  }
0x196: {  	[sflag:s6] =	ssyncadd.s32 $0xFFFFF000  }
0x197: {  	_ =	swait.ge [sflag:s6], $0x1000  }
0x198: {  	s12 =	sld [smem:$0x7FC]  }
0x199: {  	[sflag:s6] =	ssyncset.done $0x0  }
0x19a: {  	[sflag:s6] =	ssyncadd.s32 $0xFFFFF000  }
0x19b: {  	[tilespmem:s10], [sflag:$0x1] =	stream.indirect.gather [hbm4b:s9+s3], $0x40, s12, s3, $0xb8;
	[tilespmem:$0x6A80] =	vst v63  }
0x19c: {  	_ =	swait.ge [sflag:s7], $0x2000  }
0x19d: {  	[sflag:s7] =	ssyncset.done $0x0  }
0x19e: {  	s0 =	rddreg [dreg:$0xa];
	[sflag:s7] =	ssyncadd.s32 $0xFFFFE000  }
0x19f: {  	[hbm4b:s0+s4] =	stream.strided.scatter [tilespmem:s8], [sflag:$0x2], $0x1000, s3, s4, $0x38;
	[tilespmem:$0x6A80] =	vst v63  }
0x1a0: {  	s12 =	rddreg [dreg:$0xb]  }
0x1a1: {  	[hbm4b:s12+s4] =	stream.strided.scatter [tilespmem:s11], [sflag:$0x2], $0x1000, s3, s4, $0x38;
	[tilespmem:$0x6A80] =	vst v63  }
0x1a2: {  	_ =	swait.ge [sflag:s7], $0x1000  }
0x1a3: {  	[sflag:s7] =	ssyncset.done $0x0  }
0x1a4: {  	[sflag:s7] =	ssyncadd.s32 $0xFFFFF000  }
0x1a5: {  	_ =	swait.ge [sflag:s7], $0x1000  }
0x1a6: {  	s12 =	sld [smem:$0x7FD]  }
0x1a7: {  	[sflag:s7] =	ssyncset.done $0x0  }
0x1a8: {  	[sflag:s7] =	ssyncadd.s32 $0xFFFFF000  }
0x1a9: {  	[tilespmem:s8], [sflag:$0x2] =	stream.indirect.gather [hbm4b:s9+s3], $0x40, s12, s3, $0xb8;
	[tilespmem:$0x6A80] =	vst v63  }
0x1aa: {  	_ =	swait.ge [sflag:s6], $0x2000  }
0x1ab: {  	[sflag:s6] =	ssyncset.done $0x0  }
0x1ac: {  	s0 =	rddreg [dreg:$0xc];
	[sflag:s6] =	ssyncadd.s32 $0xFFFFE000  }
0x1ad: {  	[hbm4b:s0+s4] =	stream.strided.scatter [tilespmem:s10], [sflag:$0x1], $0x1000, s3, s4, $0x38;
	[tilespmem:$0x6A80] =	vst v63  }
0x1ae: {  	s12 =	rddreg [dreg:$0xd]  }
0x1af: {  	[hbm4b:s12+s4] =	stream.strided.scatter [tilespmem:s13], [sflag:$0x1], $0x1000, s3, s4, $0x38;
	[tilespmem:$0x6A80] =	vst v63  }
0x1b0: {  	_ =	swait.ge [sflag:s6], $0x1000  }
0x1b1: {  	[sflag:s6] =	ssyncset.done $0x0  }
0x1b2: {  	[sflag:s6] =	ssyncadd.s32 $0xFFFFF000  }
0x1b3: {  	_ =	swait.ge [sflag:s6], $0x1000  }
0x1b4: {  	[sflag:s6] =	ssyncset.done $0x0  }
0x1b5: {  	s12 =	simm.s32 $0x300;
	[sflag:s6] =	ssyncadd.s32 $0xFFFFF000  }
0x1b6: {  	[tilespmem:s10], [sflag:$0x1] =	stream.indirect.gather [hbm4b:s9+s3], $0x40, s12, s3, $0xb8;
	[tilespmem:$0x6A80] =	vst v63  }
0x1b7: {  	_ =	swait.ge [sflag:s7], $0x2000  }
0x1b8: {  	[sflag:s7] =	ssyncset.done $0x0  }
0x1b9: {  	s0 =	rddreg [dreg:$0xe];
	[sflag:s7] =	ssyncadd.s32 $0xFFFFE000  }
0x1ba: {  	[hbm4b:s0+s4] =	stream.strided.scatter [tilespmem:s8], [sflag:$0x2], $0x1000, s3, s4, $0x38;
	[tilespmem:$0x6A80] =	vst v63  }
0x1bb: {  	s12 =	rddreg [dreg:$0xf]  }
0x1bc: {  	[hbm4b:s12+s4] =	stream.strided.scatter [tilespmem:s11], [sflag:$0x2], $0x1000, s3, s4, $0x38;
	[tilespmem:$0x6A80] =	vst v63  }
0x1bd: {  	_ =	swait.ge [sflag:s7], $0x1000  }
0x1be: {  	[sflag:s7] =	ssyncset.done $0x0  }
0x1bf: {  	[sflag:s7] =	ssyncadd.s32 $0xFFFFF000  }
0x1c0: {  	_ =	swait.ge [sflag:s7], $0x1000  }
0x1c1: {  	[sflag:s7] =	ssyncset.done $0x0  }
0x1c2: {  	[sflag:s7] =	ssyncadd.s32 $0xFFFFF000  }
0x1c3: {  	[tilespmem:s8], [sflag:$0x2] =	stream.indirect.gather [hbm4b:s9+s3], $0x40, s30, s3, $0xb8;
	[tilespmem:$0x6A80] =	vst v63  }
0x1c4: {  	_ =	swait.ge [sflag:s6], $0x2000  }
0x1c5: {  	[sflag:s6] =	ssyncset.done $0x0  }
0x1c6: {  	s0 =	rddreg [dreg:$0x10];
	[sflag:s6] =	ssyncadd.s32 $0xFFFFE000  }
0x1c7: {  	[hbm4b:s0+s4] =	stream.strided.scatter [tilespmem:s10], [sflag:$0x1], $0x1000, s3, s4, $0x38;
	[tilespmem:$0x6A80] =	vst v63  }
0x1c8: {  	s12 =	rddreg [dreg:$0x11]  }
0x1c9: {  	[hbm4b:s12+s4] =	stream.strided.scatter [tilespmem:s13], [sflag:$0x1], $0x1000, s3, s4, $0x38;
	[tilespmem:$0x6A80] =	vst v63  }
0x1ca: {  	_ =	swait.ge [sflag:s6], $0x1000  }
0x1cb: {  	[sflag:s6] =	ssyncset.done $0x0  }
0x1cc: {  	[sflag:s6] =	ssyncadd.s32 $0xFFFFF000  }
0x1cd: {  	_ =	swait.ge [sflag:s6], $0x1000  }
0x1ce: {  	[sflag:s6] =	ssyncset.done $0x0  }
0x1cf: {  	[sflag:s6] =	ssyncadd.s32 $0xFFFFF000  }
0x1d0: {  	[tilespmem:s10], [sflag:$0x1] =	stream.indirect.gather [hbm4b:s9+s3], $0x40, s29, s3, $0xb8;
	[tilespmem:$0x6A80] =	vst v63  }
0x1d1: {  	_ =	swait.ge [sflag:s7], $0x2000  }
0x1d2: {  	[sflag:s7] =	ssyncset.done $0x0  }
0x1d3: {  	s0 =	rddreg [dreg:$0x12];
	[sflag:s7] =	ssyncadd.s32 $0xFFFFE000  }
0x1d4: {  	[hbm4b:s0+s4] =	stream.strided.scatter [tilespmem:s8], [sflag:$0x2], $0x1000, s3, s4, $0x38;
	[tilespmem:$0x6A80] =	vst v63  }
0x1d5: {  	s12 =	rddreg [dreg:$0x13]  }
0x1d6: {  	[hbm4b:s12+s4] =	stream.strided.scatter [tilespmem:s11], [sflag:$0x2], $0x1000, s3, s4, $0x38;
	[tilespmem:$0x6A80] =	vst v63  }
0x1d7: {  	_ =	swait.ge [sflag:s7], $0x1000  }
0x1d8: {  	[sflag:s7] =	ssyncset.done $0x0  }
0x1d9: {  	[sflag:s7] =	ssyncadd.s32 $0xFFFFF000  }
0x1da: {  	_ =	swait.ge [sflag:s7], $0x1000  }
0x1db: {  	[sflag:s7] =	ssyncset.done $0x0  }
0x1dc: {  	[sflag:s7] =	ssyncadd.s32 $0xFFFFF000  }
0x1dd: {  	[tilespmem:s8], [sflag:$0x2] =	stream.indirect.gather [hbm4b:s9+s3], $0x40, s28, s3, $0xb8;
	[tilespmem:$0x6A80] =	vst v63  }
0x1de: {  	_ =	swait.ge [sflag:s6], $0x2000  }
0x1df: {  	[sflag:s6] =	ssyncset.done $0x0  }
0x1e0: {  	s0 =	rddreg [dreg:$0x14];
	[sflag:s6] =	ssyncadd.s32 $0xFFFFE000  }
0x1e1: {  	[hbm4b:s0+s4] =	stream.strided.scatter [tilespmem:s10], [sflag:$0x1], $0x1000, s3, s4, $0x38;
	[tilespmem:$0x6A80] =	vst v63  }
0x1e2: {  	s12 =	rddreg [dreg:$0x15]  }
0x1e3: {  	[hbm4b:s12+s4] =	stream.strided.scatter [tilespmem:s13], [sflag:$0x1], $0x1000, s3, s4, $0x38;
	[tilespmem:$0x6A80] =	vst v63  }
0x1e4: {  	_ =	swait.ge [sflag:s6], $0x1000  }
0x1e5: {  	[sflag:s6] =	ssyncset.done $0x0  }
0x1e6: {  	[sflag:s6] =	ssyncadd.s32 $0xFFFFF000  }
0x1e7: {  	_ =	swait.ge [sflag:s6], $0x1000  }
0x1e8: {  	[sflag:s6] =	ssyncset.done $0x0  }
0x1e9: {  	[sflag:s6] =	ssyncadd.s32 $0xFFFFF000  }
0x1ea: {  	[tilespmem:s10], [sflag:$0x1] =	stream.indirect.gather [hbm4b:s9+s3], $0x40, s26, s3, $0xb8;
	[tilespmem:$0x6A80] =	vst v63  }
0x1eb: {  	_ =	swait.ge [sflag:s7], $0x2000  }
0x1ec: {  	[sflag:s7] =	ssyncset.done $0x0  }
0x1ed: {  	s0 =	rddreg [dreg:$0x16];
	[sflag:s7] =	ssyncadd.s32 $0xFFFFE000  }
0x1ee: {  	[hbm4b:s0+s4] =	stream.strided.scatter [tilespmem:s8], [sflag:$0x2], $0x1000, s3, s4, $0x38;
	[tilespmem:$0x6A80] =	vst v63  }
0x1ef: {  	s12 =	rddreg [dreg:$0x17]  }
0x1f0: {  	[hbm4b:s12+s4] =	stream.strided.scatter [tilespmem:s11], [sflag:$0x2], $0x1000, s3, s4, $0x38;
	[tilespmem:$0x6A80] =	vst v63  }
0x1f1: {  	_ =	swait.ge [sflag:s7], $0x1000  }
0x1f2: {  	[sflag:s7] =	ssyncset.done $0x0  }
0x1f3: {  	[sflag:s7] =	ssyncadd.s32 $0xFFFFF000  }
0x1f4: {  	_ =	swait.ge [sflag:s7], $0x1000  }
0x1f5: {  	[sflag:s7] =	ssyncset.done $0x0  }
0x1f6: {  	[sflag:s7] =	ssyncadd.s32 $0xFFFFF000  }
0x1f7: {  	[tilespmem:s8], [sflag:$0x2] =	stream.indirect.gather [hbm4b:s9+s3], $0x40, s24, s3, $0xb8;
	[tilespmem:$0x6A80] =	vst v63  }
0x1f8: {  	_ =	swait.ge [sflag:s6], $0x2000  }
0x1f9: {  	[sflag:s6] =	ssyncset.done $0x0  }
0x1fa: {  	s0 =	rddreg [dreg:$0x18];
	[sflag:s6] =	ssyncadd.s32 $0xFFFFE000  }
0x1fb: {  	[hbm4b:s0+s4] =	stream.strided.scatter [tilespmem:s10], [sflag:$0x1], $0x1000, s3, s4, $0x38;
	[tilespmem:$0x6A80] =	vst v63  }
0x1fc: {  	s12 =	rddreg [dreg:$0x19]  }
0x1fd: {  	[hbm4b:s12+s4] =	stream.strided.scatter [tilespmem:s13], [sflag:$0x1], $0x1000, s3, s4, $0x38;
	[tilespmem:$0x6A80] =	vst v63  }
0x1fe: {  	_ =	swait.ge [sflag:s6], $0x1000  }
0x1ff: {  	[sflag:s6] =	ssyncset.done $0x0  }
0x200: {  	[sflag:s6] =	ssyncadd.s32 $0xFFFFF000  }
0x201: {  	_ =	swait.ge [sflag:s6], $0x1000  }
0x202: {  	[sflag:s6] =	ssyncset.done $0x0  }
0x203: {  	[sflag:s6] =	ssyncadd.s32 $0xFFFFF000  }
0x204: {  	[tilespmem:s10], [sflag:$0x1] =	stream.indirect.gather [hbm4b:s9+s3], $0x40, s23, s3, $0xb8;
	[tilespmem:$0x6A80] =	vst v63  }
0x205: {  	_ =	swait.ge [sflag:s7], $0x2000  }
0x206: {  	[sflag:s7] =	ssyncset.done $0x0  }
0x207: {  	s0 =	rddreg [dreg:$0x1a];
	[sflag:s7] =	ssyncadd.s32 $0xFFFFE000  }
0x208: {  	[hbm4b:s0+s4] =	stream.strided.scatter [tilespmem:s8], [sflag:$0x2], $0x1000, s3, s4, $0x38;
	[tilespmem:$0x6A80] =	vst v63  }
0x209: {  	s12 =	rddreg [dreg:$0x1b]  }
0x20a: {  	[hbm4b:s12+s4] =	stream.strided.scatter [tilespmem:s11], [sflag:$0x2], $0x1000, s3, s4, $0x38;
	[tilespmem:$0x6A80] =	vst v63  }
0x20b: {  	_ =	swait.ge [sflag:s7], $0x1000  }
0x20c: {  	[sflag:s7] =	ssyncset.done $0x0  }
0x20d: {  	[sflag:s7] =	ssyncadd.s32 $0xFFFFF000  }
0x20e: {  	_ =	swait.ge [sflag:s7], $0x1000  }
0x20f: {  	[sflag:s7] =	ssyncset.done $0x0  }
0x210: {  	[sflag:s7] =	ssyncadd.s32 $0xFFFFF000  }
0x211: {  	[tilespmem:s8], [sflag:$0x2] =	stream.indirect.gather [hbm4b:s9+s3], $0x40, s22, s3, $0xb8;
	[tilespmem:$0x6A80] =	vst v63  }
0x212: {  	_ =	swait.ge [sflag:s6], $0x2000  }
0x213: {  	[sflag:s6] =	ssyncset.done $0x0  }
0x214: {  	s0 =	rddreg [dreg:$0x1c];
	[sflag:s6] =	ssyncadd.s32 $0xFFFFE000  }
0x215: {  	[hbm4b:s0+s4] =	stream.strided.scatter [tilespmem:s10], [sflag:$0x1], $0x1000, s3, s4, $0x38;
	[tilespmem:$0x6A80] =	vst v63  }
0x216: {  	s12 =	rddreg [dreg:$0x1d]  }
0x217: {  	[hbm4b:s12+s4] =	stream.strided.scatter [tilespmem:s13], [sflag:$0x1], $0x1000, s3, s4, $0x38;
	[tilespmem:$0x6A80] =	vst v63  }
0x218: {  	_ =	swait.ge [sflag:s6], $0x1000  }
0x219: {  	[sflag:s6] =	ssyncset.done $0x0  }
0x21a: {  	[sflag:s6] =	ssyncadd.s32 $0xFFFFF000  }
0x21b: {  	_ =	swait.ge [sflag:s6], $0x1000  }
0x21c: {  	[sflag:s6] =	ssyncset.done $0x0  }
0x21d: {  	[sflag:s6] =	ssyncadd.s32 $0xFFFFF000  }
0x21e: {  	[tilespmem:s10], [sflag:$0x1] =	stream.indirect.gather [hbm4b:s9+s3], $0x40, s21, s3, $0xb8;
	[tilespmem:$0x6A80] =	vst v63  }
0x21f: {  	_ =	swait.ge [sflag:s7], $0x2000  }
0x220: {  	[sflag:s7] =	ssyncset.done $0x0  }
0x221: {  	s0 =	rddreg [dreg:$0x1e];
	[sflag:s7] =	ssyncadd.s32 $0xFFFFE000  }
0x222: {  	[hbm4b:s0+s4] =	stream.strided.scatter [tilespmem:s8], [sflag:$0x2], $0x1000, s3, s4, $0x38;
	[tilespmem:$0x6A80] =	vst v63  }
0x223: {  	s12 =	rddreg [dreg:$0x1f]  }
0x224: {  	[hbm4b:s12+s4] =	stream.strided.scatter [tilespmem:s11], [sflag:$0x2], $0x1000, s3, s4, $0x38;
	[tilespmem:$0x6A80] =	vst v63  }
0x225: {  	_ =	swait.ge [sflag:s7], $0x1000  }
0x226: {  	[sflag:s7] =	ssyncset.done $0x0  }
0x227: {  	[sflag:s7] =	ssyncadd.s32 $0xFFFFF000  }
0x228: {  	_ =	swait.ge [sflag:s7], $0x1000  }
0x229: {  	[sflag:s7] =	ssyncset.done $0x0  }
0x22a: {  	[sflag:s7] =	ssyncadd.s32 $0xFFFFF000  }
0x22b: {  	[tilespmem:s8], [sflag:$0x2] =	stream.indirect.gather [hbm4b:s9+s3], $0x40, s20, s3, $0xb8;
	[tilespmem:$0x6A80] =	vst v63  }
0x22c: {  	_ =	swait.ge [sflag:s6], $0x2000  }
0x22d: {  	s0 =	sld [smem:$0x7EC]  }
0x22e: {  	[sflag:s6] =	ssyncset.done $0x0  }
0x22f: {  	s12 =	sld [smem:$0x7ED];
	[sflag:s6] =	ssyncadd.s32 $0xFFFFE000  }
0x230: {  	[hbm4b:s0+s4] =	stream.strided.scatter [tilespmem:s10], [sflag:$0x1], $0x1000, s3, s4, $0x38;
	[tilespmem:$0x6A80] =	vst v63  }
0x231: {  	_ = 	snop  }
0x232: {  	[hbm4b:s12+s4] =	stream.strided.scatter [tilespmem:s13], [sflag:$0x1], $0x1000, s3, s4, $0x38;
	[tilespmem:$0x6A80] =	vst v63  }
0x233: {  	_ =	swait.ge [sflag:s6], $0x1000  }
0x234: {  	[sflag:s6] =	ssyncset.done $0x0  }
0x235: {  	[sflag:s6] =	ssyncadd.s32 $0xFFFFF000  }
0x236: {  	_ =	swait.ge [sflag:s6], $0x1000  }
0x237: {  	[sflag:s6] =	ssyncset.done $0x0  }
0x238: {  	[sflag:s6] =	ssyncadd.s32 $0xFFFFF000  }
0x239: {  	[tilespmem:s10], [sflag:$0x1] =	stream.indirect.gather [hbm4b:s9+s3], $0x40, s19, s3, $0xb8;
	[tilespmem:$0x6A80] =	vst v63  }
0x23a: {  	_ =	swait.ge [sflag:s7], $0x2000  }
0x23b: {  	s0 =	sld [smem:$0x7EE]  }
0x23c: {  	[sflag:s7] =	ssyncset.done $0x0  }
0x23d: {  	s12 =	sld [smem:$0x7EF];
	[sflag:s7] =	ssyncadd.s32 $0xFFFFE000  }
0x23e: {  	[hbm4b:s0+s4] =	stream.strided.scatter [tilespmem:s8], [sflag:$0x2], $0x1000, s3, s4, $0x38;
	[tilespmem:$0x6A80] =	vst v63  }
0x23f: {  	_ = 	snop  }
0x240: {  	[hbm4b:s12+s4] =	stream.strided.scatter [tilespmem:s11], [sflag:$0x2], $0x1000, s3, s4, $0x38;
	[tilespmem:$0x6A80] =	vst v63  }
0x241: {  	_ =	swait.ge [sflag:s7], $0x1000  }
0x242: {  	[sflag:s7] =	ssyncset.done $0x0  }
0x243: {  	[sflag:s7] =	ssyncadd.s32 $0xFFFFF000  }
0x244: {  	_ =	swait.ge [sflag:s7], $0x1000  }
0x245: {  	[sflag:s7] =	ssyncset.done $0x0  }
0x246: {  	[sflag:s7] =	ssyncadd.s32 $0xFFFFF000  }
0x247: {  	[tilespmem:s8], [sflag:$0x2] =	stream.indirect.gather [hbm4b:s9+s3], $0x40, s18, s3, $0xb8;
	[tilespmem:$0x6A80] =	vst v63  }
0x248: {  	_ =	swait.ge [sflag:s6], $0x2000  }
0x249: {  	s0 =	sld [smem:$0x7F0]  }
0x24a: {  	[sflag:s6] =	ssyncset.done $0x0  }
0x24b: {  	s12 =	sld [smem:$0x7F1];
	[sflag:s6] =	ssyncadd.s32 $0xFFFFE000  }
0x24c: {  	[hbm4b:s0+s4] =	stream.strided.scatter [tilespmem:s10], [sflag:$0x1], $0x1000, s3, s4, $0x38;
	[tilespmem:$0x6A80] =	vst v63  }
0x24d: {  	_ = 	snop  }
0x24e: {  	[hbm4b:s12+s4] =	stream.strided.scatter [tilespmem:s13], [sflag:$0x1], $0x1000, s3, s4, $0x38;
	[tilespmem:$0x6A80] =	vst v63  }
0x24f: {  	_ =	swait.ge [sflag:s6], $0x1000  }
0x250: {  	[sflag:s6] =	ssyncset.done $0x0  }
0x251: {  	[sflag:s6] =	ssyncadd.s32 $0xFFFFF000  }
0x252: {  	_ =	swait.ge [sflag:s6], $0x1000  }
0x253: {  	[sflag:s6] =	ssyncset.done $0x0  }
0x254: {  	[sflag:s6] =	ssyncadd.s32 $0xFFFFF000  }
0x255: {  	[tilespmem:s10], [sflag:$0x1] =	stream.indirect.gather [hbm4b:s9+s3], $0x40, s17, s3, $0xb8;
	[tilespmem:$0x6A80] =	vst v63  }
0x256: {  	_ =	swait.ge [sflag:s7], $0x2000  }
0x257: {  	s0 =	sld [smem:$0x7F2]  }
0x258: {  	[sflag:s7] =	ssyncset.done $0x0  }
0x259: {  	s12 =	sld [smem:$0x7F3];
	[sflag:s7] =	ssyncadd.s32 $0xFFFFE000  }
0x25a: {  	[hbm4b:s0+s4] =	stream.strided.scatter [tilespmem:s8], [sflag:$0x2], $0x1000, s3, s4, $0x38;
	[tilespmem:$0x6A80] =	vst v63  }
0x25b: {  	_ = 	snop  }
0x25c: {  	[hbm4b:s12+s4] =	stream.strided.scatter [tilespmem:s11], [sflag:$0x2], $0x1000, s3, s4, $0x38;
	[tilespmem:$0x6A80] =	vst v63  }
0x25d: {  	_ =	swait.ge [sflag:s7], $0x1000  }
0x25e: {  	[sflag:s7] =	ssyncset.done $0x0  }
0x25f: {  	[sflag:s7] =	ssyncadd.s32 $0xFFFFF000  }
0x260: {  	_ =	swait.ge [sflag:s7], $0x1000  }
0x261: {  	[sflag:s7] =	ssyncset.done $0x0  }
0x262: {  	[sflag:s7] =	ssyncadd.s32 $0xFFFFF000  }
0x263: {  	[tilespmem:s8], [sflag:$0x2] =	stream.indirect.gather [hbm4b:s9+s3], $0x40, s16, s3, $0xb8;
	[tilespmem:$0x6A80] =	vst v63  }
0x264: {  	_ =	swait.ge [sflag:s6], $0x2000  }
0x265: {  	s0 =	sld [smem:$0x7F4]  }
0x266: {  	[sflag:s6] =	ssyncset.done $0x0  }
0x267: {  	s12 =	sld [smem:$0x7F5];
	[sflag:s6] =	ssyncadd.s32 $0xFFFFE000  }
0x268: {  	[hbm4b:s0+s4] =	stream.strided.scatter [tilespmem:s10], [sflag:$0x1], $0x1000, s3, s4, $0x38;
	[tilespmem:$0x6A80] =	vst v63  }
0x269: {  	_ = 	snop  }
0x26a: {  	[hbm4b:s12+s4] =	stream.strided.scatter [tilespmem:s13], [sflag:$0x1], $0x1000, s3, s4, $0x38;
	[tilespmem:$0x6A80] =	vst v63  }
0x26b: {  	_ =	swait.ge [sflag:s7], $0x2000  }
0x26c: {  	s0 =	sld [smem:$0x7F6]  }
0x26d: {  	[sflag:s7] =	ssyncset.done $0x0  }
0x26e: {  	s12 =	sld [smem:$0x7F7];
	[sflag:s7] =	ssyncadd.s32 $0xFFFFE000  }
0x26f: {  	[hbm4b:s0+s4] =	stream.strided.scatter [tilespmem:s8], [sflag:$0x2], $0x1000, s3, s4, $0x38;
	[tilespmem:$0x6A80] =	vst v63  }
0x270: {  	_ = 	snop  }
0x271: {  	[hbm4b:s12+s4] =	stream.strided.scatter [tilespmem:s11], [sflag:$0x2], $0x1000, s3, s4, $0x38;
	[tilespmem:$0x6A80] =	vst v63  }
0x272: {  	_ =	swait.ge [sflag:s6], $0x1000  }
0x273: {  	[sflag:s6] =	ssyncset.done $0x0  }
0x274: {  	[sflag:s6] =	ssyncadd.s32 $0xFFFFF000  }
0x275: {  	_ =	swait.ge [sflag:s6], $0x1000  }
0x276: {  	[sflag:s6] =	ssyncset.done $0x0  }
0x277: {  	[sflag:s6] =	ssyncadd.s32 $0xFFFFF000  }
0x278: {  	_ =	swait.ge [sflag:s7], $0x1000  }
0x279: {  	[sflag:s7] =	ssyncset.done $0x0  }
0x27a: {  	[sflag:s7] =	ssyncadd.s32 $0xFFFFF000  }
0x27b: {  	_ =	swait.ge [sflag:s7], $0x1000  }
0x27c: {  	[sflag:s7] =	ssyncset.done $0x0  }
0x27d: {  	[sflag:s7] =	ssyncadd.s32 $0xFFFFF000  }
0x27e: {  	_ =	swait.ge [sflag:s14], $0x2000  }
0x27f: {  	s12 =	sld [smem:$0x7F8]  }
0x280: {  	[sflag:s14] =	ssyncset.done $0x0  }
0x281: {  	[sflag:s14] =	ssyncadd.s32 $0xFFFFE000  }
0x282: {  	[hbm4b:s12+s4] =	stream.strided.scatter [tilespmem:s5], [sflag:$0x4], $0x1000, s3, s4, $0x38;
	[tilespmem:$0x6A80] =	vst v63  }
0x283: {  	_ =	swait.ge [sflag:s2], $0x1000  }
0x284: {  	p1 =	sne.s32 s1, $0x1;
	s12 =	sld [smem:$0x7F9]  }
.Ltmp2:
0x285: {  	[sflag:s2] =	ssyncset.done $0x0;
	(pc) =	sbr.rel @p1 .LBB2_4-.Ltmp2, $4  }
0x286: {  	[sflag:s2] =	ssyncadd.s32 $0xFFFFF000  }
0x287: {  	[hbm4b:s12+s4] =	stream.strided.scatter [tilespmem:s15], [sflag:$0x4], $0x1000, s3, s4, $0x38;
	[tilespmem:$0x6A80] =	vst v63  }
0x288: {  	_ =	swait.ge [sflag:s2], $0x1000  }
0x289: {  	s1 =	sadd.s32 $0xFFFFFFFF, s1;
	s0 =	rddreg [dreg:$0x2];
	[sflag:s2] =	ssyncset.done $0x0  }
0x28a: {  	s15 =	simm.s32 $0x300;
	s30 =	simm.s32 $0x380;
	s29 =	simm.s32 $0x400  }
0x28b: {  	s28 =	simm.s32 $0x480;
	s26 =	simm.s32 $0x500;
	s24 =	simm.s32 $0x580  }
0x28c: {  	s23 =	simm.s32 $0x600;
	s22 =	simm.s32 $0x680;
	s21 =	simm.s32 $0x700  }
0x28d: {  	s20 =	simm.s32 $0x780;
	s19 =	simm.s32 $0x800;
	s18 =	simm.s32 $0x880  }
0x28e: {  	s17 =	simm.s32 $0x900;
	s16 =	simm.s32 $0x980;
	s12 =	stileid.u32  }
.LBB2_6:
0x28f: {  	[sflag:s2] =	ssyncadd.s32 @p0 $0xFFFFF000  }
0x290: {  	[tilespmem:s31], [sflag:$0x4] =	stream.linear.gather [hbm4b:s0+s25], $0x80, $0x38;
	[tilespmem:$0x6A80] =	vst v63  }
0x291: {  	_ =	swait.ge [sflag:s2], $0x80  }
0x292: {  	[sflag:s2] =	ssyncset.done $0x0  }
0x293: {  	[sflag:s2] =	ssyncadd.s32 $0xFFFFFF80  }
0x294: {  	[tilespmem:s5], [sflag:$0x3] =	stream.indirect.gather [hbm4b:s9+s3], $0x40, s31, s3, $0xb8;
	[tilespmem:$0x6A80] =	vst v63  }
0x295: {  	s1 =	rddreg [dreg:$0x3]  }
0x296: {  	[tilespmem:s25], [sflag:$0x4] =	stream.linear.gather [hbm4b:s1+s25], $0xA00, $0x38;
	[tilespmem:$0x6A80] =	vst v63  }
0x297: {  	_ =	swait.ge [sflag:s2], $0xA00  }
0x298: {  	[sflag:s2] =	ssyncset.done $0x0  }
0x299: {  	[sflag:s2] =	ssyncadd.s32 $0xFFFFF600  }
0x29a: {  	[tilespmem:s10], [sflag:$0x1] =	stream.indirect.gather [hbm4b:s9+s3], $0x40, s25, s3, $0xb8;
	[tilespmem:$0x6A80] =	vst v63  }
0x29b: {  	_ = 	snop  }
0x29c: {  	[tilespmem:s8], [sflag:$0x2] =	stream.indirect.gather [hbm4b:s9+s3], $0x40, s3, s3, $0xb8;
	[tilespmem:$0x6A80] =	vst v63  }
0x29d: {  	_ =	swait.ge [sflag:s6], $0x2000  }
0x29e: {  	[sflag:s6] =	ssyncset.done $0x0  }
0x29f: {  	s31 =	rddreg [dreg:$0x4];
	[sflag:s6] =	ssyncadd.s32 $0xFFFFE000  }
0x2a0: {  	[hbm4b:s31+s4] =	stream.strided.scatter [tilespmem:s10], [sflag:$0x1], $0x1000, s3, s4, $0x38;
	[tilespmem:$0x6A80] =	vst v63  }
0x2a1: {  	s1 =	rddreg [dreg:$0x5]  }
0x2a2: {  	[hbm4b:s1+s4] =	stream.strided.scatter [tilespmem:s13], [sflag:$0x1], $0x1000, s3, s4, $0x38;
	[tilespmem:$0x6A80] =	vst v63  }
0x2a3: {  	_ =	swait.ge [sflag:s6], $0x1000  }
0x2a4: {  	[sflag:s6] =	ssyncset.done $0x0  }
0x2a5: {  	[sflag:s6] =	ssyncadd.s32 $0xFFFFF000  }
0x2a6: {  	_ =	swait.ge [sflag:s6], $0x1000  }
0x2a7: {  	s1 =	sld [smem:$0x7FA]  }
0x2a8: {  	[sflag:s6] =	ssyncset.done $0x0  }
0x2a9: {  	[sflag:s6] =	ssyncadd.s32 $0xFFFFF000  }
0x2aa: {  	[tilespmem:s10], [sflag:$0x1] =	stream.indirect.gather [hbm4b:s9+s3], $0x40, s1, s3, $0xb8;
	[tilespmem:$0x6A80] =	vst v63  }
0x2ab: {  	_ =	swait.ge [sflag:s7], $0x2000  }
0x2ac: {  	[sflag:s7] =	ssyncset.done $0x0  }
0x2ad: {  	s25 =	rddreg [dreg:$0x6];
	[sflag:s7] =	ssyncadd.s32 $0xFFFFE000  }
0x2ae: {  	[hbm4b:s25+s4] =	stream.strided.scatter [tilespmem:s8], [sflag:$0x2], $0x1000, s3, s4, $0x38;
	[tilespmem:$0x6A80] =	vst v63  }
0x2af: {  	s31 =	rddreg [dreg:$0x7]  }
0x2b0: {  	[hbm4b:s31+s4] =	stream.strided.scatter [tilespmem:s11], [sflag:$0x2], $0x1000, s3, s4, $0x38;
	[tilespmem:$0x6A80] =	vst v63  }
0x2b1: {  	_ =	swait.ge [sflag:s7], $0x1000  }
0x2b2: {  	[sflag:s7] =	ssyncset.done $0x0  }
0x2b3: {  	[sflag:s7] =	ssyncadd.s32 $0xFFFFF000  }
0x2b4: {  	_ =	swait.ge [sflag:s7], $0x1000  }
0x2b5: {  	s1 =	sld [smem:$0x7FB]  }
0x2b6: {  	[sflag:s7] =	ssyncset.done $0x0  }
0x2b7: {  	[sflag:s7] =	ssyncadd.s32 $0xFFFFF000  }
0x2b8: {  	[tilespmem:s8], [sflag:$0x2] =	stream.indirect.gather [hbm4b:s9+s3], $0x40, s1, s3, $0xb8;
	[tilespmem:$0x6A80] =	vst v63  }
0x2b9: {  	_ =	swait.ge [sflag:s6], $0x2000  }
0x2ba: {  	[sflag:s6] =	ssyncset.done $0x0  }
0x2bb: {  	s25 =	rddreg [dreg:$0x8];
	[sflag:s6] =	ssyncadd.s32 $0xFFFFE000  }
0x2bc: {  	[hbm4b:s25+s4] =	stream.strided.scatter [tilespmem:s10], [sflag:$0x1], $0x1000, s3, s4, $0x38;
	[tilespmem:$0x6A80] =	vst v63  }
0x2bd: {  	s31 =	rddreg [dreg:$0x9]  }
0x2be: {  	[hbm4b:s31+s4] =	stream.strided.scatter [tilespmem:s13], [sflag:$0x1], $0x1000, s3, s4, $0x38;
	[tilespmem:$0x6A80] =	vst v63  }
0x2bf: {  	_ =	swait.ge [sflag:s6], $0x1000  }
0x2c0: {  	[sflag:s6] =	ssyncset.done $0x0  }
0x2c1: {  	[sflag:s6] =	ssyncadd.s32 $0xFFFFF000  }
0x2c2: {  	_ =	swait.ge [sflag:s6], $0x1000  }
0x2c3: {  	s1 =	sld [smem:$0x7FC]  }
0x2c4: {  	[sflag:s6] =	ssyncset.done $0x0  }
0x2c5: {  	[sflag:s6] =	ssyncadd.s32 $0xFFFFF000  }
0x2c6: {  	[tilespmem:s10], [sflag:$0x1] =	stream.indirect.gather [hbm4b:s9+s3], $0x40, s1, s3, $0xb8;
	[tilespmem:$0x6A80] =	vst v63  }
0x2c7: {  	_ =	swait.ge [sflag:s7], $0x2000  }
0x2c8: {  	[sflag:s7] =	ssyncset.done $0x0  }
0x2c9: {  	s25 =	rddreg [dreg:$0xa];
	[sflag:s7] =	ssyncadd.s32 $0xFFFFE000  }
0x2ca: {  	[hbm4b:s25+s4] =	stream.strided.scatter [tilespmem:s8], [sflag:$0x2], $0x1000, s3, s4, $0x38;
	[tilespmem:$0x6A80] =	vst v63  }
0x2cb: {  	s31 =	rddreg [dreg:$0xb]  }
0x2cc: {  	[hbm4b:s31+s4] =	stream.strided.scatter [tilespmem:s11], [sflag:$0x2], $0x1000, s3, s4, $0x38;
	[tilespmem:$0x6A80] =	vst v63  }
0x2cd: {  	_ =	swait.ge [sflag:s7], $0x1000  }
0x2ce: {  	[sflag:s7] =	ssyncset.done $0x0  }
0x2cf: {  	[sflag:s7] =	ssyncadd.s32 $0xFFFFF000  }
0x2d0: {  	_ =	swait.ge [sflag:s7], $0x1000  }
0x2d1: {  	s1 =	sld [smem:$0x7FD]  }
0x2d2: {  	[sflag:s7] =	ssyncset.done $0x0  }
0x2d3: {  	[sflag:s7] =	ssyncadd.s32 $0xFFFFF000  }
0x2d4: {  	[tilespmem:s8], [sflag:$0x2] =	stream.indirect.gather [hbm4b:s9+s3], $0x40, s1, s3, $0xb8;
	[tilespmem:$0x6A80] =	vst v63  }
0x2d5: {  	_ =	swait.ge [sflag:s6], $0x2000  }
0x2d6: {  	[sflag:s6] =	ssyncset.done $0x0  }
0x2d7: {  	s25 =	rddreg [dreg:$0xc];
	[sflag:s6] =	ssyncadd.s32 $0xFFFFE000  }
0x2d8: {  	[hbm4b:s25+s4] =	stream.strided.scatter [tilespmem:s10], [sflag:$0x1], $0x1000, s3, s4, $0x38;
	[tilespmem:$0x6A80] =	vst v63  }
0x2d9: {  	s31 =	rddreg [dreg:$0xd]  }
0x2da: {  	[hbm4b:s31+s4] =	stream.strided.scatter [tilespmem:s13], [sflag:$0x1], $0x1000, s3, s4, $0x38;
	[tilespmem:$0x6A80] =	vst v63  }
0x2db: {  	_ =	swait.ge [sflag:s6], $0x1000  }
0x2dc: {  	[sflag:s6] =	ssyncset.done $0x0  }
0x2dd: {  	[sflag:s6] =	ssyncadd.s32 $0xFFFFF000  }
0x2de: {  	_ =	swait.ge [sflag:s6], $0x1000  }
0x2df: {  	[sflag:s6] =	ssyncset.done $0x0  }
0x2e0: {  	[sflag:s6] =	ssyncadd.s32 $0xFFFFF000  }
0x2e1: {  	[tilespmem:s10], [sflag:$0x1] =	stream.indirect.gather [hbm4b:s9+s3], $0x40, s15, s3, $0xb8;
	[tilespmem:$0x6A80] =	vst v63  }
0x2e2: {  	_ =	swait.ge [sflag:s7], $0x2000  }
0x2e3: {  	[sflag:s7] =	ssyncset.done $0x0  }
0x2e4: {  	s15 =	rddreg [dreg:$0xe];
	[sflag:s7] =	ssyncadd.s32 $0xFFFFE000  }
0x2e5: {  	[hbm4b:s15+s4] =	stream.strided.scatter [tilespmem:s8], [sflag:$0x2], $0x1000, s3, s4, $0x38;
	[tilespmem:$0x6A80] =	vst v63  }
0x2e6: {  	s25 =	rddreg [dreg:$0xf]  }
0x2e7: {  	[hbm4b:s25+s4] =	stream.strided.scatter [tilespmem:s11], [sflag:$0x2], $0x1000, s3, s4, $0x38;
	[tilespmem:$0x6A80] =	vst v63  }
0x2e8: {  	_ =	swait.ge [sflag:s7], $0x1000  }
0x2e9: {  	[sflag:s7] =	ssyncset.done $0x0  }
0x2ea: {  	[sflag:s7] =	ssyncadd.s32 $0xFFFFF000  }
0x2eb: {  	_ =	swait.ge [sflag:s7], $0x1000  }
0x2ec: {  	[sflag:s7] =	ssyncset.done $0x0  }
0x2ed: {  	[sflag:s7] =	ssyncadd.s32 $0xFFFFF000  }
0x2ee: {  	[tilespmem:s8], [sflag:$0x2] =	stream.indirect.gather [hbm4b:s9+s3], $0x40, s30, s3, $0xb8;
	[tilespmem:$0x6A80] =	vst v63  }
0x2ef: {  	_ =	swait.ge [sflag:s6], $0x2000  }
0x2f0: {  	[sflag:s6] =	ssyncset.done $0x0  }
0x2f1: {  	s30 =	rddreg [dreg:$0x10];
	[sflag:s6] =	ssyncadd.s32 $0xFFFFE000  }
0x2f2: {  	[hbm4b:s30+s4] =	stream.strided.scatter [tilespmem:s10], [sflag:$0x1], $0x1000, s3, s4, $0x38;
	[tilespmem:$0x6A80] =	vst v63  }
0x2f3: {  	s31 =	rddreg [dreg:$0x11]  }
0x2f4: {  	[hbm4b:s31+s4] =	stream.strided.scatter [tilespmem:s13], [sflag:$0x1], $0x1000, s3, s4, $0x38;
	[tilespmem:$0x6A80] =	vst v63  }
0x2f5: {  	_ =	swait.ge [sflag:s6], $0x1000  }
0x2f6: {  	[sflag:s6] =	ssyncset.done $0x0  }
0x2f7: {  	[sflag:s6] =	ssyncadd.s32 $0xFFFFF000  }
0x2f8: {  	_ =	swait.ge [sflag:s6], $0x1000  }
0x2f9: {  	[sflag:s6] =	ssyncset.done $0x0  }
0x2fa: {  	[sflag:s6] =	ssyncadd.s32 $0xFFFFF000  }
0x2fb: {  	[tilespmem:s10], [sflag:$0x1] =	stream.indirect.gather [hbm4b:s9+s3], $0x40, s29, s3, $0xb8;
	[tilespmem:$0x6A80] =	vst v63  }
0x2fc: {  	_ =	swait.ge [sflag:s7], $0x2000  }
0x2fd: {  	[sflag:s7] =	ssyncset.done $0x0  }
0x2fe: {  	s15 =	rddreg [dreg:$0x12];
	[sflag:s7] =	ssyncadd.s32 $0xFFFFE000  }
0x2ff: {  	[hbm4b:s15+s4] =	stream.strided.scatter [tilespmem:s8], [sflag:$0x2], $0x1000, s3, s4, $0x38;
	[tilespmem:$0x6A80] =	vst v63  }
0x300: {  	s25 =	rddreg [dreg:$0x13]  }
0x301: {  	[hbm4b:s25+s4] =	stream.strided.scatter [tilespmem:s11], [sflag:$0x2], $0x1000, s3, s4, $0x38;
	[tilespmem:$0x6A80] =	vst v63  }
0x302: {  	_ =	swait.ge [sflag:s7], $0x1000  }
0x303: {  	[sflag:s7] =	ssyncset.done $0x0  }
0x304: {  	[sflag:s7] =	ssyncadd.s32 $0xFFFFF000  }
0x305: {  	_ =	swait.ge [sflag:s7], $0x1000  }
0x306: {  	[sflag:s7] =	ssyncset.done $0x0  }
0x307: {  	[sflag:s7] =	ssyncadd.s32 $0xFFFFF000  }
0x308: {  	[tilespmem:s8], [sflag:$0x2] =	stream.indirect.gather [hbm4b:s9+s3], $0x40, s28, s3, $0xb8;
	[tilespmem:$0x6A80] =	vst v63  }
0x309: {  	_ =	swait.ge [sflag:s6], $0x2000  }
0x30a: {  	[sflag:s6] =	ssyncset.done $0x0  }
0x30b: {  	s28 =	rddreg [dreg:$0x14];
	[sflag:s6] =	ssyncadd.s32 $0xFFFFE000  }
0x30c: {  	[hbm4b:s28+s4] =	stream.strided.scatter [tilespmem:s10], [sflag:$0x1], $0x1000, s3, s4, $0x38;
	[tilespmem:$0x6A80] =	vst v63  }
0x30d: {  	s29 =	rddreg [dreg:$0x15]  }
0x30e: {  	[hbm4b:s29+s4] =	stream.strided.scatter [tilespmem:s13], [sflag:$0x1], $0x1000, s3, s4, $0x38;
	[tilespmem:$0x6A80] =	vst v63  }
0x30f: {  	_ =	swait.ge [sflag:s6], $0x1000  }
0x310: {  	[sflag:s6] =	ssyncset.done $0x0  }
0x311: {  	[sflag:s6] =	ssyncadd.s32 $0xFFFFF000  }
0x312: {  	_ =	swait.ge [sflag:s6], $0x1000  }
0x313: {  	[sflag:s6] =	ssyncset.done $0x0  }
0x314: {  	[sflag:s6] =	ssyncadd.s32 $0xFFFFF000  }
0x315: {  	[tilespmem:s10], [sflag:$0x1] =	stream.indirect.gather [hbm4b:s9+s3], $0x40, s26, s3, $0xb8;
	[tilespmem:$0x6A80] =	vst v63  }
0x316: {  	_ =	swait.ge [sflag:s7], $0x2000  }
0x317: {  	[sflag:s7] =	ssyncset.done $0x0  }
0x318: {  	s30 =	rddreg [dreg:$0x16];
	[sflag:s7] =	ssyncadd.s32 $0xFFFFE000  }
0x319: {  	[hbm4b:s30+s4] =	stream.strided.scatter [tilespmem:s8], [sflag:$0x2], $0x1000, s3, s4, $0x38;
	[tilespmem:$0x6A80] =	vst v63  }
0x31a: {  	s31 =	rddreg [dreg:$0x17]  }
0x31b: {  	[hbm4b:s31+s4] =	stream.strided.scatter [tilespmem:s11], [sflag:$0x2], $0x1000, s3, s4, $0x38;
	[tilespmem:$0x6A80] =	vst v63  }
0x31c: {  	_ =	swait.ge [sflag:s7], $0x1000  }
0x31d: {  	[sflag:s7] =	ssyncset.done $0x0  }
0x31e: {  	[sflag:s7] =	ssyncadd.s32 $0xFFFFF000  }
0x31f: {  	_ =	swait.ge [sflag:s7], $0x1000  }
0x320: {  	[sflag:s7] =	ssyncset.done $0x0  }
0x321: {  	[sflag:s7] =	ssyncadd.s32 $0xFFFFF000  }
0x322: {  	[tilespmem:s8], [sflag:$0x2] =	stream.indirect.gather [hbm4b:s9+s3], $0x40, s24, s3, $0xb8;
	[tilespmem:$0x6A80] =	vst v63  }
0x323: {  	_ =	swait.ge [sflag:s6], $0x2000  }
0x324: {  	[sflag:s6] =	ssyncset.done $0x0  }
0x325: {  	s1 =	rddreg [dreg:$0x18];
	[sflag:s6] =	ssyncadd.s32 $0xFFFFE000  }
0x326: {  	[hbm4b:s1+s4] =	stream.strided.scatter [tilespmem:s10], [sflag:$0x1], $0x1000, s3, s4, $0x38;
	[tilespmem:$0x6A80] =	vst v63  }
0x327: {  	s15 =	rddreg [dreg:$0x19]  }
0x328: {  	[hbm4b:s15+s4] =	stream.strided.scatter [tilespmem:s13], [sflag:$0x1], $0x1000, s3, s4, $0x38;
	[tilespmem:$0x6A80] =	vst v63  }
0x329: {  	_ =	swait.ge [sflag:s6], $0x1000  }
0x32a: {  	[sflag:s6] =	ssyncset.done $0x0  }
0x32b: {  	[sflag:s6] =	ssyncadd.s32 $0xFFFFF000  }
0x32c: {  	_ =	swait.ge [sflag:s6], $0x1000  }
0x32d: {  	[sflag:s6] =	ssyncset.done $0x0  }
0x32e: {  	[sflag:s6] =	ssyncadd.s32 $0xFFFFF000  }
0x32f: {  	[tilespmem:s10], [sflag:$0x1] =	stream.indirect.gather [hbm4b:s9+s3], $0x40, s23, s3, $0xb8;
	[tilespmem:$0x6A80] =	vst v63  }
0x330: {  	_ =	swait.ge [sflag:s7], $0x2000  }
0x331: {  	[sflag:s7] =	ssyncset.done $0x0  }
0x332: {  	s23 =	rddreg [dreg:$0x1a];
	[sflag:s7] =	ssyncadd.s32 $0xFFFFE000  }
0x333: {  	[hbm4b:s23+s4] =	stream.strided.scatter [tilespmem:s8], [sflag:$0x2], $0x1000, s3, s4, $0x38;
	[tilespmem:$0x6A80] =	vst v63  }
0x334: {  	s24 =	rddreg [dreg:$0x1b]  }
0x335: {  	[hbm4b:s24+s4] =	stream.strided.scatter [tilespmem:s11], [sflag:$0x2], $0x1000, s3, s4, $0x38;
	[tilespmem:$0x6A80] =	vst v63  }
0x336: {  	_ =	swait.ge [sflag:s7], $0x1000  }
0x337: {  	[sflag:s7] =	ssyncset.done $0x0  }
0x338: {  	[sflag:s7] =	ssyncadd.s32 $0xFFFFF000  }
0x339: {  	_ =	swait.ge [sflag:s7], $0x1000  }
0x33a: {  	[sflag:s7] =	ssyncset.done $0x0  }
0x33b: {  	[sflag:s7] =	ssyncadd.s32 $0xFFFFF000  }
0x33c: {  	[tilespmem:s8], [sflag:$0x2] =	stream.indirect.gather [hbm4b:s9+s3], $0x40, s22, s3, $0xb8;
	[tilespmem:$0x6A80] =	vst v63  }
0x33d: {  	_ =	swait.ge [sflag:s6], $0x2000  }
0x33e: {  	[sflag:s6] =	ssyncset.done $0x0  }
0x33f: {  	s25 =	rddreg [dreg:$0x1c];
	[sflag:s6] =	ssyncadd.s32 $0xFFFFE000  }
0x340: {  	[hbm4b:s25+s4] =	stream.strided.scatter [tilespmem:s10], [sflag:$0x1], $0x1000, s3, s4, $0x38;
	[tilespmem:$0x6A80] =	vst v63  }
0x341: {  	s26 =	rddreg [dreg:$0x1d]  }
0x342: {  	[hbm4b:s26+s4] =	stream.strided.scatter [tilespmem:s13], [sflag:$0x1], $0x1000, s3, s4, $0x38;
	[tilespmem:$0x6A80] =	vst v63  }
0x343: {  	_ =	swait.ge [sflag:s6], $0x1000  }
0x344: {  	[sflag:s6] =	ssyncset.done $0x0  }
0x345: {  	[sflag:s6] =	ssyncadd.s32 $0xFFFFF000  }
0x346: {  	_ =	swait.ge [sflag:s6], $0x1000  }
0x347: {  	[sflag:s6] =	ssyncset.done $0x0  }
0x348: {  	[sflag:s6] =	ssyncadd.s32 $0xFFFFF000  }
0x349: {  	[tilespmem:s10], [sflag:$0x1] =	stream.indirect.gather [hbm4b:s9+s3], $0x40, s21, s3, $0xb8;
	[tilespmem:$0x6A80] =	vst v63  }
0x34a: {  	_ =	swait.ge [sflag:s7], $0x2000  }
0x34b: {  	[sflag:s7] =	ssyncset.done $0x0  }
0x34c: {  	s28 =	rddreg [dreg:$0x1e];
	[sflag:s7] =	ssyncadd.s32 $0xFFFFE000  }
0x34d: {  	[hbm4b:s28+s4] =	stream.strided.scatter [tilespmem:s8], [sflag:$0x2], $0x1000, s3, s4, $0x38;
	[tilespmem:$0x6A80] =	vst v63  }
0x34e: {  	s29 =	rddreg [dreg:$0x1f]  }
0x34f: {  	[hbm4b:s29+s4] =	stream.strided.scatter [tilespmem:s11], [sflag:$0x2], $0x1000, s3, s4, $0x38;
	[tilespmem:$0x6A80] =	vst v63  }
0x350: {  	_ =	swait.ge [sflag:s7], $0x1000  }
0x351: {  	[sflag:s7] =	ssyncset.done $0x0  }
0x352: {  	[sflag:s7] =	ssyncadd.s32 $0xFFFFF000  }
0x353: {  	_ =	swait.ge [sflag:s7], $0x1000  }
0x354: {  	[sflag:s7] =	ssyncset.done $0x0  }
0x355: {  	[sflag:s7] =	ssyncadd.s32 $0xFFFFF000  }
0x356: {  	[tilespmem:s8], [sflag:$0x2] =	stream.indirect.gather [hbm4b:s9+s3], $0x40, s20, s3, $0xb8;
	[tilespmem:$0x6A80] =	vst v63  }
0x357: {  	_ =	swait.ge [sflag:s6], $0x2000  }
0x358: {  	s30 =	sld [smem:$0x7EC]  }
0x359: {  	[sflag:s6] =	ssyncset.done $0x0  }
0x35a: {  	s31 =	sld [smem:$0x7ED];
	[sflag:s6] =	ssyncadd.s32 $0xFFFFE000  }
0x35b: {  	[hbm4b:s30+s4] =	stream.strided.scatter [tilespmem:s10], [sflag:$0x1], $0x1000, s3, s4, $0x38;
	[tilespmem:$0x6A80] =	vst v63  }
0x35c: {  	_ = 	snop  }
0x35d: {  	[hbm4b:s31+s4] =	stream.strided.scatter [tilespmem:s13], [sflag:$0x1], $0x1000, s3, s4, $0x38;
	[tilespmem:$0x6A80] =	vst v63  }
0x35e: {  	_ =	swait.ge [sflag:s6], $0x1000  }
0x35f: {  	[sflag:s6] =	ssyncset.done $0x0  }
0x360: {  	[sflag:s6] =	ssyncadd.s32 $0xFFFFF000  }
0x361: {  	_ =	swait.ge [sflag:s6], $0x1000  }
0x362: {  	[sflag:s6] =	ssyncset.done $0x0  }
0x363: {  	[sflag:s6] =	ssyncadd.s32 $0xFFFFF000  }
0x364: {  	[tilespmem:s10], [sflag:$0x1] =	stream.indirect.gather [hbm4b:s9+s3], $0x40, s19, s3, $0xb8;
	[tilespmem:$0x6A80] =	vst v63  }
0x365: {  	_ =	swait.ge [sflag:s7], $0x2000  }
0x366: {  	s15 =	sld [smem:$0x7EE]  }
0x367: {  	[sflag:s7] =	ssyncset.done $0x0  }
0x368: {  	s19 =	sld [smem:$0x7EF];
	[sflag:s7] =	ssyncadd.s32 $0xFFFFE000  }
0x369: {  	[hbm4b:s15+s4] =	stream.strided.scatter [tilespmem:s8], [sflag:$0x2], $0x1000, s3, s4, $0x38;
	[tilespmem:$0x6A80] =	vst v63  }
0x36a: {  	_ = 	snop  }
0x36b: {  	[hbm4b:s19+s4] =	stream.strided.scatter [tilespmem:s11], [sflag:$0x2], $0x1000, s3, s4, $0x38;
	[tilespmem:$0x6A80] =	vst v63  }
0x36c: {  	_ =	swait.ge [sflag:s7], $0x1000  }
0x36d: {  	[sflag:s7] =	ssyncset.done $0x0  }
0x36e: {  	[sflag:s7] =	ssyncadd.s32 $0xFFFFF000  }
0x36f: {  	_ =	swait.ge [sflag:s7], $0x1000  }
0x370: {  	[sflag:s7] =	ssyncset.done $0x0  }
0x371: {  	[sflag:s7] =	ssyncadd.s32 $0xFFFFF000  }
0x372: {  	[tilespmem:s8], [sflag:$0x2] =	stream.indirect.gather [hbm4b:s9+s3], $0x40, s18, s3, $0xb8;
	[tilespmem:$0x6A80] =	vst v63  }
0x373: {  	_ =	swait.ge [sflag:s6], $0x2000  }
0x374: {  	s20 =	sld [smem:$0x7F0]  }
0x375: {  	[sflag:s6] =	ssyncset.done $0x0  }
0x376: {  	s21 =	sld [smem:$0x7F1];
	[sflag:s6] =	ssyncadd.s32 $0xFFFFE000  }
0x377: {  	[hbm4b:s20+s4] =	stream.strided.scatter [tilespmem:s10], [sflag:$0x1], $0x1000, s3, s4, $0x38;
	[tilespmem:$0x6A80] =	vst v63  }
0x378: {  	_ = 	snop  }
0x379: {  	[hbm4b:s21+s4] =	stream.strided.scatter [tilespmem:s13], [sflag:$0x1], $0x1000, s3, s4, $0x38;
	[tilespmem:$0x6A80] =	vst v63  }
0x37a: {  	_ =	swait.ge [sflag:s6], $0x1000  }
0x37b: {  	[sflag:s6] =	ssyncset.done $0x0  }
0x37c: {  	[sflag:s6] =	ssyncadd.s32 $0xFFFFF000  }
0x37d: {  	_ =	swait.ge [sflag:s6], $0x1000  }
0x37e: {  	[sflag:s6] =	ssyncset.done $0x0  }
0x37f: {  	[sflag:s6] =	ssyncadd.s32 $0xFFFFF000  }
0x380: {  	[tilespmem:s10], [sflag:$0x1] =	stream.indirect.gather [hbm4b:s9+s3], $0x40, s17, s3, $0xb8;
	[tilespmem:$0x6A80] =	vst v63  }
0x381: {  	_ =	swait.ge [sflag:s7], $0x2000  }
0x382: {  	s22 =	sld [smem:$0x7F2]  }
0x383: {  	[sflag:s7] =	ssyncset.done $0x0  }
0x384: {  	s23 =	sld [smem:$0x7F3];
	[sflag:s7] =	ssyncadd.s32 $0xFFFFE000  }
0x385: {  	[hbm4b:s22+s4] =	stream.strided.scatter [tilespmem:s8], [sflag:$0x2], $0x1000, s3, s4, $0x38;
	[tilespmem:$0x6A80] =	vst v63  }
0x386: {  	_ = 	snop  }
0x387: {  	[hbm4b:s23+s4] =	stream.strided.scatter [tilespmem:s11], [sflag:$0x2], $0x1000, s3, s4, $0x38;
	[tilespmem:$0x6A80] =	vst v63  }
0x388: {  	_ =	swait.ge [sflag:s7], $0x1000  }
0x389: {  	[sflag:s7] =	ssyncset.done $0x0  }
0x38a: {  	[sflag:s7] =	ssyncadd.s32 $0xFFFFF000  }
0x38b: {  	_ =	swait.ge [sflag:s7], $0x1000  }
0x38c: {  	[sflag:s7] =	ssyncset.done $0x0  }
0x38d: {  	[sflag:s7] =	ssyncadd.s32 $0xFFFFF000  }
0x38e: {  	[tilespmem:s8], [sflag:$0x2] =	stream.indirect.gather [hbm4b:s9+s3], $0x40, s16, s3, $0xb8;
	[tilespmem:$0x6A80] =	vst v63  }
0x38f: {  	_ =	swait.ge [sflag:s6], $0x2000  }
0x390: {  	s24 =	sld [smem:$0x7F4]  }
0x391: {  	[sflag:s6] =	ssyncset.done $0x0  }
0x392: {  	s25 =	sld [smem:$0x7F5];
	[sflag:s6] =	ssyncadd.s32 $0xFFFFE000  }
0x393: {  	[hbm4b:s24+s4] =	stream.strided.scatter [tilespmem:s10], [sflag:$0x1], $0x1000, s3, s4, $0x38;
	[tilespmem:$0x6A80] =	vst v63  }
0x394: {  	_ = 	snop  }
0x395: {  	[hbm4b:s25+s4] =	stream.strided.scatter [tilespmem:s13], [sflag:$0x1], $0x1000, s3, s4, $0x38;
	[tilespmem:$0x6A80] =	vst v63  }
0x396: {  	_ =	swait.ge [sflag:s7], $0x2000  }
0x397: {  	s26 =	sld [smem:$0x7F6]  }
0x398: {  	[sflag:s7] =	ssyncset.done $0x0  }
0x399: {  	s28 =	sld [smem:$0x7F7];
	[sflag:s7] =	ssyncadd.s32 $0xFFFFE000  }
0x39a: {  	[hbm4b:s26+s4] =	stream.strided.scatter [tilespmem:s8], [sflag:$0x2], $0x1000, s3, s4, $0x38;
	[tilespmem:$0x6A80] =	vst v63  }
0x39b: {  	_ = 	snop  }
0x39c: {  	[hbm4b:s28+s4] =	stream.strided.scatter [tilespmem:s11], [sflag:$0x2], $0x1000, s3, s4, $0x38;
	[tilespmem:$0x6A80] =	vst v63  }
0x39d: {  	_ =	swait.ge [sflag:s6], $0x1000  }
0x39e: {  	[sflag:s6] =	ssyncset.done $0x0  }
0x39f: {  	[sflag:s6] =	ssyncadd.s32 $0xFFFFF000  }
0x3a0: {  	_ =	swait.ge [sflag:s6], $0x1000  }
0x3a1: {  	[sflag:s6] =	ssyncset.done $0x0  }
0x3a2: {  	[sflag:s6] =	ssyncadd.s32 $0xFFFFF000  }
0x3a3: {  	_ =	swait.ge [sflag:s7], $0x1000  }
0x3a4: {  	[sflag:s7] =	ssyncset.done $0x0  }
0x3a5: {  	[sflag:s7] =	ssyncadd.s32 $0xFFFFF000  }
0x3a6: {  	_ =	swait.ge [sflag:s7], $0x1000  }
0x3a7: {  	[sflag:s7] =	ssyncset.done $0x0  }
0x3a8: {  	[sflag:s7] =	ssyncadd.s32 $0xFFFFF000  }
0x3a9: {  	_ =	swait.ge [sflag:s14], $0x2000  }
0x3aa: {  	s29 =	sld [smem:$0x7F8]  }
0x3ab: {  	[sflag:s14] =	ssyncset.done $0x0  }
0x3ac: {  	[sflag:s14] =	ssyncadd.s32 $0xFFFFE000  }
0x3ad: {  	[hbm4b:s29+s4] =	stream.strided.scatter [tilespmem:s5], [sflag:$0x4], $0x1000, s3, s4, $0x38;
	[tilespmem:$0x6A80] =	vst v63  }
0x3ae: {  	_ =	swait.ge [sflag:s2], $0x1000  }
0x3af: {  	s30 =	sld [smem:$0x7F9]  }
0x3b0: {  	[sflag:s2] =	ssyncset.done $0x0  }
0x3b1: {  	s31 =	simm.s32 $0x1A80;
	[sflag:s2] =	ssyncadd.s32 $0xFFFFF000  }
0x3b2: {  	[hbm4b:s30+s4] =	stream.strided.scatter [tilespmem:s31], [sflag:$0x4], $0x1000, s3, s4, $0x38;
	[tilespmem:$0x6A80] =	vst v63  }
0x3b3: {  	_ =	swait.ge [sflag:s2], $0x1000  }
0x3b4: {  	[sflag:s2] =	ssyncset.done $0x0  }
0x3b5: {  	[sflag:s2] =	ssyncadd.s32 $0xFFFFF000  }
0x3b6: {  	_ =	sfence.sel $0x180000  }
0x3b7: {  	[bflag:$0x0] =	sbarrier.arrive $0xFFFF  }
0x3b8: {  	_ =	strace $0x90000050  }
0x3b9: {  	[bflag:$0x2] =	sbarrier.arrive $0xFFFF  }
0x3ba: {  	p0 =	sne.s32 s12, $0x0;
	s0 =	rddreg [dreg:$0x1]  }
0x3bb: {  	s0 =	sadd.s32 @!p0 $0x100000, s0  }
0x3bc: {  	[sflag:s0] =	ssyncadd.tile.s32 @!p0 $0x1;
	_ =	shalt  }
.LBB2_1:
.Ltmp3:
0x3bd: {  	s15 =	simm.s32 $0x300;
	s30 =	simm.s32 $0x380;
	(pc) =	sbr.rel .LBB2_6-.Ltmp3, $4  }
0x3be: {  	s29 =	simm.s32 $0x400;
	s28 =	simm.s32 $0x480;
	s26 =	simm.s32 $0x500  }
0x3bf: {  	s24 =	simm.s32 $0x580;
	s23 =	simm.s32 $0x600;
	s22 =	simm.s32 $0x680  }
0x3c0: {  	s21 =	simm.s32 $0x700;
	s20 =	simm.s32 $0x780;
	s19 =	simm.s32 $0x800  }
0x3c1: {  	s18 =	simm.s32 $0x880;
	s17 =	simm.s32 $0x900;
	s16 =	simm.s32 $0x980  }
.LBB2_3:
0x3c2: {  	s15 =	simm.s32 $0x300  }
.Ltmp4:
0x3c3: {  	s30 =	simm.s32 $0x380;
	s29 =	simm.s32 $0x400;
	(pc) =	sbr.rel .LBB2_6-.Ltmp4, $4  }
0x3c4: {  	s28 =	simm.s32 $0x480;
	s26 =	simm.s32 $0x500;
	s24 =	simm.s32 $0x580  }
0x3c5: {  	s23 =	simm.s32 $0x600;
	s22 =	simm.s32 $0x680;
	s21 =	simm.s32 $0x700  }
0x3c6: {  	s20 =	simm.s32 $0x780;
	s19 =	simm.s32 $0x800;
	s18 =	simm.s32 $0x880  }
0x3c7: {  	s17 =	simm.s32 $0x900;
	s16 =	simm.s32 $0x980;
	s12 =	stileid.u32  }
.Lfunc_end2:
_tile_overlayer_lowered:
.L_overlay_start_2:
0x3c8: {  	(tag) =	ssettag $0x2  }
0x3c9: {  	s0 =	rddreg [dreg:$0x0];
	s2 =	stileid.u32  }
0x3ca: {  	s1 =	rddreg [dreg:$0x1];
	p0 =	sne.s32 s2, $0x0  }
0x3cb: {  	s3 =	rddreg [dreg:$0x2];
	[bflag:$0x3] =	sbarrier.arrive $0xFFFF;
	s2 =	simm.s32 @!p0 $0x1C04  }
0x3cc: {  	[timem:s3], [sflag:s2] =	dma.local @!p0 [hbm:s0], s1  }
0x3cd: {  	s0 =	simm.s32 @!p0 $0x4  }
0x3ce: {  	_ =	swait.ge @!p0 [sflag:s0], s1  }
0x3cf: {  	s1 =	ssub.s32 @!p0 $0x0, s1;
	[sflag:s0] =	ssyncset.done @!p0 $0x0  }
0x3d0: {  	[sflag:s0] =	ssyncadd.s32 @!p0 s1  }
0x3d1: {  	[bflag:$0x3] =	sbarrier.arrive $0xFFFF  }
0x3d2: {  	_ =	shalt  }

</sc_bundles>
